<compile_context>
chip_gen: v7x
topology: tpu7x:2x2x1
jax: 0.10.2.dev20260603
libtpu: 0.0.44.dev20260713+nightly
codegen_flags: <defaults>
</compile_context>

<pallas_src>
import math

import jax
import jax.numpy as jnp
from jax import lax
from jax.experimental import pallas as pl
from jax.experimental.pallas import tpu as pltpu
from jax.experimental.pallas import tpu_sc as plsc

B, N, T = 16, 512, 3
HID, H, C = 128, 4, 32
E = 65536

_NC, _NS = 2, 16
_NW = _NC * _NS
_EPW = E // _NW
_SLICE = (N * N) // _NS


def _gelu(v):
    return 0.5 * v * (1.0 + jax.lax.erf(v * (1.0 / math.sqrt(2.0))))


def _sc_hist_kernel(src_ref, dst_ref, ones_ref, zeros_ref, out_ref,
                    shared, idx_v, ones_v):
    cid = lax.axis_index("c")
    sid = lax.axis_index("s")
    wid = cid * _NS + sid
    pltpu.sync_copy(zeros_ref.at[pl.ds(sid * _SLICE, _SLICE)],
                    shared.at[pl.ds(sid * _SLICE, _SLICE)])
    pltpu.sync_copy(src_ref.at[pl.ds(wid * _EPW, _EPW)], idx_v)
    pltpu.sync_copy(ones_ref, ones_v)
    s_loc = idx_v[...]
    pltpu.sync_copy(dst_ref.at[pl.ds(wid * _EPW, _EPW)], idx_v)
    idx_v[...] = idx_v[...] * N + s_loc
    plsc.subcore_barrier()
    pltpu.sync_copy(ones_v, shared.at[idx_v], add=True)
    plsc.subcore_barrier()
    pltpu.sync_copy(shared.at[pl.ds(sid * _SLICE, _SLICE)],
                    out_ref.at[cid, pl.ds(sid * _SLICE, _SLICE)])


def _edge_counts(edge_index):
    hist = pl.kernel(
        _sc_hist_kernel,
        out_type=jax.ShapeDtypeStruct((_NC, N * N), jnp.float32),
        mesh=plsc.VectorSubcoreMesh(core_axis_name="c", subcore_axis_name="s"),
        scratch_types=[
            pltpu.VMEM_SHARED((N * N,), jnp.float32),
            pltpu.VMEM((_EPW,), jnp.int32),
            pltpu.VMEM((_EPW,), jnp.float32),
        ],
    )
    return hist(edge_index[0], edge_index[1],
                jnp.ones((_EPW,), jnp.float32),
                jnp.zeros((N * N,), jnp.float32))


def _gat_layer(h, cntT, neg_maskT, Wl, bl, Wr, br, sgn_ref, bias,
               xlpT_scr, xrpT_scr, att_flat):
    xl = jnp.dot(h, Wl, preferred_element_type=jnp.float32) + bl
    xr = jnp.dot(h, Wr, preferred_element_type=jnp.float32) + br
    xlpT_scr[...] = (xl * att_flat).T
    xrpT_scr[...] = (xr * att_flat).T
    ones_row = jnp.ones((1, N), jnp.float32)
    ones_c = jnp.ones((1, C), jnp.float32)
    absmask = jnp.int32(0x7FFFFFFF)
    outs = []
    for hd in range(H):
        xl_h = xl[:, hd * C:(hd + 1) * C]
        al_row = jnp.dot(ones_c, xlpT_scr[hd * C:(hd + 1) * C, :],
                         preferred_element_type=jnp.float32)
        ar_row = jnp.dot(ones_c, xrpT_scr[hd * C:(hd + 1) * C, :],
                         preferred_element_type=jnp.float32)
        lin = jax.lax.dot_general(
            jnp.concatenate([1.5 * ar_row, ones_row], axis=0),
            jnp.concatenate([ones_row, 1.5 * al_row], axis=0),
            (((0,), (0,)), ((), ())),
            preferred_element_type=jnp.float32)

        def body(c, acc):
            vp = xrpT_scr[pl.ds(hd * C + c, 1), :]
            up = xlpT_scr[pl.ds(hd * C + c, 1), :]
            tp = jax.lax.dot_general(
                jnp.concatenate([vp, ones_row], axis=0),
                jnp.concatenate([ones_row, up], axis=0),
                (((0,), (0,)), ((), ())),
                preferred_element_type=jnp.float32)
            ti = (jax.lax.bitcast_convert_type(tp, jnp.int32) & absmask) \
                ^ sgn_ref[pl.ds(hd * C + c, 1), 0:1]
            return acc + jax.lax.bitcast_convert_type(ti, jnp.float32)

        m = jax.lax.fori_loop(0, C, body, lin, unroll=16)
        alphaT = 0.4 * m
        am = alphaT + neg_maskT
        amax = jnp.max(am, axis=1, keepdims=True)
        amax = jnp.where(jnp.isfinite(amax), amax, 0.0)
        ex = jnp.exp(am - amax)
        w = cntT * ex
        den = jnp.sum(w, axis=1, keepdims=True)
        wn = w * (1.0 / (den + 1e-16))
        out_h = jnp.dot(wn, xl_h, preferred_element_type=jnp.float32)
        outs.append(out_h)
    return jnp.concatenate(outs, axis=1) + bias


def _main_kernel(xb_ref, cntT_ref,
                 W0t_ref, b0_ref, g0_ref, be0_ref,
                 Wl1_ref, bl1_ref, Wr1_ref, br1_ref, af1_ref, sgn1_ref,
                 bias1_ref,
                 Wl2_ref, bl2_ref, Wr2_ref, br2_ref, af2_ref, sgn2_ref,
                 bias2_ref,
                 Wout_ref, bout_ref, g1_ref, be1_ref,
                 out_ref, xlpT_scr, xrpT_scr):
    eps = 1e-5
    inv = 1.0 / math.sqrt(1.0 + eps)
    xb = xb_ref[0]
    cntT = cntT_ref[0] + cntT_ref[1]
    neg_maskT = jnp.where(cntT > 0.0, 0.0, -jnp.inf)

    z = jnp.dot(xb, W0t_ref[...], preferred_element_type=jnp.float32)
    z = z + b0_ref[...]
    z = g0_ref[...] * (z * inv) + be0_ref[...]
    h = _gelu(z)

    h = _gat_layer(h, cntT, neg_maskT, Wl1_ref[...], bl1_ref[...],
                   Wr1_ref[...], br1_ref[...], sgn1_ref,
                   bias1_ref[...], xlpT_scr, xrpT_scr, af1_ref[...])
    h = _gelu(h)
    h = _gat_layer(h, cntT, neg_maskT, Wl2_ref[...], bl2_ref[...],
                   Wr2_ref[...], br2_ref[...], sgn2_ref,
                   bias2_ref[...], xlpT_scr, xrpT_scr, af2_ref[...])
    h = _gelu(h)

    pooled = jnp.mean(h, axis=0, keepdims=True)
    o = jnp.dot(pooled, Wout_ref[...], preferred_element_type=jnp.float32)
    o = o + bout_ref[...]
    o = g1_ref[...] * (o * inv) + be1_ref[...]
    out_ref[0] = _gelu(o)


def kernel(x, edge_index, W0, b0, g0, be0, Wl1, bl1, Wr1, br1, att1, bias1,
           Wl2, bl2, Wr2, br2, att2, bias2, Wout, bout, g1, be1):
    cntT = _edge_counts(edge_index).reshape(_NC, N, N)

    xb = x.reshape(B, N, N * T)
    row = lambda v: v.reshape(1, HID)
    full = lambda a: pl.BlockSpec(a.shape, lambda b: (0,) * a.ndim)
    signbit = jnp.int32(-2147483648)

    def sgn_col(att):
        af = att.reshape(HID)
        return jnp.where(af < 0.0, signbit, 0).astype(jnp.int32).reshape(HID, 1)

    args = [xb, cntT,
            W0.T, row(b0), row(g0), row(be0),
            Wl1, row(bl1), Wr1, row(br1), att1.reshape(1, HID),
            sgn_col(att1), row(bias1),
            Wl2, row(bl2), Wr2, row(br2), att2.reshape(1, HID),
            sgn_col(att2), row(bias2),
            Wout, row(bout), row(g1), row(be1)]
    in_specs = [pl.BlockSpec((1, N, N * T), lambda b: (b, 0, 0))]
    in_specs += [full(a) for a in args[1:]]

    out = pl.pallas_call(
        _main_kernel,
        grid=(B,),
        in_specs=in_specs,
        out_specs=pl.BlockSpec((1, 1, HID), lambda b: (b, 0, 0)),
        out_shape=jax.ShapeDtypeStruct((B, 1, HID), jnp.float32),
        scratch_shapes=[
            pltpu.VMEM((HID, N), jnp.float32),
            pltpu.VMEM((HID, N), jnp.float32),
        ],
        compiler_params=pltpu.CompilerParams(
            dimension_semantics=("parallel",)),
    )(*args)
    return out.reshape(B, HID)

# --- scband reference (transcript-rebuilt; emitter-appended) ---
"""Pipeline reference for scband-gnnconnectivity-encoder-80977313399245 (READ-ONLY COPY).

The authoritative reference and input builder live on the scoring server;
editing this copy changes nothing except your own understanding.
"""

import jax, jax.numpy as jnp
import numpy as np

B, N, T = 16, 512, 3
HID, H, C = 128, 4, 32
E = 65536

def setup_inputs(seed: int = 0):
    key = jax.random.key(seed)
    ks = jax.random.split(key, 24)
    def nrm(k, shape, s):
        return jax.random.normal(k, shape, dtype=jnp.float32) * s
    inp = {}
    inp['x'] = jax.random.normal(ks[0], (B, N, N, T), dtype=jnp.float32)
    inp['edge_index'] = jax.random.randint(ks[1], (2, E), 0, N, dtype=jnp.int32)
    inp['W0'] = nrm(ks[2], (HID, N * T), 0.02)
    inp['b0'] = jnp.zeros((HID,), jnp.float32)
    inp['g0'] = jnp.ones((HID,), jnp.float32)
    inp['be0'] = jnp.zeros((HID,), jnp.float32)
    inp['Wl1'] = nrm(ks[3], (HID, HID), 0.05)
    inp['bl1'] = jnp.zeros((HID,), jnp.float32)
    inp['Wr1'] = nrm(ks[4], (HID, HID), 0.05)
    inp['br1'] = jnp.zeros((HID,), jnp.float32)
    inp['att1'] = nrm(ks[5], (H, C), 0.1)
    inp['bias1'] = jnp.zeros((HID,), jnp.float32)
    inp['Wl2'] = nrm(ks[6], (HID, HID), 0.05)
    inp['bl2'] = jnp.zeros((HID,), jnp.float32)
    inp['Wr2'] = nrm(ks[7], (HID, HID), 0.05)
    inp['br2'] = jnp.zeros((HID,), jnp.float32)
    inp['att2'] = nrm(ks[8], (H, C), 0.1)
    inp['bias2'] = jnp.zeros((HID,), jnp.float32)
    inp['Wout'] = nrm(ks[9], (HID, HID), 0.05)
    inp['bout'] = jnp.zeros((HID,), jnp.float32)
    inp['g1'] = jnp.ones((HID,), jnp.float32)
    inp['be1'] = jnp.zeros((HID,), jnp.float32)
    return inp

def _gat(h, src, dst, Wl, bl, Wr, br, att, bias):
    # GATv2Conv, heads=H, out=C, concat=True, eval mode (dropout off)
    xl = (h @ Wl + bl).reshape(N, H, C)
    xr = (h @ Wr + br).reshape(N, H, C)
    e = jax.nn.leaky_relu(xl[src] + xr[dst], 0.2)
    alpha = (e * att[None, :, :]).sum(-1)
    amax = jax.ops.segment_max(alpha, dst, num_segments=N)
    amax = jnp.where(jnp.isfinite(amax), amax, 0.0)
    ex = jnp.exp(alpha - amax[dst])
    den = jax.ops.segment_sum(ex, dst, num_segments=N)
    a = ex / (den[dst] + 1e-16)
    out = jax.ops.segment_sum(xl[src] * a[:, :, None], dst, num_segments=N)
    return out.reshape(N, H * C) + bias

def reference(x, edge_index, W0, b0, g0, be0, Wl1, bl1, Wr1, br1, att1, bias1, Wl2, bl2, Wr2, br2, att2, bias2, Wout, bout, g1, be1):
    eps = 1e-5
    xb = x.reshape(B, N, N * T)
    # node_proj: Linear + BatchNorm1d (eval, running stats 0/1) + GELU (dropout off)
    z = xb @ W0.T + b0
    z = g0 * z / jnp.sqrt(1.0 + eps) + be0
    z = jax.nn.gelu(z, approximate=False)
    src = edge_index[0]
    dst = edge_index[1]
    def per_sample(h):
        h = _gat(h, src, dst, Wl1, bl1, Wr1, br1, att1, bias1)
        h = jax.nn.gelu(h, approximate=False)
        h = _gat(h, src, dst, Wl2, bl2, Wr2, br2, att2, bias2)
        h = jax.nn.gelu(h, approximate=False)
        return h.mean(axis=0)
    pooled = jax.vmap(per_sample)(z)
    out = pooled @ Wout + bout
    out = g1 * out / jnp.sqrt(1.0 + eps) + be1
    return jax.nn.gelu(out, approximate=False)

if __name__ == "__main__":
    import jax
    _d = setup_inputs()
    print(jax.jit(kernel)(*tuple(_d.values())))

</pallas_src>

<mosaic_0001>
#map = affine_map<(d0, d1) -> (0)>
#map1 = affine_map<(d0, d1) -> (0, 0)>
module attributes {stable_mosaic.version = 14 : i64} {
  func.func @_sc_hist_kernel(%arg0: i32, %arg1: i32, %arg2: memref<65536xi32, #tpu.memory_space<hbm>>, %arg3: memref<65536xi32, #tpu.memory_space<hbm>>, %arg4: memref<2048xf32, #tpu.memory_space<hbm>>, %arg5: memref<262144xf32, #tpu.memory_space<hbm>>, %arg6: memref<2x262144xf32, #tpu.memory_space<hbm>>, %arg7: memref<262144xf32, #tpu.memory_space<vmem_shared>>, %arg8: memref<2048xi32, #tpu.memory_space<vmem>>, %arg9: memref<2048xf32, #tpu.memory_space<vmem>>) attributes {dimension_semantics = [#tpu.dimension_semantics<core_parallel>, #tpu.dimension_semantics<subcore_parallel>], iteration_bounds = array<i64: 2, 16>, scalar_prefetch = 0 : i64, scratch_operands = 3 : i64, tpu.core_type = #tpu.core_type<sc_vector_subcore>, window_params = [{transform_indices = #map}, {transform_indices = #map}, {transform_indices = #map}, {transform_indices = #map}, {transform_indices = #map1}]} {
    %mul3A = arith.constant 16 : i32
    %mul3A_0 = arith.muli %arg0, %mul3A : i32
    %add3A = arith.addi %mul3A_0, %arg1 : i32
    %mul3A_1 = arith.constant 16384 : i32
    %mul3A_2 = arith.muli %arg1, %mul3A_1 : i32
    %mul3A_3 = arith.constant 16384 : i32
    %mul3A_4 = arith.muli %arg1, %mul3A_3 : i32
    "tpu.region"() ({
      %run_scoped3A = tpu.sem_alloc : memref<!tpu.dma_semaphore, #tpu.memory_space<semaphore_mem>>
      %dma_start3A = tpu.memref_slice %arg7[%mul3A_4] : memref<262144xf32, #tpu.memory_space<vmem_shared>> -> memref<16384xf32, #tpu.memory_space<vmem_shared>>
      %dma_start3A_26 = tpu.memref_slice %arg5[%mul3A_2] : memref<262144xf32, #tpu.memory_space<hbm>> -> memref<16384xf32, #tpu.memory_space<hbm>>
      tpu.enqueue_dma source(%dma_start3A_26 : memref<16384xf32, #tpu.memory_space<hbm>>) target(%dma_start3A : memref<16384xf32, #tpu.memory_space<vmem_shared>>) target_semaphore(%run_scoped3A : memref<!tpu.dma_semaphore, #tpu.memory_space<semaphore_mem>>)
      %dma_wait3A = tpu.memref_slice %arg7[%mul3A_4] : memref<262144xf32, #tpu.memory_space<vmem_shared>> -> memref<16384xf32, #tpu.memory_space<vmem_shared>>
      %dma_wait3A_27 = tpu.memref_slice %arg5[%mul3A_2] : memref<262144xf32, #tpu.memory_space<hbm>> -> memref<16384xf32, #tpu.memory_space<hbm>>
      tpu.wait_dma2 semaphore(%run_scoped3A : memref<!tpu.dma_semaphore, #tpu.memory_space<semaphore_mem>>) src(%dma_wait3A_27 : memref<16384xf32, #tpu.memory_space<hbm>>) dst(%dma_wait3A : memref<16384xf32, #tpu.memory_space<vmem_shared>>)
      tpu.yield
    }) : () -> ()
    %mul3A_5 = arith.constant 2048 : i32
    %mul3A_6 = arith.muli %add3A, %mul3A_5 : i32
    "tpu.region"() ({
      %run_scoped3A = tpu.sem_alloc : memref<!tpu.dma_semaphore, #tpu.memory_space<semaphore_mem>>
      %dma_start3A = tpu.memref_slice %arg2[%mul3A_6] : memref<65536xi32, #tpu.memory_space<hbm>> -> memref<2048xi32, #tpu.memory_space<hbm>>
      %dma_start3A_26 = tpu.memref_slice %arg2[%mul3A_6] : memref<65536xi32, #tpu.memory_space<hbm>> -> memref<2048xi32, #tpu.memory_space<hbm>>
      tpu.enqueue_dma source(%dma_start3A_26 : memref<2048xi32, #tpu.memory_space<hbm>>) target(%arg8 : memref<2048xi32, #tpu.memory_space<vmem>>) target_semaphore(%run_scoped3A : memref<!tpu.dma_semaphore, #tpu.memory_space<semaphore_mem>>)
      %dma_wait3A = tpu.memref_slice %arg2[%mul3A_6] : memref<65536xi32, #tpu.memory_space<hbm>> -> memref<2048xi32, #tpu.memory_space<hbm>>
      %dma_wait3A_27 = tpu.memref_slice %arg2[%mul3A_6] : memref<65536xi32, #tpu.memory_space<hbm>> -> memref<2048xi32, #tpu.memory_space<hbm>>
      tpu.wait_dma2 semaphore(%run_scoped3A : memref<!tpu.dma_semaphore, #tpu.memory_space<semaphore_mem>>) src(%dma_wait3A_27 : memref<2048xi32, #tpu.memory_space<hbm>>) dst(%arg8 : memref<2048xi32, #tpu.memory_space<vmem>>)
      tpu.yield
    }) : () -> ()
    "tpu.region"() ({
      %run_scoped3A = tpu.sem_alloc : memref<!tpu.dma_semaphore, #tpu.memory_space<semaphore_mem>>
      tpu.enqueue_dma source(%arg4 : memref<2048xf32, #tpu.memory_space<hbm>>) target(%arg9 : memref<2048xf32, #tpu.memory_space<vmem>>) target_semaphore(%run_scoped3A : memref<!tpu.dma_semaphore, #tpu.memory_space<semaphore_mem>>)
      tpu.wait_dma2 semaphore(%run_scoped3A : memref<!tpu.dma_semaphore, #tpu.memory_space<semaphore_mem>>) src(%arg4 : memref<2048xf32, #tpu.memory_space<hbm>>) dst(%arg9 : memref<2048xf32, #tpu.memory_space<vmem>>)
      tpu.yield
    }) : () -> ()
    %get3A = arith.constant 0 : index
    %get3A_7 = tpu.vector_load %arg8[%get3A] {strides = array<i32>} : memref<2048xi32, #tpu.memory_space<vmem>>, vector<2048xi32>,
    %get3A_8 = vector.shape_cast %get3A_7 : vector<2048xi32> to vector<2048xi32>
    %mul3A_9 = arith.constant 2048 : i32
    %mul3A_10 = arith.muli %add3A, %mul3A_9 : i32
    "tpu.region"() ({
      %run_scoped3A = tpu.sem_alloc : memref<!tpu.dma_semaphore, #tpu.memory_space<semaphore_mem>>
      %dma_start3A = tpu.memref_slice %arg3[%mul3A_10] : memref<65536xi32, #tpu.memory_space<hbm>> -> memref<2048xi32, #tpu.memory_space<hbm>>
      %dma_start3A_26 = tpu.memref_slice %arg3[%mul3A_10] : memref<65536xi32, #tpu.memory_space<hbm>> -> memref<2048xi32, #tpu.memory_space<hbm>>
      tpu.enqueue_dma source(%dma_start3A_26 : memref<2048xi32, #tpu.memory_space<hbm>>) target(%arg8 : memref<2048xi32, #tpu.memory_space<vmem>>) target_semaphore(%run_scoped3A : memref<!tpu.dma_semaphore, #tpu.memory_space<semaphore_mem>>)
      %dma_wait3A = tpu.memref_slice %arg3[%mul3A_10] : memref<65536xi32, #tpu.memory_space<hbm>> -> memref<2048xi32, #tpu.memory_space<hbm>>
      %dma_wait3A_27 = tpu.memref_slice %arg3[%mul3A_10] : memref<65536xi32, #tpu.memory_space<hbm>> -> memref<2048xi32, #tpu.memory_space<hbm>>
      tpu.wait_dma2 semaphore(%run_scoped3A : memref<!tpu.dma_semaphore, #tpu.memory_space<semaphore_mem>>) src(%dma_wait3A_27 : memref<2048xi32, #tpu.memory_space<hbm>>) dst(%arg8 : memref<2048xi32, #tpu.memory_space<vmem>>)
      tpu.yield
    }) : () -> ()
    %get3A_11 = arith.constant 0 : index
    %get3A_12 = tpu.vector_load %arg8[%get3A_11] {strides = array<i32>} : memref<2048xi32, #tpu.memory_space<vmem>>, vector<2048xi32>,
    %get3A_13 = vector.shape_cast %get3A_12 : vector<2048xi32> to vector<2048xi32>
    %mul3A_14 = arith.constant 512 : i32
    %mul3A_15 = vector.broadcast %mul3A_14 : i32 to vector<2048xi32>
    %mul3A_16 = arith.muli %get3A_13, %mul3A_15 : vector<2048xi32>
    %add3A_17 = arith.addi %mul3A_16, %get3A_8 : vector<2048xi32>
    %swap3A = arith.constant 0 : index
    %swap3A_18 = tpu.vector_load %arg8[%swap3A] {strides = array<i32>} : memref<2048xi32, #tpu.memory_space<vmem>>, vector<2048xi32>,
    %swap3A_19 = vector.shape_cast %swap3A_18 : vector<2048xi32> to vector<2048xi32>
    %swap3A_20 = vector.shape_cast %add3A_17 : vector<2048xi32> to vector<2048xi32>
    tpu.vector_store %arg8[%swap3A], %swap3A_20 {strides = array<i32>} : memref<2048xi32, #tpu.memory_space<vmem>>, vector<2048xi32>,
    %barrier3A = arith.constant 0 : index
    tpu.barrier barrier_id(%barrier3A)
    "tpu.region"() ({
      %run_scoped3A = tpu.sem_alloc : memref<!tpu.dma_semaphore, #tpu.memory_space<semaphore_mem>>
      %dma_start3A = arith.constant 0 : i32
      %dma_start3A_26 = tpu.memref_slice %arg7[%dma_start3A] : memref<262144xf32, #tpu.memory_space<vmem_shared>> -> memref<262144xf32, #tpu.memory_space<vmem_shared>>
      tpu.enqueue_indirect_dma source(%arg9 : memref<2048xf32, #tpu.memory_space<vmem>>) target(%dma_start3A_26 : memref<262144xf32, #tpu.memory_space<vmem_shared>>) offsets(%arg8 : memref<2048xi32, #tpu.memory_space<vmem>>) semaphore(%run_scoped3A : memref<!tpu.dma_semaphore, #tpu.memory_space<semaphore_mem>>) {add = true}
      %dma_wait3A = arith.constant 0 : i32
      %dma_wait3A_27 = tpu.memref_slice %arg7[%dma_wait3A] : memref<262144xf32, #tpu.memory_space<vmem_shared>> -> memref<262144xf32, #tpu.memory_space<vmem_shared>>
      tpu.wait_indirect_dma semaphore(%run_scoped3A : memref<!tpu.dma_semaphore, #tpu.memory_space<semaphore_mem>>) src(%arg9 : memref<2048xf32, #tpu.memory_space<vmem>>) dst(%dma_wait3A_27 : memref<262144xf32, #tpu.memory_space<vmem_shared>>)
      tpu.yield
    }) : () -> ()
    %barrier3A_21 = arith.constant 0 : index
    tpu.barrier barrier_id(%barrier3A_21)
    %mul3A_22 = arith.constant 16384 : i32
    %mul3A_23 = arith.muli %arg1, %mul3A_22 : i32
    %mul3A_24 = arith.constant 16384 : i32
    %mul3A_25 = arith.muli %arg1, %mul3A_24 : i32
    "tpu.region"() ({
      %run_scoped3A = tpu.sem_alloc : memref<!tpu.dma_semaphore, #tpu.memory_space<semaphore_mem>>
      %dma_start3A = tpu.memref_slice %arg6[%arg0, %mul3A_25] : memref<2x262144xf32, #tpu.memory_space<hbm>> -> memref<1x16384xf32, #tpu.memory_space<hbm>>
      %dma_start3A_26 = tpu.memref_squeeze %dma_start3A : memref<1x16384xf32, #tpu.memory_space<hbm>> -> memref<16384xf32, #tpu.memory_space<hbm>>
      %dma_start3A_27 = tpu.memref_slice %arg7[%mul3A_23] : memref<262144xf32, #tpu.memory_space<vmem_shared>> -> memref<16384xf32, #tpu.memory_space<vmem_shared>>
      tpu.enqueue_dma source(%dma_start3A_27 : memref<16384xf32, #tpu.memory_space<vmem_shared>>) target(%dma_start3A_26 : memref<16384xf32, #tpu.memory_space<hbm>>) target_semaphore(%run_scoped3A : memref<!tpu.dma_semaphore, #tpu.memory_space<semaphore_mem>>)
      %dma_wait3A = tpu.memref_slice %arg6[%arg0, %mul3A_25] : memref<2x262144xf32, #tpu.memory_space<hbm>> -> memref<1x16384xf32, #tpu.memory_space<hbm>>
      %dma_wait3A_28 = tpu.memref_squeeze %dma_wait3A : memref<1x16384xf32, #tpu.memory_space<hbm>> -> memref<16384xf32, #tpu.memory_space<hbm>>
      %dma_wait3A_29 = tpu.memref_slice %arg7[%mul3A_23] : memref<262144xf32, #tpu.memory_space<vmem_shared>> -> memref<16384xf32, #tpu.memory_space<vmem_shared>>
      tpu.wait_dma2 semaphore(%run_scoped3A : memref<!tpu.dma_semaphore, #tpu.memory_space<semaphore_mem>>) src(%dma_wait3A_29 : memref<16384xf32, #tpu.memory_space<vmem_shared>>) dst(%dma_wait3A_28 : memref<16384xf32, #tpu.memory_space<hbm>>)
      tpu.yield
    }) : () -> ()
    return
  }
}

module attributes {stable_mosaic.version = 14 : i64} {
  func.func @_main_kernel(%arg0: i32, %arg1: memref<1x512x1536xf32, #tpu.memory_space<vmem>>, %arg2: memref<2x512x512xf32, #tpu.memory_space<vmem>>, %arg3: memref<1536x128xf32, #tpu.memory_space<vmem>>, %arg4: memref<1x128xf32, #tpu.memory_space<vmem>>, %arg5: memref<1x128xf32, #tpu.memory_space<vmem>>, %arg6: memref<1x128xf32, #tpu.memory_space<vmem>>, %arg7: memref<128x128xf32, #tpu.memory_space<vmem>>, %arg8: memref<1x128xf32, #tpu.memory_space<vmem>>, %arg9: memref<128x128xf32, #tpu.memory_space<vmem>>, %arg10: memref<1x128xf32, #tpu.memory_space<vmem>>, %arg11: memref<1x128xf32, #tpu.memory_space<vmem>>, %arg12: memref<128x1xi32, #tpu.memory_space<vmem>>, %arg13: memref<1x128xf32, #tpu.memory_space<vmem>>, %arg14: memref<128x128xf32, #tpu.memory_space<vmem>>, %arg15: memref<1x128xf32, #tpu.memory_space<vmem>>, %arg16: memref<128x128xf32, #tpu.memory_space<vmem>>, %arg17: memref<1x128xf32, #tpu.memory_space<vmem>>, %arg18: memref<1x128xf32, #tpu.memory_space<vmem>>, %arg19: memref<128x1xi32, #tpu.memory_space<vmem>>, %arg20: memref<1x128xf32, #tpu.memory_space<vmem>>, %arg21: memref<128x128xf32, #tpu.memory_space<vmem>>, %arg22: memref<1x128xf32, #tpu.memory_space<vmem>>, %arg23: memref<1x128xf32, #tpu.memory_space<vmem>>, %arg24: memref<1x128xf32, #tpu.memory_space<vmem>>, %arg25: memref<1x1x128xf32, #tpu.memory_space<vmem>>, %arg26: memref<128x512xf32, #tpu.memory_space<vmem>>, %arg27: memref<128x512xf32, #tpu.memory_space<vmem>>) attributes {dimension_semantics = [#tpu.dimension_semantics<parallel>], iteration_bounds = array<i64: 16>, scalar_prefetch = 0 : i64, scratch_operands = 2 : i64, tpu.core_type = #tpu.core_type<tc>, window_params = [{transform_indices = @transform_0, window_bounds = array<i64: 1, 512, 1536>}, {pipeline_mode = #tpu.pipeline_mode<synchronous>, transform_indices = @transform_1, window_bounds = array<i64: 2, 512, 512>}, {pipeline_mode = #tpu.pipeline_mode<synchronous>, transform_indices = @transform_2, window_bounds = array<i64: 1536, 128>}, {pipeline_mode = #tpu.pipeline_mode<synchronous>, transform_indices = @transform_3, window_bounds = array<i64: 1, 128>}, {pipeline_mode = #tpu.pipeline_mode<synchronous>, transform_indices = @transform_4, window_bounds = array<i64: 1, 128>}, {pipeline_mode = #tpu.pipeline_mode<synchronous>, transform_indices = @transform_5, window_bounds = array<i64: 1, 128>}, {pipeline_mode = #tpu.pipeline_mode<synchronous>, transform_indices = @transform_6, window_bounds = array<i64: 128, 128>}, {pipeline_mode = #tpu.pipeline_mode<synchronous>, transform_indices = @transform_7, window_bounds = array<i64: 1, 128>}, {pipeline_mode = #tpu.pipeline_mode<synchronous>, transform_indices = @transform_8, window_bounds = array<i64: 128, 128>}, {pipeline_mode = #tpu.pipeline_mode<synchronous>, transform_indices = @transform_9, window_bounds = array<i64: 1, 128>}, {pipeline_mode = #tpu.pipeline_mode<synchronous>, transform_indices = @transform_10, window_bounds = array<i64: 1, 128>}, {pipeline_mode = #tpu.pipeline_mode<synchronous>, transform_indices = @transform_11, window_bounds = array<i64: 128, 1>}, {pipeline_mode = #tpu.pipeline_mode<synchronous>, transform_indices = @transform_12, window_bounds = array<i64: 1, 128>}, {pipeline_mode = #tpu.pipeline_mode<synchronous>, transform_indices = @transform_13, window_bounds = array<i64: 128, 128>}, {pipeline_mode = #tpu.pipeline_mode<synchronous>, transform_indices = @transform_14, window_bounds = array<i64: 1, 128>}, {pipeline_mode = #tpu.pipeline_mode<synchronous>, transform_indices = @transform_15, window_bounds = array<i64: 128, 128>}, {pipeline_mode = #tpu.pipeline_mode<synchronous>, transform_indices = @transform_16, window_bounds = array<i64: 1, 128>}, {pipeline_mode = #tpu.pipeline_mode<synchronous>, transform_indices = @transform_17, window_bounds = array<i64: 1, 128>}, {pipeline_mode = #tpu.pipeline_mode<synchronous>, transform_indices = @transform_18, window_bounds = array<i64: 128, 1>}, {pipeline_mode = #tpu.pipeline_mode<synchronous>, transform_indices = @transform_19, window_bounds = array<i64: 1, 128>}, {pipeline_mode = #tpu.pipeline_mode<synchronous>, transform_indices = @transform_20, window_bounds = array<i64: 128, 128>}, {pipeline_mode = #tpu.pipeline_mode<synchronous>, transform_indices = @transform_21, window_bounds = array<i64: 1, 128>}, {pipeline_mode = #tpu.pipeline_mode<synchronous>, transform_indices = @transform_22, window_bounds = array<i64: 1, 128>}, {pipeline_mode = #tpu.pipeline_mode<synchronous>, transform_indices = @transform_23, window_bounds = array<i64: 1, 128>}, {transform_indices = @transform_24, window_bounds = array<i64: 1, 1, 128>}]} {
    %get3A = arith.constant 0 : index
    %get3A_0 = arith.constant 0 : index
    %get3A_1 = arith.constant 0 : index
    %get3A_2 = vector.load %arg1[%get3A, %get3A_0, %get3A_1] : memref<1x512x1536xf32, #tpu.memory_space<vmem>>, vector<1x512x1536xf32>
    %get3A_3 = vector.shape_cast %get3A_2 : vector<1x512x1536xf32> to vector<512x1536xf32>
    %get3A_4 = arith.constant 0 : index
    %get3A_5 = arith.constant 0 : index
    %get3A_6 = arith.constant 0 : index
    %get3A_7 = vector.load %arg2[%get3A_4, %get3A_5, %get3A_6] : memref<2x512x512xf32, #tpu.memory_space<vmem>>, vector<1x512x512xf32>
    %get3A_8 = vector.shape_cast %get3A_7 : vector<1x512x512xf32> to vector<512x512xf32>
    %get3A_9 = arith.constant 1 : index
    %get3A_10 = arith.constant 0 : index
    %get3A_11 = arith.constant 0 : index
    %get3A_12 = vector.load %arg2[%get3A_9, %get3A_10, %get3A_11] : memref<2x512x512xf32, #tpu.memory_space<vmem>>, vector<1x512x512xf32>
    %get3A_13 = vector.shape_cast %get3A_12 : vector<1x512x512xf32> to vector<512x512xf32>
    %add3A = arith.addf %get3A_8, %get3A_13 : vector<512x512xf32>
    %gt3A = arith.constant 0.000000e+00 : f32
    %gt3A_14 = vector.broadcast %gt3A : f32 to vector<512x512xf32>
    %gt3A_15 = arith.cmpf ogt, %add3A, %gt3A_14 : vector<512x512xf32>
    %jit3A = arith.constant 0.000000e+00 : f32
    %jit3A_16 = arith.constant 0xFF800000 : f32
    %broadcast_in_dim3A = vector.broadcast %jit3A : f32 to vector<512x512xf32>
    %broadcast_in_dim3A_17 = vector.broadcast %jit3A_16 : f32 to vector<512x512xf32>
    %select_n3A = arith.select %gt3A_15, %broadcast_in_dim3A, %broadcast_in_dim3A_17 : vector<512x512xi1>, vector<512x512xf32>
    %get3A_18 = arith.constant 0 : index
    %get3A_19 = arith.constant 0 : index
    %get3A_20 = vector.load %arg3[%get3A_18, %get3A_19] : memref<1536x128xf32, #tpu.memory_space<vmem>>, vector<1536x128xf32>
    %dot_general3A = arith.constant dense<0.000000e+00> : vector<512x128xf32>
    %dot_general3A_21 = tpu.matmul %get3A_3, %get3A_20, %dot_general3A {dimension_numbers = #tpu.dot_dimension_numbers<[1], [0], [0], [1], [0, 0, 1, 1], [], []>, transpose_lhs_hint = false} : vector<512x1536xf32>, vector<1536x128xf32>, vector<512x128xf32> -> vector<512x128xf32>
    %get3A_22 = arith.constant 0 : index
    %get3A_23 = arith.constant 0 : index
    %get3A_24 = vector.load %arg4[%get3A_22, %get3A_23] : memref<1x128xf32, #tpu.memory_space<vmem>>, vector<1x128xf32>
    %add3A_25 = vector.broadcast %get3A_24 : vector<1x128xf32> to vector<512x128xf32>
    %add3A_26 = arith.addf %dot_general3A_21, %add3A_25 : vector<512x128xf32>
    %get3A_27 = arith.constant 0 : index
    %get3A_28 = arith.constant 0 : index
    %get3A_29 = vector.load %arg5[%get3A_27, %get3A_28] : memref<1x128xf32, #tpu.memory_space<vmem>>, vector<1x128xf32>
    %mul3A = arith.constant 0.999994993 : f32
    %mul3A_30 = vector.broadcast %mul3A : f32 to vector<512x128xf32>
    %mul3A_31 = arith.mulf %add3A_26, %mul3A_30 : vector<512x128xf32>
    %mul3A_32 = vector.broadcast %get3A_29 : vector<1x128xf32> to vector<512x128xf32>
    %mul3A_33 = arith.mulf %mul3A_32, %mul3A_31 : vector<512x128xf32>
    %get3A_34 = arith.constant 0 : index
    %get3A_35 = arith.constant 0 : index
    %get3A_36 = vector.load %arg6[%get3A_34, %get3A_35] : memref<1x128xf32, #tpu.memory_space<vmem>>, vector<1x128xf32>
    %add3A_37 = vector.broadcast %get3A_36 : vector<1x128xf32> to vector<512x128xf32>
    %add3A_38 = arith.addf %mul3A_33, %add3A_37 : vector<512x128xf32>
    %mul3A_39 = arith.constant 5.000000e-01 : f32
    %mul3A_40 = vector.broadcast %mul3A_39 : f32 to vector<512x128xf32>
    %mul3A_41 = arith.mulf %mul3A_40, %add3A_38 : vector<512x128xf32>
    %mul3A_42 = arith.constant 0.707106769 : f32
    %mul3A_43 = vector.broadcast %mul3A_42 : f32 to vector<512x128xf32>
    %mul3A_44 = arith.mulf %add3A_38, %mul3A_43 : vector<512x128xf32>
    %erf3A = math.erf %mul3A_44 : vector<512x128xf32>
    %add3A_45 = arith.constant 1.000000e+00 : f32
    %add3A_46 = vector.broadcast %add3A_45 : f32 to vector<512x128xf32>
    %add3A_47 = arith.addf %add3A_46, %erf3A : vector<512x128xf32>
    %mul3A_48 = arith.mulf %mul3A_41, %add3A_47 : vector<512x128xf32>
    %get3A_49 = arith.constant 0 : index
    %get3A_50 = arith.constant 0 : index
    %get3A_51 = vector.load %arg7[%get3A_49, %get3A_50] : memref<128x128xf32, #tpu.memory_space<vmem>>, vector<128x128xf32>
    %get3A_52 = arith.constant 0 : index
    %get3A_53 = arith.constant 0 : index
    %get3A_54 = vector.load %arg8[%get3A_52, %get3A_53] : memref<1x128xf32, #tpu.memory_space<vmem>>, vector<1x128xf32>
    %get3A_55 = arith.constant 0 : index
    %get3A_56 = arith.constant 0 : index
    %get3A_57 = vector.load %arg9[%get3A_55, %get3A_56] : memref<128x128xf32, #tpu.memory_space<vmem>>, vector<128x128xf32>
    %get3A_58 = arith.constant 0 : index
    %get3A_59 = arith.constant 0 : index
    %get3A_60 = vector.load %arg10[%get3A_58, %get3A_59] : memref<1x128xf32, #tpu.memory_space<vmem>>, vector<1x128xf32>
    %get3A_61 = arith.constant 0 : index
    %get3A_62 = arith.constant 0 : index
    %get3A_63 = vector.load %arg13[%get3A_61, %get3A_62] : memref<1x128xf32, #tpu.memory_space<vmem>>, vector<1x128xf32>
    %get3A_64 = arith.constant 0 : index
    %get3A_65 = arith.constant 0 : index
    %get3A_66 = vector.load %arg11[%get3A_64, %get3A_65] : memref<1x128xf32, #tpu.memory_space<vmem>>, vector<1x128xf32>
    %dot_general3A_67 = arith.constant dense<0.000000e+00> : vector<512x128xf32>
    %dot_general3A_68 = tpu.matmul %mul3A_48, %get3A_51, %dot_general3A_67 {dimension_numbers = #tpu.dot_dimension_numbers<[1], [0], [0], [1], [0, 0, 1, 1], [], []>, transpose_lhs_hint = false} : vector<512x128xf32>, vector<128x128xf32>, vector<512x128xf32> -> vector<512x128xf32>
    %add3A_69 = vector.broadcast %get3A_54 : vector<1x128xf32> to vector<512x128xf32>
    %add3A_70 = arith.addf %dot_general3A_68, %add3A_69 : vector<512x128xf32>
    %dot_general3A_71 = arith.constant dense<0.000000e+00> : vector<512x128xf32>
    %dot_general3A_72 = tpu.matmul %mul3A_48, %get3A_57, %dot_general3A_71 {dimension_numbers = #tpu.dot_dimension_numbers<[1], [0], [0], [1], [0, 0, 1, 1], [], []>, transpose_lhs_hint = false} : vector<512x128xf32>, vector<128x128xf32>, vector<512x128xf32> -> vector<512x128xf32>
    %add3A_73 = vector.broadcast %get3A_60 : vector<1x128xf32> to vector<512x128xf32>
    %add3A_74 = arith.addf %dot_general3A_72, %add3A_73 : vector<512x128xf32>
    %mul3A_75 = vector.broadcast %get3A_66 : vector<1x128xf32> to vector<512x128xf32>
    %mul3A_76 = arith.mulf %add3A_70, %mul3A_75 : vector<512x128xf32>
    %transpose3A = tpu.transpose %mul3A_76, [1, 0] : vector<512x128xf32> -> vector<128x512xf32>
    %swap3A = arith.constant 0 : index
    %swap3A_77 = arith.constant 0 : index
    %swap3A_78 = vector.load %arg26[%swap3A, %swap3A_77] : memref<128x512xf32, #tpu.memory_space<vmem>>, vector<128x512xf32>
    tpu.vector_store %arg26[%swap3A, %swap3A_77], %transpose3A {strides = array<i32>} : memref<128x512xf32, #tpu.memory_space<vmem>>, vector<128x512xf32>,
    %mul3A_79 = vector.broadcast %get3A_66 : vector<1x128xf32> to vector<512x128xf32>
    %mul3A_80 = arith.mulf %add3A_74, %mul3A_79 : vector<512x128xf32>
    %transpose3A_81 = tpu.transpose %mul3A_80, [1, 0] : vector<512x128xf32> -> vector<128x512xf32>
    %swap3A_82 = arith.constant 0 : index
    %swap3A_83 = arith.constant 0 : index
    %swap3A_84 = vector.load %arg27[%swap3A_82, %swap3A_83] : memref<128x512xf32, #tpu.memory_space<vmem>>, vector<128x512xf32>
    tpu.vector_store %arg27[%swap3A_82, %swap3A_83], %transpose3A_81 {strides = array<i32>} : memref<128x512xf32, #tpu.memory_space<vmem>>, vector<128x512xf32>,
    %broadcast_in_dim3A_85 = arith.constant 1.000000e+00 : f32
    %broadcast_in_dim3A_86 = vector.broadcast %broadcast_in_dim3A_85 : f32 to vector<1x512xf32>
    %broadcast_in_dim3A_87 = arith.constant 1.000000e+00 : f32
    %broadcast_in_dim3A_88 = vector.broadcast %broadcast_in_dim3A_87 : f32 to vector<1x32xf32>
    %slice3A = vector.extract_strided_slice %add3A_70 {offsets = [0, 0], sizes = [512, 32], strides = [1, 1]} : vector<512x128xf32> to vector<512x32xf32>
    %get3A_89 = arith.constant 0 : index
    %get3A_90 = arith.constant 0 : index
    %get3A_91 = vector.load %arg26[%get3A_89, %get3A_90] : memref<128x512xf32, #tpu.memory_space<vmem>>, vector<32x512xf32>
    %dot_general3A_92 = arith.constant dense<0.000000e+00> : vector<1x512xf32>
    %dot_general3A_93 = tpu.matmul %broadcast_in_dim3A_88, %get3A_91, %dot_general3A_92 {dimension_numbers = #tpu.dot_dimension_numbers<[1], [0], [0], [1], [0, 0, 1, 1], [], []>, transpose_lhs_hint = false} : vector<1x32xf32>, vector<32x512xf32>, vector<1x512xf32> -> vector<1x512xf32>
    %get3A_94 = arith.constant 0 : index
    %get3A_95 = arith.constant 0 : index
    %get3A_96 = vector.load %arg27[%get3A_94, %get3A_95] : memref<128x512xf32, #tpu.memory_space<vmem>>, vector<32x512xf32>
    %dot_general3A_97 = arith.constant dense<0.000000e+00> : vector<1x512xf32>
    %dot_general3A_98 = tpu.matmul %broadcast_in_dim3A_88, %get3A_96, %dot_general3A_97 {dimension_numbers = #tpu.dot_dimension_numbers<[1], [0], [0], [1], [0, 0, 1, 1], [], []>, transpose_lhs_hint = false} : vector<1x32xf32>, vector<32x512xf32>, vector<1x512xf32> -> vector<1x512xf32>
    %mul3A_99 = arith.constant 1.500000e+00 : f32
    %mul3A_100 = vector.broadcast %mul3A_99 : f32 to vector<1x512xf32>
    %mul3A_101 = arith.mulf %mul3A_100, %dot_general3A_98 : vector<1x512xf32>
    %concatenate3A = tpu.concatenate %mul3A_101, %broadcast_in_dim3A_86 in 0 : vector<1x512xf32>, vector<1x512xf32> -> vector<2x512xf32>
    %mul3A_102 = arith.constant 1.500000e+00 : f32
    %mul3A_103 = vector.broadcast %mul3A_102 : f32 to vector<1x512xf32>
    %mul3A_104 = arith.mulf %mul3A_103, %dot_general3A_93 : vector<1x512xf32>
    %concatenate3A_105 = tpu.concatenate %broadcast_in_dim3A_86, %mul3A_104 in 0 : vector<1x512xf32>, vector<1x512xf32> -> vector<2x512xf32>
    %dot_general3A_106 = arith.constant dense<0.000000e+00> : vector<512x512xf32>
    %dot_general3A_107 = tpu.matmul %concatenate3A, %concatenate3A_105, %dot_general3A_106 {dimension_numbers = #tpu.dot_dimension_numbers<[0], [0], [1], [1], [0, 1, 1, 1], [], []>, transpose_lhs_hint = false} : vector<2x512xf32>, vector<2x512xf32>, vector<512x512xf32> -> vector<512x512xf32>
    %scan3A = arith.constant 2147483647 : i32
    %scan3A_108 = arith.constant 0 : i32
    %scan3A_109 = arith.constant 32 : i32
    %scan3A_110 = arith.addi %scan3A_108, %scan3A_109 : i32
    %scan3A_111 = arith.constant 16 : i32
    %scan3A_112 = scf.for %scan3A_657 = %scan3A_108 to %scan3A_110 step %scan3A_111 iter_args(%scan3A_658 = %dot_general3A_107) -> (vector<512x512xf32>)  : i32 {
      %add3A_659 = arith.constant 0 : i32
      %add3A_660 = arith.addi %add3A_659, %scan3A_657 : i32
      %get3A_661 = arith.index_cast %add3A_660 : i32 to index
      %get3A_662 = arith.constant 0 : index
      %get3A_663 = vector.load %arg27[%get3A_661, %get3A_662] : memref<128x512xf32, #tpu.memory_space<vmem>>, vector<1x512xf32>
      %add3A_664 = arith.constant 0 : i32
      %add3A_665 = arith.addi %add3A_664, %scan3A_657 : i32
      %get3A_666 = arith.index_cast %add3A_665 : i32 to index
      %get3A_667 = arith.constant 0 : index
      %get3A_668 = vector.load %arg26[%get3A_666, %get3A_667] : memref<128x512xf32, #tpu.memory_space<vmem>>, vector<1x512xf32>
      %concatenate3A_669 = tpu.concatenate %get3A_663, %broadcast_in_dim3A_86 in 0 : vector<1x512xf32>, vector<1x512xf32> -> vector<2x512xf32>
      %concatenate3A_670 = tpu.concatenate %broadcast_in_dim3A_86, %get3A_668 in 0 : vector<1x512xf32>, vector<1x512xf32> -> vector<2x512xf32>
      %dot_general3A_671 = arith.constant dense<0.000000e+00> : vector<512x512xf32>
      %dot_general3A_672 = tpu.matmul %concatenate3A_669, %concatenate3A_670, %dot_general3A_671 {dimension_numbers = #tpu.dot_dimension_numbers<[0], [0], [1], [1], [0, 1, 1, 1], [], []>, transpose_lhs_hint = false} : vector<2x512xf32>, vector<2x512xf32>, vector<512x512xf32> -> vector<512x512xf32>
      %bitcast_convert_type3A = tpu.bitcast %dot_general3A_672 : vector<512x512xf32> -> vector<512x512xi32>
      %and3A = vector.broadcast %scan3A : i32 to vector<512x512xi32>
      %and3A_673 = arith.andi %bitcast_convert_type3A, %and3A : vector<512x512xi32>
      %add3A_674 = arith.constant 0 : i32
      %add3A_675 = arith.addi %add3A_674, %scan3A_657 : i32
      %get3A_676 = arith.index_cast %add3A_675 : i32 to index
      %get3A_677 = arith.constant 0 : index
      %get3A_678 = vector.load %arg12[%get3A_676, %get3A_677] : memref<128x1xi32, #tpu.memory_space<vmem>>, vector<1x1xi32>
      %xor3A = vector.broadcast %get3A_678 : vector<1x1xi32> to vector<512x512xi32>
      %xor3A_679 = arith.xori %and3A_673, %xor3A : vector<512x512xi32>
      %bitcast_convert_type3A_680 = tpu.bitcast %xor3A_679 : vector<512x512xi32> -> vector<512x512xf32>
      %add3A_681 = arith.addf %scan3A_658, %bitcast_convert_type3A_680 : vector<512x512xf32>
      %scan3A_682 = arith.constant 1 : i32
      %scan3A_683 = arith.addi %scan3A_657, %scan3A_682 : i32
      %add3A_684 = arith.constant 0 : i32
      %add3A_685 = arith.addi %add3A_684, %scan3A_683 : i32
      %get3A_686 = arith.index_cast %add3A_685 : i32 to index
      %get3A_687 = arith.constant 0 : index
      %get3A_688 = vector.load %arg27[%get3A_686, %get3A_687] : memref<128x512xf32, #tpu.memory_space<vmem>>, vector<1x512xf32>
      %add3A_689 = arith.constant 0 : i32
      %add3A_690 = arith.addi %add3A_689, %scan3A_683 : i32
      %get3A_691 = arith.index_cast %add3A_690 : i32 to index
      %get3A_692 = arith.constant 0 : index
      %get3A_693 = vector.load %arg26[%get3A_691, %get3A_692] : memref<128x512xf32, #tpu.memory_space<vmem>>, vector<1x512xf32>
      %concatenate3A_694 = tpu.concatenate %get3A_688, %broadcast_in_dim3A_86 in 0 : vector<1x512xf32>, vector<1x512xf32> -> vector<2x512xf32>
      %concatenate3A_695 = tpu.concatenate %broadcast_in_dim3A_86, %get3A_693 in 0 : vector<1x512xf32>, vector<1x512xf32> -> vector<2x512xf32>
      %dot_general3A_696 = arith.constant dense<0.000000e+00> : vector<512x512xf32>
      %dot_general3A_697 = tpu.matmul %concatenate3A_694, %concatenate3A_695, %dot_general3A_696 {dimension_numbers = #tpu.dot_dimension_numbers<[0], [0], [1], [1], [0, 1, 1, 1], [], []>, transpose_lhs_hint = false} : vector<2x512xf32>, vector<2x512xf32>, vector<512x512xf32> -> vector<512x512xf32>
      %bitcast_convert_type3A_698 = tpu.bitcast %dot_general3A_697 : vector<512x512xf32> -> vector<512x512xi32>
      %and3A_699 = vector.broadcast %scan3A : i32 to vector<512x512xi32>
      %and3A_700 = arith.andi %bitcast_convert_type3A_698, %and3A_699 : vector<512x512xi32>
      %add3A_701 = arith.constant 0 : i32
      %add3A_702 = arith.addi %add3A_701, %scan3A_683 : i32
      %get3A_703 = arith.index_cast %add3A_702 : i32 to index
      %get3A_704 = arith.constant 0 : index
      %get3A_705 = vector.load %arg12[%get3A_703, %get3A_704] : memref<128x1xi32, #tpu.memory_space<vmem>>, vector<1x1xi32>
      %xor3A_706 = vector.broadcast %get3A_705 : vector<1x1xi32> to vector<512x512xi32>
      %xor3A_707 = arith.xori %and3A_700, %xor3A_706 : vector<512x512xi32>
      %bitcast_convert_type3A_708 = tpu.bitcast %xor3A_707 : vector<512x512xi32> -> vector<512x512xf32>
      %add3A_709 = arith.addf %add3A_681, %bitcast_convert_type3A_708 : vector<512x512xf32>
      %scan3A_710 = arith.constant 2 : i32
      %scan3A_711 = arith.addi %scan3A_657, %scan3A_710 : i32
      %add3A_712 = arith.constant 0 : i32
      %add3A_713 = arith.addi %add3A_712, %scan3A_711 : i32
      %get3A_714 = arith.index_cast %add3A_713 : i32 to index
      %get3A_715 = arith.constant 0 : index
      %get3A_716 = vector.load %arg27[%get3A_714, %get3A_715] : memref<128x512xf32, #tpu.memory_space<vmem>>, vector<1x512xf32>
      %add3A_717 = arith.constant 0 : i32
      %add3A_718 = arith.addi %add3A_717, %scan3A_711 : i32
      %get3A_719 = arith.index_cast %add3A_718 : i32 to index
      %get3A_720 = arith.constant 0 : index
      %get3A_721 = vector.load %arg26[%get3A_719, %get3A_720] : memref<128x512xf32, #tpu.memory_space<vmem>>, vector<1x512xf32>
      %concatenate3A_722 = tpu.concatenate %get3A_716, %broadcast_in_dim3A_86 in 0 : vector<1x512xf32>, vector<1x512xf32> -> vector<2x512xf32>
      %concatenate3A_723 = tpu.concatenate %broadcast_in_dim3A_86, %get3A_721 in 0 : vector<1x512xf32>, vector<1x512xf32> -> vector<2x512xf32>
      %dot_general3A_724 = arith.constant dense<0.000000e+00> : vector<512x512xf32>
      %dot_general3A_725 = tpu.matmul %concatenate3A_722, %concatenate3A_723, %dot_general3A_724 {dimension_numbers = #tpu.dot_dimension_numbers<[0], [0], [1], [1], [0, 1, 1, 1], [], []>, transpose_lhs_hint = false} : vector<2x512xf32>, vector<2x512xf32>, vector<512x512xf32> -> vector<512x512xf32>
      %bitcast_convert_type3A_726 = tpu.bitcast %dot_general3A_725 : vector<512x512xf32> -> vector<512x512xi32>
      %and3A_727 = vector.broadcast %scan3A : i32 to vector<512x512xi32>
      %and3A_728 = arith.andi %bitcast_convert_type3A_726, %and3A_727 : vector<512x512xi32>
      %add3A_729 = arith.constant 0 : i32
      %add3A_730 = arith.addi %add3A_729, %scan3A_711 : i32
      %get3A_731 = arith.index_cast %add3A_730 : i32 to index
      %get3A_732 = arith.constant 0 : index
      %get3A_733 = vector.load %arg12[%get3A_731, %get3A_732] : memref<128x1xi32, #tpu.memory_space<vmem>>, vector<1x1xi32>
      %xor3A_734 = vector.broadcast %get3A_733 : vector<1x1xi32> to vector<512x512xi32>
      %xor3A_735 = arith.xori %and3A_728, %xor3A_734 : vector<512x512xi32>
      %bitcast_convert_type3A_736 = tpu.bitcast %xor3A_735 : vector<512x512xi32> -> vector<512x512xf32>
      %add3A_737 = arith.addf %add3A_709, %bitcast_convert_type3A_736 : vector<512x512xf32>
      %scan3A_738 = arith.constant 3 : i32
      %scan3A_739 = arith.addi %scan3A_657, %scan3A_738 : i32
      %add3A_740 = arith.constant 0 : i32
      %add3A_741 = arith.addi %add3A_740, %scan3A_739 : i32
      %get3A_742 = arith.index_cast %add3A_741 : i32 to index
      %get3A_743 = arith.constant 0 : index
      %get3A_744 = vector.load %arg27[%get3A_742, %get3A_743] : memref<128x512xf32, #tpu.memory_space<vmem>>, vector<1x512xf32>
      %add3A_745 = arith.constant 0 : i32
      %add3A_746 = arith.addi %add3A_745, %scan3A_739 : i32
      %get3A_747 = arith.index_cast %add3A_746 : i32 to index
      %get3A_748 = arith.constant 0 : index
      %get3A_749 = vector.load %arg26[%get3A_747, %get3A_748] : memref<128x512xf32, #tpu.memory_space<vmem>>, vector<1x512xf32>
      %concatenate3A_750 = tpu.concatenate %get3A_744, %broadcast_in_dim3A_86 in 0 : vector<1x512xf32>, vector<1x512xf32> -> vector<2x512xf32>
      %concatenate3A_751 = tpu.concatenate %broadcast_in_dim3A_86, %get3A_749 in 0 : vector<1x512xf32>, vector<1x512xf32> -> vector<2x512xf32>
      %dot_general3A_752 = arith.constant dense<0.000000e+00> : vector<512x512xf32>
      %dot_general3A_753 = tpu.matmul %concatenate3A_750, %concatenate3A_751, %dot_general3A_752 {dimension_numbers = #tpu.dot_dimension_numbers<[0], [0], [1], [1], [0, 1, 1, 1], [], []>, transpose_lhs_hint = false} : vector<2x512xf32>, vector<2x512xf32>, vector<512x512xf32> -> vector<512x512xf32>
      %bitcast_convert_type3A_754 = tpu.bitcast %dot_general3A_753 : vector<512x512xf32> -> vector<512x512xi32>
      %and3A_755 = vector.broadcast %scan3A : i32 to vector<512x512xi32>
      %and3A_756 = arith.andi %bitcast_convert_type3A_754, %and3A_755 : vector<512x512xi32>
      %add3A_757 = arith.constant 0 : i32
      %add3A_758 = arith.addi %add3A_757, %scan3A_739 : i32
      %get3A_759 = arith.index_cast %add3A_758 : i32 to index
      %get3A_760 = arith.constant 0 : index
      %get3A_761 = vector.load %arg12[%get3A_759, %get3A_760] : memref<128x1xi32, #tpu.memory_space<vmem>>, vector<1x1xi32>
      %xor3A_762 = vector.broadcast %get3A_761 : vector<1x1xi32> to vector<512x512xi32>
      %xor3A_763 = arith.xori %and3A_756, %xor3A_762 : vector<512x512xi32>
      %bitcast_convert_type3A_764 = tpu.bitcast %xor3A_763 : vector<512x512xi32> -> vector<512x512xf32>
      %add3A_765 = arith.addf %add3A_737, %bitcast_convert_type3A_764 : vector<512x512xf32>
      %scan3A_766 = arith.constant 4 : i32
      %scan3A_767 = arith.addi %scan3A_657, %scan3A_766 : i32
      %add3A_768 = arith.constant 0 : i32
      %add3A_769 = arith.addi %add3A_768, %scan3A_767 : i32
      %get3A_770 = arith.index_cast %add3A_769 : i32 to index
      %get3A_771 = arith.constant 0 : index
      %get3A_772 = vector.load %arg27[%get3A_770, %get3A_771] : memref<128x512xf32, #tpu.memory_space<vmem>>, vector<1x512xf32>
      %add3A_773 = arith.constant 0 : i32
      %add3A_774 = arith.addi %add3A_773, %scan3A_767 : i32
      %get3A_775 = arith.index_cast %add3A_774 : i32 to index
      %get3A_776 = arith.constant 0 : index
      %get3A_777 = vector.load %arg26[%get3A_775, %get3A_776] : memref<128x512xf32, #tpu.memory_space<vmem>>, vector<1x512xf32>
      %concatenate3A_778 = tpu.concatenate %get3A_772, %broadcast_in_dim3A_86 in 0 : vector<1x512xf32>, vector<1x512xf32> -> vector<2x512xf32>
      %concatenate3A_779 = tpu.concatenate %broadcast_in_dim3A_86, %get3A_777 in 0 : vector<1x512xf32>, vector<1x512xf32> -> vector<2x512xf32>
      %dot_general3A_780 = arith.constant dense<0.000000e+00> : vector<512x512xf32>
      %dot_general3A_781 = tpu.matmul %concatenate3A_778, %concatenate3A_779, %dot_general3A_780 {dimension_numbers = #tpu.dot_dimension_numbers<[0], [0], [1], [1], [0, 1, 1, 1], [], []>, transpose_lhs_hint = false} : vector<2x512xf32>, vector<2x512xf32>, vector<512x512xf32> -> vector<512x512xf32>
      %bitcast_convert_type3A_782 = tpu.bitcast %dot_general3A_781 : vector<512x512xf32> -> vector<512x512xi32>
      %and3A_783 = vector.broadcast %scan3A : i32 to vector<512x512xi32>
      %and3A_784 = arith.andi %bitcast_convert_type3A_782, %and3A_783 : vector<512x512xi32>
      %add3A_785 = arith.constant 0 : i32
      %add3A_786 = arith.addi %add3A_785, %scan3A_767 : i32
      %get3A_787 = arith.index_cast %add3A_786 : i32 to index
      %get3A_788 = arith.constant 0 : index
      %get3A_789 = vector.load %arg12[%get3A_787, %get3A_788] : memref<128x1xi32, #tpu.memory_space<vmem>>, vector<1x1xi32>
      %xor3A_790 = vector.broadcast %get3A_789 : vector<1x1xi32> to vector<512x512xi32>
      %xor3A_791 = arith.xori %and3A_784, %xor3A_790 : vector<512x512xi32>
      %bitcast_convert_type3A_792 = tpu.bitcast %xor3A_791 : vector<512x512xi32> -> vector<512x512xf32>
      %add3A_793 = arith.addf %add3A_765, %bitcast_convert_type3A_792 : vector<512x512xf32>
      %scan3A_794 = arith.constant 5 : i32
      %scan3A_795 = arith.addi %scan3A_657, %scan3A_794 : i32
      %add3A_796 = arith.constant 0 : i32
      %add3A_797 = arith.addi %add3A_796, %scan3A_795 : i32
      %get3A_798 = arith.index_cast %add3A_797 : i32 to index
      %get3A_799 = arith.constant 0 : index
      %get3A_800 = vector.load %arg27[%get3A_798, %get3A_799] : memref<128x512xf32, #tpu.memory_space<vmem>>, vector<1x512xf32>
      %add3A_801 = arith.constant 0 : i32
      %add3A_802 = arith.addi %add3A_801, %scan3A_795 : i32
      %get3A_803 = arith.index_cast %add3A_802 : i32 to index
      %get3A_804 = arith.constant 0 : index
      %get3A_805 = vector.load %arg26[%get3A_803, %get3A_804] : memref<128x512xf32, #tpu.memory_space<vmem>>, vector<1x512xf32>
      %concatenate3A_806 = tpu.concatenate %get3A_800, %broadcast_in_dim3A_86 in 0 : vector<1x512xf32>, vector<1x512xf32> -> vector<2x512xf32>
      %concatenate3A_807 = tpu.concatenate %broadcast_in_dim3A_86, %get3A_805 in 0 : vector<1x512xf32>, vector<1x512xf32> -> vector<2x512xf32>
      %dot_general3A_808 = arith.constant dense<0.000000e+00> : vector<512x512xf32>
      %dot_general3A_809 = tpu.matmul %concatenate3A_806, %concatenate3A_807, %dot_general3A_808 {dimension_numbers = #tpu.dot_dimension_numbers<[0], [0], [1], [1], [0, 1, 1, 1], [], []>, transpose_lhs_hint = false} : vector<2x512xf32>, vector<2x512xf32>, vector<512x512xf32> -> vector<512x512xf32>
      %bitcast_convert_type3A_810 = tpu.bitcast %dot_general3A_809 : vector<512x512xf32> -> vector<512x512xi32>
      %and3A_811 = vector.broadcast %scan3A : i32 to vector<512x512xi32>
      %and3A_812 = arith.andi %bitcast_convert_type3A_810, %and3A_811 : vector<512x512xi32>
      %add3A_813 = arith.constant 0 : i32
      %add3A_814 = arith.addi %add3A_813, %scan3A_795 : i32
      %get3A_815 = arith.index_cast %add3A_814 : i32 to index
      %get3A_816 = arith.constant 0 : index
      %get3A_817 = vector.load %arg12[%get3A_815, %get3A_816] : memref<128x1xi32, #tpu.memory_space<vmem>>, vector<1x1xi32>
      %xor3A_818 = vector.broadcast %get3A_817 : vector<1x1xi32> to vector<512x512xi32>
      %xor3A_819 = arith.xori %and3A_812, %xor3A_818 : vector<512x512xi32>
      %bitcast_convert_type3A_820 = tpu.bitcast %xor3A_819 : vector<512x512xi32> -> vector<512x512xf32>
      %add3A_821 = arith.addf %add3A_793, %bitcast_convert_type3A_820 : vector<512x512xf32>
      %scan3A_822 = arith.constant 6 : i32
      %scan3A_823 = arith.addi %scan3A_657, %scan3A_822 : i32
      %add3A_824 = arith.constant 0 : i32
      %add3A_825 = arith.addi %add3A_824, %scan3A_823 : i32
      %get3A_826 = arith.index_cast %add3A_825 : i32 to index
      %get3A_827 = arith.constant 0 : index
      %get3A_828 = vector.load %arg27[%get3A_826, %get3A_827] : memref<128x512xf32, #tpu.memory_space<vmem>>, vector<1x512xf32>
      %add3A_829 = arith.constant 0 : i32
      %add3A_830 = arith.addi %add3A_829, %scan3A_823 : i32
      %get3A_831 = arith.index_cast %add3A_830 : i32 to index
      %get3A_832 = arith.constant 0 : index
      %get3A_833 = vector.load %arg26[%get3A_831, %get3A_832] : memref<128x512xf32, #tpu.memory_space<vmem>>, vector<1x512xf32>
      %concatenate3A_834 = tpu.concatenate %get3A_828, %broadcast_in_dim3A_86 in 0 : vector<1x512xf32>, vector<1x512xf32> -> vector<2x512xf32>
      %concatenate3A_835 = tpu.concatenate %broadcast_in_dim3A_86, %get3A_833 in 0 : vector<1x512xf32>, vector<1x512xf32> -> vector<2x512xf32>
      %dot_general3A_836 = arith.constant dense<0.000000e+00> : vector<512x512xf32>
      %dot_general3A_837 = tpu.matmul %concatenate3A_834, %concatenate3A_835, %dot_general3A_836 {dimension_numbers = #tpu.dot_dimension_numbers<[0], [0], [1], [1], [0, 1, 1, 1], [], []>, transpose_lhs_hint = false} : vector<2x512xf32>, vector<2x512xf32>, vector<512x512xf32> -> vector<512x512xf32>
      %bitcast_convert_type3A_838 = tpu.bitcast %dot_general3A_837 : vector<512x512xf32> -> vector<512x512xi32>
      %and3A_839 = vector.broadcast %scan3A : i32 to vector<512x512xi32>
      %and3A_840 = arith.andi %bitcast_convert_type3A_838, %and3A_839 : vector<512x512xi32>
      %add3A_841 = arith.constant 0 : i32
      %add3A_842 = arith.addi %add3A_841, %scan3A_823 : i32
      %get3A_843 = arith.index_cast %add3A_842 : i32 to index
      %get3A_844 = arith.constant 0 : index
      %get3A_845 = vector.load %arg12[%get3A_843, %get3A_844] : memref<128x1xi32, #tpu.memory_space<vmem>>, vector<1x1xi32>
      %xor3A_846 = vector.broadcast %get3A_845 : vector<1x1xi32> to vector<512x512xi32>
      %xor3A_847 = arith.xori %and3A_840, %xor3A_846 : vector<512x512xi32>
      %bitcast_convert_type3A_848 = tpu.bitcast %xor3A_847 : vector<512x512xi32> -> vector<512x512xf32>
      %add3A_849 = arith.addf %add3A_821, %bitcast_convert_type3A_848 : vector<512x512xf32>
      %scan3A_850 = arith.constant 7 : i32
      %scan3A_851 = arith.addi %scan3A_657, %scan3A_850 : i32
      %add3A_852 = arith.constant 0 : i32
      %add3A_853 = arith.addi %add3A_852, %scan3A_851 : i32
      %get3A_854 = arith.index_cast %add3A_853 : i32 to index
      %get3A_855 = arith.constant 0 : index
      %get3A_856 = vector.load %arg27[%get3A_854, %get3A_855] : memref<128x512xf32, #tpu.memory_space<vmem>>, vector<1x512xf32>
      %add3A_857 = arith.constant 0 : i32
      %add3A_858 = arith.addi %add3A_857, %scan3A_851 : i32
      %get3A_859 = arith.index_cast %add3A_858 : i32 to index
      %get3A_860 = arith.constant 0 : index
      %get3A_861 = vector.load %arg26[%get3A_859, %get3A_860] : memref<128x512xf32, #tpu.memory_space<vmem>>, vector<1x512xf32>
      %concatenate3A_862 = tpu.concatenate %get3A_856, %broadcast_in_dim3A_86 in 0 : vector<1x512xf32>, vector<1x512xf32> -> vector<2x512xf32>
      %concatenate3A_863 = tpu.concatenate %broadcast_in_dim3A_86, %get3A_861 in 0 : vector<1x512xf32>, vector<1x512xf32> -> vector<2x512xf32>
      %dot_general3A_864 = arith.constant dense<0.000000e+00> : vector<512x512xf32>
      %dot_general3A_865 = tpu.matmul %concatenate3A_862, %concatenate3A_863, %dot_general3A_864 {dimension_numbers = #tpu.dot_dimension_numbers<[0], [0], [1], [1], [0, 1, 1, 1], [], []>, transpose_lhs_hint = false} : vector<2x512xf32>, vector<2x512xf32>, vector<512x512xf32> -> vector<512x512xf32>
      %bitcast_convert_type3A_866 = tpu.bitcast %dot_general3A_865 : vector<512x512xf32> -> vector<512x512xi32>
      %and3A_867 = vector.broadcast %scan3A : i32 to vector<512x512xi32>
      %and3A_868 = arith.andi %bitcast_convert_type3A_866, %and3A_867 : vector<512x512xi32>
      %add3A_869 = arith.constant 0 : i32
      %add3A_870 = arith.addi %add3A_869, %scan3A_851 : i32
      %get3A_871 = arith.index_cast %add3A_870 : i32 to index
      %get3A_872 = arith.constant 0 : index
      %get3A_873 = vector.load %arg12[%get3A_871, %get3A_872] : memref<128x1xi32, #tpu.memory_space<vmem>>, vector<1x1xi32>
      %xor3A_874 = vector.broadcast %get3A_873 : vector<1x1xi32> to vector<512x512xi32>
      %xor3A_875 = arith.xori %and3A_868, %xor3A_874 : vector<512x512xi32>
      %bitcast_convert_type3A_876 = tpu.bitcast %xor3A_875 : vector<512x512xi32> -> vector<512x512xf32>
      %add3A_877 = arith.addf %add3A_849, %bitcast_convert_type3A_876 : vector<512x512xf32>
      %scan3A_878 = arith.constant 8 : i32
      %scan3A_879 = arith.addi %scan3A_657, %scan3A_878 : i32
      %add3A_880 = arith.constant 0 : i32
      %add3A_881 = arith.addi %add3A_880, %scan3A_879 : i32
      %get3A_882 = arith.index_cast %add3A_881 : i32 to index
      %get3A_883 = arith.constant 0 : index
      %get3A_884 = vector.load %arg27[%get3A_882, %get3A_883] : memref<128x512xf32, #tpu.memory_space<vmem>>, vector<1x512xf32>
      %add3A_885 = arith.constant 0 : i32
      %add3A_886 = arith.addi %add3A_885, %scan3A_879 : i32
      %get3A_887 = arith.index_cast %add3A_886 : i32 to index
      %get3A_888 = arith.constant 0 : index
      %get3A_889 = vector.load %arg26[%get3A_887, %get3A_888] : memref<128x512xf32, #tpu.memory_space<vmem>>, vector<1x512xf32>
      %concatenate3A_890 = tpu.concatenate %get3A_884, %broadcast_in_dim3A_86 in 0 : vector<1x512xf32>, vector<1x512xf32> -> vector<2x512xf32>
      %concatenate3A_891 = tpu.concatenate %broadcast_in_dim3A_86, %get3A_889 in 0 : vector<1x512xf32>, vector<1x512xf32> -> vector<2x512xf32>
      %dot_general3A_892 = arith.constant dense<0.000000e+00> : vector<512x512xf32>
      %dot_general3A_893 = tpu.matmul %concatenate3A_890, %concatenate3A_891, %dot_general3A_892 {dimension_numbers = #tpu.dot_dimension_numbers<[0], [0], [1], [1], [0, 1, 1, 1], [], []>, transpose_lhs_hint = false} : vector<2x512xf32>, vector<2x512xf32>, vector<512x512xf32> -> vector<512x512xf32>
      %bitcast_convert_type3A_894 = tpu.bitcast %dot_general3A_893 : vector<512x512xf32> -> vector<512x512xi32>
      %and3A_895 = vector.broadcast %scan3A : i32 to vector<512x512xi32>
      %and3A_896 = arith.andi %bitcast_convert_type3A_894, %and3A_895 : vector<512x512xi32>
      %add3A_897 = arith.constant 0 : i32
      %add3A_898 = arith.addi %add3A_897, %scan3A_879 : i32
      %get3A_899 = arith.index_cast %add3A_898 : i32 to index
      %get3A_900 = arith.constant 0 : index
      %get3A_901 = vector.load %arg12[%get3A_899, %get3A_900] : memref<128x1xi32, #tpu.memory_space<vmem>>, vector<1x1xi32>
      %xor3A_902 = vector.broadcast %get3A_901 : vector<1x1xi32> to vector<512x512xi32>
      %xor3A_903 = arith.xori %and3A_896, %xor3A_902 : vector<512x512xi32>
      %bitcast_convert_type3A_904 = tpu.bitcast %xor3A_903 : vector<512x512xi32> -> vector<512x512xf32>
      %add3A_905 = arith.addf %add3A_877, %bitcast_convert_type3A_904 : vector<512x512xf32>
      %scan3A_906 = arith.constant 9 : i32
      %scan3A_907 = arith.addi %scan3A_657, %scan3A_906 : i32
      %add3A_908 = arith.constant 0 : i32
      %add3A_909 = arith.addi %add3A_908, %scan3A_907 : i32
      %get3A_910 = arith.index_cast %add3A_909 : i32 to index
      %get3A_911 = arith.constant 0 : index
      %get3A_912 = vector.load %arg27[%get3A_910, %get3A_911] : memref<128x512xf32, #tpu.memory_space<vmem>>, vector<1x512xf32>
      %add3A_913 = arith.constant 0 : i32
      %add3A_914 = arith.addi %add3A_913, %scan3A_907 : i32
      %get3A_915 = arith.index_cast %add3A_914 : i32 to index
      %get3A_916 = arith.constant 0 : index
      %get3A_917 = vector.load %arg26[%get3A_915, %get3A_916] : memref<128x512xf32, #tpu.memory_space<vmem>>, vector<1x512xf32>
      %concatenate3A_918 = tpu.concatenate %get3A_912, %broadcast_in_dim3A_86 in 0 : vector<1x512xf32>, vector<1x512xf32> -> vector<2x512xf32>
      %concatenate3A_919 = tpu.concatenate %broadcast_in_dim3A_86, %get3A_917 in 0 : vector<1x512xf32>, vector<1x512xf32> -> vector<2x512xf32>
      %dot_general3A_920 = arith.constant dense<0.000000e+00> : vector<512x512xf32>
      %dot_general3A_921 = tpu.matmul %concatenate3A_918, %concatenate3A_919, %dot_general3A_920 {dimension_numbers = #tpu.dot_dimension_numbers<[0], [0], [1], [1], [0, 1, 1, 1], [], []>, transpose_lhs_hint = false} : vector<2x512xf32>, vector<2x512xf32>, vector<512x512xf32> -> vector<512x512xf32>
      %bitcast_convert_type3A_922 = tpu.bitcast %dot_general3A_921 : vector<512x512xf32> -> vector<512x512xi32>
      %and3A_923 = vector.broadcast %scan3A : i32 to vector<512x512xi32>
      %and3A_924 = arith.andi %bitcast_convert_type3A_922, %and3A_923 : vector<512x512xi32>
      %add3A_925 = arith.constant 0 : i32
      %add3A_926 = arith.addi %add3A_925, %scan3A_907 : i32
      %get3A_927 = arith.index_cast %add3A_926 : i32 to index
      %get3A_928 = arith.constant 0 : index
      %get3A_929 = vector.load %arg12[%get3A_927, %get3A_928] : memref<128x1xi32, #tpu.memory_space<vmem>>, vector<1x1xi32>
      %xor3A_930 = vector.broadcast %get3A_929 : vector<1x1xi32> to vector<512x512xi32>
      %xor3A_931 = arith.xori %and3A_924, %xor3A_930 : vector<512x512xi32>
      %bitcast_convert_type3A_932 = tpu.bitcast %xor3A_931 : vector<512x512xi32> -> vector<512x512xf32>
      %add3A_933 = arith.addf %add3A_905, %bitcast_convert_type3A_932 : vector<512x512xf32>
      %scan3A_934 = arith.constant 10 : i32
      %scan3A_935 = arith.addi %scan3A_657, %scan3A_934 : i32
      %add3A_936 = arith.constant 0 : i32
      %add3A_937 = arith.addi %add3A_936, %scan3A_935 : i32
      %get3A_938 = arith.index_cast %add3A_937 : i32 to index
      %get3A_939 = arith.constant 0 : index
      %get3A_940 = vector.load %arg27[%get3A_938, %get3A_939] : memref<128x512xf32, #tpu.memory_space<vmem>>, vector<1x512xf32>
      %add3A_941 = arith.constant 0 : i32
      %add3A_942 = arith.addi %add3A_941, %scan3A_935 : i32
      %get3A_943 = arith.index_cast %add3A_942 : i32 to index
      %get3A_944 = arith.constant 0 : index
      %get3A_945 = vector.load %arg26[%get3A_943, %get3A_944] : memref<128x512xf32, #tpu.memory_space<vmem>>, vector<1x512xf32>
      %concatenate3A_946 = tpu.concatenate %get3A_940, %broadcast_in_dim3A_86 in 0 : vector<1x512xf32>, vector<1x512xf32> -> vector<2x512xf32>
      %concatenate3A_947 = tpu.concatenate %broadcast_in_dim3A_86, %get3A_945 in 0 : vector<1x512xf32>, vector<1x512xf32> -> vector<2x512xf32>
      %dot_general3A_948 = arith.constant dense<0.000000e+00> : vector<512x512xf32>
      %dot_general3A_949 = tpu.matmul %concatenate3A_946, %concatenate3A_947, %dot_general3A_948 {dimension_numbers = #tpu.dot_dimension_numbers<[0], [0], [1], [1], [0, 1, 1, 1], [], []>, transpose_lhs_hint = false} : vector<2x512xf32>, vector<2x512xf32>, vector<512x512xf32> -> vector<512x512xf32>
      %bitcast_convert_type3A_950 = tpu.bitcast %dot_general3A_949 : vector<512x512xf32> -> vector<512x512xi32>
      %and3A_951 = vector.broadcast %scan3A : i32 to vector<512x512xi32>
      %and3A_952 = arith.andi %bitcast_convert_type3A_950, %and3A_951 : vector<512x512xi32>
      %add3A_953 = arith.constant 0 : i32
      %add3A_954 = arith.addi %add3A_953, %scan3A_935 : i32
      %get3A_955 = arith.index_cast %add3A_954 : i32 to index
      %get3A_956 = arith.constant 0 : index
      %get3A_957 = vector.load %arg12[%get3A_955, %get3A_956] : memref<128x1xi32, #tpu.memory_space<vmem>>, vector<1x1xi32>
      %xor3A_958 = vector.broadcast %get3A_957 : vector<1x1xi32> to vector<512x512xi32>
      %xor3A_959 = arith.xori %and3A_952, %xor3A_958 : vector<512x512xi32>
      %bitcast_convert_type3A_960 = tpu.bitcast %xor3A_959 : vector<512x512xi32> -> vector<512x512xf32>
      %add3A_961 = arith.addf %add3A_933, %bitcast_convert_type3A_960 : vector<512x512xf32>
      %scan3A_962 = arith.constant 11 : i32
      %scan3A_963 = arith.addi %scan3A_657, %scan3A_962 : i32
      %add3A_964 = arith.constant 0 : i32
      %add3A_965 = arith.addi %add3A_964, %scan3A_963 : i32
      %get3A_966 = arith.index_cast %add3A_965 : i32 to index
      %get3A_967 = arith.constant 0 : index
      %get3A_968 = vector.load %arg27[%get3A_966, %get3A_967] : memref<128x512xf32, #tpu.memory_space<vmem>>, vector<1x512xf32>
      %add3A_969 = arith.constant 0 : i32
      %add3A_970 = arith.addi %add3A_969, %scan3A_963 : i32
      %get3A_971 = arith.index_cast %add3A_970 : i32 to index
      %get3A_972 = arith.constant 0 : index
      %get3A_973 = vector.load %arg26[%get3A_971, %get3A_972] : memref<128x512xf32, #tpu.memory_space<vmem>>, vector<1x512xf32>
      %concatenate3A_974 = tpu.concatenate %get3A_968, %broadcast_in_dim3A_86 in 0 : vector<1x512xf32>, vector<1x512xf32> -> vector<2x512xf32>
      %concatenate3A_975 = tpu.concatenate %broadcast_in_dim3A_86, %get3A_973 in 0 : vector<1x512xf32>, vector<1x512xf32> -> vector<2x512xf32>
      %dot_general3A_976 = arith.constant dense<0.000000e+00> : vector<512x512xf32>
      %dot_general3A_977 = tpu.matmul %concatenate3A_974, %concatenate3A_975, %dot_general3A_976 {dimension_numbers = #tpu.dot_dimension_numbers<[0], [0], [1], [1], [0, 1, 1, 1], [], []>, transpose_lhs_hint = false} : vector<2x512xf32>, vector<2x512xf32>, vector<512x512xf32> -> vector<512x512xf32>
      %bitcast_convert_type3A_978 = tpu.bitcast %dot_general3A_977 : vector<512x512xf32> -> vector<512x512xi32>
      %and3A_979 = vector.broadcast %scan3A : i32 to vector<512x512xi32>
      %and3A_980 = arith.andi %bitcast_convert_type3A_978, %and3A_979 : vector<512x512xi32>
      %add3A_981 = arith.constant 0 : i32
      %add3A_982 = arith.addi %add3A_981, %scan3A_963 : i32
      %get3A_983 = arith.index_cast %add3A_982 : i32 to index
      %get3A_984 = arith.constant 0 : index
      %get3A_985 = vector.load %arg12[%get3A_983, %get3A_984] : memref<128x1xi32, #tpu.memory_space<vmem>>, vector<1x1xi32>
      %xor3A_986 = vector.broadcast %get3A_985 : vector<1x1xi32> to vector<512x512xi32>
      %xor3A_987 = arith.xori %and3A_980, %xor3A_986 : vector<512x512xi32>
      %bitcast_convert_type3A_988 = tpu.bitcast %xor3A_987 : vector<512x512xi32> -> vector<512x512xf32>
      %add3A_989 = arith.addf %add3A_961, %bitcast_convert_type3A_988 : vector<512x512xf32>
      %scan3A_990 = arith.constant 12 : i32
      %scan3A_991 = arith.addi %scan3A_657, %scan3A_990 : i32
      %add3A_992 = arith.constant 0 : i32
      %add3A_993 = arith.addi %add3A_992, %scan3A_991 : i32
      %get3A_994 = arith.index_cast %add3A_993 : i32 to index
      %get3A_995 = arith.constant 0 : index
      %get3A_996 = vector.load %arg27[%get3A_994, %get3A_995] : memref<128x512xf32, #tpu.memory_space<vmem>>, vector<1x512xf32>
      %add3A_997 = arith.constant 0 : i32
      %add3A_998 = arith.addi %add3A_997, %scan3A_991 : i32
      %get3A_999 = arith.index_cast %add3A_998 : i32 to index
      %get3A_1000 = arith.constant 0 : index
      %get3A_1001 = vector.load %arg26[%get3A_999, %get3A_1000] : memref<128x512xf32, #tpu.memory_space<vmem>>, vector<1x512xf32>
      %concatenate3A_1002 = tpu.concatenate %get3A_996, %broadcast_in_dim3A_86 in 0 : vector<1x512xf32>, vector<1x512xf32> -> vector<2x512xf32>
      %concatenate3A_1003 = tpu.concatenate %broadcast_in_dim3A_86, %get3A_1001 in 0 : vector<1x512xf32>, vector<1x512xf32> -> vector<2x512xf32>
      %dot_general3A_1004 = arith.constant dense<0.000000e+00> : vector<512x512xf32>
      %dot_general3A_1005 = tpu.matmul %concatenate3A_1002, %concatenate3A_1003, %dot_general3A_1004 {dimension_numbers = #tpu.dot_dimension_numbers<[0], [0], [1], [1], [0, 1, 1, 1], [], []>, transpose_lhs_hint = false} : vector<2x512xf32>, vector<2x512xf32>, vector<512x512xf32> -> vector<512x512xf32>
      %bitcast_convert_type3A_1006 = tpu.bitcast %dot_general3A_1005 : vector<512x512xf32> -> vector<512x512xi32>
      %and3A_1007 = vector.broadcast %scan3A : i32 to vector<512x512xi32>
      %and3A_1008 = arith.andi %bitcast_convert_type3A_1006, %and3A_1007 : vector<512x512xi32>
      %add3A_1009 = arith.constant 0 : i32
      %add3A_1010 = arith.addi %add3A_1009, %scan3A_991 : i32
      %get3A_1011 = arith.index_cast %add3A_1010 : i32 to index
      %get3A_1012 = arith.constant 0 : index
      %get3A_1013 = vector.load %arg12[%get3A_1011, %get3A_1012] : memref<128x1xi32, #tpu.memory_space<vmem>>, vector<1x1xi32>
      %xor3A_1014 = vector.broadcast %get3A_1013 : vector<1x1xi32> to vector<512x512xi32>
      %xor3A_1015 = arith.xori %and3A_1008, %xor3A_1014 : vector<512x512xi32>
      %bitcast_convert_type3A_1016 = tpu.bitcast %xor3A_1015 : vector<512x512xi32> -> vector<512x512xf32>
      %add3A_1017 = arith.addf %add3A_989, %bitcast_convert_type3A_1016 : vector<512x512xf32>
      %scan3A_1018 = arith.constant 13 : i32
      %scan3A_1019 = arith.addi %scan3A_657, %scan3A_1018 : i32
      %add3A_1020 = arith.constant 0 : i32
      %add3A_1021 = arith.addi %add3A_1020, %scan3A_1019 : i32
      %get3A_1022 = arith.index_cast %add3A_1021 : i32 to index
      %get3A_1023 = arith.constant 0 : index
      %get3A_1024 = vector.load %arg27[%get3A_1022, %get3A_1023] : memref<128x512xf32, #tpu.memory_space<vmem>>, vector<1x512xf32>
      %add3A_1025 = arith.constant 0 : i32
      %add3A_1026 = arith.addi %add3A_1025, %scan3A_1019 : i32
      %get3A_1027 = arith.index_cast %add3A_1026 : i32 to index
      %get3A_1028 = arith.constant 0 : index
      %get3A_1029 = vector.load %arg26[%get3A_1027, %get3A_1028] : memref<128x512xf32, #tpu.memory_space<vmem>>, vector<1x512xf32>
      %concatenate3A_1030 = tpu.concatenate %get3A_1024, %broadcast_in_dim3A_86 in 0 : vector<1x512xf32>, vector<1x512xf32> -> vector<2x512xf32>
      %concatenate3A_1031 = tpu.concatenate %broadcast_in_dim3A_86, %get3A_1029 in 0 : vector<1x512xf32>, vector<1x512xf32> -> vector<2x512xf32>
      %dot_general3A_1032 = arith.constant dense<0.000000e+00> : vector<512x512xf32>
      %dot_general3A_1033 = tpu.matmul %concatenate3A_1030, %concatenate3A_1031, %dot_general3A_1032 {dimension_numbers = #tpu.dot_dimension_numbers<[0], [0], [1], [1], [0, 1, 1, 1], [], []>, transpose_lhs_hint = false} : vector<2x512xf32>, vector<2x512xf32>, vector<512x512xf32> -> vector<512x512xf32>
      %bitcast_convert_type3A_1034 = tpu.bitcast %dot_general3A_1033 : vector<512x512xf32> -> vector<512x512xi32>
      %and3A_1035 = vector.broadcast %scan3A : i32 to vector<512x512xi32>
      %and3A_1036 = arith.andi %bitcast_convert_type3A_1034, %and3A_1035 : vector<512x512xi32>
      %add3A_1037 = arith.constant 0 : i32
      %add3A_1038 = arith.addi %add3A_1037, %scan3A_1019 : i32
      %get3A_1039 = arith.index_cast %add3A_1038 : i32 to index
      %get3A_1040 = arith.constant 0 : index
      %get3A_1041 = vector.load %arg12[%get3A_1039, %get3A_1040] : memref<128x1xi32, #tpu.memory_space<vmem>>, vector<1x1xi32>
      %xor3A_1042 = vector.broadcast %get3A_1041 : vector<1x1xi32> to vector<512x512xi32>
      %xor3A_1043 = arith.xori %and3A_1036, %xor3A_1042 : vector<512x512xi32>
      %bitcast_convert_type3A_1044 = tpu.bitcast %xor3A_1043 : vector<512x512xi32> -> vector<512x512xf32>
      %add3A_1045 = arith.addf %add3A_1017, %bitcast_convert_type3A_1044 : vector<512x512xf32>
      %scan3A_1046 = arith.constant 14 : i32
      %scan3A_1047 = arith.addi %scan3A_657, %scan3A_1046 : i32
      %add3A_1048 = arith.constant 0 : i32
      %add3A_1049 = arith.addi %add3A_1048, %scan3A_1047 : i32
      %get3A_1050 = arith.index_cast %add3A_1049 : i32 to index
      %get3A_1051 = arith.constant 0 : index
      %get3A_1052 = vector.load %arg27[%get3A_1050, %get3A_1051] : memref<128x512xf32, #tpu.memory_space<vmem>>, vector<1x512xf32>
      %add3A_1053 = arith.constant 0 : i32
      %add3A_1054 = arith.addi %add3A_1053, %scan3A_1047 : i32
      %get3A_1055 = arith.index_cast %add3A_1054 : i32 to index
      %get3A_1056 = arith.constant 0 : index
      %get3A_1057 = vector.load %arg26[%get3A_1055, %get3A_1056] : memref<128x512xf32, #tpu.memory_space<vmem>>, vector<1x512xf32>
      %concatenate3A_1058 = tpu.concatenate %get3A_1052, %broadcast_in_dim3A_86 in 0 : vector<1x512xf32>, vector<1x512xf32> -> vector<2x512xf32>
      %concatenate3A_1059 = tpu.concatenate %broadcast_in_dim3A_86, %get3A_1057 in 0 : vector<1x512xf32>, vector<1x512xf32> -> vector<2x512xf32>
      %dot_general3A_1060 = arith.constant dense<0.000000e+00> : vector<512x512xf32>
      %dot_general3A_1061 = tpu.matmul %concatenate3A_1058, %concatenate3A_1059, %dot_general3A_1060 {dimension_numbers = #tpu.dot_dimension_numbers<[0], [0], [1], [1], [0, 1, 1, 1], [], []>, transpose_lhs_hint = false} : vector<2x512xf32>, vector<2x512xf32>, vector<512x512xf32> -> vector<512x512xf32>
      %bitcast_convert_type3A_1062 = tpu.bitcast %dot_general3A_1061 : vector<512x512xf32> -> vector<512x512xi32>
      %and3A_1063 = vector.broadcast %scan3A : i32 to vector<512x512xi32>
      %and3A_1064 = arith.andi %bitcast_convert_type3A_1062, %and3A_1063 : vector<512x512xi32>
      %add3A_1065 = arith.constant 0 : i32
      %add3A_1066 = arith.addi %add3A_1065, %scan3A_1047 : i32
      %get3A_1067 = arith.index_cast %add3A_1066 : i32 to index
      %get3A_1068 = arith.constant 0 : index
      %get3A_1069 = vector.load %arg12[%get3A_1067, %get3A_1068] : memref<128x1xi32, #tpu.memory_space<vmem>>, vector<1x1xi32>
      %xor3A_1070 = vector.broadcast %get3A_1069 : vector<1x1xi32> to vector<512x512xi32>
      %xor3A_1071 = arith.xori %and3A_1064, %xor3A_1070 : vector<512x512xi32>
      %bitcast_convert_type3A_1072 = tpu.bitcast %xor3A_1071 : vector<512x512xi32> -> vector<512x512xf32>
      %add3A_1073 = arith.addf %add3A_1045, %bitcast_convert_type3A_1072 : vector<512x512xf32>
      %scan3A_1074 = arith.constant 15 : i32
      %scan3A_1075 = arith.addi %scan3A_657, %scan3A_1074 : i32
      %add3A_1076 = arith.constant 0 : i32
      %add3A_1077 = arith.addi %add3A_1076, %scan3A_1075 : i32
      %get3A_1078 = arith.index_cast %add3A_1077 : i32 to index
      %get3A_1079 = arith.constant 0 : index
      %get3A_1080 = vector.load %arg27[%get3A_1078, %get3A_1079] : memref<128x512xf32, #tpu.memory_space<vmem>>, vector<1x512xf32>
      %add3A_1081 = arith.constant 0 : i32
      %add3A_1082 = arith.addi %add3A_1081, %scan3A_1075 : i32
      %get3A_1083 = arith.index_cast %add3A_1082 : i32 to index
      %get3A_1084 = arith.constant 0 : index
      %get3A_1085 = vector.load %arg26[%get3A_1083, %get3A_1084] : memref<128x512xf32, #tpu.memory_space<vmem>>, vector<1x512xf32>
      %concatenate3A_1086 = tpu.concatenate %get3A_1080, %broadcast_in_dim3A_86 in 0 : vector<1x512xf32>, vector<1x512xf32> -> vector<2x512xf32>
      %concatenate3A_1087 = tpu.concatenate %broadcast_in_dim3A_86, %get3A_1085 in 0 : vector<1x512xf32>, vector<1x512xf32> -> vector<2x512xf32>
      %dot_general3A_1088 = arith.constant dense<0.000000e+00> : vector<512x512xf32>
      %dot_general3A_1089 = tpu.matmul %concatenate3A_1086, %concatenate3A_1087, %dot_general3A_1088 {dimension_numbers = #tpu.dot_dimension_numbers<[0], [0], [1], [1], [0, 1, 1, 1], [], []>, transpose_lhs_hint = false} : vector<2x512xf32>, vector<2x512xf32>, vector<512x512xf32> -> vector<512x512xf32>
      %bitcast_convert_type3A_1090 = tpu.bitcast %dot_general3A_1089 : vector<512x512xf32> -> vector<512x512xi32>
      %and3A_1091 = vector.broadcast %scan3A : i32 to vector<512x512xi32>
      %and3A_1092 = arith.andi %bitcast_convert_type3A_1090, %and3A_1091 : vector<512x512xi32>
      %add3A_1093 = arith.constant 0 : i32
      %add3A_1094 = arith.addi %add3A_1093, %scan3A_1075 : i32
      %get3A_1095 = arith.index_cast %add3A_1094 : i32 to index
      %get3A_1096 = arith.constant 0 : index
      %get3A_1097 = vector.load %arg12[%get3A_1095, %get3A_1096] : memref<128x1xi32, #tpu.memory_space<vmem>>, vector<1x1xi32>
      %xor3A_1098 = vector.broadcast %get3A_1097 : vector<1x1xi32> to vector<512x512xi32>
      %xor3A_1099 = arith.xori %and3A_1092, %xor3A_1098 : vector<512x512xi32>
      %bitcast_convert_type3A_1100 = tpu.bitcast %xor3A_1099 : vector<512x512xi32> -> vector<512x512xf32>
      %add3A_1101 = arith.addf %add3A_1073, %bitcast_convert_type3A_1100 : vector<512x512xf32>
      scf.yield %add3A_1101 : vector<512x512xf32>
    }
    %scan3A_113 = arith.constant 32 : i32
    %mul3A_114 = arith.constant 4.000000e-01 : f32
    %mul3A_115 = vector.broadcast %mul3A_114 : f32 to vector<512x512xf32>
    %mul3A_116 = arith.mulf %mul3A_115, %scan3A_112 : vector<512x512xf32>
    %add3A_117 = arith.addf %mul3A_116, %select_n3A : vector<512x512xf32>
    %reduce_max3A = arith.constant dense<0xFF800000> : vector<512xf32>
    %reduce_max3A_118 = vector.multi_reduction <maximumf>, %add3A_117, %reduce_max3A [1] : vector<512x512xf32> to vector<512xf32>
    %broadcast_in_dim3A_119 = vector.shape_cast %reduce_max3A_118 : vector<512xf32> to vector<512x1xf32>
    %is_finite3A = tpu.weird %broadcast_in_dim3A_119 : vector<512x1xf32> -> vector<512x1xi1>
    %is_finite3A_120 = arith.constant dense<true> : vector<512x1xi1>
    %is_finite3A_121 = arith.xori %is_finite3A, %is_finite3A_120 : vector<512x1xi1>
    %jit3A_122 = arith.constant 0.000000e+00 : f32
    %broadcast_in_dim3A_123 = vector.broadcast %jit3A_122 : f32 to vector<512x1xf32>
    %select_n3A_124 = arith.select %is_finite3A_121, %broadcast_in_dim3A_119, %broadcast_in_dim3A_123 : vector<512x1xi1>, vector<512x1xf32>
    %sub3A = vector.broadcast %select_n3A_124 : vector<512x1xf32> to vector<512x512xf32>
    %sub3A_125 = arith.subf %add3A_117, %sub3A : vector<512x512xf32>
    %exp3A = math.exp %sub3A_125 : vector<512x512xf32>
    %mul3A_126 = arith.mulf %add3A, %exp3A : vector<512x512xf32>
    %reduce_sum3A = arith.constant dense<0.000000e+00> : vector<512xf32>
    %reduce_sum3A_127 = vector.multi_reduction <add>, %mul3A_126, %reduce_sum3A [1] : vector<512x512xf32> to vector<512xf32>
    %broadcast_in_dim3A_128 = vector.shape_cast %reduce_sum3A_127 : vector<512xf32> to vector<512x1xf32>
    %add3A_129 = arith.constant 1.000000e-16 : f32
    %add3A_130 = vector.broadcast %add3A_129 : f32 to vector<512x1xf32>
    %add3A_131 = arith.addf %broadcast_in_dim3A_128, %add3A_130 : vector<512x1xf32>
    %div3A = arith.constant 1.000000e+00 : f32
    %div3A_132 = vector.broadcast %div3A : f32 to vector<512x1xf32>
    %div3A_133 = arith.divf %div3A_132, %add3A_131 : vector<512x1xf32>
    %mul3A_134 = vector.broadcast %div3A_133 : vector<512x1xf32> to vector<512x512xf32>
    %mul3A_135 = arith.mulf %mul3A_126, %mul3A_134 : vector<512x512xf32>
    %dot_general3A_136 = arith.constant dense<0.000000e+00> : vector<512x32xf32>
    %dot_general3A_137 = tpu.matmul %mul3A_135, %slice3A, %dot_general3A_136 {dimension_numbers = #tpu.dot_dimension_numbers<[1], [0], [0], [1], [0, 0, 1, 1], [], []>, transpose_lhs_hint = false} : vector<512x512xf32>, vector<512x32xf32>, vector<512x32xf32> -> vector<512x32xf32>
    %slice3A_138 = vector.extract_strided_slice %add3A_70 {offsets = [0, 32], sizes = [512, 32], strides = [1, 1]} : vector<512x128xf32> to vector<512x32xf32>
    %get3A_139 = arith.constant 32 : index
    %get3A_140 = arith.constant 0 : index
    %get3A_141 = vector.load %arg26[%get3A_139, %get3A_140] : memref<128x512xf32, #tpu.memory_space<vmem>>, vector<32x512xf32>
    %dot_general3A_142 = arith.constant dense<0.000000e+00> : vector<1x512xf32>
    %dot_general3A_143 = tpu.matmul %broadcast_in_dim3A_88, %get3A_141, %dot_general3A_142 {dimension_numbers = #tpu.dot_dimension_numbers<[1], [0], [0], [1], [0, 0, 1, 1], [], []>, transpose_lhs_hint = false} : vector<1x32xf32>, vector<32x512xf32>, vector<1x512xf32> -> vector<1x512xf32>
    %get3A_144 = arith.constant 32 : index
    %get3A_145 = arith.constant 0 : index
    %get3A_146 = vector.load %arg27[%get3A_144, %get3A_145] : memref<128x512xf32, #tpu.memory_space<vmem>>, vector<32x512xf32>
    %dot_general3A_147 = arith.constant dense<0.000000e+00> : vector<1x512xf32>
    %dot_general3A_148 = tpu.matmul %broadcast_in_dim3A_88, %get3A_146, %dot_general3A_147 {dimension_numbers = #tpu.dot_dimension_numbers<[1], [0], [0], [1], [0, 0, 1, 1], [], []>, transpose_lhs_hint = false} : vector<1x32xf32>, vector<32x512xf32>, vector<1x512xf32> -> vector<1x512xf32>
    %mul3A_149 = arith.constant 1.500000e+00 : f32
    %mul3A_150 = vector.broadcast %mul3A_149 : f32 to vector<1x512xf32>
    %mul3A_151 = arith.mulf %mul3A_150, %dot_general3A_148 : vector<1x512xf32>
    %concatenate3A_152 = tpu.concatenate %mul3A_151, %broadcast_in_dim3A_86 in 0 : vector<1x512xf32>, vector<1x512xf32> -> vector<2x512xf32>
    %mul3A_153 = arith.constant 1.500000e+00 : f32
    %mul3A_154 = vector.broadcast %mul3A_153 : f32 to vector<1x512xf32>
    %mul3A_155 = arith.mulf %mul3A_154, %dot_general3A_143 : vector<1x512xf32>
    %concatenate3A_156 = tpu.concatenate %broadcast_in_dim3A_86, %mul3A_155 in 0 : vector<1x512xf32>, vector<1x512xf32> -> vector<2x512xf32>
    %dot_general3A_157 = arith.constant dense<0.000000e+00> : vector<512x512xf32>
    %dot_general3A_158 = tpu.matmul %concatenate3A_152, %concatenate3A_156, %dot_general3A_157 {dimension_numbers = #tpu.dot_dimension_numbers<[0], [0], [1], [1], [0, 1, 1, 1], [], []>, transpose_lhs_hint = false} : vector<2x512xf32>, vector<2x512xf32>, vector<512x512xf32> -> vector<512x512xf32>
    %scan3A_159 = arith.constant 2147483647 : i32
    %scan3A_160 = arith.constant 0 : i32
    %scan3A_161 = arith.constant 32 : i32
    %scan3A_162 = arith.addi %scan3A_160, %scan3A_161 : i32
    %scan3A_163 = arith.constant 16 : i32
    %scan3A_164 = scf.for %scan3A_657 = %scan3A_160 to %scan3A_162 step %scan3A_163 iter_args(%scan3A_658 = %dot_general3A_158) -> (vector<512x512xf32>)  : i32 {
      %add3A_659 = arith.constant 32 : i32
      %add3A_660 = arith.addi %add3A_659, %scan3A_657 : i32
      %get3A_661 = arith.index_cast %add3A_660 : i32 to index
      %get3A_662 = arith.constant 0 : index
      %get3A_663 = vector.load %arg27[%get3A_661, %get3A_662] : memref<128x512xf32, #tpu.memory_space<vmem>>, vector<1x512xf32>
      %add3A_664 = arith.constant 32 : i32
      %add3A_665 = arith.addi %add3A_664, %scan3A_657 : i32
      %get3A_666 = arith.index_cast %add3A_665 : i32 to index
      %get3A_667 = arith.constant 0 : index
      %get3A_668 = vector.load %arg26[%get3A_666, %get3A_667] : memref<128x512xf32, #tpu.memory_space<vmem>>, vector<1x512xf32>
      %concatenate3A_669 = tpu.concatenate %get3A_663, %broadcast_in_dim3A_86 in 0 : vector<1x512xf32>, vector<1x512xf32> -> vector<2x512xf32>
      %concatenate3A_670 = tpu.concatenate %broadcast_in_dim3A_86, %get3A_668 in 0 : vector<1x512xf32>, vector<1x512xf32> -> vector<2x512xf32>
      %dot_general3A_671 = arith.constant dense<0.000000e+00> : vector<512x512xf32>
      %dot_general3A_672 = tpu.matmul %concatenate3A_669, %concatenate3A_670, %dot_general3A_671 {dimension_numbers = #tpu.dot_dimension_numbers<[0], [0], [1], [1], [0, 1, 1, 1], [], []>, transpose_lhs_hint = false} : vector<2x512xf32>, vector<2x512xf32>, vector<512x512xf32> -> vector<512x512xf32>
      %bitcast_convert_type3A = tpu.bitcast %dot_general3A_672 : vector<512x512xf32> -> vector<512x512xi32>
      %and3A = vector.broadcast %scan3A_159 : i32 to vector<512x512xi32>
      %and3A_673 = arith.andi %bitcast_convert_type3A, %and3A : vector<512x512xi32>
      %add3A_674 = arith.constant 32 : i32
      %add3A_675 = arith.addi %add3A_674, %scan3A_657 : i32
      %get3A_676 = arith.index_cast %add3A_675 : i32 to index
      %get3A_677 = arith.constant 0 : index
      %get3A_678 = vector.load %arg12[%get3A_676, %get3A_677] : memref<128x1xi32, #tpu.memory_space<vmem>>, vector<1x1xi32>
      %xor3A = vector.broadcast %get3A_678 : vector<1x1xi32> to vector<512x512xi32>
      %xor3A_679 = arith.xori %and3A_673, %xor3A : vector<512x512xi32>
      %bitcast_convert_type3A_680 = tpu.bitcast %xor3A_679 : vector<512x512xi32> -> vector<512x512xf32>
      %add3A_681 = arith.addf %scan3A_658, %bitcast_convert_type3A_680 : vector<512x512xf32>
      %scan3A_682 = arith.constant 1 : i32
      %scan3A_683 = arith.addi %scan3A_657, %scan3A_682 : i32
      %add3A_684 = arith.constant 32 : i32
      %add3A_685 = arith.addi %add3A_684, %scan3A_683 : i32
      %get3A_686 = arith.index_cast %add3A_685 : i32 to index
      %get3A_687 = arith.constant 0 : index
      %get3A_688 = vector.load %arg27[%get3A_686, %get3A_687] : memref<128x512xf32, #tpu.memory_space<vmem>>, vector<1x512xf32>
      %add3A_689 = arith.constant 32 : i32
      %add3A_690 = arith.addi %add3A_689, %scan3A_683 : i32
      %get3A_691 = arith.index_cast %add3A_690 : i32 to index
      %get3A_692 = arith.constant 0 : index
      %get3A_693 = vector.load %arg26[%get3A_691, %get3A_692] : memref<128x512xf32, #tpu.memory_space<vmem>>, vector<1x512xf32>
      %concatenate3A_694 = tpu.concatenate %get3A_688, %broadcast_in_dim3A_86 in 0 : vector<1x512xf32>, vector<1x512xf32> -> vector<2x512xf32>
      %concatenate3A_695 = tpu.concatenate %broadcast_in_dim3A_86, %get3A_693 in 0 : vector<1x512xf32>, vector<1x512xf32> -> vector<2x512xf32>
      %dot_general3A_696 = arith.constant dense<0.000000e+00> : vector<512x512xf32>
      %dot_general3A_697 = tpu.matmul %concatenate3A_694, %concatenate3A_695, %dot_general3A_696 {dimension_numbers = #tpu.dot_dimension_numbers<[0], [0], [1], [1], [0, 1, 1, 1], [], []>, transpose_lhs_hint = false} : vector<2x512xf32>, vector<2x512xf32>, vector<512x512xf32> -> vector<512x512xf32>
      %bitcast_convert_type3A_698 = tpu.bitcast %dot_general3A_697 : vector<512x512xf32> -> vector<512x512xi32>
      %and3A_699 = vector.broadcast %scan3A_159 : i32 to vector<512x512xi32>
      %and3A_700 = arith.andi %bitcast_convert_type3A_698, %and3A_699 : vector<512x512xi32>
      %add3A_701 = arith.constant 32 : i32
      %add3A_702 = arith.addi %add3A_701, %scan3A_683 : i32
      %get3A_703 = arith.index_cast %add3A_702 : i32 to index
      %get3A_704 = arith.constant 0 : index
      %get3A_705 = vector.load %arg12[%get3A_703, %get3A_704] : memref<128x1xi32, #tpu.memory_space<vmem>>, vector<1x1xi32>
      %xor3A_706 = vector.broadcast %get3A_705 : vector<1x1xi32> to vector<512x512xi32>
      %xor3A_707 = arith.xori %and3A_700, %xor3A_706 : vector<512x512xi32>
      %bitcast_convert_type3A_708 = tpu.bitcast %xor3A_707 : vector<512x512xi32> -> vector<512x512xf32>
      %add3A_709 = arith.addf %add3A_681, %bitcast_convert_type3A_708 : vector<512x512xf32>
      %scan3A_710 = arith.constant 2 : i32
      %scan3A_711 = arith.addi %scan3A_657, %scan3A_710 : i32
      %add3A_712 = arith.constant 32 : i32
      %add3A_713 = arith.addi %add3A_712, %scan3A_711 : i32
      %get3A_714 = arith.index_cast %add3A_713 : i32 to index
      %get3A_715 = arith.constant 0 : index
      %get3A_716 = vector.load %arg27[%get3A_714, %get3A_715] : memref<128x512xf32, #tpu.memory_space<vmem>>, vector<1x512xf32>
      %add3A_717 = arith.constant 32 : i32
      %add3A_718 = arith.addi %add3A_717, %scan3A_711 : i32
      %get3A_719 = arith.index_cast %add3A_718 : i32 to index
      %get3A_720 = arith.constant 0 : index
      %get3A_721 = vector.load %arg26[%get3A_719, %get3A_720] : memref<128x512xf32, #tpu.memory_space<vmem>>, vector<1x512xf32>
      %concatenate3A_722 = tpu.concatenate %get3A_716, %broadcast_in_dim3A_86 in 0 : vector<1x512xf32>, vector<1x512xf32> -> vector<2x512xf32>
      %concatenate3A_723 = tpu.concatenate %broadcast_in_dim3A_86, %get3A_721 in 0 : vector<1x512xf32>, vector<1x512xf32> -> vector<2x512xf32>
      %dot_general3A_724 = arith.constant dense<0.000000e+00> : vector<512x512xf32>
      %dot_general3A_725 = tpu.matmul %concatenate3A_722, %concatenate3A_723, %dot_general3A_724 {dimension_numbers = #tpu.dot_dimension_numbers<[0], [0], [1], [1], [0, 1, 1, 1], [], []>, transpose_lhs_hint = false} : vector<2x512xf32>, vector<2x512xf32>, vector<512x512xf32> -> vector<512x512xf32>
      %bitcast_convert_type3A_726 = tpu.bitcast %dot_general3A_725 : vector<512x512xf32> -> vector<512x512xi32>
      %and3A_727 = vector.broadcast %scan3A_159 : i32 to vector<512x512xi32>
      %and3A_728 = arith.andi %bitcast_convert_type3A_726, %and3A_727 : vector<512x512xi32>
      %add3A_729 = arith.constant 32 : i32
      %add3A_730 = arith.addi %add3A_729, %scan3A_711 : i32
      %get3A_731 = arith.index_cast %add3A_730 : i32 to index
      %get3A_732 = arith.constant 0 : index
      %get3A_733 = vector.load %arg12[%get3A_731, %get3A_732] : memref<128x1xi32, #tpu.memory_space<vmem>>, vector<1x1xi32>
      %xor3A_734 = vector.broadcast %get3A_733 : vector<1x1xi32> to vector<512x512xi32>
      %xor3A_735 = arith.xori %and3A_728, %xor3A_734 : vector<512x512xi32>
      %bitcast_convert_type3A_736 = tpu.bitcast %xor3A_735 : vector<512x512xi32> -> vector<512x512xf32>
      %add3A_737 = arith.addf %add3A_709, %bitcast_convert_type3A_736 : vector<512x512xf32>
      %scan3A_738 = arith.constant 3 : i32
      %scan3A_739 = arith.addi %scan3A_657, %scan3A_738 : i32
      %add3A_740 = arith.constant 32 : i32
      %add3A_741 = arith.addi %add3A_740, %scan3A_739 : i32
      %get3A_742 = arith.index_cast %add3A_741 : i32 to index
      %get3A_743 = arith.constant 0 : index
      %get3A_744 = vector.load %arg27[%get3A_742, %get3A_743] : memref<128x512xf32, #tpu.memory_space<vmem>>, vector<1x512xf32>
      %add3A_745 = arith.constant 32 : i32
      %add3A_746 = arith.addi %add3A_745, %scan3A_739 : i32
      %get3A_747 = arith.index_cast %add3A_746 : i32 to index
      %get3A_748 = arith.constant 0 : index
      %get3A_749 = vector.load %arg26[%get3A_747, %get3A_748] : memref<128x512xf32, #tpu.memory_space<vmem>>, vector<1x512xf32>
      %concatenate3A_750 = tpu.concatenate %get3A_744, %broadcast_in_dim3A_86 in 0 : vector<1x512xf32>, vector<1x512xf32> -> vector<2x512xf32>
      %concatenate3A_751 = tpu.concatenate %broadcast_in_dim3A_86, %get3A_749 in 0 : vector<1x512xf32>, vector<1x512xf32> -> vector<2x512xf32>
      %dot_general3A_752 = arith.constant dense<0.000000e+00> : vector<512x512xf32>
      %dot_general3A_753 = tpu.matmul %concatenate3A_750, %concatenate3A_751, %dot_general3A_752 {dimension_numbers = #tpu.dot_dimension_numbers<[0], [0], [1], [1], [0, 1, 1, 1], [], []>, transpose_lhs_hint = false} : vector<2x512xf32>, vector<2x512xf32>, vector<512x512xf32> -> vector<512x512xf32>
      %bitcast_convert_type3A_754 = tpu.bitcast %dot_general3A_753 : vector<512x512xf32> -> vector<512x512xi32>
      %and3A_755 = vector.broadcast %scan3A_159 : i32 to vector<512x512xi32>
      %and3A_756 = arith.andi %bitcast_convert_type3A_754, %and3A_755 : vector<512x512xi32>
      %add3A_757 = arith.constant 32 : i32
      %add3A_758 = arith.addi %add3A_757, %scan3A_739 : i32
      %get3A_759 = arith.index_cast %add3A_758 : i32 to index
      %get3A_760 = arith.constant 0 : index
      %get3A_761 = vector.load %arg12[%get3A_759, %get3A_760] : memref<128x1xi32, #tpu.memory_space<vmem>>, vector<1x1xi32>
      %xor3A_762 = vector.broadcast %get3A_761 : vector<1x1xi32> to vector<512x512xi32>
      %xor3A_763 = arith.xori %and3A_756, %xor3A_762 : vector<512x512xi32>
      %bitcast_convert_type3A_764 = tpu.bitcast %xor3A_763 : vector<512x512xi32> -> vector<512x512xf32>
      %add3A_765 = arith.addf %add3A_737, %bitcast_convert_type3A_764 : vector<512x512xf32>
      %scan3A_766 = arith.constant 4 : i32
      %scan3A_767 = arith.addi %scan3A_657, %scan3A_766 : i32
      %add3A_768 = arith.constant 32 : i32
      %add3A_769 = arith.addi %add3A_768, %scan3A_767 : i32
      %get3A_770 = arith.index_cast %add3A_769 : i32 to index
      %get3A_771 = arith.constant 0 : index
      %get3A_772 = vector.load %arg27[%get3A_770, %get3A_771] : memref<128x512xf32, #tpu.memory_space<vmem>>, vector<1x512xf32>
      %add3A_773 = arith.constant 32 : i32
      %add3A_774 = arith.addi %add3A_773, %scan3A_767 : i32
      %get3A_775 = arith.index_cast %add3A_774 : i32 to index
      %get3A_776 = arith.constant 0 : index
      %get3A_777 = vector.load %arg26[%get3A_775, %get3A_776] : memref<128x512xf32, #tpu.memory_space<vmem>>, vector<1x512xf32>
      %concatenate3A_778 = tpu.concatenate %get3A_772, %broadcast_in_dim3A_86 in 0 : vector<1x512xf32>, vector<1x512xf32> -> vector<2x512xf32>
      %concatenate3A_779 = tpu.concatenate %broadcast_in_dim3A_86, %get3A_777 in 0 : vector<1x512xf32>, vector<1x512xf32> -> vector<2x512xf32>
      %dot_general3A_780 = arith.constant dense<0.000000e+00> : vector<512x512xf32>
      %dot_general3A_781 = tpu.matmul %concatenate3A_778, %concatenate3A_779, %dot_general3A_780 {dimension_numbers = #tpu.dot_dimension_numbers<[0], [0], [1], [1], [0, 1, 1, 1], [], []>, transpose_lhs_hint = false} : vector<2x512xf32>, vector<2x512xf32>, vector<512x512xf32> -> vector<512x512xf32>
      %bitcast_convert_type3A_782 = tpu.bitcast %dot_general3A_781 : vector<512x512xf32> -> vector<512x512xi32>
      %and3A_783 = vector.broadcast %scan3A_159 : i32 to vector<512x512xi32>
      %and3A_784 = arith.andi %bitcast_convert_type3A_782, %and3A_783 : vector<512x512xi32>
      %add3A_785 = arith.constant 32 : i32
      %add3A_786 = arith.addi %add3A_785, %scan3A_767 : i32
      %get3A_787 = arith.index_cast %add3A_786 : i32 to index
      %get3A_788 = arith.constant 0 : index
      %get3A_789 = vector.load %arg12[%get3A_787, %get3A_788] : memref<128x1xi32, #tpu.memory_space<vmem>>, vector<1x1xi32>
      %xor3A_790 = vector.broadcast %get3A_789 : vector<1x1xi32> to vector<512x512xi32>
      %xor3A_791 = arith.xori %and3A_784, %xor3A_790 : vector<512x512xi32>
      %bitcast_convert_type3A_792 = tpu.bitcast %xor3A_791 : vector<512x512xi32> -> vector<512x512xf32>
      %add3A_793 = arith.addf %add3A_765, %bitcast_convert_type3A_792 : vector<512x512xf32>
      %scan3A_794 = arith.constant 5 : i32
      %scan3A_795 = arith.addi %scan3A_657, %scan3A_794 : i32
      %add3A_796 = arith.constant 32 : i32
      %add3A_797 = arith.addi %add3A_796, %scan3A_795 : i32
      %get3A_798 = arith.index_cast %add3A_797 : i32 to index
      %get3A_799 = arith.constant 0 : index
      %get3A_800 = vector.load %arg27[%get3A_798, %get3A_799] : memref<128x512xf32, #tpu.memory_space<vmem>>, vector<1x512xf32>
      %add3A_801 = arith.constant 32 : i32
      %add3A_802 = arith.addi %add3A_801, %scan3A_795 : i32
      %get3A_803 = arith.index_cast %add3A_802 : i32 to index
      %get3A_804 = arith.constant 0 : index
      %get3A_805 = vector.load %arg26[%get3A_803, %get3A_804] : memref<128x512xf32, #tpu.memory_space<vmem>>, vector<1x512xf32>
      %concatenate3A_806 = tpu.concatenate %get3A_800, %broadcast_in_dim3A_86 in 0 : vector<1x512xf32>, vector<1x512xf32> -> vector<2x512xf32>
      %concatenate3A_807 = tpu.concatenate %broadcast_in_dim3A_86, %get3A_805 in 0 : vector<1x512xf32>, vector<1x512xf32> -> vector<2x512xf32>
      %dot_general3A_808 = arith.constant dense<0.000000e+00> : vector<512x512xf32>
      %dot_general3A_809 = tpu.matmul %concatenate3A_806, %concatenate3A_807, %dot_general3A_808 {dimension_numbers = #tpu.dot_dimension_numbers<[0], [0], [1], [1], [0, 1, 1, 1], [], []>, transpose_lhs_hint = false} : vector<2x512xf32>, vector<2x512xf32>, vector<512x512xf32> -> vector<512x512xf32>
      %bitcast_convert_type3A_810 = tpu.bitcast %dot_general3A_809 : vector<512x512xf32> -> vector<512x512xi32>
      %and3A_811 = vector.broadcast %scan3A_159 : i32 to vector<512x512xi32>
      %and3A_812 = arith.andi %bitcast_convert_type3A_810, %and3A_811 : vector<512x512xi32>
      %add3A_813 = arith.constant 32 : i32
      %add3A_814 = arith.addi %add3A_813, %scan3A_795 : i32
      %get3A_815 = arith.index_cast %add3A_814 : i32 to index
      %get3A_816 = arith.constant 0 : index
      %get3A_817 = vector.load %arg12[%get3A_815, %get3A_816] : memref<128x1xi32, #tpu.memory_space<vmem>>, vector<1x1xi32>
      %xor3A_818 = vector.broadcast %get3A_817 : vector<1x1xi32> to vector<512x512xi32>
      %xor3A_819 = arith.xori %and3A_812, %xor3A_818 : vector<512x512xi32>
      %bitcast_convert_type3A_820 = tpu.bitcast %xor3A_819 : vector<512x512xi32> -> vector<512x512xf32>
      %add3A_821 = arith.addf %add3A_793, %bitcast_convert_type3A_820 : vector<512x512xf32>
      %scan3A_822 = arith.constant 6 : i32
      %scan3A_823 = arith.addi %scan3A_657, %scan3A_822 : i32
      %add3A_824 = arith.constant 32 : i32
      %add3A_825 = arith.addi %add3A_824, %scan3A_823 : i32
      %get3A_826 = arith.index_cast %add3A_825 : i32 to index
      %get3A_827 = arith.constant 0 : index
      %get3A_828 = vector.load %arg27[%get3A_826, %get3A_827] : memref<128x512xf32, #tpu.memory_space<vmem>>, vector<1x512xf32>
      %add3A_829 = arith.constant 32 : i32
      %add3A_830 = arith.addi %add3A_829, %scan3A_823 : i32
      %get3A_831 = arith.index_cast %add3A_830 : i32 to index
      %get3A_832 = arith.constant 0 : index
      %get3A_833 = vector.load %arg26[%get3A_831, %get3A_832] : memref<128x512xf32, #tpu.memory_space<vmem>>, vector<1x512xf32>
      %concatenate3A_834 = tpu.concatenate %get3A_828, %broadcast_in_dim3A_86 in 0 : vector<1x512xf32>, vector<1x512xf32> -> vector<2x512xf32>
      %concatenate3A_835 = tpu.concatenate %broadcast_in_dim3A_86, %get3A_833 in 0 : vector<1x512xf32>, vector<1x512xf32> -> vector<2x512xf32>
      %dot_general3A_836 = arith.constant dense<0.000000e+00> : vector<512x512xf32>
      %dot_general3A_837 = tpu.matmul %concatenate3A_834, %concatenate3A_835, %dot_general3A_836 {dimension_numbers = #tpu.dot_dimension_numbers<[0], [0], [1], [1], [0, 1, 1, 1], [], []>, transpose_lhs_hint = false} : vector<2x512xf32>, vector<2x512xf32>, vector<512x512xf32> -> vector<512x512xf32>
      %bitcast_convert_type3A_838 = tpu.bitcast %dot_general3A_837 : vector<512x512xf32> -> vector<512x512xi32>
      %and3A_839 = vector.broadcast %scan3A_159 : i32 to vector<512x512xi32>
      %and3A_840 = arith.andi %bitcast_convert_type3A_838, %and3A_839 : vector<512x512xi32>
      %add3A_841 = arith.constant 32 : i32
      %add3A_842 = arith.addi %add3A_841, %scan3A_823 : i32
      %get3A_843 = arith.index_cast %add3A_842 : i32 to index
      %get3A_844 = arith.constant 0 : index
      %get3A_845 = vector.load %arg12[%get3A_843, %get3A_844] : memref<128x1xi32, #tpu.memory_space<vmem>>, vector<1x1xi32>
      %xor3A_846 = vector.broadcast %get3A_845 : vector<1x1xi32> to vector<512x512xi32>
      %xor3A_847 = arith.xori %and3A_840, %xor3A_846 : vector<512x512xi32>
      %bitcast_convert_type3A_848 = tpu.bitcast %xor3A_847 : vector<512x512xi32> -> vector<512x512xf32>
      %add3A_849 = arith.addf %add3A_821, %bitcast_convert_type3A_848 : vector<512x512xf32>
      %scan3A_850 = arith.constant 7 : i32
      %scan3A_851 = arith.addi %scan3A_657, %scan3A_850 : i32
      %add3A_852 = arith.constant 32 : i32
      %add3A_853 = arith.addi %add3A_852, %scan3A_851 : i32
      %get3A_854 = arith.index_cast %add3A_853 : i32 to index
      %get3A_855 = arith.constant 0 : index
      %get3A_856 = vector.load %arg27[%get3A_854, %get3A_855] : memref<128x512xf32, #tpu.memory_space<vmem>>, vector<1x512xf32>
      %add3A_857 = arith.constant 32 : i32
      %add3A_858 = arith.addi %add3A_857, %scan3A_851 : i32
      %get3A_859 = arith.index_cast %add3A_858 : i32 to index
      %get3A_860 = arith.constant 0 : index
      %get3A_861 = vector.load %arg26[%get3A_859, %get3A_860] : memref<128x512xf32, #tpu.memory_space<vmem>>, vector<1x512xf32>
      %concatenate3A_862 = tpu.concatenate %get3A_856, %broadcast_in_dim3A_86 in 0 : vector<1x512xf32>, vector<1x512xf32> -> vector<2x512xf32>
      %concatenate3A_863 = tpu.concatenate %broadcast_in_dim3A_86, %get3A_861 in 0 : vector<1x512xf32>, vector<1x512xf32> -> vector<2x512xf32>
      %dot_general3A_864 = arith.constant dense<0.000000e+00> : vector<512x512xf32>
      %dot_general3A_865 = tpu.matmul %concatenate3A_862, %concatenate3A_863, %dot_general3A_864 {dimension_numbers = #tpu.dot_dimension_numbers<[0], [0], [1], [1], [0, 1, 1, 1], [], []>, transpose_lhs_hint = false} : vector<2x512xf32>, vector<2x512xf32>, vector<512x512xf32> -> vector<512x512xf32>
      %bitcast_convert_type3A_866 = tpu.bitcast %dot_general3A_865 : vector<512x512xf32> -> vector<512x512xi32>
      %and3A_867 = vector.broadcast %scan3A_159 : i32 to vector<512x512xi32>
      %and3A_868 = arith.andi %bitcast_convert_type3A_866, %and3A_867 : vector<512x512xi32>
      %add3A_869 = arith.constant 32 : i32
      %add3A_870 = arith.addi %add3A_869, %scan3A_851 : i32
      %get3A_871 = arith.index_cast %add3A_870 : i32 to index
      %get3A_872 = arith.constant 0 : index
      %get3A_873 = vector.load %arg12[%get3A_871, %get3A_872] : memref<128x1xi32, #tpu.memory_space<vmem>>, vector<1x1xi32>
      %xor3A_874 = vector.broadcast %get3A_873 : vector<1x1xi32> to vector<512x512xi32>
      %xor3A_875 = arith.xori %and3A_868, %xor3A_874 : vector<512x512xi32>
      %bitcast_convert_type3A_876 = tpu.bitcast %xor3A_875 : vector<512x512xi32> -> vector<512x512xf32>
      %add3A_877 = arith.addf %add3A_849, %bitcast_convert_type3A_876 : vector<512x512xf32>
      %scan3A_878 = arith.constant 8 : i32
      %scan3A_879 = arith.addi %scan3A_657, %scan3A_878 : i32
      %add3A_880 = arith.constant 32 : i32
      %add3A_881 = arith.addi %add3A_880, %scan3A_879 : i32
      %get3A_882 = arith.index_cast %add3A_881 : i32 to index
      %get3A_883 = arith.constant 0 : index
      %get3A_884 = vector.load %arg27[%get3A_882, %get3A_883] : memref<128x512xf32, #tpu.memory_space<vmem>>, vector<1x512xf32>
      %add3A_885 = arith.constant 32 : i32
      %add3A_886 = arith.addi %add3A_885, %scan3A_879 : i32
      %get3A_887 = arith.index_cast %add3A_886 : i32 to index
      %get3A_888 = arith.constant 0 : index
      %get3A_889 = vector.load %arg26[%get3A_887, %get3A_888] : memref<128x512xf32, #tpu.memory_space<vmem>>, vector<1x512xf32>
      %concatenate3A_890 = tpu.concatenate %get3A_884, %broadcast_in_dim3A_86 in 0 : vector<1x512xf32>, vector<1x512xf32> -> vector<2x512xf32>
      %concatenate3A_891 = tpu.concatenate %broadcast_in_dim3A_86, %get3A_889 in 0 : vector<1x512xf32>, vector<1x512xf32> -> vector<2x512xf32>
      %dot_general3A_892 = arith.constant dense<0.000000e+00> : vector<512x512xf32>
      %dot_general3A_893 = tpu.matmul %concatenate3A_890, %concatenate3A_891, %dot_general3A_892 {dimension_numbers = #tpu.dot_dimension_numbers<[0], [0], [1], [1], [0, 1, 1, 1], [], []>, transpose_lhs_hint = false} : vector<2x512xf32>, vector<2x512xf32>, vector<512x512xf32> -> vector<512x512xf32>
      %bitcast_convert_type3A_894 = tpu.bitcast %dot_general3A_893 : vector<512x512xf32> -> vector<512x512xi32>
      %and3A_895 = vector.broadcast %scan3A_159 : i32 to vector<512x512xi32>
      %and3A_896 = arith.andi %bitcast_convert_type3A_894, %and3A_895 : vector<512x512xi32>
      %add3A_897 = arith.constant 32 : i32
      %add3A_898 = arith.addi %add3A_897, %scan3A_879 : i32
      %get3A_899 = arith.index_cast %add3A_898 : i32 to index
      %get3A_900 = arith.constant 0 : index
      %get3A_901 = vector.load %arg12[%get3A_899, %get3A_900] : memref<128x1xi32, #tpu.memory_space<vmem>>, vector<1x1xi32>
      %xor3A_902 = vector.broadcast %get3A_901 : vector<1x1xi32> to vector<512x512xi32>
      %xor3A_903 = arith.xori %and3A_896, %xor3A_902 : vector<512x512xi32>
      %bitcast_convert_type3A_904 = tpu.bitcast %xor3A_903 : vector<512x512xi32> -> vector<512x512xf32>
      %add3A_905 = arith.addf %add3A_877, %bitcast_convert_type3A_904 : vector<512x512xf32>
      %scan3A_906 = arith.constant 9 : i32
      %scan3A_907 = arith.addi %scan3A_657, %scan3A_906 : i32
      %add3A_908 = arith.constant 32 : i32
      %add3A_909 = arith.addi %add3A_908, %scan3A_907 : i32
      %get3A_910 = arith.index_cast %add3A_909 : i32 to index
      %get3A_911 = arith.constant 0 : index
      %get3A_912 = vector.load %arg27[%get3A_910, %get3A_911] : memref<128x512xf32, #tpu.memory_space<vmem>>, vector<1x512xf32>
      %add3A_913 = arith.constant 32 : i32
      %add3A_914 = arith.addi %add3A_913, %scan3A_907 : i32
      %get3A_915 = arith.index_cast %add3A_914 : i32 to index
      %get3A_916 = arith.constant 0 : index
      %get3A_917 = vector.load %arg26[%get3A_915, %get3A_916] : memref<128x512xf32, #tpu.memory_space<vmem>>, vector<1x512xf32>
      %concatenate3A_918 = tpu.concatenate %get3A_912, %broadcast_in_dim3A_86 in 0 : vector<1x512xf32>, vector<1x512xf32> -> vector<2x512xf32>
      %concatenate3A_919 = tpu.concatenate %broadcast_in_dim3A_86, %get3A_917 in 0 : vector<1x512xf32>, vector<1x512xf32> -> vector<2x512xf32>
      %dot_general3A_920 = arith.constant dense<0.000000e+00> : vector<512x512xf32>
      %dot_general3A_921 = tpu.matmul %concatenate3A_918, %concatenate3A_919, %dot_general3A_920 {dimension_numbers = #tpu.dot_dimension_numbers<[0], [0], [1], [1], [0, 1, 1, 1], [], []>, transpose_lhs_hint = false} : vector<2x512xf32>, vector<2x512xf32>, vector<512x512xf32> -> vector<512x512xf32>
      %bitcast_convert_type3A_922 = tpu.bitcast %dot_general3A_921 : vector<512x512xf32> -> vector<512x512xi32>
      %and3A_923 = vector.broadcast %scan3A_159 : i32 to vector<512x512xi32>
      %and3A_924 = arith.andi %bitcast_convert_type3A_922, %and3A_923 : vector<512x512xi32>
      %add3A_925 = arith.constant 32 : i32
      %add3A_926 = arith.addi %add3A_925, %scan3A_907 : i32
      %get3A_927 = arith.index_cast %add3A_926 : i32 to index
      %get3A_928 = arith.constant 0 : index
      %get3A_929 = vector.load %arg12[%get3A_927, %get3A_928] : memref<128x1xi32, #tpu.memory_space<vmem>>, vector<1x1xi32>
      %xor3A_930 = vector.broadcast %get3A_929 : vector<1x1xi32> to vector<512x512xi32>
      %xor3A_931 = arith.xori %and3A_924, %xor3A_930 : vector<512x512xi32>
      %bitcast_convert_type3A_932 = tpu.bitcast %xor3A_931 : vector<512x512xi32> -> vector<512x512xf32>
      %add3A_933 = arith.addf %add3A_905, %bitcast_convert_type3A_932 : vector<512x512xf32>
      %scan3A_934 = arith.constant 10 : i32
      %scan3A_935 = arith.addi %scan3A_657, %scan3A_934 : i32
      %add3A_936 = arith.constant 32 : i32
      %add3A_937 = arith.addi %add3A_936, %scan3A_935 : i32
      %get3A_938 = arith.index_cast %add3A_937 : i32 to index
      %get3A_939 = arith.constant 0 : index
      %get3A_940 = vector.load %arg27[%get3A_938, %get3A_939] : memref<128x512xf32, #tpu.memory_space<vmem>>, vector<1x512xf32>
      %add3A_941 = arith.constant 32 : i32
      %add3A_942 = arith.addi %add3A_941, %scan3A_935 : i32
      %get3A_943 = arith.index_cast %add3A_942 : i32 to index
      %get3A_944 = arith.constant 0 : index
      %get3A_945 = vector.load %arg26[%get3A_943, %get3A_944] : memref<128x512xf32, #tpu.memory_space<vmem>>, vector<1x512xf32>
      %concatenate3A_946 = tpu.concatenate %get3A_940, %broadcast_in_dim3A_86 in 0 : vector<1x512xf32>, vector<1x512xf32> -> vector<2x512xf32>
      %concatenate3A_947 = tpu.concatenate %broadcast_in_dim3A_86, %get3A_945 in 0 : vector<1x512xf32>, vector<1x512xf32> -> vector<2x512xf32>
      %dot_general3A_948 = arith.constant dense<0.000000e+00> : vector<512x512xf32>
      %dot_general3A_949 = tpu.matmul %concatenate3A_946, %concatenate3A_947, %dot_general3A_948 {dimension_numbers = #tpu.dot_dimension_numbers<[0], [0], [1], [1], [0, 1, 1, 1], [], []>, transpose_lhs_hint = false} : vector<2x512xf32>, vector<2x512xf32>, vector<512x512xf32> -> vector<512x512xf32>
      %bitcast_convert_type3A_950 = tpu.bitcast %dot_general3A_949 : vector<512x512xf32> -> vector<512x512xi32>
      %and3A_951 = vector.broadcast %scan3A_159 : i32 to vector<512x512xi32>
      %and3A_952 = arith.andi %bitcast_convert_type3A_950, %and3A_951 : vector<512x512xi32>
      %add3A_953 = arith.constant 32 : i32
      %add3A_954 = arith.addi %add3A_953, %scan3A_935 : i32
      %get3A_955 = arith.index_cast %add3A_954 : i32 to index
      %get3A_956 = arith.constant 0 : index
      %get3A_957 = vector.load %arg12[%get3A_955, %get3A_956] : memref<128x1xi32, #tpu.memory_space<vmem>>, vector<1x1xi32>
      %xor3A_958 = vector.broadcast %get3A_957 : vector<1x1xi32> to vector<512x512xi32>
      %xor3A_959 = arith.xori %and3A_952, %xor3A_958 : vector<512x512xi32>
      %bitcast_convert_type3A_960 = tpu.bitcast %xor3A_959 : vector<512x512xi32> -> vector<512x512xf32>
      %add3A_961 = arith.addf %add3A_933, %bitcast_convert_type3A_960 : vector<512x512xf32>
      %scan3A_962 = arith.constant 11 : i32
      %scan3A_963 = arith.addi %scan3A_657, %scan3A_962 : i32
      %add3A_964 = arith.constant 32 : i32
      %add3A_965 = arith.addi %add3A_964, %scan3A_963 : i32
      %get3A_966 = arith.index_cast %add3A_965 : i32 to index
      %get3A_967 = arith.constant 0 : index
      %get3A_968 = vector.load %arg27[%get3A_966, %get3A_967] : memref<128x512xf32, #tpu.memory_space<vmem>>, vector<1x512xf32>
      %add3A_969 = arith.constant 32 : i32
      %add3A_970 = arith.addi %add3A_969, %scan3A_963 : i32
      %get3A_971 = arith.index_cast %add3A_970 : i32 to index
      %get3A_972 = arith.constant 0 : index
      %get3A_973 = vector.load %arg26[%get3A_971, %get3A_972] : memref<128x512xf32, #tpu.memory_space<vmem>>, vector<1x512xf32>
      %concatenate3A_974 = tpu.concatenate %get3A_968, %broadcast_in_dim3A_86 in 0 : vector<1x512xf32>, vector<1x512xf32> -> vector<2x512xf32>
      %concatenate3A_975 = tpu.concatenate %broadcast_in_dim3A_86, %get3A_973 in 0 : vector<1x512xf32>, vector<1x512xf32> -> vector<2x512xf32>
      %dot_general3A_976 = arith.constant dense<0.000000e+00> : vector<512x512xf32>
      %dot_general3A_977 = tpu.matmul %concatenate3A_974, %concatenate3A_975, %dot_general3A_976 {dimension_numbers = #tpu.dot_dimension_numbers<[0], [0], [1], [1], [0, 1, 1, 1], [], []>, transpose_lhs_hint = false} : vector<2x512xf32>, vector<2x512xf32>, vector<512x512xf32> -> vector<512x512xf32>
      %bitcast_convert_type3A_978 = tpu.bitcast %dot_general3A_977 : vector<512x512xf32> -> vector<512x512xi32>
      %and3A_979 = vector.broadcast %scan3A_159 : i32 to vector<512x512xi32>
      %and3A_980 = arith.andi %bitcast_convert_type3A_978, %and3A_979 : vector<512x512xi32>
      %add3A_981 = arith.constant 32 : i32
      %add3A_982 = arith.addi %add3A_981, %scan3A_963 : i32
      %get3A_983 = arith.index_cast %add3A_982 : i32 to index
      %get3A_984 = arith.constant 0 : index
      %get3A_985 = vector.load %arg12[%get3A_983, %get3A_984] : memref<128x1xi32, #tpu.memory_space<vmem>>, vector<1x1xi32>
      %xor3A_986 = vector.broadcast %get3A_985 : vector<1x1xi32> to vector<512x512xi32>
      %xor3A_987 = arith.xori %and3A_980, %xor3A_986 : vector<512x512xi32>
      %bitcast_convert_type3A_988 = tpu.bitcast %xor3A_987 : vector<512x512xi32> -> vector<512x512xf32>
      %add3A_989 = arith.addf %add3A_961, %bitcast_convert_type3A_988 : vector<512x512xf32>
      %scan3A_990 = arith.constant 12 : i32
      %scan3A_991 = arith.addi %scan3A_657, %scan3A_990 : i32
      %add3A_992 = arith.constant 32 : i32
      %add3A_993 = arith.addi %add3A_992, %scan3A_991 : i32
      %get3A_994 = arith.index_cast %add3A_993 : i32 to index
      %get3A_995 = arith.constant 0 : index
      %get3A_996 = vector.load %arg27[%get3A_994, %get3A_995] : memref<128x512xf32, #tpu.memory_space<vmem>>, vector<1x512xf32>
      %add3A_997 = arith.constant 32 : i32
      %add3A_998 = arith.addi %add3A_997, %scan3A_991 : i32
      %get3A_999 = arith.index_cast %add3A_998 : i32 to index
      %get3A_1000 = arith.constant 0 : index
      %get3A_1001 = vector.load %arg26[%get3A_999, %get3A_1000] : memref<128x512xf32, #tpu.memory_space<vmem>>, vector<1x512xf32>
      %concatenate3A_1002 = tpu.concatenate %get3A_996, %broadcast_in_dim3A_86 in 0 : vector<1x512xf32>, vector<1x512xf32> -> vector<2x512xf32>
      %concatenate3A_1003 = tpu.concatenate %broadcast_in_dim3A_86, %get3A_1001 in 0 : vector<1x512xf32>, vector<1x512xf32> -> vector<2x512xf32>
      %dot_general3A_1004 = arith.constant dense<0.000000e+00> : vector<512x512xf32>
      %dot_general3A_1005 = tpu.matmul %concatenate3A_1002, %concatenate3A_1003, %dot_general3A_1004 {dimension_numbers = #tpu.dot_dimension_numbers<[0], [0], [1], [1], [0, 1, 1, 1], [], []>, transpose_lhs_hint = false} : vector<2x512xf32>, vector<2x512xf32>, vector<512x512xf32> -> vector<512x512xf32>
      %bitcast_convert_type3A_1006 = tpu.bitcast %dot_general3A_1005 : vector<512x512xf32> -> vector<512x512xi32>
      %and3A_1007 = vector.broadcast %scan3A_159 : i32 to vector<512x512xi32>
      %and3A_1008 = arith.andi %bitcast_convert_type3A_1006, %and3A_1007 : vector<512x512xi32>
      %add3A_1009 = arith.constant 32 : i32
      %add3A_1010 = arith.addi %add3A_1009, %scan3A_991 : i32
      %get3A_1011 = arith.index_cast %add3A_1010 : i32 to index
      %get3A_1012 = arith.constant 0 : index
      %get3A_1013 = vector.load %arg12[%get3A_1011, %get3A_1012] : memref<128x1xi32, #tpu.memory_space<vmem>>, vector<1x1xi32>
      %xor3A_1014 = vector.broadcast %get3A_1013 : vector<1x1xi32> to vector<512x512xi32>
      %xor3A_1015 = arith.xori %and3A_1008, %xor3A_1014 : vector<512x512xi32>
      %bitcast_convert_type3A_1016 = tpu.bitcast %xor3A_1015 : vector<512x512xi32> -> vector<512x512xf32>
      %add3A_1017 = arith.addf %add3A_989, %bitcast_convert_type3A_1016 : vector<512x512xf32>
      %scan3A_1018 = arith.constant 13 : i32
      %scan3A_1019 = arith.addi %scan3A_657, %scan3A_1018 : i32
      %add3A_1020 = arith.constant 32 : i32
      %add3A_1021 = arith.addi %add3A_1020, %scan3A_1019 : i32
      %get3A_1022 = arith.index_cast %add3A_1021 : i32 to index
      %get3A_1023 = arith.constant 0 : index
      %get3A_1024 = vector.load %arg27[%get3A_1022, %get3A_1023] : memref<128x512xf32, #tpu.memory_space<vmem>>, vector<1x512xf32>
      %add3A_1025 = arith.constant 32 : i32
      %add3A_1026 = arith.addi %add3A_1025, %scan3A_1019 : i32
      %get3A_1027 = arith.index_cast %add3A_1026 : i32 to index
      %get3A_1028 = arith.constant 0 : index
      %get3A_1029 = vector.load %arg26[%get3A_1027, %get3A_1028] : memref<128x512xf32, #tpu.memory_space<vmem>>, vector<1x512xf32>
      %concatenate3A_1030 = tpu.concatenate %get3A_1024, %broadcast_in_dim3A_86 in 0 : vector<1x512xf32>, vector<1x512xf32> -> vector<2x512xf32>
      %concatenate3A_1031 = tpu.concatenate %broadcast_in_dim3A_86, %get3A_1029 in 0 : vector<1x512xf32>, vector<1x512xf32> -> vector<2x512xf32>
      %dot_general3A_1032 = arith.constant dense<0.000000e+00> : vector<512x512xf32>
      %dot_general3A_1033 = tpu.matmul %concatenate3A_1030, %concatenate3A_1031, %dot_general3A_1032 {dimension_numbers = #tpu.dot_dimension_numbers<[0], [0], [1], [1], [0, 1, 1, 1], [], []>, transpose_lhs_hint = false} : vector<2x512xf32>, vector<2x512xf32>, vector<512x512xf32> -> vector<512x512xf32>
      %bitcast_convert_type3A_1034 = tpu.bitcast %dot_general3A_1033 : vector<512x512xf32> -> vector<512x512xi32>
      %and3A_1035 = vector.broadcast %scan3A_159 : i32 to vector<512x512xi32>
      %and3A_1036 = arith.andi %bitcast_convert_type3A_1034, %and3A_1035 : vector<512x512xi32>
      %add3A_1037 = arith.constant 32 : i32
      %add3A_1038 = arith.addi %add3A_1037, %scan3A_1019 : i32
      %get3A_1039 = arith.index_cast %add3A_1038 : i32 to index
      %get3A_1040 = arith.constant 0 : index
      %get3A_1041 = vector.load %arg12[%get3A_1039, %get3A_1040] : memref<128x1xi32, #tpu.memory_space<vmem>>, vector<1x1xi32>
      %xor3A_1042 = vector.broadcast %get3A_1041 : vector<1x1xi32> to vector<512x512xi32>
      %xor3A_1043 = arith.xori %and3A_1036, %xor3A_1042 : vector<512x512xi32>
      %bitcast_convert_type3A_1044 = tpu.bitcast %xor3A_1043 : vector<512x512xi32> -> vector<512x512xf32>
      %add3A_1045 = arith.addf %add3A_1017, %bitcast_convert_type3A_1044 : vector<512x512xf32>
      %scan3A_1046 = arith.constant 14 : i32
      %scan3A_1047 = arith.addi %scan3A_657, %scan3A_1046 : i32
      %add3A_1048 = arith.constant 32 : i32
      %add3A_1049 = arith.addi %add3A_1048, %scan3A_1047 : i32
      %get3A_1050 = arith.index_cast %add3A_1049 : i32 to index
      %get3A_1051 = arith.constant 0 : index
      %get3A_1052 = vector.load %arg27[%get3A_1050, %get3A_1051] : memref<128x512xf32, #tpu.memory_space<vmem>>, vector<1x512xf32>
      %add3A_1053 = arith.constant 32 : i32
      %add3A_1054 = arith.addi %add3A_1053, %scan3A_1047 : i32
      %get3A_1055 = arith.index_cast %add3A_1054 : i32 to index
      %get3A_1056 = arith.constant 0 : index
      %get3A_1057 = vector.load %arg26[%get3A_1055, %get3A_1056] : memref<128x512xf32, #tpu.memory_space<vmem>>, vector<1x512xf32>
      %concatenate3A_1058 = tpu.concatenate %get3A_1052, %broadcast_in_dim3A_86 in 0 : vector<1x512xf32>, vector<1x512xf32> -> vector<2x512xf32>
      %concatenate3A_1059 = tpu.concatenate %broadcast_in_dim3A_86, %get3A_1057 in 0 : vector<1x512xf32>, vector<1x512xf32> -> vector<2x512xf32>
      %dot_general3A_1060 = arith.constant dense<0.000000e+00> : vector<512x512xf32>
      %dot_general3A_1061 = tpu.matmul %concatenate3A_1058, %concatenate3A_1059, %dot_general3A_1060 {dimension_numbers = #tpu.dot_dimension_numbers<[0], [0], [1], [1], [0, 1, 1, 1], [], []>, transpose_lhs_hint = false} : vector<2x512xf32>, vector<2x512xf32>, vector<512x512xf32> -> vector<512x512xf32>
      %bitcast_convert_type3A_1062 = tpu.bitcast %dot_general3A_1061 : vector<512x512xf32> -> vector<512x512xi32>
      %and3A_1063 = vector.broadcast %scan3A_159 : i32 to vector<512x512xi32>
      %and3A_1064 = arith.andi %bitcast_convert_type3A_1062, %and3A_1063 : vector<512x512xi32>
      %add3A_1065 = arith.constant 32 : i32
      %add3A_1066 = arith.addi %add3A_1065, %scan3A_1047 : i32
      %get3A_1067 = arith.index_cast %add3A_1066 : i32 to index
      %get3A_1068 = arith.constant 0 : index
      %get3A_1069 = vector.load %arg12[%get3A_1067, %get3A_1068] : memref<128x1xi32, #tpu.memory_space<vmem>>, vector<1x1xi32>
      %xor3A_1070 = vector.broadcast %get3A_1069 : vector<1x1xi32> to vector<512x512xi32>
      %xor3A_1071 = arith.xori %and3A_1064, %xor3A_1070 : vector<512x512xi32>
      %bitcast_convert_type3A_1072 = tpu.bitcast %xor3A_1071 : vector<512x512xi32> -> vector<512x512xf32>
      %add3A_1073 = arith.addf %add3A_1045, %bitcast_convert_type3A_1072 : vector<512x512xf32>
      %scan3A_1074 = arith.constant 15 : i32
      %scan3A_1075 = arith.addi %scan3A_657, %scan3A_1074 : i32
      %add3A_1076 = arith.constant 32 : i32
      %add3A_1077 = arith.addi %add3A_1076, %scan3A_1075 : i32
      %get3A_1078 = arith.index_cast %add3A_1077 : i32 to index
      %get3A_1079 = arith.constant 0 : index
      %get3A_1080 = vector.load %arg27[%get3A_1078, %get3A_1079] : memref<128x512xf32, #tpu.memory_space<vmem>>, vector<1x512xf32>
      %add3A_1081 = arith.constant 32 : i32
      %add3A_1082 = arith.addi %add3A_1081, %scan3A_1075 : i32
      %get3A_1083 = arith.index_cast %add3A_1082 : i32 to index
      %get3A_1084 = arith.constant 0 : index
      %get3A_1085 = vector.load %arg26[%get3A_1083, %get3A_1084] : memref<128x512xf32, #tpu.memory_space<vmem>>, vector<1x512xf32>
      %concatenate3A_1086 = tpu.concatenate %get3A_1080, %broadcast_in_dim3A_86 in 0 : vector<1x512xf32>, vector<1x512xf32> -> vector<2x512xf32>
      %concatenate3A_1087 = tpu.concatenate %broadcast_in_dim3A_86, %get3A_1085 in 0 : vector<1x512xf32>, vector<1x512xf32> -> vector<2x512xf32>
      %dot_general3A_1088 = arith.constant dense<0.000000e+00> : vector<512x512xf32>
      %dot_general3A_1089 = tpu.matmul %concatenate3A_1086, %concatenate3A_1087, %dot_general3A_1088 {dimension_numbers = #tpu.dot_dimension_numbers<[0], [0], [1], [1], [0, 1, 1, 1], [], []>, transpose_lhs_hint = false} : vector<2x512xf32>, vector<2x512xf32>, vector<512x512xf32> -> vector<512x512xf32>
      %bitcast_convert_type3A_1090 = tpu.bitcast %dot_general3A_1089 : vector<512x512xf32> -> vector<512x512xi32>
      %and3A_1091 = vector.broadcast %scan3A_159 : i32 to vector<512x512xi32>
      %and3A_1092 = arith.andi %bitcast_convert_type3A_1090, %and3A_1091 : vector<512x512xi32>
      %add3A_1093 = arith.constant 32 : i32
      %add3A_1094 = arith.addi %add3A_1093, %scan3A_1075 : i32
      %get3A_1095 = arith.index_cast %add3A_1094 : i32 to index
      %get3A_1096 = arith.constant 0 : index
      %get3A_1097 = vector.load %arg12[%get3A_1095, %get3A_1096] : memref<128x1xi32, #tpu.memory_space<vmem>>, vector<1x1xi32>
      %xor3A_1098 = vector.broadcast %get3A_1097 : vector<1x1xi32> to vector<512x512xi32>
      %xor3A_1099 = arith.xori %and3A_1092, %xor3A_1098 : vector<512x512xi32>
      %bitcast_convert_type3A_1100 = tpu.bitcast %xor3A_1099 : vector<512x512xi32> -> vector<512x512xf32>
      %add3A_1101 = arith.addf %add3A_1073, %bitcast_convert_type3A_1100 : vector<512x512xf32>
      scf.yield %add3A_1101 : vector<512x512xf32>
    }
    %scan3A_165 = arith.constant 32 : i32
    %mul3A_166 = arith.constant 4.000000e-01 : f32
    %mul3A_167 = vector.broadcast %mul3A_166 : f32 to vector<512x512xf32>
    %mul3A_168 = arith.mulf %mul3A_167, %scan3A_164 : vector<512x512xf32>
    %add3A_169 = arith.addf %mul3A_168, %select_n3A : vector<512x512xf32>
    %reduce_max3A_170 = arith.constant dense<0xFF800000> : vector<512xf32>
    %reduce_max3A_171 = vector.multi_reduction <maximumf>, %add3A_169, %reduce_max3A_170 [1] : vector<512x512xf32> to vector<512xf32>
    %broadcast_in_dim3A_172 = vector.shape_cast %reduce_max3A_171 : vector<512xf32> to vector<512x1xf32>
    %is_finite3A_173 = tpu.weird %broadcast_in_dim3A_172 : vector<512x1xf32> -> vector<512x1xi1>
    %is_finite3A_174 = arith.constant dense<true> : vector<512x1xi1>
    %is_finite3A_175 = arith.xori %is_finite3A_173, %is_finite3A_174 : vector<512x1xi1>
    %jit3A_176 = arith.constant 0.000000e+00 : f32
    %broadcast_in_dim3A_177 = vector.broadcast %jit3A_176 : f32 to vector<512x1xf32>
    %select_n3A_178 = arith.select %is_finite3A_175, %broadcast_in_dim3A_172, %broadcast_in_dim3A_177 : vector<512x1xi1>, vector<512x1xf32>
    %sub3A_179 = vector.broadcast %select_n3A_178 : vector<512x1xf32> to vector<512x512xf32>
    %sub3A_180 = arith.subf %add3A_169, %sub3A_179 : vector<512x512xf32>
    %exp3A_181 = math.exp %sub3A_180 : vector<512x512xf32>
    %mul3A_182 = arith.mulf %add3A, %exp3A_181 : vector<512x512xf32>
    %reduce_sum3A_183 = arith.constant dense<0.000000e+00> : vector<512xf32>
    %reduce_sum3A_184 = vector.multi_reduction <add>, %mul3A_182, %reduce_sum3A_183 [1] : vector<512x512xf32> to vector<512xf32>
    %broadcast_in_dim3A_185 = vector.shape_cast %reduce_sum3A_184 : vector<512xf32> to vector<512x1xf32>
    %add3A_186 = arith.constant 1.000000e-16 : f32
    %add3A_187 = vector.broadcast %add3A_186 : f32 to vector<512x1xf32>
    %add3A_188 = arith.addf %broadcast_in_dim3A_185, %add3A_187 : vector<512x1xf32>
    %div3A_189 = arith.constant 1.000000e+00 : f32
    %div3A_190 = vector.broadcast %div3A_189 : f32 to vector<512x1xf32>
    %div3A_191 = arith.divf %div3A_190, %add3A_188 : vector<512x1xf32>
    %mul3A_192 = vector.broadcast %div3A_191 : vector<512x1xf32> to vector<512x512xf32>
    %mul3A_193 = arith.mulf %mul3A_182, %mul3A_192 : vector<512x512xf32>
    %dot_general3A_194 = arith.constant dense<0.000000e+00> : vector<512x32xf32>
    %dot_general3A_195 = tpu.matmul %mul3A_193, %slice3A_138, %dot_general3A_194 {dimension_numbers = #tpu.dot_dimension_numbers<[1], [0], [0], [1], [0, 0, 1, 1], [], []>, transpose_lhs_hint = false} : vector<512x512xf32>, vector<512x32xf32>, vector<512x32xf32> -> vector<512x32xf32>
    %slice3A_196 = vector.extract_strided_slice %add3A_70 {offsets = [0, 64], sizes = [512, 32], strides = [1, 1]} : vector<512x128xf32> to vector<512x32xf32>
    %get3A_197 = arith.constant 64 : index
    %get3A_198 = arith.constant 0 : index
    %get3A_199 = vector.load %arg26[%get3A_197, %get3A_198] : memref<128x512xf32, #tpu.memory_space<vmem>>, vector<32x512xf32>
    %dot_general3A_200 = arith.constant dense<0.000000e+00> : vector<1x512xf32>
    %dot_general3A_201 = tpu.matmul %broadcast_in_dim3A_88, %get3A_199, %dot_general3A_200 {dimension_numbers = #tpu.dot_dimension_numbers<[1], [0], [0], [1], [0, 0, 1, 1], [], []>, transpose_lhs_hint = false} : vector<1x32xf32>, vector<32x512xf32>, vector<1x512xf32> -> vector<1x512xf32>
    %get3A_202 = arith.constant 64 : index
    %get3A_203 = arith.constant 0 : index
    %get3A_204 = vector.load %arg27[%get3A_202, %get3A_203] : memref<128x512xf32, #tpu.memory_space<vmem>>, vector<32x512xf32>
    %dot_general3A_205 = arith.constant dense<0.000000e+00> : vector<1x512xf32>
    %dot_general3A_206 = tpu.matmul %broadcast_in_dim3A_88, %get3A_204, %dot_general3A_205 {dimension_numbers = #tpu.dot_dimension_numbers<[1], [0], [0], [1], [0, 0, 1, 1], [], []>, transpose_lhs_hint = false} : vector<1x32xf32>, vector<32x512xf32>, vector<1x512xf32> -> vector<1x512xf32>
    %mul3A_207 = arith.constant 1.500000e+00 : f32
    %mul3A_208 = vector.broadcast %mul3A_207 : f32 to vector<1x512xf32>
    %mul3A_209 = arith.mulf %mul3A_208, %dot_general3A_206 : vector<1x512xf32>
    %concatenate3A_210 = tpu.concatenate %mul3A_209, %broadcast_in_dim3A_86 in 0 : vector<1x512xf32>, vector<1x512xf32> -> vector<2x512xf32>
    %mul3A_211 = arith.constant 1.500000e+00 : f32
    %mul3A_212 = vector.broadcast %mul3A_211 : f32 to vector<1x512xf32>
    %mul3A_213 = arith.mulf %mul3A_212, %dot_general3A_201 : vector<1x512xf32>
    %concatenate3A_214 = tpu.concatenate %broadcast_in_dim3A_86, %mul3A_213 in 0 : vector<1x512xf32>, vector<1x512xf32> -> vector<2x512xf32>
    %dot_general3A_215 = arith.constant dense<0.000000e+00> : vector<512x512xf32>
    %dot_general3A_216 = tpu.matmul %concatenate3A_210, %concatenate3A_214, %dot_general3A_215 {dimension_numbers = #tpu.dot_dimension_numbers<[0], [0], [1], [1], [0, 1, 1, 1], [], []>, transpose_lhs_hint = false} : vector<2x512xf32>, vector<2x512xf32>, vector<512x512xf32> -> vector<512x512xf32>
    %scan3A_217 = arith.constant 2147483647 : i32
    %scan3A_218 = arith.constant 0 : i32
    %scan3A_219 = arith.constant 32 : i32
    %scan3A_220 = arith.addi %scan3A_218, %scan3A_219 : i32
    %scan3A_221 = arith.constant 16 : i32
    %scan3A_222 = scf.for %scan3A_657 = %scan3A_218 to %scan3A_220 step %scan3A_221 iter_args(%scan3A_658 = %dot_general3A_216) -> (vector<512x512xf32>)  : i32 {
      %add3A_659 = arith.constant 64 : i32
      %add3A_660 = arith.addi %add3A_659, %scan3A_657 : i32
      %get3A_661 = arith.index_cast %add3A_660 : i32 to index
      %get3A_662 = arith.constant 0 : index
      %get3A_663 = vector.load %arg27[%get3A_661, %get3A_662] : memref<128x512xf32, #tpu.memory_space<vmem>>, vector<1x512xf32>
      %add3A_664 = arith.constant 64 : i32
      %add3A_665 = arith.addi %add3A_664, %scan3A_657 : i32
      %get3A_666 = arith.index_cast %add3A_665 : i32 to index
      %get3A_667 = arith.constant 0 : index
      %get3A_668 = vector.load %arg26[%get3A_666, %get3A_667] : memref<128x512xf32, #tpu.memory_space<vmem>>, vector<1x512xf32>
      %concatenate3A_669 = tpu.concatenate %get3A_663, %broadcast_in_dim3A_86 in 0 : vector<1x512xf32>, vector<1x512xf32> -> vector<2x512xf32>
      %concatenate3A_670 = tpu.concatenate %broadcast_in_dim3A_86, %get3A_668 in 0 : vector<1x512xf32>, vector<1x512xf32> -> vector<2x512xf32>
      %dot_general3A_671 = arith.constant dense<0.000000e+00> : vector<512x512xf32>
      %dot_general3A_672 = tpu.matmul %concatenate3A_669, %concatenate3A_670, %dot_general3A_671 {dimension_numbers = #tpu.dot_dimension_numbers<[0], [0], [1], [1], [0, 1, 1, 1], [], []>, transpose_lhs_hint = false} : vector<2x512xf32>, vector<2x512xf32>, vector<512x512xf32> -> vector<512x512xf32>
      %bitcast_convert_type3A = tpu.bitcast %dot_general3A_672 : vector<512x512xf32> -> vector<512x512xi32>
      %and3A = vector.broadcast %scan3A_217 : i32 to vector<512x512xi32>
      %and3A_673 = arith.andi %bitcast_convert_type3A, %and3A : vector<512x512xi32>
      %add3A_674 = arith.constant 64 : i32
      %add3A_675 = arith.addi %add3A_674, %scan3A_657 : i32
      %get3A_676 = arith.index_cast %add3A_675 : i32 to index
      %get3A_677 = arith.constant 0 : index
      %get3A_678 = vector.load %arg12[%get3A_676, %get3A_677] : memref<128x1xi32, #tpu.memory_space<vmem>>, vector<1x1xi32>
      %xor3A = vector.broadcast %get3A_678 : vector<1x1xi32> to vector<512x512xi32>
      %xor3A_679 = arith.xori %and3A_673, %xor3A : vector<512x512xi32>
      %bitcast_convert_type3A_680 = tpu.bitcast %xor3A_679 : vector<512x512xi32> -> vector<512x512xf32>
      %add3A_681 = arith.addf %scan3A_658, %bitcast_convert_type3A_680 : vector<512x512xf32>
      %scan3A_682 = arith.constant 1 : i32
      %scan3A_683 = arith.addi %scan3A_657, %scan3A_682 : i32
      %add3A_684 = arith.constant 64 : i32
      %add3A_685 = arith.addi %add3A_684, %scan3A_683 : i32
      %get3A_686 = arith.index_cast %add3A_685 : i32 to index
      %get3A_687 = arith.constant 0 : index
      %get3A_688 = vector.load %arg27[%get3A_686, %get3A_687] : memref<128x512xf32, #tpu.memory_space<vmem>>, vector<1x512xf32>
      %add3A_689 = arith.constant 64 : i32
      %add3A_690 = arith.addi %add3A_689, %scan3A_683 : i32
      %get3A_691 = arith.index_cast %add3A_690 : i32 to index
      %get3A_692 = arith.constant 0 : index
      %get3A_693 = vector.load %arg26[%get3A_691, %get3A_692] : memref<128x512xf32, #tpu.memory_space<vmem>>, vector<1x512xf32>
      %concatenate3A_694 = tpu.concatenate %get3A_688, %broadcast_in_dim3A_86 in 0 : vector<1x512xf32>, vector<1x512xf32> -> vector<2x512xf32>
      %concatenate3A_695 = tpu.concatenate %broadcast_in_dim3A_86, %get3A_693 in 0 : vector<1x512xf32>, vector<1x512xf32> -> vector<2x512xf32>
      %dot_general3A_696 = arith.constant dense<0.000000e+00> : vector<512x512xf32>
      %dot_general3A_697 = tpu.matmul %concatenate3A_694, %concatenate3A_695, %dot_general3A_696 {dimension_numbers = #tpu.dot_dimension_numbers<[0], [0], [1], [1], [0, 1, 1, 1], [], []>, transpose_lhs_hint = false} : vector<2x512xf32>, vector<2x512xf32>, vector<512x512xf32> -> vector<512x512xf32>
      %bitcast_convert_type3A_698 = tpu.bitcast %dot_general3A_697 : vector<512x512xf32> -> vector<512x512xi32>
      %and3A_699 = vector.broadcast %scan3A_217 : i32 to vector<512x512xi32>
      %and3A_700 = arith.andi %bitcast_convert_type3A_698, %and3A_699 : vector<512x512xi32>
      %add3A_701 = arith.constant 64 : i32
      %add3A_702 = arith.addi %add3A_701, %scan3A_683 : i32
      %get3A_703 = arith.index_cast %add3A_702 : i32 to index
      %get3A_704 = arith.constant 0 : index
      %get3A_705 = vector.load %arg12[%get3A_703, %get3A_704] : memref<128x1xi32, #tpu.memory_space<vmem>>, vector<1x1xi32>
      %xor3A_706 = vector.broadcast %get3A_705 : vector<1x1xi32> to vector<512x512xi32>
      %xor3A_707 = arith.xori %and3A_700, %xor3A_706 : vector<512x512xi32>
      %bitcast_convert_type3A_708 = tpu.bitcast %xor3A_707 : vector<512x512xi32> -> vector<512x512xf32>
      %add3A_709 = arith.addf %add3A_681, %bitcast_convert_type3A_708 : vector<512x512xf32>
      %scan3A_710 = arith.constant 2 : i32
      %scan3A_711 = arith.addi %scan3A_657, %scan3A_710 : i32
      %add3A_712 = arith.constant 64 : i32
      %add3A_713 = arith.addi %add3A_712, %scan3A_711 : i32
      %get3A_714 = arith.index_cast %add3A_713 : i32 to index
      %get3A_715 = arith.constant 0 : index
      %get3A_716 = vector.load %arg27[%get3A_714, %get3A_715] : memref<128x512xf32, #tpu.memory_space<vmem>>, vector<1x512xf32>
      %add3A_717 = arith.constant 64 : i32
      %add3A_718 = arith.addi %add3A_717, %scan3A_711 : i32
      %get3A_719 = arith.index_cast %add3A_718 : i32 to index
      %get3A_720 = arith.constant 0 : index
      %get3A_721 = vector.load %arg26[%get3A_719, %get3A_720] : memref<128x512xf32, #tpu.memory_space<vmem>>, vector<1x512xf32>
      %concatenate3A_722 = tpu.concatenate %get3A_716, %broadcast_in_dim3A_86 in 0 : vector<1x512xf32>, vector<1x512xf32> -> vector<2x512xf32>
      %concatenate3A_723 = tpu.concatenate %broadcast_in_dim3A_86, %get3A_721 in 0 : vector<1x512xf32>, vector<1x512xf32> -> vector<2x512xf32>
      %dot_general3A_724 = arith.constant dense<0.000000e+00> : vector<512x512xf32>
      %dot_general3A_725 = tpu.matmul %concatenate3A_722, %concatenate3A_723, %dot_general3A_724 {dimension_numbers = #tpu.dot_dimension_numbers<[0], [0], [1], [1], [0, 1, 1, 1], [], []>, transpose_lhs_hint = false} : vector<2x512xf32>, vector<2x512xf32>, vector<512x512xf32> -> vector<512x512xf32>
      %bitcast_convert_type3A_726 = tpu.bitcast %dot_general3A_725 : vector<512x512xf32> -> vector<512x512xi32>
      %and3A_727 = vector.broadcast %scan3A_217 : i32 to vector<512x512xi32>
      %and3A_728 = arith.andi %bitcast_convert_type3A_726, %and3A_727 : vector<512x512xi32>
      %add3A_729 = arith.constant 64 : i32
      %add3A_730 = arith.addi %add3A_729, %scan3A_711 : i32
      %get3A_731 = arith.index_cast %add3A_730 : i32 to index
      %get3A_732 = arith.constant 0 : index
      %get3A_733 = vector.load %arg12[%get3A_731, %get3A_732] : memref<128x1xi32, #tpu.memory_space<vmem>>, vector<1x1xi32>
      %xor3A_734 = vector.broadcast %get3A_733 : vector<1x1xi32> to vector<512x512xi32>
      %xor3A_735 = arith.xori %and3A_728, %xor3A_734 : vector<512x512xi32>
      %bitcast_convert_type3A_736 = tpu.bitcast %xor3A_735 : vector<512x512xi32> -> vector<512x512xf32>
      %add3A_737 = arith.addf %add3A_709, %bitcast_convert_type3A_736 : vector<512x512xf32>
      %scan3A_738 = arith.constant 3 : i32
      %scan3A_739 = arith.addi %scan3A_657, %scan3A_738 : i32
      %add3A_740 = arith.constant 64 : i32
      %add3A_741 = arith.addi %add3A_740, %scan3A_739 : i32
      %get3A_742 = arith.index_cast %add3A_741 : i32 to index
      %get3A_743 = arith.constant 0 : index
      %get3A_744 = vector.load %arg27[%get3A_742, %get3A_743] : memref<128x512xf32, #tpu.memory_space<vmem>>, vector<1x512xf32>
      %add3A_745 = arith.constant 64 : i32
      %add3A_746 = arith.addi %add3A_745, %scan3A_739 : i32
      %get3A_747 = arith.index_cast %add3A_746 : i32 to index
      %get3A_748 = arith.constant 0 : index
      %get3A_749 = vector.load %arg26[%get3A_747, %get3A_748] : memref<128x512xf32, #tpu.memory_space<vmem>>, vector<1x512xf32>
      %concatenate3A_750 = tpu.concatenate %get3A_744, %broadcast_in_dim3A_86 in 0 : vector<1x512xf32>, vector<1x512xf32> -> vector<2x512xf32>
      %concatenate3A_751 = tpu.concatenate %broadcast_in_dim3A_86, %get3A_749 in 0 : vector<1x512xf32>, vector<1x512xf32> -> vector<2x512xf32>
      %dot_general3A_752 = arith.constant dense<0.000000e+00> : vector<512x512xf32>
      %dot_general3A_753 = tpu.matmul %concatenate3A_750, %concatenate3A_751, %dot_general3A_752 {dimension_numbers = #tpu.dot_dimension_numbers<[0], [0], [1], [1], [0, 1, 1, 1], [], []>, transpose_lhs_hint = false} : vector<2x512xf32>, vector<2x512xf32>, vector<512x512xf32> -> vector<512x512xf32>
      %bitcast_convert_type3A_754 = tpu.bitcast %dot_general3A_753 : vector<512x512xf32> -> vector<512x512xi32>
      %and3A_755 = vector.broadcast %scan3A_217 : i32 to vector<512x512xi32>
      %and3A_756 = arith.andi %bitcast_convert_type3A_754, %and3A_755 : vector<512x512xi32>
      %add3A_757 = arith.constant 64 : i32
      %add3A_758 = arith.addi %add3A_757, %scan3A_739 : i32
      %get3A_759 = arith.index_cast %add3A_758 : i32 to index
      %get3A_760 = arith.constant 0 : index
      %get3A_761 = vector.load %arg12[%get3A_759, %get3A_760] : memref<128x1xi32, #tpu.memory_space<vmem>>, vector<1x1xi32>
      %xor3A_762 = vector.broadcast %get3A_761 : vector<1x1xi32> to vector<512x512xi32>
      %xor3A_763 = arith.xori %and3A_756, %xor3A_762 : vector<512x512xi32>
      %bitcast_convert_type3A_764 = tpu.bitcast %xor3A_763 : vector<512x512xi32> -> vector<512x512xf32>
      %add3A_765 = arith.addf %add3A_737, %bitcast_convert_type3A_764 : vector<512x512xf32>
      %scan3A_766 = arith.constant 4 : i32
      %scan3A_767 = arith.addi %scan3A_657, %scan3A_766 : i32
      %add3A_768 = arith.constant 64 : i32
      %add3A_769 = arith.addi %add3A_768, %scan3A_767 : i32
      %get3A_770 = arith.index_cast %add3A_769 : i32 to index
      %get3A_771 = arith.constant 0 : index
      %get3A_772 = vector.load %arg27[%get3A_770, %get3A_771] : memref<128x512xf32, #tpu.memory_space<vmem>>, vector<1x512xf32>
      %add3A_773 = arith.constant 64 : i32
      %add3A_774 = arith.addi %add3A_773, %scan3A_767 : i32
      %get3A_775 = arith.index_cast %add3A_774 : i32 to index
      %get3A_776 = arith.constant 0 : index
      %get3A_777 = vector.load %arg26[%get3A_775, %get3A_776] : memref<128x512xf32, #tpu.memory_space<vmem>>, vector<1x512xf32>
      %concatenate3A_778 = tpu.concatenate %get3A_772, %broadcast_in_dim3A_86 in 0 : vector<1x512xf32>, vector<1x512xf32> -> vector<2x512xf32>
      %concatenate3A_779 = tpu.concatenate %broadcast_in_dim3A_86, %get3A_777 in 0 : vector<1x512xf32>, vector<1x512xf32> -> vector<2x512xf32>
      %dot_general3A_780 = arith.constant dense<0.000000e+00> : vector<512x512xf32>
      %dot_general3A_781 = tpu.matmul %concatenate3A_778, %concatenate3A_779, %dot_general3A_780 {dimension_numbers = #tpu.dot_dimension_numbers<[0], [0], [1], [1], [0, 1, 1, 1], [], []>, transpose_lhs_hint = false} : vector<2x512xf32>, vector<2x512xf32>, vector<512x512xf32> -> vector<512x512xf32>
      %bitcast_convert_type3A_782 = tpu.bitcast %dot_general3A_781 : vector<512x512xf32> -> vector<512x512xi32>
      %and3A_783 = vector.broadcast %scan3A_217 : i32 to vector<512x512xi32>
      %and3A_784 = arith.andi %bitcast_convert_type3A_782, %and3A_783 : vector<512x512xi32>
      %add3A_785 = arith.constant 64 : i32
      %add3A_786 = arith.addi %add3A_785, %scan3A_767 : i32
      %get3A_787 = arith.index_cast %add3A_786 : i32 to index
      %get3A_788 = arith.constant 0 : index
      %get3A_789 = vector.load %arg12[%get3A_787, %get3A_788] : memref<128x1xi32, #tpu.memory_space<vmem>>, vector<1x1xi32>
      %xor3A_790 = vector.broadcast %get3A_789 : vector<1x1xi32> to vector<512x512xi32>
      %xor3A_791 = arith.xori %and3A_784, %xor3A_790 : vector<512x512xi32>
      %bitcast_convert_type3A_792 = tpu.bitcast %xor3A_791 : vector<512x512xi32> -> vector<512x512xf32>
      %add3A_793 = arith.addf %add3A_765, %bitcast_convert_type3A_792 : vector<512x512xf32>
      %scan3A_794 = arith.constant 5 : i32
      %scan3A_795 = arith.addi %scan3A_657, %scan3A_794 : i32
      %add3A_796 = arith.constant 64 : i32
      %add3A_797 = arith.addi %add3A_796, %scan3A_795 : i32
      %get3A_798 = arith.index_cast %add3A_797 : i32 to index
      %get3A_799 = arith.constant 0 : index
      %get3A_800 = vector.load %arg27[%get3A_798, %get3A_799] : memref<128x512xf32, #tpu.memory_space<vmem>>, vector<1x512xf32>
      %add3A_801 = arith.constant 64 : i32
      %add3A_802 = arith.addi %add3A_801, %scan3A_795 : i32
      %get3A_803 = arith.index_cast %add3A_802 : i32 to index
      %get3A_804 = arith.constant 0 : index
      %get3A_805 = vector.load %arg26[%get3A_803, %get3A_804] : memref<128x512xf32, #tpu.memory_space<vmem>>, vector<1x512xf32>
      %concatenate3A_806 = tpu.concatenate %get3A_800, %broadcast_in_dim3A_86 in 0 : vector<1x512xf32>, vector<1x512xf32> -> vector<2x512xf32>
      %concatenate3A_807 = tpu.concatenate %broadcast_in_dim3A_86, %get3A_805 in 0 : vector<1x512xf32>, vector<1x512xf32> -> vector<2x512xf32>
      %dot_general3A_808 = arith.constant dense<0.000000e+00> : vector<512x512xf32>
      %dot_general3A_809 = tpu.matmul %concatenate3A_806, %concatenate3A_807, %dot_general3A_808 {dimension_numbers = #tpu.dot_dimension_numbers<[0], [0], [1], [1], [0, 1, 1, 1], [], []>, transpose_lhs_hint = false} : vector<2x512xf32>, vector<2x512xf32>, vector<512x512xf32> -> vector<512x512xf32>
      %bitcast_convert_type3A_810 = tpu.bitcast %dot_general3A_809 : vector<512x512xf32> -> vector<512x512xi32>
      %and3A_811 = vector.broadcast %scan3A_217 : i32 to vector<512x512xi32>
      %and3A_812 = arith.andi %bitcast_convert_type3A_810, %and3A_811 : vector<512x512xi32>
      %add3A_813 = arith.constant 64 : i32
      %add3A_814 = arith.addi %add3A_813, %scan3A_795 : i32
      %get3A_815 = arith.index_cast %add3A_814 : i32 to index
      %get3A_816 = arith.constant 0 : index
      %get3A_817 = vector.load %arg12[%get3A_815, %get3A_816] : memref<128x1xi32, #tpu.memory_space<vmem>>, vector<1x1xi32>
      %xor3A_818 = vector.broadcast %get3A_817 : vector<1x1xi32> to vector<512x512xi32>
      %xor3A_819 = arith.xori %and3A_812, %xor3A_818 : vector<512x512xi32>
      %bitcast_convert_type3A_820 = tpu.bitcast %xor3A_819 : vector<512x512xi32> -> vector<512x512xf32>
      %add3A_821 = arith.addf %add3A_793, %bitcast_convert_type3A_820 : vector<512x512xf32>
      %scan3A_822 = arith.constant 6 : i32
      %scan3A_823 = arith.addi %scan3A_657, %scan3A_822 : i32
      %add3A_824 = arith.constant 64 : i32
      %add3A_825 = arith.addi %add3A_824, %scan3A_823 : i32
      %get3A_826 = arith.index_cast %add3A_825 : i32 to index
      %get3A_827 = arith.constant 0 : index
      %get3A_828 = vector.load %arg27[%get3A_826, %get3A_827] : memref<128x512xf32, #tpu.memory_space<vmem>>, vector<1x512xf32>
      %add3A_829 = arith.constant 64 : i32
      %add3A_830 = arith.addi %add3A_829, %scan3A_823 : i32
      %get3A_831 = arith.index_cast %add3A_830 : i32 to index
      %get3A_832 = arith.constant 0 : index
      %get3A_833 = vector.load %arg26[%get3A_831, %get3A_832] : memref<128x512xf32, #tpu.memory_space<vmem>>, vector<1x512xf32>
      %concatenate3A_834 = tpu.concatenate %get3A_828, %broadcast_in_dim3A_86 in 0 : vector<1x512xf32>, vector<1x512xf32> -> vector<2x512xf32>
      %concatenate3A_835 = tpu.concatenate %broadcast_in_dim3A_86, %get3A_833 in 0 : vector<1x512xf32>, vector<1x512xf32> -> vector<2x512xf32>
      %dot_general3A_836 = arith.constant dense<0.000000e+00> : vector<512x512xf32>
      %dot_general3A_837 = tpu.matmul %concatenate3A_834, %concatenate3A_835, %dot_general3A_836 {dimension_numbers = #tpu.dot_dimension_numbers<[0], [0], [1], [1], [0, 1, 1, 1], [], []>, transpose_lhs_hint = false} : vector<2x512xf32>, vector<2x512xf32>, vector<512x512xf32> -> vector<512x512xf32>
      %bitcast_convert_type3A_838 = tpu.bitcast %dot_general3A_837 : vector<512x512xf32> -> vector<512x512xi32>
      %and3A_839 = vector.broadcast %scan3A_217 : i32 to vector<512x512xi32>
      %and3A_840 = arith.andi %bitcast_convert_type3A_838, %and3A_839 : vector<512x512xi32>
      %add3A_841 = arith.constant 64 : i32
      %add3A_842 = arith.addi %add3A_841, %scan3A_823 : i32
      %get3A_843 = arith.index_cast %add3A_842 : i32 to index
      %get3A_844 = arith.constant 0 : index
      %get3A_845 = vector.load %arg12[%get3A_843, %get3A_844] : memref<128x1xi32, #tpu.memory_space<vmem>>, vector<1x1xi32>
      %xor3A_846 = vector.broadcast %get3A_845 : vector<1x1xi32> to vector<512x512xi32>
      %xor3A_847 = arith.xori %and3A_840, %xor3A_846 : vector<512x512xi32>
      %bitcast_convert_type3A_848 = tpu.bitcast %xor3A_847 : vector<512x512xi32> -> vector<512x512xf32>
      %add3A_849 = arith.addf %add3A_821, %bitcast_convert_type3A_848 : vector<512x512xf32>
      %scan3A_850 = arith.constant 7 : i32
      %scan3A_851 = arith.addi %scan3A_657, %scan3A_850 : i32
      %add3A_852 = arith.constant 64 : i32
      %add3A_853 = arith.addi %add3A_852, %scan3A_851 : i32
      %get3A_854 = arith.index_cast %add3A_853 : i32 to index
      %get3A_855 = arith.constant 0 : index
      %get3A_856 = vector.load %arg27[%get3A_854, %get3A_855] : memref<128x512xf32, #tpu.memory_space<vmem>>, vector<1x512xf32>
      %add3A_857 = arith.constant 64 : i32
      %add3A_858 = arith.addi %add3A_857, %scan3A_851 : i32
      %get3A_859 = arith.index_cast %add3A_858 : i32 to index
      %get3A_860 = arith.constant 0 : index
      %get3A_861 = vector.load %arg26[%get3A_859, %get3A_860] : memref<128x512xf32, #tpu.memory_space<vmem>>, vector<1x512xf32>
      %concatenate3A_862 = tpu.concatenate %get3A_856, %broadcast_in_dim3A_86 in 0 : vector<1x512xf32>, vector<1x512xf32> -> vector<2x512xf32>
      %concatenate3A_863 = tpu.concatenate %broadcast_in_dim3A_86, %get3A_861 in 0 : vector<1x512xf32>, vector<1x512xf32> -> vector<2x512xf32>
      %dot_general3A_864 = arith.constant dense<0.000000e+00> : vector<512x512xf32>
      %dot_general3A_865 = tpu.matmul %concatenate3A_862, %concatenate3A_863, %dot_general3A_864 {dimension_numbers = #tpu.dot_dimension_numbers<[0], [0], [1], [1], [0, 1, 1, 1], [], []>, transpose_lhs_hint = false} : vector<2x512xf32>, vector<2x512xf32>, vector<512x512xf32> -> vector<512x512xf32>
      %bitcast_convert_type3A_866 = tpu.bitcast %dot_general3A_865 : vector<512x512xf32> -> vector<512x512xi32>
      %and3A_867 = vector.broadcast %scan3A_217 : i32 to vector<512x512xi32>
      %and3A_868 = arith.andi %bitcast_convert_type3A_866, %and3A_867 : vector<512x512xi32>
      %add3A_869 = arith.constant 64 : i32
      %add3A_870 = arith.addi %add3A_869, %scan3A_851 : i32
      %get3A_871 = arith.index_cast %add3A_870 : i32 to index
      %get3A_872 = arith.constant 0 : index
      %get3A_873 = vector.load %arg12[%get3A_871, %get3A_872] : memref<128x1xi32, #tpu.memory_space<vmem>>, vector<1x1xi32>
      %xor3A_874 = vector.broadcast %get3A_873 : vector<1x1xi32> to vector<512x512xi32>
      %xor3A_875 = arith.xori %and3A_868, %xor3A_874 : vector<512x512xi32>
      %bitcast_convert_type3A_876 = tpu.bitcast %xor3A_875 : vector<512x512xi32> -> vector<512x512xf32>
      %add3A_877 = arith.addf %add3A_849, %bitcast_convert_type3A_876 : vector<512x512xf32>
      %scan3A_878 = arith.constant 8 : i32
      %scan3A_879 = arith.addi %scan3A_657, %scan3A_878 : i32
      %add3A_880 = arith.constant 64 : i32
      %add3A_881 = arith.addi %add3A_880, %scan3A_879 : i32
      %get3A_882 = arith.index_cast %add3A_881 : i32 to index
      %get3A_883 = arith.constant 0 : index
      %get3A_884 = vector.load %arg27[%get3A_882, %get3A_883] : memref<128x512xf32, #tpu.memory_space<vmem>>, vector<1x512xf32>
      %add3A_885 = arith.constant 64 : i32
      %add3A_886 = arith.addi %add3A_885, %scan3A_879 : i32
      %get3A_887 = arith.index_cast %add3A_886 : i32 to index
      %get3A_888 = arith.constant 0 : index
      %get3A_889 = vector.load %arg26[%get3A_887, %get3A_888] : memref<128x512xf32, #tpu.memory_space<vmem>>, vector<1x512xf32>
      %concatenate3A_890 = tpu.concatenate %get3A_884, %broadcast_in_dim3A_86 in 0 : vector<1x512xf32>, vector<1x512xf32> -> vector<2x512xf32>
      %concatenate3A_891 = tpu.concatenate %broadcast_in_dim3A_86, %get3A_889 in 0 : vector<1x512xf32>, vector<1x512xf32> -> vector<2x512xf32>
      %dot_general3A_892 = arith.constant dense<0.000000e+00> : vector<512x512xf32>
      %dot_general3A_893 = tpu.matmul %concatenate3A_890, %concatenate3A_891, %dot_general3A_892 {dimension_numbers = #tpu.dot_dimension_numbers<[0], [0], [1], [1], [0, 1, 1, 1], [], []>, transpose_lhs_hint = false} : vector<2x512xf32>, vector<2x512xf32>, vector<512x512xf32> -> vector<512x512xf32>
      %bitcast_convert_type3A_894 = tpu.bitcast %dot_general3A_893 : vector<512x512xf32> -> vector<512x512xi32>
      %and3A_895 = vector.broadcast %scan3A_217 : i32 to vector<512x512xi32>
      %and3A_896 = arith.andi %bitcast_convert_type3A_894, %and3A_895 : vector<512x512xi32>
      %add3A_897 = arith.constant 64 : i32
      %add3A_898 = arith.addi %add3A_897, %scan3A_879 : i32
      %get3A_899 = arith.index_cast %add3A_898 : i32 to index
      %get3A_900 = arith.constant 0 : index
      %get3A_901 = vector.load %arg12[%get3A_899, %get3A_900] : memref<128x1xi32, #tpu.memory_space<vmem>>, vector<1x1xi32>
      %xor3A_902 = vector.broadcast %get3A_901 : vector<1x1xi32> to vector<512x512xi32>
      %xor3A_903 = arith.xori %and3A_896, %xor3A_902 : vector<512x512xi32>
      %bitcast_convert_type3A_904 = tpu.bitcast %xor3A_903 : vector<512x512xi32> -> vector<512x512xf32>
      %add3A_905 = arith.addf %add3A_877, %bitcast_convert_type3A_904 : vector<512x512xf32>
      %scan3A_906 = arith.constant 9 : i32
      %scan3A_907 = arith.addi %scan3A_657, %scan3A_906 : i32
      %add3A_908 = arith.constant 64 : i32
      %add3A_909 = arith.addi %add3A_908, %scan3A_907 : i32
      %get3A_910 = arith.index_cast %add3A_909 : i32 to index
      %get3A_911 = arith.constant 0 : index
      %get3A_912 = vector.load %arg27[%get3A_910, %get3A_911] : memref<128x512xf32, #tpu.memory_space<vmem>>, vector<1x512xf32>
      %add3A_913 = arith.constant 64 : i32
      %add3A_914 = arith.addi %add3A_913, %scan3A_907 : i32
      %get3A_915 = arith.index_cast %add3A_914 : i32 to index
      %get3A_916 = arith.constant 0 : index
      %get3A_917 = vector.load %arg26[%get3A_915, %get3A_916] : memref<128x512xf32, #tpu.memory_space<vmem>>, vector<1x512xf32>
      %concatenate3A_918 = tpu.concatenate %get3A_912, %broadcast_in_dim3A_86 in 0 : vector<1x512xf32>, vector<1x512xf32> -> vector<2x512xf32>
      %concatenate3A_919 = tpu.concatenate %broadcast_in_dim3A_86, %get3A_917 in 0 : vector<1x512xf32>, vector<1x512xf32> -> vector<2x512xf32>
      %dot_general3A_920 = arith.constant dense<0.000000e+00> : vector<512x512xf32>
      %dot_general3A_921 = tpu.matmul %concatenate3A_918, %concatenate3A_919, %dot_general3A_920 {dimension_numbers = #tpu.dot_dimension_numbers<[0], [0], [1], [1], [0, 1, 1, 1], [], []>, transpose_lhs_hint = false} : vector<2x512xf32>, vector<2x512xf32>, vector<512x512xf32> -> vector<512x512xf32>
      %bitcast_convert_type3A_922 = tpu.bitcast %dot_general3A_921 : vector<512x512xf32> -> vector<512x512xi32>
      %and3A_923 = vector.broadcast %scan3A_217 : i32 to vector<512x512xi32>
      %and3A_924 = arith.andi %bitcast_convert_type3A_922, %and3A_923 : vector<512x512xi32>
      %add3A_925 = arith.constant 64 : i32
      %add3A_926 = arith.addi %add3A_925, %scan3A_907 : i32
      %get3A_927 = arith.index_cast %add3A_926 : i32 to index
      %get3A_928 = arith.constant 0 : index
      %get3A_929 = vector.load %arg12[%get3A_927, %get3A_928] : memref<128x1xi32, #tpu.memory_space<vmem>>, vector<1x1xi32>
      %xor3A_930 = vector.broadcast %get3A_929 : vector<1x1xi32> to vector<512x512xi32>
      %xor3A_931 = arith.xori %and3A_924, %xor3A_930 : vector<512x512xi32>
      %bitcast_convert_type3A_932 = tpu.bitcast %xor3A_931 : vector<512x512xi32> -> vector<512x512xf32>
      %add3A_933 = arith.addf %add3A_905, %bitcast_convert_type3A_932 : vector<512x512xf32>
      %scan3A_934 = arith.constant 10 : i32
      %scan3A_935 = arith.addi %scan3A_657, %scan3A_934 : i32
      %add3A_936 = arith.constant 64 : i32
      %add3A_937 = arith.addi %add3A_936, %scan3A_935 : i32
      %get3A_938 = arith.index_cast %add3A_937 : i32 to index
      %get3A_939 = arith.constant 0 : index
      %get3A_940 = vector.load %arg27[%get3A_938, %get3A_939] : memref<128x512xf32, #tpu.memory_space<vmem>>, vector<1x512xf32>
      %add3A_941 = arith.constant 64 : i32
      %add3A_942 = arith.addi %add3A_941, %scan3A_935 : i32
      %get3A_943 = arith.index_cast %add3A_942 : i32 to index
      %get3A_944 = arith.constant 0 : index
      %get3A_945 = vector.load %arg26[%get3A_943, %get3A_944] : memref<128x512xf32, #tpu.memory_space<vmem>>, vector<1x512xf32>
      %concatenate3A_946 = tpu.concatenate %get3A_940, %broadcast_in_dim3A_86 in 0 : vector<1x512xf32>, vector<1x512xf32> -> vector<2x512xf32>
      %concatenate3A_947 = tpu.concatenate %broadcast_in_dim3A_86, %get3A_945 in 0 : vector<1x512xf32>, vector<1x512xf32> -> vector<2x512xf32>
      %dot_general3A_948 = arith.constant dense<0.000000e+00> : vector<512x512xf32>
      %dot_general3A_949 = tpu.matmul %concatenate3A_946, %concatenate3A_947, %dot_general3A_948 {dimension_numbers = #tpu.dot_dimension_numbers<[0], [0], [1], [1], [0, 1, 1, 1], [], []>, transpose_lhs_hint = false} : vector<2x512xf32>, vector<2x512xf32>, vector<512x512xf32> -> vector<512x512xf32>
      %bitcast_convert_type3A_950 = tpu.bitcast %dot_general3A_949 : vector<512x512xf32> -> vector<512x512xi32>
      %and3A_951 = vector.broadcast %scan3A_217 : i32 to vector<512x512xi32>
      %and3A_952 = arith.andi %bitcast_convert_type3A_950, %and3A_951 : vector<512x512xi32>
      %add3A_953 = arith.constant 64 : i32
      %add3A_954 = arith.addi %add3A_953, %scan3A_935 : i32
      %get3A_955 = arith.index_cast %add3A_954 : i32 to index
      %get3A_956 = arith.constant 0 : index
      %get3A_957 = vector.load %arg12[%get3A_955, %get3A_956] : memref<128x1xi32, #tpu.memory_space<vmem>>, vector<1x1xi32>
      %xor3A_958 = vector.broadcast %get3A_957 : vector<1x1xi32> to vector<512x512xi32>
      %xor3A_959 = arith.xori %and3A_952, %xor3A_958 : vector<512x512xi32>
      %bitcast_convert_type3A_960 = tpu.bitcast %xor3A_959 : vector<512x512xi32> -> vector<512x512xf32>
      %add3A_961 = arith.addf %add3A_933, %bitcast_convert_type3A_960 : vector<512x512xf32>
      %scan3A_962 = arith.constant 11 : i32
      %scan3A_963 = arith.addi %scan3A_657, %scan3A_962 : i32
      %add3A_964 = arith.constant 64 : i32
      %add3A_965 = arith.addi %add3A_964, %scan3A_963 : i32
      %get3A_966 = arith.index_cast %add3A_965 : i32 to index
      %get3A_967 = arith.constant 0 : index
      %get3A_968 = vector.load %arg27[%get3A_966, %get3A_967] : memref<128x512xf32, #tpu.memory_space<vmem>>, vector<1x512xf32>
      %add3A_969 = arith.constant 64 : i32
      %add3A_970 = arith.addi %add3A_969, %scan3A_963 : i32
      %get3A_971 = arith.index_cast %add3A_970 : i32 to index
      %get3A_972 = arith.constant 0 : index
      %get3A_973 = vector.load %arg26[%get3A_971, %get3A_972] : memref<128x512xf32, #tpu.memory_space<vmem>>, vector<1x512xf32>
      %concatenate3A_974 = tpu.concatenate %get3A_968, %broadcast_in_dim3A_86 in 0 : vector<1x512xf32>, vector<1x512xf32> -> vector<2x512xf32>
      %concatenate3A_975 = tpu.concatenate %broadcast_in_dim3A_86, %get3A_973 in 0 : vector<1x512xf32>, vector<1x512xf32> -> vector<2x512xf32>
      %dot_general3A_976 = arith.constant dense<0.000000e+00> : vector<512x512xf32>
      %dot_general3A_977 = tpu.matmul %concatenate3A_974, %concatenate3A_975, %dot_general3A_976 {dimension_numbers = #tpu.dot_dimension_numbers<[0], [0], [1], [1], [0, 1, 1, 1], [], []>, transpose_lhs_hint = false} : vector<2x512xf32>, vector<2x512xf32>, vector<512x512xf32> -> vector<512x512xf32>
      %bitcast_convert_type3A_978 = tpu.bitcast %dot_general3A_977 : vector<512x512xf32> -> vector<512x512xi32>
      %and3A_979 = vector.broadcast %scan3A_217 : i32 to vector<512x512xi32>
      %and3A_980 = arith.andi %bitcast_convert_type3A_978, %and3A_979 : vector<512x512xi32>
      %add3A_981 = arith.constant 64 : i32
      %add3A_982 = arith.addi %add3A_981, %scan3A_963 : i32
      %get3A_983 = arith.index_cast %add3A_982 : i32 to index
      %get3A_984 = arith.constant 0 : index
      %get3A_985 = vector.load %arg12[%get3A_983, %get3A_984] : memref<128x1xi32, #tpu.memory_space<vmem>>, vector<1x1xi32>
      %xor3A_986 = vector.broadcast %get3A_985 : vector<1x1xi32> to vector<512x512xi32>
      %xor3A_987 = arith.xori %and3A_980, %xor3A_986 : vector<512x512xi32>
      %bitcast_convert_type3A_988 = tpu.bitcast %xor3A_987 : vector<512x512xi32> -> vector<512x512xf32>
      %add3A_989 = arith.addf %add3A_961, %bitcast_convert_type3A_988 : vector<512x512xf32>
      %scan3A_990 = arith.constant 12 : i32
      %scan3A_991 = arith.addi %scan3A_657, %scan3A_990 : i32
      %add3A_992 = arith.constant 64 : i32
      %add3A_993 = arith.addi %add3A_992, %scan3A_991 : i32
      %get3A_994 = arith.index_cast %add3A_993 : i32 to index
      %get3A_995 = arith.constant 0 : index
      %get3A_996 = vector.load %arg27[%get3A_994, %get3A_995] : memref<128x512xf32, #tpu.memory_space<vmem>>, vector<1x512xf32>
      %add3A_997 = arith.constant 64 : i32
      %add3A_998 = arith.addi %add3A_997, %scan3A_991 : i32
      %get3A_999 = arith.index_cast %add3A_998 : i32 to index
      %get3A_1000 = arith.constant 0 : index
      %get3A_1001 = vector.load %arg26[%get3A_999, %get3A_1000] : memref<128x512xf32, #tpu.memory_space<vmem>>, vector<1x512xf32>
      %concatenate3A_1002 = tpu.concatenate %get3A_996, %broadcast_in_dim3A_86 in 0 : vector<1x512xf32>, vector<1x512xf32> -> vector<2x512xf32>
      %concatenate3A_1003 = tpu.concatenate %broadcast_in_dim3A_86, %get3A_1001 in 0 : vector<1x512xf32>, vector<1x512xf32> -> vector<2x512xf32>
      %dot_general3A_1004 = arith.constant dense<0.000000e+00> : vector<512x512xf32>
      %dot_general3A_1005 = tpu.matmul %concatenate3A_1002, %concatenate3A_1003, %dot_general3A_1004 {dimension_numbers = #tpu.dot_dimension_numbers<[0], [0], [1], [1], [0, 1, 1, 1], [], []>, transpose_lhs_hint = false} : vector<2x512xf32>, vector<2x512xf32>, vector<512x512xf32> -> vector<512x512xf32>
      %bitcast_convert_type3A_1006 = tpu.bitcast %dot_general3A_1005 : vector<512x512xf32> -> vector<512x512xi32>
      %and3A_1007 = vector.broadcast %scan3A_217 : i32 to vector<512x512xi32>
      %and3A_1008 = arith.andi %bitcast_convert_type3A_1006, %and3A_1007 : vector<512x512xi32>
      %add3A_1009 = arith.constant 64 : i32
      %add3A_1010 = arith.addi %add3A_1009, %scan3A_991 : i32
      %get3A_1011 = arith.index_cast %add3A_1010 : i32 to index
      %get3A_1012 = arith.constant 0 : index
      %get3A_1013 = vector.load %arg12[%get3A_1011, %get3A_1012] : memref<128x1xi32, #tpu.memory_space<vmem>>, vector<1x1xi32>
      %xor3A_1014 = vector.broadcast %get3A_1013 : vector<1x1xi32> to vector<512x512xi32>
      %xor3A_1015 = arith.xori %and3A_1008, %xor3A_1014 : vector<512x512xi32>
      %bitcast_convert_type3A_1016 = tpu.bitcast %xor3A_1015 : vector<512x512xi32> -> vector<512x512xf32>
      %add3A_1017 = arith.addf %add3A_989, %bitcast_convert_type3A_1016 : vector<512x512xf32>
      %scan3A_1018 = arith.constant 13 : i32
      %scan3A_1019 = arith.addi %scan3A_657, %scan3A_1018 : i32
      %add3A_1020 = arith.constant 64 : i32
      %add3A_1021 = arith.addi %add3A_1020, %scan3A_1019 : i32
      %get3A_1022 = arith.index_cast %add3A_1021 : i32 to index
      %get3A_1023 = arith.constant 0 : index
      %get3A_1024 = vector.load %arg27[%get3A_1022, %get3A_1023] : memref<128x512xf32, #tpu.memory_space<vmem>>, vector<1x512xf32>
      %add3A_1025 = arith.constant 64 : i32
      %add3A_1026 = arith.addi %add3A_1025, %scan3A_1019 : i32
      %get3A_1027 = arith.index_cast %add3A_1026 : i32 to index
      %get3A_1028 = arith.constant 0 : index
      %get3A_1029 = vector.load %arg26[%get3A_1027, %get3A_1028] : memref<128x512xf32, #tpu.memory_space<vmem>>, vector<1x512xf32>
      %concatenate3A_1030 = tpu.concatenate %get3A_1024, %broadcast_in_dim3A_86 in 0 : vector<1x512xf32>, vector<1x512xf32> -> vector<2x512xf32>
      %concatenate3A_1031 = tpu.concatenate %broadcast_in_dim3A_86, %get3A_1029 in 0 : vector<1x512xf32>, vector<1x512xf32> -> vector<2x512xf32>
      %dot_general3A_1032 = arith.constant dense<0.000000e+00> : vector<512x512xf32>
      %dot_general3A_1033 = tpu.matmul %concatenate3A_1030, %concatenate3A_1031, %dot_general3A_1032 {dimension_numbers = #tpu.dot_dimension_numbers<[0], [0], [1], [1], [0, 1, 1, 1], [], []>, transpose_lhs_hint = false} : vector<2x512xf32>, vector<2x512xf32>, vector<512x512xf32> -> vector<512x512xf32>
      %bitcast_convert_type3A_1034 = tpu.bitcast %dot_general3A_1033 : vector<512x512xf32> -> vector<512x512xi32>
      %and3A_1035 = vector.broadcast %scan3A_217 : i32 to vector<512x512xi32>
      %and3A_1036 = arith.andi %bitcast_convert_type3A_1034, %and3A_1035 : vector<512x512xi32>
      %add3A_1037 = arith.constant 64 : i32
      %add3A_1038 = arith.addi %add3A_1037, %scan3A_1019 : i32
      %get3A_1039 = arith.index_cast %add3A_1038 : i32 to index
      %get3A_1040 = arith.constant 0 : index
      %get3A_1041 = vector.load %arg12[%get3A_1039, %get3A_1040] : memref<128x1xi32, #tpu.memory_space<vmem>>, vector<1x1xi32>
      %xor3A_1042 = vector.broadcast %get3A_1041 : vector<1x1xi32> to vector<512x512xi32>
      %xor3A_1043 = arith.xori %and3A_1036, %xor3A_1042 : vector<512x512xi32>
      %bitcast_convert_type3A_1044 = tpu.bitcast %xor3A_1043 : vector<512x512xi32> -> vector<512x512xf32>
      %add3A_1045 = arith.addf %add3A_1017, %bitcast_convert_type3A_1044 : vector<512x512xf32>
      %scan3A_1046 = arith.constant 14 : i32
      %scan3A_1047 = arith.addi %scan3A_657, %scan3A_1046 : i32
      %add3A_1048 = arith.constant 64 : i32
      %add3A_1049 = arith.addi %add3A_1048, %scan3A_1047 : i32
      %get3A_1050 = arith.index_cast %add3A_1049 : i32 to index
      %get3A_1051 = arith.constant 0 : index
      %get3A_1052 = vector.load %arg27[%get3A_1050, %get3A_1051] : memref<128x512xf32, #tpu.memory_space<vmem>>, vector<1x512xf32>
      %add3A_1053 = arith.constant 64 : i32
      %add3A_1054 = arith.addi %add3A_1053, %scan3A_1047 : i32
      %get3A_1055 = arith.index_cast %add3A_1054 : i32 to index
      %get3A_1056 = arith.constant 0 : index
      %get3A_1057 = vector.load %arg26[%get3A_1055, %get3A_1056] : memref<128x512xf32, #tpu.memory_space<vmem>>, vector<1x512xf32>
      %concatenate3A_1058 = tpu.concatenate %get3A_1052, %broadcast_in_dim3A_86 in 0 : vector<1x512xf32>, vector<1x512xf32> -> vector<2x512xf32>
      %concatenate3A_1059 = tpu.concatenate %broadcast_in_dim3A_86, %get3A_1057 in 0 : vector<1x512xf32>, vector<1x512xf32> -> vector<2x512xf32>
      %dot_general3A_1060 = arith.constant dense<0.000000e+00> : vector<512x512xf32>
      %dot_general3A_1061 = tpu.matmul %concatenate3A_1058, %concatenate3A_1059, %dot_general3A_1060 {dimension_numbers = #tpu.dot_dimension_numbers<[0], [0], [1], [1], [0, 1, 1, 1], [], []>, transpose_lhs_hint = false} : vector<2x512xf32>, vector<2x512xf32>, vector<512x512xf32> -> vector<512x512xf32>
      %bitcast_convert_type3A_1062 = tpu.bitcast %dot_general3A_1061 : vector<512x512xf32> -> vector<512x512xi32>
      %and3A_1063 = vector.broadcast %scan3A_217 : i32 to vector<512x512xi32>
      %and3A_1064 = arith.andi %bitcast_convert_type3A_1062, %and3A_1063 : vector<512x512xi32>
      %add3A_1065 = arith.constant 64 : i32
      %add3A_1066 = arith.addi %add3A_1065, %scan3A_1047 : i32
      %get3A_1067 = arith.index_cast %add3A_1066 : i32 to index
      %get3A_1068 = arith.constant 0 : index
      %get3A_1069 = vector.load %arg12[%get3A_1067, %get3A_1068] : memref<128x1xi32, #tpu.memory_space<vmem>>, vector<1x1xi32>
      %xor3A_1070 = vector.broadcast %get3A_1069 : vector<1x1xi32> to vector<512x512xi32>
      %xor3A_1071 = arith.xori %and3A_1064, %xor3A_1070 : vector<512x512xi32>
      %bitcast_convert_type3A_1072 = tpu.bitcast %xor3A_1071 : vector<512x512xi32> -> vector<512x512xf32>
      %add3A_1073 = arith.addf %add3A_1045, %bitcast_convert_type3A_1072 : vector<512x512xf32>
      %scan3A_1074 = arith.constant 15 : i32
      %scan3A_1075 = arith.addi %scan3A_657, %scan3A_1074 : i32
      %add3A_1076 = arith.constant 64 : i32
      %add3A_1077 = arith.addi %add3A_1076, %scan3A_1075 : i32
      %get3A_1078 = arith.index_cast %add3A_1077 : i32 to index
      %get3A_1079 = arith.constant 0 : index
      %get3A_1080 = vector.load %arg27[%get3A_1078, %get3A_1079] : memref<128x512xf32, #tpu.memory_space<vmem>>, vector<1x512xf32>
      %add3A_1081 = arith.constant 64 : i32
      %add3A_1082 = arith.addi %add3A_1081, %scan3A_1075 : i32
      %get3A_1083 = arith.index_cast %add3A_1082 : i32 to index
      %get3A_1084 = arith.constant 0 : index
      %get3A_1085 = vector.load %arg26[%get3A_1083, %get3A_1084] : memref<128x512xf32, #tpu.memory_space<vmem>>, vector<1x512xf32>
      %concatenate3A_1086 = tpu.concatenate %get3A_1080, %broadcast_in_dim3A_86 in 0 : vector<1x512xf32>, vector<1x512xf32> -> vector<2x512xf32>
      %concatenate3A_1087 = tpu.concatenate %broadcast_in_dim3A_86, %get3A_1085 in 0 : vector<1x512xf32>, vector<1x512xf32> -> vector<2x512xf32>
      %dot_general3A_1088 = arith.constant dense<0.000000e+00> : vector<512x512xf32>
      %dot_general3A_1089 = tpu.matmul %concatenate3A_1086, %concatenate3A_1087, %dot_general3A_1088 {dimension_numbers = #tpu.dot_dimension_numbers<[0], [0], [1], [1], [0, 1, 1, 1], [], []>, transpose_lhs_hint = false} : vector<2x512xf32>, vector<2x512xf32>, vector<512x512xf32> -> vector<512x512xf32>
      %bitcast_convert_type3A_1090 = tpu.bitcast %dot_general3A_1089 : vector<512x512xf32> -> vector<512x512xi32>
      %and3A_1091 = vector.broadcast %scan3A_217 : i32 to vector<512x512xi32>
      %and3A_1092 = arith.andi %bitcast_convert_type3A_1090, %and3A_1091 : vector<512x512xi32>
      %add3A_1093 = arith.constant 64 : i32
      %add3A_1094 = arith.addi %add3A_1093, %scan3A_1075 : i32
      %get3A_1095 = arith.index_cast %add3A_1094 : i32 to index
      %get3A_1096 = arith.constant 0 : index
      %get3A_1097 = vector.load %arg12[%get3A_1095, %get3A_1096] : memref<128x1xi32, #tpu.memory_space<vmem>>, vector<1x1xi32>
      %xor3A_1098 = vector.broadcast %get3A_1097 : vector<1x1xi32> to vector<512x512xi32>
      %xor3A_1099 = arith.xori %and3A_1092, %xor3A_1098 : vector<512x512xi32>
      %bitcast_convert_type3A_1100 = tpu.bitcast %xor3A_1099 : vector<512x512xi32> -> vector<512x512xf32>
      %add3A_1101 = arith.addf %add3A_1073, %bitcast_convert_type3A_1100 : vector<512x512xf32>
      scf.yield %add3A_1101 : vector<512x512xf32>
    }
    %scan3A_223 = arith.constant 32 : i32
    %mul3A_224 = arith.constant 4.000000e-01 : f32
    %mul3A_225 = vector.broadcast %mul3A_224 : f32 to vector<512x512xf32>
    %mul3A_226 = arith.mulf %mul3A_225, %scan3A_222 : vector<512x512xf32>
    %add3A_227 = arith.addf %mul3A_226, %select_n3A : vector<512x512xf32>
    %reduce_max3A_228 = arith.constant dense<0xFF800000> : vector<512xf32>
    %reduce_max3A_229 = vector.multi_reduction <maximumf>, %add3A_227, %reduce_max3A_228 [1] : vector<512x512xf32> to vector<512xf32>
    %broadcast_in_dim3A_230 = vector.shape_cast %reduce_max3A_229 : vector<512xf32> to vector<512x1xf32>
    %is_finite3A_231 = tpu.weird %broadcast_in_dim3A_230 : vector<512x1xf32> -> vector<512x1xi1>
    %is_finite3A_232 = arith.constant dense<true> : vector<512x1xi1>
    %is_finite3A_233 = arith.xori %is_finite3A_231, %is_finite3A_232 : vector<512x1xi1>
    %jit3A_234 = arith.constant 0.000000e+00 : f32
    %broadcast_in_dim3A_235 = vector.broadcast %jit3A_234 : f32 to vector<512x1xf32>
    %select_n3A_236 = arith.select %is_finite3A_233, %broadcast_in_dim3A_230, %broadcast_in_dim3A_235 : vector<512x1xi1>, vector<512x1xf32>
    %sub3A_237 = vector.broadcast %select_n3A_236 : vector<512x1xf32> to vector<512x512xf32>
    %sub3A_238 = arith.subf %add3A_227, %sub3A_237 : vector<512x512xf32>
    %exp3A_239 = math.exp %sub3A_238 : vector<512x512xf32>
    %mul3A_240 = arith.mulf %add3A, %exp3A_239 : vector<512x512xf32>
    %reduce_sum3A_241 = arith.constant dense<0.000000e+00> : vector<512xf32>
    %reduce_sum3A_242 = vector.multi_reduction <add>, %mul3A_240, %reduce_sum3A_241 [1] : vector<512x512xf32> to vector<512xf32>
    %broadcast_in_dim3A_243 = vector.shape_cast %reduce_sum3A_242 : vector<512xf32> to vector<512x1xf32>
    %add3A_244 = arith.constant 1.000000e-16 : f32
    %add3A_245 = vector.broadcast %add3A_244 : f32 to vector<512x1xf32>
    %add3A_246 = arith.addf %broadcast_in_dim3A_243, %add3A_245 : vector<512x1xf32>
    %div3A_247 = arith.constant 1.000000e+00 : f32
    %div3A_248 = vector.broadcast %div3A_247 : f32 to vector<512x1xf32>
    %div3A_249 = arith.divf %div3A_248, %add3A_246 : vector<512x1xf32>
    %mul3A_250 = vector.broadcast %div3A_249 : vector<512x1xf32> to vector<512x512xf32>
    %mul3A_251 = arith.mulf %mul3A_240, %mul3A_250 : vector<512x512xf32>
    %dot_general3A_252 = arith.constant dense<0.000000e+00> : vector<512x32xf32>
    %dot_general3A_253 = tpu.matmul %mul3A_251, %slice3A_196, %dot_general3A_252 {dimension_numbers = #tpu.dot_dimension_numbers<[1], [0], [0], [1], [0, 0, 1, 1], [], []>, transpose_lhs_hint = false} : vector<512x512xf32>, vector<512x32xf32>, vector<512x32xf32> -> vector<512x32xf32>
    %slice3A_254 = vector.extract_strided_slice %add3A_70 {offsets = [0, 96], sizes = [512, 32], strides = [1, 1]} : vector<512x128xf32> to vector<512x32xf32>
    %get3A_255 = arith.constant 96 : index
    %get3A_256 = arith.constant 0 : index
    %get3A_257 = vector.load %arg26[%get3A_255, %get3A_256] : memref<128x512xf32, #tpu.memory_space<vmem>>, vector<32x512xf32>
    %dot_general3A_258 = arith.constant dense<0.000000e+00> : vector<1x512xf32>
    %dot_general3A_259 = tpu.matmul %broadcast_in_dim3A_88, %get3A_257, %dot_general3A_258 {dimension_numbers = #tpu.dot_dimension_numbers<[1], [0], [0], [1], [0, 0, 1, 1], [], []>, transpose_lhs_hint = false} : vector<1x32xf32>, vector<32x512xf32>, vector<1x512xf32> -> vector<1x512xf32>
    %get3A_260 = arith.constant 96 : index
    %get3A_261 = arith.constant 0 : index
    %get3A_262 = vector.load %arg27[%get3A_260, %get3A_261] : memref<128x512xf32, #tpu.memory_space<vmem>>, vector<32x512xf32>
    %dot_general3A_263 = arith.constant dense<0.000000e+00> : vector<1x512xf32>
    %dot_general3A_264 = tpu.matmul %broadcast_in_dim3A_88, %get3A_262, %dot_general3A_263 {dimension_numbers = #tpu.dot_dimension_numbers<[1], [0], [0], [1], [0, 0, 1, 1], [], []>, transpose_lhs_hint = false} : vector<1x32xf32>, vector<32x512xf32>, vector<1x512xf32> -> vector<1x512xf32>
    %mul3A_265 = arith.constant 1.500000e+00 : f32
    %mul3A_266 = vector.broadcast %mul3A_265 : f32 to vector<1x512xf32>
    %mul3A_267 = arith.mulf %mul3A_266, %dot_general3A_264 : vector<1x512xf32>
    %concatenate3A_268 = tpu.concatenate %mul3A_267, %broadcast_in_dim3A_86 in 0 : vector<1x512xf32>, vector<1x512xf32> -> vector<2x512xf32>
    %mul3A_269 = arith.constant 1.500000e+00 : f32
    %mul3A_270 = vector.broadcast %mul3A_269 : f32 to vector<1x512xf32>
    %mul3A_271 = arith.mulf %mul3A_270, %dot_general3A_259 : vector<1x512xf32>
    %concatenate3A_272 = tpu.concatenate %broadcast_in_dim3A_86, %mul3A_271 in 0 : vector<1x512xf32>, vector<1x512xf32> -> vector<2x512xf32>
    %dot_general3A_273 = arith.constant dense<0.000000e+00> : vector<512x512xf32>
    %dot_general3A_274 = tpu.matmul %concatenate3A_268, %concatenate3A_272, %dot_general3A_273 {dimension_numbers = #tpu.dot_dimension_numbers<[0], [0], [1], [1], [0, 1, 1, 1], [], []>, transpose_lhs_hint = false} : vector<2x512xf32>, vector<2x512xf32>, vector<512x512xf32> -> vector<512x512xf32>
    %scan3A_275 = arith.constant 2147483647 : i32
    %scan3A_276 = arith.constant 0 : i32
    %scan3A_277 = arith.constant 32 : i32
    %scan3A_278 = arith.addi %scan3A_276, %scan3A_277 : i32
    %scan3A_279 = arith.constant 16 : i32
    %scan3A_280 = scf.for %scan3A_657 = %scan3A_276 to %scan3A_278 step %scan3A_279 iter_args(%scan3A_658 = %dot_general3A_274) -> (vector<512x512xf32>)  : i32 {
      %add3A_659 = arith.constant 96 : i32
      %add3A_660 = arith.addi %add3A_659, %scan3A_657 : i32
      %get3A_661 = arith.index_cast %add3A_660 : i32 to index
      %get3A_662 = arith.constant 0 : index
      %get3A_663 = vector.load %arg27[%get3A_661, %get3A_662] : memref<128x512xf32, #tpu.memory_space<vmem>>, vector<1x512xf32>
      %add3A_664 = arith.constant 96 : i32
      %add3A_665 = arith.addi %add3A_664, %scan3A_657 : i32
      %get3A_666 = arith.index_cast %add3A_665 : i32 to index
      %get3A_667 = arith.constant 0 : index
      %get3A_668 = vector.load %arg26[%get3A_666, %get3A_667] : memref<128x512xf32, #tpu.memory_space<vmem>>, vector<1x512xf32>
      %concatenate3A_669 = tpu.concatenate %get3A_663, %broadcast_in_dim3A_86 in 0 : vector<1x512xf32>, vector<1x512xf32> -> vector<2x512xf32>
      %concatenate3A_670 = tpu.concatenate %broadcast_in_dim3A_86, %get3A_668 in 0 : vector<1x512xf32>, vector<1x512xf32> -> vector<2x512xf32>
      %dot_general3A_671 = arith.constant dense<0.000000e+00> : vector<512x512xf32>
      %dot_general3A_672 = tpu.matmul %concatenate3A_669, %concatenate3A_670, %dot_general3A_671 {dimension_numbers = #tpu.dot_dimension_numbers<[0], [0], [1], [1], [0, 1, 1, 1], [], []>, transpose_lhs_hint = false} : vector<2x512xf32>, vector<2x512xf32>, vector<512x512xf32> -> vector<512x512xf32>
      %bitcast_convert_type3A = tpu.bitcast %dot_general3A_672 : vector<512x512xf32> -> vector<512x512xi32>
      %and3A = vector.broadcast %scan3A_275 : i32 to vector<512x512xi32>
      %and3A_673 = arith.andi %bitcast_convert_type3A, %and3A : vector<512x512xi32>
      %add3A_674 = arith.constant 96 : i32
      %add3A_675 = arith.addi %add3A_674, %scan3A_657 : i32
      %get3A_676 = arith.index_cast %add3A_675 : i32 to index
      %get3A_677 = arith.constant 0 : index
      %get3A_678 = vector.load %arg12[%get3A_676, %get3A_677] : memref<128x1xi32, #tpu.memory_space<vmem>>, vector<1x1xi32>
      %xor3A = vector.broadcast %get3A_678 : vector<1x1xi32> to vector<512x512xi32>
      %xor3A_679 = arith.xori %and3A_673, %xor3A : vector<512x512xi32>
      %bitcast_convert_type3A_680 = tpu.bitcast %xor3A_679 : vector<512x512xi32> -> vector<512x512xf32>
      %add3A_681 = arith.addf %scan3A_658, %bitcast_convert_type3A_680 : vector<512x512xf32>
      %scan3A_682 = arith.constant 1 : i32
      %scan3A_683 = arith.addi %scan3A_657, %scan3A_682 : i32
      %add3A_684 = arith.constant 96 : i32
      %add3A_685 = arith.addi %add3A_684, %scan3A_683 : i32
      %get3A_686 = arith.index_cast %add3A_685 : i32 to index
      %get3A_687 = arith.constant 0 : index
      %get3A_688 = vector.load %arg27[%get3A_686, %get3A_687] : memref<128x512xf32, #tpu.memory_space<vmem>>, vector<1x512xf32>
      %add3A_689 = arith.constant 96 : i32
      %add3A_690 = arith.addi %add3A_689, %scan3A_683 : i32
      %get3A_691 = arith.index_cast %add3A_690 : i32 to index
      %get3A_692 = arith.constant 0 : index
      %get3A_693 = vector.load %arg26[%get3A_691, %get3A_692] : memref<128x512xf32, #tpu.memory_space<vmem>>, vector<1x512xf32>
      %concatenate3A_694 = tpu.concatenate %get3A_688, %broadcast_in_dim3A_86 in 0 : vector<1x512xf32>, vector<1x512xf32> -> vector<2x512xf32>
      %concatenate3A_695 = tpu.concatenate %broadcast_in_dim3A_86, %get3A_693 in 0 : vector<1x512xf32>, vector<1x512xf32> -> vector<2x512xf32>
      %dot_general3A_696 = arith.constant dense<0.000000e+00> : vector<512x512xf32>
      %dot_general3A_697 = tpu.matmul %concatenate3A_694, %concatenate3A_695, %dot_general3A_696 {dimension_numbers = #tpu.dot_dimension_numbers<[0], [0], [1], [1], [0, 1, 1, 1], [], []>, transpose_lhs_hint = false} : vector<2x512xf32>, vector<2x512xf32>, vector<512x512xf32> -> vector<512x512xf32>
      %bitcast_convert_type3A_698 = tpu.bitcast %dot_general3A_697 : vector<512x512xf32> -> vector<512x512xi32>
      %and3A_699 = vector.broadcast %scan3A_275 : i32 to vector<512x512xi32>
      %and3A_700 = arith.andi %bitcast_convert_type3A_698, %and3A_699 : vector<512x512xi32>
      %add3A_701 = arith.constant 96 : i32
      %add3A_702 = arith.addi %add3A_701, %scan3A_683 : i32
      %get3A_703 = arith.index_cast %add3A_702 : i32 to index
      %get3A_704 = arith.constant 0 : index
      %get3A_705 = vector.load %arg12[%get3A_703, %get3A_704] : memref<128x1xi32, #tpu.memory_space<vmem>>, vector<1x1xi32>
      %xor3A_706 = vector.broadcast %get3A_705 : vector<1x1xi32> to vector<512x512xi32>
      %xor3A_707 = arith.xori %and3A_700, %xor3A_706 : vector<512x512xi32>
      %bitcast_convert_type3A_708 = tpu.bitcast %xor3A_707 : vector<512x512xi32> -> vector<512x512xf32>
      %add3A_709 = arith.addf %add3A_681, %bitcast_convert_type3A_708 : vector<512x512xf32>
      %scan3A_710 = arith.constant 2 : i32
      %scan3A_711 = arith.addi %scan3A_657, %scan3A_710 : i32
      %add3A_712 = arith.constant 96 : i32
      %add3A_713 = arith.addi %add3A_712, %scan3A_711 : i32
      %get3A_714 = arith.index_cast %add3A_713 : i32 to index
      %get3A_715 = arith.constant 0 : index
      %get3A_716 = vector.load %arg27[%get3A_714, %get3A_715] : memref<128x512xf32, #tpu.memory_space<vmem>>, vector<1x512xf32>
      %add3A_717 = arith.constant 96 : i32
      %add3A_718 = arith.addi %add3A_717, %scan3A_711 : i32
      %get3A_719 = arith.index_cast %add3A_718 : i32 to index
      %get3A_720 = arith.constant 0 : index
      %get3A_721 = vector.load %arg26[%get3A_719, %get3A_720] : memref<128x512xf32, #tpu.memory_space<vmem>>, vector<1x512xf32>
      %concatenate3A_722 = tpu.concatenate %get3A_716, %broadcast_in_dim3A_86 in 0 : vector<1x512xf32>, vector<1x512xf32> -> vector<2x512xf32>
      %concatenate3A_723 = tpu.concatenate %broadcast_in_dim3A_86, %get3A_721 in 0 : vector<1x512xf32>, vector<1x512xf32> -> vector<2x512xf32>
      %dot_general3A_724 = arith.constant dense<0.000000e+00> : vector<512x512xf32>
      %dot_general3A_725 = tpu.matmul %concatenate3A_722, %concatenate3A_723, %dot_general3A_724 {dimension_numbers = #tpu.dot_dimension_numbers<[0], [0], [1], [1], [0, 1, 1, 1], [], []>, transpose_lhs_hint = false} : vector<2x512xf32>, vector<2x512xf32>, vector<512x512xf32> -> vector<512x512xf32>
      %bitcast_convert_type3A_726 = tpu.bitcast %dot_general3A_725 : vector<512x512xf32> -> vector<512x512xi32>
      %and3A_727 = vector.broadcast %scan3A_275 : i32 to vector<512x512xi32>
      %and3A_728 = arith.andi %bitcast_convert_type3A_726, %and3A_727 : vector<512x512xi32>
      %add3A_729 = arith.constant 96 : i32
      %add3A_730 = arith.addi %add3A_729, %scan3A_711 : i32
      %get3A_731 = arith.index_cast %add3A_730 : i32 to index
      %get3A_732 = arith.constant 0 : index
      %get3A_733 = vector.load %arg12[%get3A_731, %get3A_732] : memref<128x1xi32, #tpu.memory_space<vmem>>, vector<1x1xi32>
      %xor3A_734 = vector.broadcast %get3A_733 : vector<1x1xi32> to vector<512x512xi32>
      %xor3A_735 = arith.xori %and3A_728, %xor3A_734 : vector<512x512xi32>
      %bitcast_convert_type3A_736 = tpu.bitcast %xor3A_735 : vector<512x512xi32> -> vector<512x512xf32>
      %add3A_737 = arith.addf %add3A_709, %bitcast_convert_type3A_736 : vector<512x512xf32>
      %scan3A_738 = arith.constant 3 : i32
      %scan3A_739 = arith.addi %scan3A_657, %scan3A_738 : i32
      %add3A_740 = arith.constant 96 : i32
      %add3A_741 = arith.addi %add3A_740, %scan3A_739 : i32
      %get3A_742 = arith.index_cast %add3A_741 : i32 to index
      %get3A_743 = arith.constant 0 : index
      %get3A_744 = vector.load %arg27[%get3A_742, %get3A_743] : memref<128x512xf32, #tpu.memory_space<vmem>>, vector<1x512xf32>
      %add3A_745 = arith.constant 96 : i32
      %add3A_746 = arith.addi %add3A_745, %scan3A_739 : i32
      %get3A_747 = arith.index_cast %add3A_746 : i32 to index
      %get3A_748 = arith.constant 0 : index
      %get3A_749 = vector.load %arg26[%get3A_747, %get3A_748] : memref<128x512xf32, #tpu.memory_space<vmem>>, vector<1x512xf32>
      %concatenate3A_750 = tpu.concatenate %get3A_744, %broadcast_in_dim3A_86 in 0 : vector<1x512xf32>, vector<1x512xf32> -> vector<2x512xf32>
      %concatenate3A_751 = tpu.concatenate %broadcast_in_dim3A_86, %get3A_749 in 0 : vector<1x512xf32>, vector<1x512xf32> -> vector<2x512xf32>
      %dot_general3A_752 = arith.constant dense<0.000000e+00> : vector<512x512xf32>
      %dot_general3A_753 = tpu.matmul %concatenate3A_750, %concatenate3A_751, %dot_general3A_752 {dimension_numbers = #tpu.dot_dimension_numbers<[0], [0], [1], [1], [0, 1, 1, 1], [], []>, transpose_lhs_hint = false} : vector<2x512xf32>, vector<2x512xf32>, vector<512x512xf32> -> vector<512x512xf32>
      %bitcast_convert_type3A_754 = tpu.bitcast %dot_general3A_753 : vector<512x512xf32> -> vector<512x512xi32>
      %and3A_755 = vector.broadcast %scan3A_275 : i32 to vector<512x512xi32>
      %and3A_756 = arith.andi %bitcast_convert_type3A_754, %and3A_755 : vector<512x512xi32>
      %add3A_757 = arith.constant 96 : i32
      %add3A_758 = arith.addi %add3A_757, %scan3A_739 : i32
      %get3A_759 = arith.index_cast %add3A_758 : i32 to index
      %get3A_760 = arith.constant 0 : index
      %get3A_761 = vector.load %arg12[%get3A_759, %get3A_760] : memref<128x1xi32, #tpu.memory_space<vmem>>, vector<1x1xi32>
      %xor3A_762 = vector.broadcast %get3A_761 : vector<1x1xi32> to vector<512x512xi32>
      %xor3A_763 = arith.xori %and3A_756, %xor3A_762 : vector<512x512xi32>
      %bitcast_convert_type3A_764 = tpu.bitcast %xor3A_763 : vector<512x512xi32> -> vector<512x512xf32>
      %add3A_765 = arith.addf %add3A_737, %bitcast_convert_type3A_764 : vector<512x512xf32>
      %scan3A_766 = arith.constant 4 : i32
      %scan3A_767 = arith.addi %scan3A_657, %scan3A_766 : i32
      %add3A_768 = arith.constant 96 : i32
      %add3A_769 = arith.addi %add3A_768, %scan3A_767 : i32
      %get3A_770 = arith.index_cast %add3A_769 : i32 to index
      %get3A_771 = arith.constant 0 : index
      %get3A_772 = vector.load %arg27[%get3A_770, %get3A_771] : memref<128x512xf32, #tpu.memory_space<vmem>>, vector<1x512xf32>
      %add3A_773 = arith.constant 96 : i32
      %add3A_774 = arith.addi %add3A_773, %scan3A_767 : i32
      %get3A_775 = arith.index_cast %add3A_774 : i32 to index
      %get3A_776 = arith.constant 0 : index
      %get3A_777 = vector.load %arg26[%get3A_775, %get3A_776] : memref<128x512xf32, #tpu.memory_space<vmem>>, vector<1x512xf32>
      %concatenate3A_778 = tpu.concatenate %get3A_772, %broadcast_in_dim3A_86 in 0 : vector<1x512xf32>, vector<1x512xf32> -> vector<2x512xf32>
      %concatenate3A_779 = tpu.concatenate %broadcast_in_dim3A_86, %get3A_777 in 0 : vector<1x512xf32>, vector<1x512xf32> -> vector<2x512xf32>
      %dot_general3A_780 = arith.constant dense<0.000000e+00> : vector<512x512xf32>
      %dot_general3A_781 = tpu.matmul %concatenate3A_778, %concatenate3A_779, %dot_general3A_780 {dimension_numbers = #tpu.dot_dimension_numbers<[0], [0], [1], [1], [0, 1, 1, 1], [], []>, transpose_lhs_hint = false} : vector<2x512xf32>, vector<2x512xf32>, vector<512x512xf32> -> vector<512x512xf32>
      %bitcast_convert_type3A_782 = tpu.bitcast %dot_general3A_781 : vector<512x512xf32> -> vector<512x512xi32>
      %and3A_783 = vector.broadcast %scan3A_275 : i32 to vector<512x512xi32>
      %and3A_784 = arith.andi %bitcast_convert_type3A_782, %and3A_783 : vector<512x512xi32>
      %add3A_785 = arith.constant 96 : i32
      %add3A_786 = arith.addi %add3A_785, %scan3A_767 : i32
      %get3A_787 = arith.index_cast %add3A_786 : i32 to index
      %get3A_788 = arith.constant 0 : index
      %get3A_789 = vector.load %arg12[%get3A_787, %get3A_788] : memref<128x1xi32, #tpu.memory_space<vmem>>, vector<1x1xi32>
      %xor3A_790 = vector.broadcast %get3A_789 : vector<1x1xi32> to vector<512x512xi32>
      %xor3A_791 = arith.xori %and3A_784, %xor3A_790 : vector<512x512xi32>
      %bitcast_convert_type3A_792 = tpu.bitcast %xor3A_791 : vector<512x512xi32> -> vector<512x512xf32>
      %add3A_793 = arith.addf %add3A_765, %bitcast_convert_type3A_792 : vector<512x512xf32>
      %scan3A_794 = arith.constant 5 : i32
      %scan3A_795 = arith.addi %scan3A_657, %scan3A_794 : i32
      %add3A_796 = arith.constant 96 : i32
      %add3A_797 = arith.addi %add3A_796, %scan3A_795 : i32
      %get3A_798 = arith.index_cast %add3A_797 : i32 to index
      %get3A_799 = arith.constant 0 : index
      %get3A_800 = vector.load %arg27[%get3A_798, %get3A_799] : memref<128x512xf32, #tpu.memory_space<vmem>>, vector<1x512xf32>
      %add3A_801 = arith.constant 96 : i32
      %add3A_802 = arith.addi %add3A_801, %scan3A_795 : i32
      %get3A_803 = arith.index_cast %add3A_802 : i32 to index
      %get3A_804 = arith.constant 0 : index
      %get3A_805 = vector.load %arg26[%get3A_803, %get3A_804] : memref<128x512xf32, #tpu.memory_space<vmem>>, vector<1x512xf32>
      %concatenate3A_806 = tpu.concatenate %get3A_800, %broadcast_in_dim3A_86 in 0 : vector<1x512xf32>, vector<1x512xf32> -> vector<2x512xf32>
      %concatenate3A_807 = tpu.concatenate %broadcast_in_dim3A_86, %get3A_805 in 0 : vector<1x512xf32>, vector<1x512xf32> -> vector<2x512xf32>
      %dot_general3A_808 = arith.constant dense<0.000000e+00> : vector<512x512xf32>
      %dot_general3A_809 = tpu.matmul %concatenate3A_806, %concatenate3A_807, %dot_general3A_808 {dimension_numbers = #tpu.dot_dimension_numbers<[0], [0], [1], [1], [0, 1, 1, 1], [], []>, transpose_lhs_hint = false} : vector<2x512xf32>, vector<2x512xf32>, vector<512x512xf32> -> vector<512x512xf32>
      %bitcast_convert_type3A_810 = tpu.bitcast %dot_general3A_809 : vector<512x512xf32> -> vector<512x512xi32>
      %and3A_811 = vector.broadcast %scan3A_275 : i32 to vector<512x512xi32>
      %and3A_812 = arith.andi %bitcast_convert_type3A_810, %and3A_811 : vector<512x512xi32>
      %add3A_813 = arith.constant 96 : i32
      %add3A_814 = arith.addi %add3A_813, %scan3A_795 : i32
      %get3A_815 = arith.index_cast %add3A_814 : i32 to index
      %get3A_816 = arith.constant 0 : index
      %get3A_817 = vector.load %arg12[%get3A_815, %get3A_816] : memref<128x1xi32, #tpu.memory_space<vmem>>, vector<1x1xi32>
      %xor3A_818 = vector.broadcast %get3A_817 : vector<1x1xi32> to vector<512x512xi32>
      %xor3A_819 = arith.xori %and3A_812, %xor3A_818 : vector<512x512xi32>
      %bitcast_convert_type3A_820 = tpu.bitcast %xor3A_819 : vector<512x512xi32> -> vector<512x512xf32>
      %add3A_821 = arith.addf %add3A_793, %bitcast_convert_type3A_820 : vector<512x512xf32>
      %scan3A_822 = arith.constant 6 : i32
      %scan3A_823 = arith.addi %scan3A_657, %scan3A_822 : i32
      %add3A_824 = arith.constant 96 : i32
      %add3A_825 = arith.addi %add3A_824, %scan3A_823 : i32
      %get3A_826 = arith.index_cast %add3A_825 : i32 to index
      %get3A_827 = arith.constant 0 : index
      %get3A_828 = vector.load %arg27[%get3A_826, %get3A_827] : memref<128x512xf32, #tpu.memory_space<vmem>>, vector<1x512xf32>
      %add3A_829 = arith.constant 96 : i32
      %add3A_830 = arith.addi %add3A_829, %scan3A_823 : i32
      %get3A_831 = arith.index_cast %add3A_830 : i32 to index
      %get3A_832 = arith.constant 0 : index
      %get3A_833 = vector.load %arg26[%get3A_831, %get3A_832] : memref<128x512xf32, #tpu.memory_space<vmem>>, vector<1x512xf32>
      %concatenate3A_834 = tpu.concatenate %get3A_828, %broadcast_in_dim3A_86 in 0 : vector<1x512xf32>, vector<1x512xf32> -> vector<2x512xf32>
      %concatenate3A_835 = tpu.concatenate %broadcast_in_dim3A_86, %get3A_833 in 0 : vector<1x512xf32>, vector<1x512xf32> -> vector<2x512xf32>
      %dot_general3A_836 = arith.constant dense<0.000000e+00> : vector<512x512xf32>
      %dot_general3A_837 = tpu.matmul %concatenate3A_834, %concatenate3A_835, %dot_general3A_836 {dimension_numbers = #tpu.dot_dimension_numbers<[0], [0], [1], [1], [0, 1, 1, 1], [], []>, transpose_lhs_hint = false} : vector<2x512xf32>, vector<2x512xf32>, vector<512x512xf32> -> vector<512x512xf32>
      %bitcast_convert_type3A_838 = tpu.bitcast %dot_general3A_837 : vector<512x512xf32> -> vector<512x512xi32>
      %and3A_839 = vector.broadcast %scan3A_275 : i32 to vector<512x512xi32>
      %and3A_840 = arith.andi %bitcast_convert_type3A_838, %and3A_839 : vector<512x512xi32>
      %add3A_841 = arith.constant 96 : i32
      %add3A_842 = arith.addi %add3A_841, %scan3A_823 : i32
      %get3A_843 = arith.index_cast %add3A_842 : i32 to index
      %get3A_844 = arith.constant 0 : index
      %get3A_845 = vector.load %arg12[%get3A_843, %get3A_844] : memref<128x1xi32, #tpu.memory_space<vmem>>, vector<1x1xi32>
      %xor3A_846 = vector.broadcast %get3A_845 : vector<1x1xi32> to vector<512x512xi32>
      %xor3A_847 = arith.xori %and3A_840, %xor3A_846 : vector<512x512xi32>
      %bitcast_convert_type3A_848 = tpu.bitcast %xor3A_847 : vector<512x512xi32> -> vector<512x512xf32>
      %add3A_849 = arith.addf %add3A_821, %bitcast_convert_type3A_848 : vector<512x512xf32>
      %scan3A_850 = arith.constant 7 : i32
      %scan3A_851 = arith.addi %scan3A_657, %scan3A_850 : i32
      %add3A_852 = arith.constant 96 : i32
      %add3A_853 = arith.addi %add3A_852, %scan3A_851 : i32
      %get3A_854 = arith.index_cast %add3A_853 : i32 to index
      %get3A_855 = arith.constant 0 : index
      %get3A_856 = vector.load %arg27[%get3A_854, %get3A_855] : memref<128x512xf32, #tpu.memory_space<vmem>>, vector<1x512xf32>
      %add3A_857 = arith.constant 96 : i32
      %add3A_858 = arith.addi %add3A_857, %scan3A_851 : i32
      %get3A_859 = arith.index_cast %add3A_858 : i32 to index
      %get3A_860 = arith.constant 0 : index
      %get3A_861 = vector.load %arg26[%get3A_859, %get3A_860] : memref<128x512xf32, #tpu.memory_space<vmem>>, vector<1x512xf32>
      %concatenate3A_862 = tpu.concatenate %get3A_856, %broadcast_in_dim3A_86 in 0 : vector<1x512xf32>, vector<1x512xf32> -> vector<2x512xf32>
      %concatenate3A_863 = tpu.concatenate %broadcast_in_dim3A_86, %get3A_861 in 0 : vector<1x512xf32>, vector<1x512xf32> -> vector<2x512xf32>
      %dot_general3A_864 = arith.constant dense<0.000000e+00> : vector<512x512xf32>
      %dot_general3A_865 = tpu.matmul %concatenate3A_862, %concatenate3A_863, %dot_general3A_864 {dimension_numbers = #tpu.dot_dimension_numbers<[0], [0], [1], [1], [0, 1, 1, 1], [], []>, transpose_lhs_hint = false} : vector<2x512xf32>, vector<2x512xf32>, vector<512x512xf32> -> vector<512x512xf32>
      %bitcast_convert_type3A_866 = tpu.bitcast %dot_general3A_865 : vector<512x512xf32> -> vector<512x512xi32>
      %and3A_867 = vector.broadcast %scan3A_275 : i32 to vector<512x512xi32>
      %and3A_868 = arith.andi %bitcast_convert_type3A_866, %and3A_867 : vector<512x512xi32>
      %add3A_869 = arith.constant 96 : i32
      %add3A_870 = arith.addi %add3A_869, %scan3A_851 : i32
      %get3A_871 = arith.index_cast %add3A_870 : i32 to index
      %get3A_872 = arith.constant 0 : index
      %get3A_873 = vector.load %arg12[%get3A_871, %get3A_872] : memref<128x1xi32, #tpu.memory_space<vmem>>, vector<1x1xi32>
      %xor3A_874 = vector.broadcast %get3A_873 : vector<1x1xi32> to vector<512x512xi32>
      %xor3A_875 = arith.xori %and3A_868, %xor3A_874 : vector<512x512xi32>
      %bitcast_convert_type3A_876 = tpu.bitcast %xor3A_875 : vector<512x512xi32> -> vector<512x512xf32>
      %add3A_877 = arith.addf %add3A_849, %bitcast_convert_type3A_876 : vector<512x512xf32>
      %scan3A_878 = arith.constant 8 : i32
      %scan3A_879 = arith.addi %scan3A_657, %scan3A_878 : i32
      %add3A_880 = arith.constant 96 : i32
      %add3A_881 = arith.addi %add3A_880, %scan3A_879 : i32
      %get3A_882 = arith.index_cast %add3A_881 : i32 to index
      %get3A_883 = arith.constant 0 : index
      %get3A_884 = vector.load %arg27[%get3A_882, %get3A_883] : memref<128x512xf32, #tpu.memory_space<vmem>>, vector<1x512xf32>
      %add3A_885 = arith.constant 96 : i32
      %add3A_886 = arith.addi %add3A_885, %scan3A_879 : i32
      %get3A_887 = arith.index_cast %add3A_886 : i32 to index
      %get3A_888 = arith.constant 0 : index
      %get3A_889 = vector.load %arg26[%get3A_887, %get3A_888] : memref<128x512xf32, #tpu.memory_space<vmem>>, vector<1x512xf32>
      %concatenate3A_890 = tpu.concatenate %get3A_884, %broadcast_in_dim3A_86 in 0 : vector<1x512xf32>, vector<1x512xf32> -> vector<2x512xf32>
      %concatenate3A_891 = tpu.concatenate %broadcast_in_dim3A_86, %get3A_889 in 0 : vector<1x512xf32>, vector<1x512xf32> -> vector<2x512xf32>
      %dot_general3A_892 = arith.constant dense<0.000000e+00> : vector<512x512xf32>
      %dot_general3A_893 = tpu.matmul %concatenate3A_890, %concatenate3A_891, %dot_general3A_892 {dimension_numbers = #tpu.dot_dimension_numbers<[0], [0], [1], [1], [0, 1, 1, 1], [], []>, transpose_lhs_hint = false} : vector<2x512xf32>, vector<2x512xf32>, vector<512x512xf32> -> vector<512x512xf32>
      %bitcast_convert_type3A_894 = tpu.bitcast %dot_general3A_893 : vector<512x512xf32> -> vector<512x512xi32>
      %and3A_895 = vector.broadcast %scan3A_275 : i32 to vector<512x512xi32>
      %and3A_896 = arith.andi %bitcast_convert_type3A_894, %and3A_895 : vector<512x512xi32>
      %add3A_897 = arith.constant 96 : i32
      %add3A_898 = arith.addi %add3A_897, %scan3A_879 : i32
      %get3A_899 = arith.index_cast %add3A_898 : i32 to index
      %get3A_900 = arith.constant 0 : index
      %get3A_901 = vector.load %arg12[%get3A_899, %get3A_900] : memref<128x1xi32, #tpu.memory_space<vmem>>, vector<1x1xi32>
      %xor3A_902 = vector.broadcast %get3A_901 : vector<1x1xi32> to vector<512x512xi32>
      %xor3A_903 = arith.xori %and3A_896, %xor3A_902 : vector<512x512xi32>
      %bitcast_convert_type3A_904 = tpu.bitcast %xor3A_903 : vector<512x512xi32> -> vector<512x512xf32>
      %add3A_905 = arith.addf %add3A_877, %bitcast_convert_type3A_904 : vector<512x512xf32>
      %scan3A_906 = arith.constant 9 : i32
      %scan3A_907 = arith.addi %scan3A_657, %scan3A_906 : i32
      %add3A_908 = arith.constant 96 : i32
      %add3A_909 = arith.addi %add3A_908, %scan3A_907 : i32
      %get3A_910 = arith.index_cast %add3A_909 : i32 to index
      %get3A_911 = arith.constant 0 : index
      %get3A_912 = vector.load %arg27[%get3A_910, %get3A_911] : memref<128x512xf32, #tpu.memory_space<vmem>>, vector<1x512xf32>
      %add3A_913 = arith.constant 96 : i32
      %add3A_914 = arith.addi %add3A_913, %scan3A_907 : i32
      %get3A_915 = arith.index_cast %add3A_914 : i32 to index
      %get3A_916 = arith.constant 0 : index
      %get3A_917 = vector.load %arg26[%get3A_915, %get3A_916] : memref<128x512xf32, #tpu.memory_space<vmem>>, vector<1x512xf32>
      %concatenate3A_918 = tpu.concatenate %get3A_912, %broadcast_in_dim3A_86 in 0 : vector<1x512xf32>, vector<1x512xf32> -> vector<2x512xf32>
      %concatenate3A_919 = tpu.concatenate %broadcast_in_dim3A_86, %get3A_917 in 0 : vector<1x512xf32>, vector<1x512xf32> -> vector<2x512xf32>
      %dot_general3A_920 = arith.constant dense<0.000000e+00> : vector<512x512xf32>
      %dot_general3A_921 = tpu.matmul %concatenate3A_918, %concatenate3A_919, %dot_general3A_920 {dimension_numbers = #tpu.dot_dimension_numbers<[0], [0], [1], [1], [0, 1, 1, 1], [], []>, transpose_lhs_hint = false} : vector<2x512xf32>, vector<2x512xf32>, vector<512x512xf32> -> vector<512x512xf32>
      %bitcast_convert_type3A_922 = tpu.bitcast %dot_general3A_921 : vector<512x512xf32> -> vector<512x512xi32>
      %and3A_923 = vector.broadcast %scan3A_275 : i32 to vector<512x512xi32>
      %and3A_924 = arith.andi %bitcast_convert_type3A_922, %and3A_923 : vector<512x512xi32>
      %add3A_925 = arith.constant 96 : i32
      %add3A_926 = arith.addi %add3A_925, %scan3A_907 : i32
      %get3A_927 = arith.index_cast %add3A_926 : i32 to index
      %get3A_928 = arith.constant 0 : index
      %get3A_929 = vector.load %arg12[%get3A_927, %get3A_928] : memref<128x1xi32, #tpu.memory_space<vmem>>, vector<1x1xi32>
      %xor3A_930 = vector.broadcast %get3A_929 : vector<1x1xi32> to vector<512x512xi32>
      %xor3A_931 = arith.xori %and3A_924, %xor3A_930 : vector<512x512xi32>
      %bitcast_convert_type3A_932 = tpu.bitcast %xor3A_931 : vector<512x512xi32> -> vector<512x512xf32>
      %add3A_933 = arith.addf %add3A_905, %bitcast_convert_type3A_932 : vector<512x512xf32>
      %scan3A_934 = arith.constant 10 : i32
      %scan3A_935 = arith.addi %scan3A_657, %scan3A_934 : i32
      %add3A_936 = arith.constant 96 : i32
      %add3A_937 = arith.addi %add3A_936, %scan3A_935 : i32
      %get3A_938 = arith.index_cast %add3A_937 : i32 to index
      %get3A_939 = arith.constant 0 : index
      %get3A_940 = vector.load %arg27[%get3A_938, %get3A_939] : memref<128x512xf32, #tpu.memory_space<vmem>>, vector<1x512xf32>
      %add3A_941 = arith.constant 96 : i32
      %add3A_942 = arith.addi %add3A_941, %scan3A_935 : i32
      %get3A_943 = arith.index_cast %add3A_942 : i32 to index
      %get3A_944 = arith.constant 0 : index
      %get3A_945 = vector.load %arg26[%get3A_943, %get3A_944] : memref<128x512xf32, #tpu.memory_space<vmem>>, vector<1x512xf32>
      %concatenate3A_946 = tpu.concatenate %get3A_940, %broadcast_in_dim3A_86 in 0 : vector<1x512xf32>, vector<1x512xf32> -> vector<2x512xf32>
      %concatenate3A_947 = tpu.concatenate %broadcast_in_dim3A_86, %get3A_945 in 0 : vector<1x512xf32>, vector<1x512xf32> -> vector<2x512xf32>
      %dot_general3A_948 = arith.constant dense<0.000000e+00> : vector<512x512xf32>
      %dot_general3A_949 = tpu.matmul %concatenate3A_946, %concatenate3A_947, %dot_general3A_948 {dimension_numbers = #tpu.dot_dimension_numbers<[0], [0], [1], [1], [0, 1, 1, 1], [], []>, transpose_lhs_hint = false} : vector<2x512xf32>, vector<2x512xf32>, vector<512x512xf32> -> vector<512x512xf32>
      %bitcast_convert_type3A_950 = tpu.bitcast %dot_general3A_949 : vector<512x512xf32> -> vector<512x512xi32>
      %and3A_951 = vector.broadcast %scan3A_275 : i32 to vector<512x512xi32>
      %and3A_952 = arith.andi %bitcast_convert_type3A_950, %and3A_951 : vector<512x512xi32>
      %add3A_953 = arith.constant 96 : i32
      %add3A_954 = arith.addi %add3A_953, %scan3A_935 : i32
      %get3A_955 = arith.index_cast %add3A_954 : i32 to index
      %get3A_956 = arith.constant 0 : index
      %get3A_957 = vector.load %arg12[%get3A_955, %get3A_956] : memref<128x1xi32, #tpu.memory_space<vmem>>, vector<1x1xi32>
      %xor3A_958 = vector.broadcast %get3A_957 : vector<1x1xi32> to vector<512x512xi32>
      %xor3A_959 = arith.xori %and3A_952, %xor3A_958 : vector<512x512xi32>
      %bitcast_convert_type3A_960 = tpu.bitcast %xor3A_959 : vector<512x512xi32> -> vector<512x512xf32>
      %add3A_961 = arith.addf %add3A_933, %bitcast_convert_type3A_960 : vector<512x512xf32>
      %scan3A_962 = arith.constant 11 : i32
      %scan3A_963 = arith.addi %scan3A_657, %scan3A_962 : i32
      %add3A_964 = arith.constant 96 : i32
      %add3A_965 = arith.addi %add3A_964, %scan3A_963 : i32
      %get3A_966 = arith.index_cast %add3A_965 : i32 to index
      %get3A_967 = arith.constant 0 : index
      %get3A_968 = vector.load %arg27[%get3A_966, %get3A_967] : memref<128x512xf32, #tpu.memory_space<vmem>>, vector<1x512xf32>
      %add3A_969 = arith.constant 96 : i32
      %add3A_970 = arith.addi %add3A_969, %scan3A_963 : i32
      %get3A_971 = arith.index_cast %add3A_970 : i32 to index
      %get3A_972 = arith.constant 0 : index
      %get3A_973 = vector.load %arg26[%get3A_971, %get3A_972] : memref<128x512xf32, #tpu.memory_space<vmem>>, vector<1x512xf32>
      %concatenate3A_974 = tpu.concatenate %get3A_968, %broadcast_in_dim3A_86 in 0 : vector<1x512xf32>, vector<1x512xf32> -> vector<2x512xf32>
      %concatenate3A_975 = tpu.concatenate %broadcast_in_dim3A_86, %get3A_973 in 0 : vector<1x512xf32>, vector<1x512xf32> -> vector<2x512xf32>
      %dot_general3A_976 = arith.constant dense<0.000000e+00> : vector<512x512xf32>
      %dot_general3A_977 = tpu.matmul %concatenate3A_974, %concatenate3A_975, %dot_general3A_976 {dimension_numbers = #tpu.dot_dimension_numbers<[0], [0], [1], [1], [0, 1, 1, 1], [], []>, transpose_lhs_hint = false} : vector<2x512xf32>, vector<2x512xf32>, vector<512x512xf32> -> vector<512x512xf32>
      %bitcast_convert_type3A_978 = tpu.bitcast %dot_general3A_977 : vector<512x512xf32> -> vector<512x512xi32>
      %and3A_979 = vector.broadcast %scan3A_275 : i32 to vector<512x512xi32>
      %and3A_980 = arith.andi %bitcast_convert_type3A_978, %and3A_979 : vector<512x512xi32>
      %add3A_981 = arith.constant 96 : i32
      %add3A_982 = arith.addi %add3A_981, %scan3A_963 : i32
      %get3A_983 = arith.index_cast %add3A_982 : i32 to index
      %get3A_984 = arith.constant 0 : index
      %get3A_985 = vector.load %arg12[%get3A_983, %get3A_984] : memref<128x1xi32, #tpu.memory_space<vmem>>, vector<1x1xi32>
      %xor3A_986 = vector.broadcast %get3A_985 : vector<1x1xi32> to vector<512x512xi32>
      %xor3A_987 = arith.xori %and3A_980, %xor3A_986 : vector<512x512xi32>
      %bitcast_convert_type3A_988 = tpu.bitcast %xor3A_987 : vector<512x512xi32> -> vector<512x512xf32>
      %add3A_989 = arith.addf %add3A_961, %bitcast_convert_type3A_988 : vector<512x512xf32>
      %scan3A_990 = arith.constant 12 : i32
      %scan3A_991 = arith.addi %scan3A_657, %scan3A_990 : i32
      %add3A_992 = arith.constant 96 : i32
      %add3A_993 = arith.addi %add3A_992, %scan3A_991 : i32
      %get3A_994 = arith.index_cast %add3A_993 : i32 to index
      %get3A_995 = arith.constant 0 : index
      %get3A_996 = vector.load %arg27[%get3A_994, %get3A_995] : memref<128x512xf32, #tpu.memory_space<vmem>>, vector<1x512xf32>
      %add3A_997 = arith.constant 96 : i32
      %add3A_998 = arith.addi %add3A_997, %scan3A_991 : i32
      %get3A_999 = arith.index_cast %add3A_998 : i32 to index
      %get3A_1000 = arith.constant 0 : index
      %get3A_1001 = vector.load %arg26[%get3A_999, %get3A_1000] : memref<128x512xf32, #tpu.memory_space<vmem>>, vector<1x512xf32>
      %concatenate3A_1002 = tpu.concatenate %get3A_996, %broadcast_in_dim3A_86 in 0 : vector<1x512xf32>, vector<1x512xf32> -> vector<2x512xf32>
      %concatenate3A_1003 = tpu.concatenate %broadcast_in_dim3A_86, %get3A_1001 in 0 : vector<1x512xf32>, vector<1x512xf32> -> vector<2x512xf32>
      %dot_general3A_1004 = arith.constant dense<0.000000e+00> : vector<512x512xf32>
      %dot_general3A_1005 = tpu.matmul %concatenate3A_1002, %concatenate3A_1003, %dot_general3A_1004 {dimension_numbers = #tpu.dot_dimension_numbers<[0], [0], [1], [1], [0, 1, 1, 1], [], []>, transpose_lhs_hint = false} : vector<2x512xf32>, vector<2x512xf32>, vector<512x512xf32> -> vector<512x512xf32>
      %bitcast_convert_type3A_1006 = tpu.bitcast %dot_general3A_1005 : vector<512x512xf32> -> vector<512x512xi32>
      %and3A_1007 = vector.broadcast %scan3A_275 : i32 to vector<512x512xi32>
      %and3A_1008 = arith.andi %bitcast_convert_type3A_1006, %and3A_1007 : vector<512x512xi32>
      %add3A_1009 = arith.constant 96 : i32
      %add3A_1010 = arith.addi %add3A_1009, %scan3A_991 : i32
      %get3A_1011 = arith.index_cast %add3A_1010 : i32 to index
      %get3A_1012 = arith.constant 0 : index
      %get3A_1013 = vector.load %arg12[%get3A_1011, %get3A_1012] : memref<128x1xi32, #tpu.memory_space<vmem>>, vector<1x1xi32>
      %xor3A_1014 = vector.broadcast %get3A_1013 : vector<1x1xi32> to vector<512x512xi32>
      %xor3A_1015 = arith.xori %and3A_1008, %xor3A_1014 : vector<512x512xi32>
      %bitcast_convert_type3A_1016 = tpu.bitcast %xor3A_1015 : vector<512x512xi32> -> vector<512x512xf32>
      %add3A_1017 = arith.addf %add3A_989, %bitcast_convert_type3A_1016 : vector<512x512xf32>
      %scan3A_1018 = arith.constant 13 : i32
      %scan3A_1019 = arith.addi %scan3A_657, %scan3A_1018 : i32
      %add3A_1020 = arith.constant 96 : i32
      %add3A_1021 = arith.addi %add3A_1020, %scan3A_1019 : i32
      %get3A_1022 = arith.index_cast %add3A_1021 : i32 to index
      %get3A_1023 = arith.constant 0 : index
      %get3A_1024 = vector.load %arg27[%get3A_1022, %get3A_1023] : memref<128x512xf32, #tpu.memory_space<vmem>>, vector<1x512xf32>
      %add3A_1025 = arith.constant 96 : i32
      %add3A_1026 = arith.addi %add3A_1025, %scan3A_1019 : i32
      %get3A_1027 = arith.index_cast %add3A_1026 : i32 to index
      %get3A_1028 = arith.constant 0 : index
      %get3A_1029 = vector.load %arg26[%get3A_1027, %get3A_1028] : memref<128x512xf32, #tpu.memory_space<vmem>>, vector<1x512xf32>
      %concatenate3A_1030 = tpu.concatenate %get3A_1024, %broadcast_in_dim3A_86 in 0 : vector<1x512xf32>, vector<1x512xf32> -> vector<2x512xf32>
      %concatenate3A_1031 = tpu.concatenate %broadcast_in_dim3A_86, %get3A_1029 in 0 : vector<1x512xf32>, vector<1x512xf32> -> vector<2x512xf32>
      %dot_general3A_1032 = arith.constant dense<0.000000e+00> : vector<512x512xf32>
      %dot_general3A_1033 = tpu.matmul %concatenate3A_1030, %concatenate3A_1031, %dot_general3A_1032 {dimension_numbers = #tpu.dot_dimension_numbers<[0], [0], [1], [1], [0, 1, 1, 1], [], []>, transpose_lhs_hint = false} : vector<2x512xf32>, vector<2x512xf32>, vector<512x512xf32> -> vector<512x512xf32>
      %bitcast_convert_type3A_1034 = tpu.bitcast %dot_general3A_1033 : vector<512x512xf32> -> vector<512x512xi32>
      %and3A_1035 = vector.broadcast %scan3A_275 : i32 to vector<512x512xi32>
      %and3A_1036 = arith.andi %bitcast_convert_type3A_1034, %and3A_1035 : vector<512x512xi32>
      %add3A_1037 = arith.constant 96 : i32
      %add3A_1038 = arith.addi %add3A_1037, %scan3A_1019 : i32
      %get3A_1039 = arith.index_cast %add3A_1038 : i32 to index
      %get3A_1040 = arith.constant 0 : index
      %get3A_1041 = vector.load %arg12[%get3A_1039, %get3A_1040] : memref<128x1xi32, #tpu.memory_space<vmem>>, vector<1x1xi32>
      %xor3A_1042 = vector.broadcast %get3A_1041 : vector<1x1xi32> to vector<512x512xi32>
      %xor3A_1043 = arith.xori %and3A_1036, %xor3A_1042 : vector<512x512xi32>
      %bitcast_convert_type3A_1044 = tpu.bitcast %xor3A_1043 : vector<512x512xi32> -> vector<512x512xf32>
      %add3A_1045 = arith.addf %add3A_1017, %bitcast_convert_type3A_1044 : vector<512x512xf32>
      %scan3A_1046 = arith.constant 14 : i32
      %scan3A_1047 = arith.addi %scan3A_657, %scan3A_1046 : i32
      %add3A_1048 = arith.constant 96 : i32
      %add3A_1049 = arith.addi %add3A_1048, %scan3A_1047 : i32
      %get3A_1050 = arith.index_cast %add3A_1049 : i32 to index
      %get3A_1051 = arith.constant 0 : index
      %get3A_1052 = vector.load %arg27[%get3A_1050, %get3A_1051] : memref<128x512xf32, #tpu.memory_space<vmem>>, vector<1x512xf32>
      %add3A_1053 = arith.constant 96 : i32
      %add3A_1054 = arith.addi %add3A_1053, %scan3A_1047 : i32
      %get3A_1055 = arith.index_cast %add3A_1054 : i32 to index
      %get3A_1056 = arith.constant 0 : index
      %get3A_1057 = vector.load %arg26[%get3A_1055, %get3A_1056] : memref<128x512xf32, #tpu.memory_space<vmem>>, vector<1x512xf32>
      %concatenate3A_1058 = tpu.concatenate %get3A_1052, %broadcast_in_dim3A_86 in 0 : vector<1x512xf32>, vector<1x512xf32> -> vector<2x512xf32>
      %concatenate3A_1059 = tpu.concatenate %broadcast_in_dim3A_86, %get3A_1057 in 0 : vector<1x512xf32>, vector<1x512xf32> -> vector<2x512xf32>
      %dot_general3A_1060 = arith.constant dense<0.000000e+00> : vector<512x512xf32>
      %dot_general3A_1061 = tpu.matmul %concatenate3A_1058, %concatenate3A_1059, %dot_general3A_1060 {dimension_numbers = #tpu.dot_dimension_numbers<[0], [0], [1], [1], [0, 1, 1, 1], [], []>, transpose_lhs_hint = false} : vector<2x512xf32>, vector<2x512xf32>, vector<512x512xf32> -> vector<512x512xf32>
      %bitcast_convert_type3A_1062 = tpu.bitcast %dot_general3A_1061 : vector<512x512xf32> -> vector<512x512xi32>
      %and3A_1063 = vector.broadcast %scan3A_275 : i32 to vector<512x512xi32>
      %and3A_1064 = arith.andi %bitcast_convert_type3A_1062, %and3A_1063 : vector<512x512xi32>
      %add3A_1065 = arith.constant 96 : i32
      %add3A_1066 = arith.addi %add3A_1065, %scan3A_1047 : i32
      %get3A_1067 = arith.index_cast %add3A_1066 : i32 to index
      %get3A_1068 = arith.constant 0 : index
      %get3A_1069 = vector.load %arg12[%get3A_1067, %get3A_1068] : memref<128x1xi32, #tpu.memory_space<vmem>>, vector<1x1xi32>
      %xor3A_1070 = vector.broadcast %get3A_1069 : vector<1x1xi32> to vector<512x512xi32>
      %xor3A_1071 = arith.xori %and3A_1064, %xor3A_1070 : vector<512x512xi32>
      %bitcast_convert_type3A_1072 = tpu.bitcast %xor3A_1071 : vector<512x512xi32> -> vector<512x512xf32>
      %add3A_1073 = arith.addf %add3A_1045, %bitcast_convert_type3A_1072 : vector<512x512xf32>
      %scan3A_1074 = arith.constant 15 : i32
      %scan3A_1075 = arith.addi %scan3A_657, %scan3A_1074 : i32
      %add3A_1076 = arith.constant 96 : i32
      %add3A_1077 = arith.addi %add3A_1076, %scan3A_1075 : i32
      %get3A_1078 = arith.index_cast %add3A_1077 : i32 to index
      %get3A_1079 = arith.constant 0 : index
      %get3A_1080 = vector.load %arg27[%get3A_1078, %get3A_1079] : memref<128x512xf32, #tpu.memory_space<vmem>>, vector<1x512xf32>
      %add3A_1081 = arith.constant 96 : i32
      %add3A_1082 = arith.addi %add3A_1081, %scan3A_1075 : i32
      %get3A_1083 = arith.index_cast %add3A_1082 : i32 to index
      %get3A_1084 = arith.constant 0 : index
      %get3A_1085 = vector.load %arg26[%get3A_1083, %get3A_1084] : memref<128x512xf32, #tpu.memory_space<vmem>>, vector<1x512xf32>
      %concatenate3A_1086 = tpu.concatenate %get3A_1080, %broadcast_in_dim3A_86 in 0 : vector<1x512xf32>, vector<1x512xf32> -> vector<2x512xf32>
      %concatenate3A_1087 = tpu.concatenate %broadcast_in_dim3A_86, %get3A_1085 in 0 : vector<1x512xf32>, vector<1x512xf32> -> vector<2x512xf32>
      %dot_general3A_1088 = arith.constant dense<0.000000e+00> : vector<512x512xf32>
      %dot_general3A_1089 = tpu.matmul %concatenate3A_1086, %concatenate3A_1087, %dot_general3A_1088 {dimension_numbers = #tpu.dot_dimension_numbers<[0], [0], [1], [1], [0, 1, 1, 1], [], []>, transpose_lhs_hint = false} : vector<2x512xf32>, vector<2x512xf32>, vector<512x512xf32> -> vector<512x512xf32>
      %bitcast_convert_type3A_1090 = tpu.bitcast %dot_general3A_1089 : vector<512x512xf32> -> vector<512x512xi32>
      %and3A_1091 = vector.broadcast %scan3A_275 : i32 to vector<512x512xi32>
      %and3A_1092 = arith.andi %bitcast_convert_type3A_1090, %and3A_1091 : vector<512x512xi32>
      %add3A_1093 = arith.constant 96 : i32
      %add3A_1094 = arith.addi %add3A_1093, %scan3A_1075 : i32
      %get3A_1095 = arith.index_cast %add3A_1094 : i32 to index
      %get3A_1096 = arith.constant 0 : index
      %get3A_1097 = vector.load %arg12[%get3A_1095, %get3A_1096] : memref<128x1xi32, #tpu.memory_space<vmem>>, vector<1x1xi32>
      %xor3A_1098 = vector.broadcast %get3A_1097 : vector<1x1xi32> to vector<512x512xi32>
      %xor3A_1099 = arith.xori %and3A_1092, %xor3A_1098 : vector<512x512xi32>
      %bitcast_convert_type3A_1100 = tpu.bitcast %xor3A_1099 : vector<512x512xi32> -> vector<512x512xf32>
      %add3A_1101 = arith.addf %add3A_1073, %bitcast_convert_type3A_1100 : vector<512x512xf32>
      scf.yield %add3A_1101 : vector<512x512xf32>
    }
    %scan3A_281 = arith.constant 32 : i32
    %mul3A_282 = arith.constant 4.000000e-01 : f32
    %mul3A_283 = vector.broadcast %mul3A_282 : f32 to vector<512x512xf32>
    %mul3A_284 = arith.mulf %mul3A_283, %scan3A_280 : vector<512x512xf32>
    %add3A_285 = arith.addf %mul3A_284, %select_n3A : vector<512x512xf32>
    %reduce_max3A_286 = arith.constant dense<0xFF800000> : vector<512xf32>
    %reduce_max3A_287 = vector.multi_reduction <maximumf>, %add3A_285, %reduce_max3A_286 [1] : vector<512x512xf32> to vector<512xf32>
    %broadcast_in_dim3A_288 = vector.shape_cast %reduce_max3A_287 : vector<512xf32> to vector<512x1xf32>
    %is_finite3A_289 = tpu.weird %broadcast_in_dim3A_288 : vector<512x1xf32> -> vector<512x1xi1>
    %is_finite3A_290 = arith.constant dense<true> : vector<512x1xi1>
    %is_finite3A_291 = arith.xori %is_finite3A_289, %is_finite3A_290 : vector<512x1xi1>
    %jit3A_292 = arith.constant 0.000000e+00 : f32
    %broadcast_in_dim3A_293 = vector.broadcast %jit3A_292 : f32 to vector<512x1xf32>
    %select_n3A_294 = arith.select %is_finite3A_291, %broadcast_in_dim3A_288, %broadcast_in_dim3A_293 : vector<512x1xi1>, vector<512x1xf32>
    %sub3A_295 = vector.broadcast %select_n3A_294 : vector<512x1xf32> to vector<512x512xf32>
    %sub3A_296 = arith.subf %add3A_285, %sub3A_295 : vector<512x512xf32>
    %exp3A_297 = math.exp %sub3A_296 : vector<512x512xf32>
    %mul3A_298 = arith.mulf %add3A, %exp3A_297 : vector<512x512xf32>
    %reduce_sum3A_299 = arith.constant dense<0.000000e+00> : vector<512xf32>
    %reduce_sum3A_300 = vector.multi_reduction <add>, %mul3A_298, %reduce_sum3A_299 [1] : vector<512x512xf32> to vector<512xf32>
    %broadcast_in_dim3A_301 = vector.shape_cast %reduce_sum3A_300 : vector<512xf32> to vector<512x1xf32>
    %add3A_302 = arith.constant 1.000000e-16 : f32
    %add3A_303 = vector.broadcast %add3A_302 : f32 to vector<512x1xf32>
    %add3A_304 = arith.addf %broadcast_in_dim3A_301, %add3A_303 : vector<512x1xf32>
    %div3A_305 = arith.constant 1.000000e+00 : f32
    %div3A_306 = vector.broadcast %div3A_305 : f32 to vector<512x1xf32>
    %div3A_307 = arith.divf %div3A_306, %add3A_304 : vector<512x1xf32>
    %mul3A_308 = vector.broadcast %div3A_307 : vector<512x1xf32> to vector<512x512xf32>
    %mul3A_309 = arith.mulf %mul3A_298, %mul3A_308 : vector<512x512xf32>
    %dot_general3A_310 = arith.constant dense<0.000000e+00> : vector<512x32xf32>
    %dot_general3A_311 = tpu.matmul %mul3A_309, %slice3A_254, %dot_general3A_310 {dimension_numbers = #tpu.dot_dimension_numbers<[1], [0], [0], [1], [0, 0, 1, 1], [], []>, transpose_lhs_hint = false} : vector<512x512xf32>, vector<512x32xf32>, vector<512x32xf32> -> vector<512x32xf32>
    %concatenate3A_312 = tpu.concatenate %dot_general3A_137, %dot_general3A_195, %dot_general3A_253, %dot_general3A_311 in 1 : vector<512x32xf32>, vector<512x32xf32>, vector<512x32xf32>, vector<512x32xf32> -> vector<512x128xf32>
    %add3A_313 = vector.broadcast %get3A_63 : vector<1x128xf32> to vector<512x128xf32>
    %add3A_314 = arith.addf %concatenate3A_312, %add3A_313 : vector<512x128xf32>
    %mul3A_315 = arith.constant 5.000000e-01 : f32
    %mul3A_316 = vector.broadcast %mul3A_315 : f32 to vector<512x128xf32>
    %mul3A_317 = arith.mulf %mul3A_316, %add3A_314 : vector<512x128xf32>
    %mul3A_318 = arith.constant 0.707106769 : f32
    %mul3A_319 = vector.broadcast %mul3A_318 : f32 to vector<512x128xf32>
    %mul3A_320 = arith.mulf %add3A_314, %mul3A_319 : vector<512x128xf32>
    %erf3A_321 = math.erf %mul3A_320 : vector<512x128xf32>
    %add3A_322 = arith.constant 1.000000e+00 : f32
    %add3A_323 = vector.broadcast %add3A_322 : f32 to vector<512x128xf32>
    %add3A_324 = arith.addf %add3A_323, %erf3A_321 : vector<512x128xf32>
    %mul3A_325 = arith.mulf %mul3A_317, %add3A_324 : vector<512x128xf32>
    %get3A_326 = arith.constant 0 : index
    %get3A_327 = arith.constant 0 : index
    %get3A_328 = vector.load %arg14[%get3A_326, %get3A_327] : memref<128x128xf32, #tpu.memory_space<vmem>>, vector<128x128xf32>
    %get3A_329 = arith.constant 0 : index
    %get3A_330 = arith.constant 0 : index
    %get3A_331 = vector.load %arg15[%get3A_329, %get3A_330] : memref<1x128xf32, #tpu.memory_space<vmem>>, vector<1x128xf32>
    %get3A_332 = arith.constant 0 : index
    %get3A_333 = arith.constant 0 : index
    %get3A_334 = vector.load %arg16[%get3A_332, %get3A_333] : memref<128x128xf32, #tpu.memory_space<vmem>>, vector<128x128xf32>
    %get3A_335 = arith.constant 0 : index
    %get3A_336 = arith.constant 0 : index
    %get3A_337 = vector.load %arg17[%get3A_335, %get3A_336] : memref<1x128xf32, #tpu.memory_space<vmem>>, vector<1x128xf32>
    %get3A_338 = arith.constant 0 : index
    %get3A_339 = arith.constant 0 : index
    %get3A_340 = vector.load %arg20[%get3A_338, %get3A_339] : memref<1x128xf32, #tpu.memory_space<vmem>>, vector<1x128xf32>
    %get3A_341 = arith.constant 0 : index
    %get3A_342 = arith.constant 0 : index
    %get3A_343 = vector.load %arg18[%get3A_341, %get3A_342] : memref<1x128xf32, #tpu.memory_space<vmem>>, vector<1x128xf32>
    %dot_general3A_344 = arith.constant dense<0.000000e+00> : vector<512x128xf32>
    %dot_general3A_345 = tpu.matmul %mul3A_325, %get3A_328, %dot_general3A_344 {dimension_numbers = #tpu.dot_dimension_numbers<[1], [0], [0], [1], [0, 0, 1, 1], [], []>, transpose_lhs_hint = false} : vector<512x128xf32>, vector<128x128xf32>, vector<512x128xf32> -> vector<512x128xf32>
    %add3A_346 = vector.broadcast %get3A_331 : vector<1x128xf32> to vector<512x128xf32>
    %add3A_347 = arith.addf %dot_general3A_345, %add3A_346 : vector<512x128xf32>
    %dot_general3A_348 = arith.constant dense<0.000000e+00> : vector<512x128xf32>
    %dot_general3A_349 = tpu.matmul %mul3A_325, %get3A_334, %dot_general3A_348 {dimension_numbers = #tpu.dot_dimension_numbers<[1], [0], [0], [1], [0, 0, 1, 1], [], []>, transpose_lhs_hint = false} : vector<512x128xf32>, vector<128x128xf32>, vector<512x128xf32> -> vector<512x128xf32>
    %add3A_350 = vector.broadcast %get3A_337 : vector<1x128xf32> to vector<512x128xf32>
    %add3A_351 = arith.addf %dot_general3A_349, %add3A_350 : vector<512x128xf32>
    %mul3A_352 = vector.broadcast %get3A_343 : vector<1x128xf32> to vector<512x128xf32>
    %mul3A_353 = arith.mulf %add3A_347, %mul3A_352 : vector<512x128xf32>
    %transpose3A_354 = tpu.transpose %mul3A_353, [1, 0] : vector<512x128xf32> -> vector<128x512xf32>
    %swap3A_355 = arith.constant 0 : index
    %swap3A_356 = arith.constant 0 : index
    %swap3A_357 = vector.load %arg26[%swap3A_355, %swap3A_356] : memref<128x512xf32, #tpu.memory_space<vmem>>, vector<128x512xf32>
    tpu.vector_store %arg26[%swap3A_355, %swap3A_356], %transpose3A_354 {strides = array<i32>} : memref<128x512xf32, #tpu.memory_space<vmem>>, vector<128x512xf32>,
    %mul3A_358 = vector.broadcast %get3A_343 : vector<1x128xf32> to vector<512x128xf32>
    %mul3A_359 = arith.mulf %add3A_351, %mul3A_358 : vector<512x128xf32>
    %transpose3A_360 = tpu.transpose %mul3A_359, [1, 0] : vector<512x128xf32> -> vector<128x512xf32>
    %swap3A_361 = arith.constant 0 : index
    %swap3A_362 = arith.constant 0 : index
    %swap3A_363 = vector.load %arg27[%swap3A_361, %swap3A_362] : memref<128x512xf32, #tpu.memory_space<vmem>>, vector<128x512xf32>
    tpu.vector_store %arg27[%swap3A_361, %swap3A_362], %transpose3A_360 {strides = array<i32>} : memref<128x512xf32, #tpu.memory_space<vmem>>, vector<128x512xf32>,
    %broadcast_in_dim3A_364 = arith.constant 1.000000e+00 : f32
    %broadcast_in_dim3A_365 = vector.broadcast %broadcast_in_dim3A_364 : f32 to vector<1x512xf32>
    %broadcast_in_dim3A_366 = arith.constant 1.000000e+00 : f32
    %broadcast_in_dim3A_367 = vector.broadcast %broadcast_in_dim3A_366 : f32 to vector<1x32xf32>
    %slice3A_368 = vector.extract_strided_slice %add3A_347 {offsets = [0, 0], sizes = [512, 32], strides = [1, 1]} : vector<512x128xf32> to vector<512x32xf32>
    %get3A_369 = arith.constant 0 : index
    %get3A_370 = arith.constant 0 : index
    %get3A_371 = vector.load %arg26[%get3A_369, %get3A_370] : memref<128x512xf32, #tpu.memory_space<vmem>>, vector<32x512xf32>
    %dot_general3A_372 = arith.constant dense<0.000000e+00> : vector<1x512xf32>
    %dot_general3A_373 = tpu.matmul %broadcast_in_dim3A_367, %get3A_371, %dot_general3A_372 {dimension_numbers = #tpu.dot_dimension_numbers<[1], [0], [0], [1], [0, 0, 1, 1], [], []>, transpose_lhs_hint = false} : vector<1x32xf32>, vector<32x512xf32>, vector<1x512xf32> -> vector<1x512xf32>
    %get3A_374 = arith.constant 0 : index
    %get3A_375 = arith.constant 0 : index
    %get3A_376 = vector.load %arg27[%get3A_374, %get3A_375] : memref<128x512xf32, #tpu.memory_space<vmem>>, vector<32x512xf32>
    %dot_general3A_377 = arith.constant dense<0.000000e+00> : vector<1x512xf32>
    %dot_general3A_378 = tpu.matmul %broadcast_in_dim3A_367, %get3A_376, %dot_general3A_377 {dimension_numbers = #tpu.dot_dimension_numbers<[1], [0], [0], [1], [0, 0, 1, 1], [], []>, transpose_lhs_hint = false} : vector<1x32xf32>, vector<32x512xf32>, vector<1x512xf32> -> vector<1x512xf32>
    %mul3A_379 = arith.constant 1.500000e+00 : f32
    %mul3A_380 = vector.broadcast %mul3A_379 : f32 to vector<1x512xf32>
    %mul3A_381 = arith.mulf %mul3A_380, %dot_general3A_378 : vector<1x512xf32>
    %concatenate3A_382 = tpu.concatenate %mul3A_381, %broadcast_in_dim3A_365 in 0 : vector<1x512xf32>, vector<1x512xf32> -> vector<2x512xf32>
    %mul3A_383 = arith.constant 1.500000e+00 : f32
    %mul3A_384 = vector.broadcast %mul3A_383 : f32 to vector<1x512xf32>
    %mul3A_385 = arith.mulf %mul3A_384, %dot_general3A_373 : vector<1x512xf32>
    %concatenate3A_386 = tpu.concatenate %broadcast_in_dim3A_365, %mul3A_385 in 0 : vector<1x512xf32>, vector<1x512xf32> -> vector<2x512xf32>
    %dot_general3A_387 = arith.constant dense<0.000000e+00> : vector<512x512xf32>
    %dot_general3A_388 = tpu.matmul %concatenate3A_382, %concatenate3A_386, %dot_general3A_387 {dimension_numbers = #tpu.dot_dimension_numbers<[0], [0], [1], [1], [0, 1, 1, 1], [], []>, transpose_lhs_hint = false} : vector<2x512xf32>, vector<2x512xf32>, vector<512x512xf32> -> vector<512x512xf32>
    %scan3A_389 = arith.constant 2147483647 : i32
    %scan3A_390 = arith.constant 0 : i32
    %scan3A_391 = arith.constant 32 : i32
    %scan3A_392 = arith.addi %scan3A_390, %scan3A_391 : i32
    %scan3A_393 = arith.constant 16 : i32
    %scan3A_394 = scf.for %scan3A_657 = %scan3A_390 to %scan3A_392 step %scan3A_393 iter_args(%scan3A_658 = %dot_general3A_388) -> (vector<512x512xf32>)  : i32 {
      %add3A_659 = arith.constant 0 : i32
      %add3A_660 = arith.addi %add3A_659, %scan3A_657 : i32
      %get3A_661 = arith.index_cast %add3A_660 : i32 to index
      %get3A_662 = arith.constant 0 : index
      %get3A_663 = vector.load %arg27[%get3A_661, %get3A_662] : memref<128x512xf32, #tpu.memory_space<vmem>>, vector<1x512xf32>
      %add3A_664 = arith.constant 0 : i32
      %add3A_665 = arith.addi %add3A_664, %scan3A_657 : i32
      %get3A_666 = arith.index_cast %add3A_665 : i32 to index
      %get3A_667 = arith.constant 0 : index
      %get3A_668 = vector.load %arg26[%get3A_666, %get3A_667] : memref<128x512xf32, #tpu.memory_space<vmem>>, vector<1x512xf32>
      %concatenate3A_669 = tpu.concatenate %get3A_663, %broadcast_in_dim3A_365 in 0 : vector<1x512xf32>, vector<1x512xf32> -> vector<2x512xf32>
      %concatenate3A_670 = tpu.concatenate %broadcast_in_dim3A_365, %get3A_668 in 0 : vector<1x512xf32>, vector<1x512xf32> -> vector<2x512xf32>
      %dot_general3A_671 = arith.constant dense<0.000000e+00> : vector<512x512xf32>
      %dot_general3A_672 = tpu.matmul %concatenate3A_669, %concatenate3A_670, %dot_general3A_671 {dimension_numbers = #tpu.dot_dimension_numbers<[0], [0], [1], [1], [0, 1, 1, 1], [], []>, transpose_lhs_hint = false} : vector<2x512xf32>, vector<2x512xf32>, vector<512x512xf32> -> vector<512x512xf32>
      %bitcast_convert_type3A = tpu.bitcast %dot_general3A_672 : vector<512x512xf32> -> vector<512x512xi32>
      %and3A = vector.broadcast %scan3A_389 : i32 to vector<512x512xi32>
      %and3A_673 = arith.andi %bitcast_convert_type3A, %and3A : vector<512x512xi32>
      %add3A_674 = arith.constant 0 : i32
      %add3A_675 = arith.addi %add3A_674, %scan3A_657 : i32
      %get3A_676 = arith.index_cast %add3A_675 : i32 to index
      %get3A_677 = arith.constant 0 : index
      %get3A_678 = vector.load %arg19[%get3A_676, %get3A_677] : memref<128x1xi32, #tpu.memory_space<vmem>>, vector<1x1xi32>
      %xor3A = vector.broadcast %get3A_678 : vector<1x1xi32> to vector<512x512xi32>
      %xor3A_679 = arith.xori %and3A_673, %xor3A : vector<512x512xi32>
      %bitcast_convert_type3A_680 = tpu.bitcast %xor3A_679 : vector<512x512xi32> -> vector<512x512xf32>
      %add3A_681 = arith.addf %scan3A_658, %bitcast_convert_type3A_680 : vector<512x512xf32>
      %scan3A_682 = arith.constant 1 : i32
      %scan3A_683 = arith.addi %scan3A_657, %scan3A_682 : i32
      %add3A_684 = arith.constant 0 : i32
      %add3A_685 = arith.addi %add3A_684, %scan3A_683 : i32
      %get3A_686 = arith.index_cast %add3A_685 : i32 to index
      %get3A_687 = arith.constant 0 : index
      %get3A_688 = vector.load %arg27[%get3A_686, %get3A_687] : memref<128x512xf32, #tpu.memory_space<vmem>>, vector<1x512xf32>
      %add3A_689 = arith.constant 0 : i32
      %add3A_690 = arith.addi %add3A_689, %scan3A_683 : i32
      %get3A_691 = arith.index_cast %add3A_690 : i32 to index
      %get3A_692 = arith.constant 0 : index
      %get3A_693 = vector.load %arg26[%get3A_691, %get3A_692] : memref<128x512xf32, #tpu.memory_space<vmem>>, vector<1x512xf32>
      %concatenate3A_694 = tpu.concatenate %get3A_688, %broadcast_in_dim3A_365 in 0 : vector<1x512xf32>, vector<1x512xf32> -> vector<2x512xf32>
      %concatenate3A_695 = tpu.concatenate %broadcast_in_dim3A_365, %get3A_693 in 0 : vector<1x512xf32>, vector<1x512xf32> -> vector<2x512xf32>
      %dot_general3A_696 = arith.constant dense<0.000000e+00> : vector<512x512xf32>
      %dot_general3A_697 = tpu.matmul %concatenate3A_694, %concatenate3A_695, %dot_general3A_696 {dimension_numbers = #tpu.dot_dimension_numbers<[0], [0], [1], [1], [0, 1, 1, 1], [], []>, transpose_lhs_hint = false} : vector<2x512xf32>, vector<2x512xf32>, vector<512x512xf32> -> vector<512x512xf32>
      %bitcast_convert_type3A_698 = tpu.bitcast %dot_general3A_697 : vector<512x512xf32> -> vector<512x512xi32>
      %and3A_699 = vector.broadcast %scan3A_389 : i32 to vector<512x512xi32>
      %and3A_700 = arith.andi %bitcast_convert_type3A_698, %and3A_699 : vector<512x512xi32>
      %add3A_701 = arith.constant 0 : i32
      %add3A_702 = arith.addi %add3A_701, %scan3A_683 : i32
      %get3A_703 = arith.index_cast %add3A_702 : i32 to index
      %get3A_704 = arith.constant 0 : index
      %get3A_705 = vector.load %arg19[%get3A_703, %get3A_704] : memref<128x1xi32, #tpu.memory_space<vmem>>, vector<1x1xi32>
      %xor3A_706 = vector.broadcast %get3A_705 : vector<1x1xi32> to vector<512x512xi32>
      %xor3A_707 = arith.xori %and3A_700, %xor3A_706 : vector<512x512xi32>
      %bitcast_convert_type3A_708 = tpu.bitcast %xor3A_707 : vector<512x512xi32> -> vector<512x512xf32>
      %add3A_709 = arith.addf %add3A_681, %bitcast_convert_type3A_708 : vector<512x512xf32>
      %scan3A_710 = arith.constant 2 : i32
      %scan3A_711 = arith.addi %scan3A_657, %scan3A_710 : i32
      %add3A_712 = arith.constant 0 : i32
      %add3A_713 = arith.addi %add3A_712, %scan3A_711 : i32
      %get3A_714 = arith.index_cast %add3A_713 : i32 to index
      %get3A_715 = arith.constant 0 : index
      %get3A_716 = vector.load %arg27[%get3A_714, %get3A_715] : memref<128x512xf32, #tpu.memory_space<vmem>>, vector<1x512xf32>
      %add3A_717 = arith.constant 0 : i32
      %add3A_718 = arith.addi %add3A_717, %scan3A_711 : i32
      %get3A_719 = arith.index_cast %add3A_718 : i32 to index
      %get3A_720 = arith.constant 0 : index
      %get3A_721 = vector.load %arg26[%get3A_719, %get3A_720] : memref<128x512xf32, #tpu.memory_space<vmem>>, vector<1x512xf32>
      %concatenate3A_722 = tpu.concatenate %get3A_716, %broadcast_in_dim3A_365 in 0 : vector<1x512xf32>, vector<1x512xf32> -> vector<2x512xf32>
      %concatenate3A_723 = tpu.concatenate %broadcast_in_dim3A_365, %get3A_721 in 0 : vector<1x512xf32>, vector<1x512xf32> -> vector<2x512xf32>
      %dot_general3A_724 = arith.constant dense<0.000000e+00> : vector<512x512xf32>
      %dot_general3A_725 = tpu.matmul %concatenate3A_722, %concatenate3A_723, %dot_general3A_724 {dimension_numbers = #tpu.dot_dimension_numbers<[0], [0], [1], [1], [0, 1, 1, 1], [], []>, transpose_lhs_hint = false} : vector<2x512xf32>, vector<2x512xf32>, vector<512x512xf32> -> vector<512x512xf32>
      %bitcast_convert_type3A_726 = tpu.bitcast %dot_general3A_725 : vector<512x512xf32> -> vector<512x512xi32>
      %and3A_727 = vector.broadcast %scan3A_389 : i32 to vector<512x512xi32>
      %and3A_728 = arith.andi %bitcast_convert_type3A_726, %and3A_727 : vector<512x512xi32>
      %add3A_729 = arith.constant 0 : i32
      %add3A_730 = arith.addi %add3A_729, %scan3A_711 : i32
      %get3A_731 = arith.index_cast %add3A_730 : i32 to index
      %get3A_732 = arith.constant 0 : index
      %get3A_733 = vector.load %arg19[%get3A_731, %get3A_732] : memref<128x1xi32, #tpu.memory_space<vmem>>, vector<1x1xi32>
      %xor3A_734 = vector.broadcast %get3A_733 : vector<1x1xi32> to vector<512x512xi32>
      %xor3A_735 = arith.xori %and3A_728, %xor3A_734 : vector<512x512xi32>
      %bitcast_convert_type3A_736 = tpu.bitcast %xor3A_735 : vector<512x512xi32> -> vector<512x512xf32>
      %add3A_737 = arith.addf %add3A_709, %bitcast_convert_type3A_736 : vector<512x512xf32>
      %scan3A_738 = arith.constant 3 : i32
      %scan3A_739 = arith.addi %scan3A_657, %scan3A_738 : i32
      %add3A_740 = arith.constant 0 : i32
      %add3A_741 = arith.addi %add3A_740, %scan3A_739 : i32
      %get3A_742 = arith.index_cast %add3A_741 : i32 to index
      %get3A_743 = arith.constant 0 : index
      %get3A_744 = vector.load %arg27[%get3A_742, %get3A_743] : memref<128x512xf32, #tpu.memory_space<vmem>>, vector<1x512xf32>
      %add3A_745 = arith.constant 0 : i32
      %add3A_746 = arith.addi %add3A_745, %scan3A_739 : i32
      %get3A_747 = arith.index_cast %add3A_746 : i32 to index
      %get3A_748 = arith.constant 0 : index
      %get3A_749 = vector.load %arg26[%get3A_747, %get3A_748] : memref<128x512xf32, #tpu.memory_space<vmem>>, vector<1x512xf32>
      %concatenate3A_750 = tpu.concatenate %get3A_744, %broadcast_in_dim3A_365 in 0 : vector<1x512xf32>, vector<1x512xf32> -> vector<2x512xf32>
      %concatenate3A_751 = tpu.concatenate %broadcast_in_dim3A_365, %get3A_749 in 0 : vector<1x512xf32>, vector<1x512xf32> -> vector<2x512xf32>
      %dot_general3A_752 = arith.constant dense<0.000000e+00> : vector<512x512xf32>
      %dot_general3A_753 = tpu.matmul %concatenate3A_750, %concatenate3A_751, %dot_general3A_752 {dimension_numbers = #tpu.dot_dimension_numbers<[0], [0], [1], [1], [0, 1, 1, 1], [], []>, transpose_lhs_hint = false} : vector<2x512xf32>, vector<2x512xf32>, vector<512x512xf32> -> vector<512x512xf32>
      %bitcast_convert_type3A_754 = tpu.bitcast %dot_general3A_753 : vector<512x512xf32> -> vector<512x512xi32>
      %and3A_755 = vector.broadcast %scan3A_389 : i32 to vector<512x512xi32>
      %and3A_756 = arith.andi %bitcast_convert_type3A_754, %and3A_755 : vector<512x512xi32>
      %add3A_757 = arith.constant 0 : i32
      %add3A_758 = arith.addi %add3A_757, %scan3A_739 : i32
      %get3A_759 = arith.index_cast %add3A_758 : i32 to index
      %get3A_760 = arith.constant 0 : index
      %get3A_761 = vector.load %arg19[%get3A_759, %get3A_760] : memref<128x1xi32, #tpu.memory_space<vmem>>, vector<1x1xi32>
      %xor3A_762 = vector.broadcast %get3A_761 : vector<1x1xi32> to vector<512x512xi32>
      %xor3A_763 = arith.xori %and3A_756, %xor3A_762 : vector<512x512xi32>
      %bitcast_convert_type3A_764 = tpu.bitcast %xor3A_763 : vector<512x512xi32> -> vector<512x512xf32>
      %add3A_765 = arith.addf %add3A_737, %bitcast_convert_type3A_764 : vector<512x512xf32>
      %scan3A_766 = arith.constant 4 : i32
      %scan3A_767 = arith.addi %scan3A_657, %scan3A_766 : i32
      %add3A_768 = arith.constant 0 : i32
      %add3A_769 = arith.addi %add3A_768, %scan3A_767 : i32
      %get3A_770 = arith.index_cast %add3A_769 : i32 to index
      %get3A_771 = arith.constant 0 : index
      %get3A_772 = vector.load %arg27[%get3A_770, %get3A_771] : memref<128x512xf32, #tpu.memory_space<vmem>>, vector<1x512xf32>
      %add3A_773 = arith.constant 0 : i32
      %add3A_774 = arith.addi %add3A_773, %scan3A_767 : i32
      %get3A_775 = arith.index_cast %add3A_774 : i32 to index
      %get3A_776 = arith.constant 0 : index
      %get3A_777 = vector.load %arg26[%get3A_775, %get3A_776] : memref<128x512xf32, #tpu.memory_space<vmem>>, vector<1x512xf32>
      %concatenate3A_778 = tpu.concatenate %get3A_772, %broadcast_in_dim3A_365 in 0 : vector<1x512xf32>, vector<1x512xf32> -> vector<2x512xf32>
      %concatenate3A_779 = tpu.concatenate %broadcast_in_dim3A_365, %get3A_777 in 0 : vector<1x512xf32>, vector<1x512xf32> -> vector<2x512xf32>
      %dot_general3A_780 = arith.constant dense<0.000000e+00> : vector<512x512xf32>
      %dot_general3A_781 = tpu.matmul %concatenate3A_778, %concatenate3A_779, %dot_general3A_780 {dimension_numbers = #tpu.dot_dimension_numbers<[0], [0], [1], [1], [0, 1, 1, 1], [], []>, transpose_lhs_hint = false} : vector<2x512xf32>, vector<2x512xf32>, vector<512x512xf32> -> vector<512x512xf32>
      %bitcast_convert_type3A_782 = tpu.bitcast %dot_general3A_781 : vector<512x512xf32> -> vector<512x512xi32>
      %and3A_783 = vector.broadcast %scan3A_389 : i32 to vector<512x512xi32>
      %and3A_784 = arith.andi %bitcast_convert_type3A_782, %and3A_783 : vector<512x512xi32>
      %add3A_785 = arith.constant 0 : i32
      %add3A_786 = arith.addi %add3A_785, %scan3A_767 : i32
      %get3A_787 = arith.index_cast %add3A_786 : i32 to index
      %get3A_788 = arith.constant 0 : index
      %get3A_789 = vector.load %arg19[%get3A_787, %get3A_788] : memref<128x1xi32, #tpu.memory_space<vmem>>, vector<1x1xi32>
      %xor3A_790 = vector.broadcast %get3A_789 : vector<1x1xi32> to vector<512x512xi32>
      %xor3A_791 = arith.xori %and3A_784, %xor3A_790 : vector<512x512xi32>
      %bitcast_convert_type3A_792 = tpu.bitcast %xor3A_791 : vector<512x512xi32> -> vector<512x512xf32>
      %add3A_793 = arith.addf %add3A_765, %bitcast_convert_type3A_792 : vector<512x512xf32>
      %scan3A_794 = arith.constant 5 : i32
      %scan3A_795 = arith.addi %scan3A_657, %scan3A_794 : i32
      %add3A_796 = arith.constant 0 : i32
      %add3A_797 = arith.addi %add3A_796, %scan3A_795 : i32
      %get3A_798 = arith.index_cast %add3A_797 : i32 to index
      %get3A_799 = arith.constant 0 : index
      %get3A_800 = vector.load %arg27[%get3A_798, %get3A_799] : memref<128x512xf32, #tpu.memory_space<vmem>>, vector<1x512xf32>
      %add3A_801 = arith.constant 0 : i32
      %add3A_802 = arith.addi %add3A_801, %scan3A_795 : i32
      %get3A_803 = arith.index_cast %add3A_802 : i32 to index
      %get3A_804 = arith.constant 0 : index
      %get3A_805 = vector.load %arg26[%get3A_803, %get3A_804] : memref<128x512xf32, #tpu.memory_space<vmem>>, vector<1x512xf32>
      %concatenate3A_806 = tpu.concatenate %get3A_800, %broadcast_in_dim3A_365 in 0 : vector<1x512xf32>, vector<1x512xf32> -> vector<2x512xf32>
      %concatenate3A_807 = tpu.concatenate %broadcast_in_dim3A_365, %get3A_805 in 0 : vector<1x512xf32>, vector<1x512xf32> -> vector<2x512xf32>
      %dot_general3A_808 = arith.constant dense<0.000000e+00> : vector<512x512xf32>
      %dot_general3A_809 = tpu.matmul %concatenate3A_806, %concatenate3A_807, %dot_general3A_808 {dimension_numbers = #tpu.dot_dimension_numbers<[0], [0], [1], [1], [0, 1, 1, 1], [], []>, transpose_lhs_hint = false} : vector<2x512xf32>, vector<2x512xf32>, vector<512x512xf32> -> vector<512x512xf32>
      %bitcast_convert_type3A_810 = tpu.bitcast %dot_general3A_809 : vector<512x512xf32> -> vector<512x512xi32>
      %and3A_811 = vector.broadcast %scan3A_389 : i32 to vector<512x512xi32>
      %and3A_812 = arith.andi %bitcast_convert_type3A_810, %and3A_811 : vector<512x512xi32>
      %add3A_813 = arith.constant 0 : i32
      %add3A_814 = arith.addi %add3A_813, %scan3A_795 : i32
      %get3A_815 = arith.index_cast %add3A_814 : i32 to index
      %get3A_816 = arith.constant 0 : index
      %get3A_817 = vector.load %arg19[%get3A_815, %get3A_816] : memref<128x1xi32, #tpu.memory_space<vmem>>, vector<1x1xi32>
      %xor3A_818 = vector.broadcast %get3A_817 : vector<1x1xi32> to vector<512x512xi32>
      %xor3A_819 = arith.xori %and3A_812, %xor3A_818 : vector<512x512xi32>
      %bitcast_convert_type3A_820 = tpu.bitcast %xor3A_819 : vector<512x512xi32> -> vector<512x512xf32>
      %add3A_821 = arith.addf %add3A_793, %bitcast_convert_type3A_820 : vector<512x512xf32>
      %scan3A_822 = arith.constant 6 : i32
      %scan3A_823 = arith.addi %scan3A_657, %scan3A_822 : i32
      %add3A_824 = arith.constant 0 : i32
      %add3A_825 = arith.addi %add3A_824, %scan3A_823 : i32
      %get3A_826 = arith.index_cast %add3A_825 : i32 to index
      %get3A_827 = arith.constant 0 : index
      %get3A_828 = vector.load %arg27[%get3A_826, %get3A_827] : memref<128x512xf32, #tpu.memory_space<vmem>>, vector<1x512xf32>
      %add3A_829 = arith.constant 0 : i32
      %add3A_830 = arith.addi %add3A_829, %scan3A_823 : i32
      %get3A_831 = arith.index_cast %add3A_830 : i32 to index
      %get3A_832 = arith.constant 0 : index
      %get3A_833 = vector.load %arg26[%get3A_831, %get3A_832] : memref<128x512xf32, #tpu.memory_space<vmem>>, vector<1x512xf32>
      %concatenate3A_834 = tpu.concatenate %get3A_828, %broadcast_in_dim3A_365 in 0 : vector<1x512xf32>, vector<1x512xf32> -> vector<2x512xf32>
      %concatenate3A_835 = tpu.concatenate %broadcast_in_dim3A_365, %get3A_833 in 0 : vector<1x512xf32>, vector<1x512xf32> -> vector<2x512xf32>
      %dot_general3A_836 = arith.constant dense<0.000000e+00> : vector<512x512xf32>
      %dot_general3A_837 = tpu.matmul %concatenate3A_834, %concatenate3A_835, %dot_general3A_836 {dimension_numbers = #tpu.dot_dimension_numbers<[0], [0], [1], [1], [0, 1, 1, 1], [], []>, transpose_lhs_hint = false} : vector<2x512xf32>, vector<2x512xf32>, vector<512x512xf32> -> vector<512x512xf32>
      %bitcast_convert_type3A_838 = tpu.bitcast %dot_general3A_837 : vector<512x512xf32> -> vector<512x512xi32>
      %and3A_839 = vector.broadcast %scan3A_389 : i32 to vector<512x512xi32>
      %and3A_840 = arith.andi %bitcast_convert_type3A_838, %and3A_839 : vector<512x512xi32>
      %add3A_841 = arith.constant 0 : i32
      %add3A_842 = arith.addi %add3A_841, %scan3A_823 : i32
      %get3A_843 = arith.index_cast %add3A_842 : i32 to index
      %get3A_844 = arith.constant 0 : index
      %get3A_845 = vector.load %arg19[%get3A_843, %get3A_844] : memref<128x1xi32, #tpu.memory_space<vmem>>, vector<1x1xi32>
      %xor3A_846 = vector.broadcast %get3A_845 : vector<1x1xi32> to vector<512x512xi32>
      %xor3A_847 = arith.xori %and3A_840, %xor3A_846 : vector<512x512xi32>
      %bitcast_convert_type3A_848 = tpu.bitcast %xor3A_847 : vector<512x512xi32> -> vector<512x512xf32>
      %add3A_849 = arith.addf %add3A_821, %bitcast_convert_type3A_848 : vector<512x512xf32>
      %scan3A_850 = arith.constant 7 : i32
      %scan3A_851 = arith.addi %scan3A_657, %scan3A_850 : i32
      %add3A_852 = arith.constant 0 : i32
      %add3A_853 = arith.addi %add3A_852, %scan3A_851 : i32
      %get3A_854 = arith.index_cast %add3A_853 : i32 to index
      %get3A_855 = arith.constant 0 : index
      %get3A_856 = vector.load %arg27[%get3A_854, %get3A_855] : memref<128x512xf32, #tpu.memory_space<vmem>>, vector<1x512xf32>
      %add3A_857 = arith.constant 0 : i32
      %add3A_858 = arith.addi %add3A_857, %scan3A_851 : i32
      %get3A_859 = arith.index_cast %add3A_858 : i32 to index
      %get3A_860 = arith.constant 0 : index
      %get3A_861 = vector.load %arg26[%get3A_859, %get3A_860] : memref<128x512xf32, #tpu.memory_space<vmem>>, vector<1x512xf32>
      %concatenate3A_862 = tpu.concatenate %get3A_856, %broadcast_in_dim3A_365 in 0 : vector<1x512xf32>, vector<1x512xf32> -> vector<2x512xf32>
      %concatenate3A_863 = tpu.concatenate %broadcast_in_dim3A_365, %get3A_861 in 0 : vector<1x512xf32>, vector<1x512xf32> -> vector<2x512xf32>
      %dot_general3A_864 = arith.constant dense<0.000000e+00> : vector<512x512xf32>
      %dot_general3A_865 = tpu.matmul %concatenate3A_862, %concatenate3A_863, %dot_general3A_864 {dimension_numbers = #tpu.dot_dimension_numbers<[0], [0], [1], [1], [0, 1, 1, 1], [], []>, transpose_lhs_hint = false} : vector<2x512xf32>, vector<2x512xf32>, vector<512x512xf32> -> vector<512x512xf32>
      %bitcast_convert_type3A_866 = tpu.bitcast %dot_general3A_865 : vector<512x512xf32> -> vector<512x512xi32>
      %and3A_867 = vector.broadcast %scan3A_389 : i32 to vector<512x512xi32>
      %and3A_868 = arith.andi %bitcast_convert_type3A_866, %and3A_867 : vector<512x512xi32>
      %add3A_869 = arith.constant 0 : i32
      %add3A_870 = arith.addi %add3A_869, %scan3A_851 : i32
      %get3A_871 = arith.index_cast %add3A_870 : i32 to index
      %get3A_872 = arith.constant 0 : index
      %get3A_873 = vector.load %arg19[%get3A_871, %get3A_872] : memref<128x1xi32, #tpu.memory_space<vmem>>, vector<1x1xi32>
      %xor3A_874 = vector.broadcast %get3A_873 : vector<1x1xi32> to vector<512x512xi32>
      %xor3A_875 = arith.xori %and3A_868, %xor3A_874 : vector<512x512xi32>
      %bitcast_convert_type3A_876 = tpu.bitcast %xor3A_875 : vector<512x512xi32> -> vector<512x512xf32>
      %add3A_877 = arith.addf %add3A_849, %bitcast_convert_type3A_876 : vector<512x512xf32>
      %scan3A_878 = arith.constant 8 : i32
      %scan3A_879 = arith.addi %scan3A_657, %scan3A_878 : i32
      %add3A_880 = arith.constant 0 : i32
      %add3A_881 = arith.addi %add3A_880, %scan3A_879 : i32
      %get3A_882 = arith.index_cast %add3A_881 : i32 to index
      %get3A_883 = arith.constant 0 : index
      %get3A_884 = vector.load %arg27[%get3A_882, %get3A_883] : memref<128x512xf32, #tpu.memory_space<vmem>>, vector<1x512xf32>
      %add3A_885 = arith.constant 0 : i32
      %add3A_886 = arith.addi %add3A_885, %scan3A_879 : i32
      %get3A_887 = arith.index_cast %add3A_886 : i32 to index
      %get3A_888 = arith.constant 0 : index
      %get3A_889 = vector.load %arg26[%get3A_887, %get3A_888] : memref<128x512xf32, #tpu.memory_space<vmem>>, vector<1x512xf32>
      %concatenate3A_890 = tpu.concatenate %get3A_884, %broadcast_in_dim3A_365 in 0 : vector<1x512xf32>, vector<1x512xf32> -> vector<2x512xf32>
      %concatenate3A_891 = tpu.concatenate %broadcast_in_dim3A_365, %get3A_889 in 0 : vector<1x512xf32>, vector<1x512xf32> -> vector<2x512xf32>
      %dot_general3A_892 = arith.constant dense<0.000000e+00> : vector<512x512xf32>
      %dot_general3A_893 = tpu.matmul %concatenate3A_890, %concatenate3A_891, %dot_general3A_892 {dimension_numbers = #tpu.dot_dimension_numbers<[0], [0], [1], [1], [0, 1, 1, 1], [], []>, transpose_lhs_hint = false} : vector<2x512xf32>, vector<2x512xf32>, vector<512x512xf32> -> vector<512x512xf32>
      %bitcast_convert_type3A_894 = tpu.bitcast %dot_general3A_893 : vector<512x512xf32> -> vector<512x512xi32>
      %and3A_895 = vector.broadcast %scan3A_389 : i32 to vector<512x512xi32>
      %and3A_896 = arith.andi %bitcast_convert_type3A_894, %and3A_895 : vector<512x512xi32>
      %add3A_897 = arith.constant 0 : i32
      %add3A_898 = arith.addi %add3A_897, %scan3A_879 : i32
      %get3A_899 = arith.index_cast %add3A_898 : i32 to index
      %get3A_900 = arith.constant 0 : index
      %get3A_901 = vector.load %arg19[%get3A_899, %get3A_900] : memref<128x1xi32, #tpu.memory_space<vmem>>, vector<1x1xi32>
      %xor3A_902 = vector.broadcast %get3A_901 : vector<1x1xi32> to vector<512x512xi32>
      %xor3A_903 = arith.xori %and3A_896, %xor3A_902 : vector<512x512xi32>
      %bitcast_convert_type3A_904 = tpu.bitcast %xor3A_903 : vector<512x512xi32> -> vector<512x512xf32>
      %add3A_905 = arith.addf %add3A_877, %bitcast_convert_type3A_904 : vector<512x512xf32>
      %scan3A_906 = arith.constant 9 : i32
      %scan3A_907 = arith.addi %scan3A_657, %scan3A_906 : i32
      %add3A_908 = arith.constant 0 : i32
      %add3A_909 = arith.addi %add3A_908, %scan3A_907 : i32
      %get3A_910 = arith.index_cast %add3A_909 : i32 to index
      %get3A_911 = arith.constant 0 : index
      %get3A_912 = vector.load %arg27[%get3A_910, %get3A_911] : memref<128x512xf32, #tpu.memory_space<vmem>>, vector<1x512xf32>
      %add3A_913 = arith.constant 0 : i32
      %add3A_914 = arith.addi %add3A_913, %scan3A_907 : i32
      %get3A_915 = arith.index_cast %add3A_914 : i32 to index
      %get3A_916 = arith.constant 0 : index
      %get3A_917 = vector.load %arg26[%get3A_915, %get3A_916] : memref<128x512xf32, #tpu.memory_space<vmem>>, vector<1x512xf32>
      %concatenate3A_918 = tpu.concatenate %get3A_912, %broadcast_in_dim3A_365 in 0 : vector<1x512xf32>, vector<1x512xf32> -> vector<2x512xf32>
      %concatenate3A_919 = tpu.concatenate %broadcast_in_dim3A_365, %get3A_917 in 0 : vector<1x512xf32>, vector<1x512xf32> -> vector<2x512xf32>
      %dot_general3A_920 = arith.constant dense<0.000000e+00> : vector<512x512xf32>
      %dot_general3A_921 = tpu.matmul %concatenate3A_918, %concatenate3A_919, %dot_general3A_920 {dimension_numbers = #tpu.dot_dimension_numbers<[0], [0], [1], [1], [0, 1, 1, 1], [], []>, transpose_lhs_hint = false} : vector<2x512xf32>, vector<2x512xf32>, vector<512x512xf32> -> vector<512x512xf32>
      %bitcast_convert_type3A_922 = tpu.bitcast %dot_general3A_921 : vector<512x512xf32> -> vector<512x512xi32>
      %and3A_923 = vector.broadcast %scan3A_389 : i32 to vector<512x512xi32>
      %and3A_924 = arith.andi %bitcast_convert_type3A_922, %and3A_923 : vector<512x512xi32>
      %add3A_925 = arith.constant 0 : i32
      %add3A_926 = arith.addi %add3A_925, %scan3A_907 : i32
      %get3A_927 = arith.index_cast %add3A_926 : i32 to index
      %get3A_928 = arith.constant 0 : index
      %get3A_929 = vector.load %arg19[%get3A_927, %get3A_928] : memref<128x1xi32, #tpu.memory_space<vmem>>, vector<1x1xi32>
      %xor3A_930 = vector.broadcast %get3A_929 : vector<1x1xi32> to vector<512x512xi32>
      %xor3A_931 = arith.xori %and3A_924, %xor3A_930 : vector<512x512xi32>
      %bitcast_convert_type3A_932 = tpu.bitcast %xor3A_931 : vector<512x512xi32> -> vector<512x512xf32>
      %add3A_933 = arith.addf %add3A_905, %bitcast_convert_type3A_932 : vector<512x512xf32>
      %scan3A_934 = arith.constant 10 : i32
      %scan3A_935 = arith.addi %scan3A_657, %scan3A_934 : i32
      %add3A_936 = arith.constant 0 : i32
      %add3A_937 = arith.addi %add3A_936, %scan3A_935 : i32
      %get3A_938 = arith.index_cast %add3A_937 : i32 to index
      %get3A_939 = arith.constant 0 : index
      %get3A_940 = vector.load %arg27[%get3A_938, %get3A_939] : memref<128x512xf32, #tpu.memory_space<vmem>>, vector<1x512xf32>
      %add3A_941 = arith.constant 0 : i32
      %add3A_942 = arith.addi %add3A_941, %scan3A_935 : i32
      %get3A_943 = arith.index_cast %add3A_942 : i32 to index
      %get3A_944 = arith.constant 0 : index
      %get3A_945 = vector.load %arg26[%get3A_943, %get3A_944] : memref<128x512xf32, #tpu.memory_space<vmem>>, vector<1x512xf32>
      %concatenate3A_946 = tpu.concatenate %get3A_940, %broadcast_in_dim3A_365 in 0 : vector<1x512xf32>, vector<1x512xf32> -> vector<2x512xf32>
      %concatenate3A_947 = tpu.concatenate %broadcast_in_dim3A_365, %get3A_945 in 0 : vector<1x512xf32>, vector<1x512xf32> -> vector<2x512xf32>
      %dot_general3A_948 = arith.constant dense<0.000000e+00> : vector<512x512xf32>
      %dot_general3A_949 = tpu.matmul %concatenate3A_946, %concatenate3A_947, %dot_general3A_948 {dimension_numbers = #tpu.dot_dimension_numbers<[0], [0], [1], [1], [0, 1, 1, 1], [], []>, transpose_lhs_hint = false} : vector<2x512xf32>, vector<2x512xf32>, vector<512x512xf32> -> vector<512x512xf32>
      %bitcast_convert_type3A_950 = tpu.bitcast %dot_general3A_949 : vector<512x512xf32> -> vector<512x512xi32>
      %and3A_951 = vector.broadcast %scan3A_389 : i32 to vector<512x512xi32>
      %and3A_952 = arith.andi %bitcast_convert_type3A_950, %and3A_951 : vector<512x512xi32>
      %add3A_953 = arith.constant 0 : i32
      %add3A_954 = arith.addi %add3A_953, %scan3A_935 : i32
      %get3A_955 = arith.index_cast %add3A_954 : i32 to index
      %get3A_956 = arith.constant 0 : index
      %get3A_957 = vector.load %arg19[%get3A_955, %get3A_956] : memref<128x1xi32, #tpu.memory_space<vmem>>, vector<1x1xi32>
      %xor3A_958 = vector.broadcast %get3A_957 : vector<1x1xi32> to vector<512x512xi32>
      %xor3A_959 = arith.xori %and3A_952, %xor3A_958 : vector<512x512xi32>
      %bitcast_convert_type3A_960 = tpu.bitcast %xor3A_959 : vector<512x512xi32> -> vector<512x512xf32>
      %add3A_961 = arith.addf %add3A_933, %bitcast_convert_type3A_960 : vector<512x512xf32>
      %scan3A_962 = arith.constant 11 : i32
      %scan3A_963 = arith.addi %scan3A_657, %scan3A_962 : i32
      %add3A_964 = arith.constant 0 : i32
      %add3A_965 = arith.addi %add3A_964, %scan3A_963 : i32
      %get3A_966 = arith.index_cast %add3A_965 : i32 to index
      %get3A_967 = arith.constant 0 : index
      %get3A_968 = vector.load %arg27[%get3A_966, %get3A_967] : memref<128x512xf32, #tpu.memory_space<vmem>>, vector<1x512xf32>
      %add3A_969 = arith.constant 0 : i32
      %add3A_970 = arith.addi %add3A_969, %scan3A_963 : i32
      %get3A_971 = arith.index_cast %add3A_970 : i32 to index
      %get3A_972 = arith.constant 0 : index
      %get3A_973 = vector.load %arg26[%get3A_971, %get3A_972] : memref<128x512xf32, #tpu.memory_space<vmem>>, vector<1x512xf32>
      %concatenate3A_974 = tpu.concatenate %get3A_968, %broadcast_in_dim3A_365 in 0 : vector<1x512xf32>, vector<1x512xf32> -> vector<2x512xf32>
      %concatenate3A_975 = tpu.concatenate %broadcast_in_dim3A_365, %get3A_973 in 0 : vector<1x512xf32>, vector<1x512xf32> -> vector<2x512xf32>
      %dot_general3A_976 = arith.constant dense<0.000000e+00> : vector<512x512xf32>
      %dot_general3A_977 = tpu.matmul %concatenate3A_974, %concatenate3A_975, %dot_general3A_976 {dimension_numbers = #tpu.dot_dimension_numbers<[0], [0], [1], [1], [0, 1, 1, 1], [], []>, transpose_lhs_hint = false} : vector<2x512xf32>, vector<2x512xf32>, vector<512x512xf32> -> vector<512x512xf32>
      %bitcast_convert_type3A_978 = tpu.bitcast %dot_general3A_977 : vector<512x512xf32> -> vector<512x512xi32>
      %and3A_979 = vector.broadcast %scan3A_389 : i32 to vector<512x512xi32>
      %and3A_980 = arith.andi %bitcast_convert_type3A_978, %and3A_979 : vector<512x512xi32>
      %add3A_981 = arith.constant 0 : i32
      %add3A_982 = arith.addi %add3A_981, %scan3A_963 : i32
      %get3A_983 = arith.index_cast %add3A_982 : i32 to index
      %get3A_984 = arith.constant 0 : index
      %get3A_985 = vector.load %arg19[%get3A_983, %get3A_984] : memref<128x1xi32, #tpu.memory_space<vmem>>, vector<1x1xi32>
      %xor3A_986 = vector.broadcast %get3A_985 : vector<1x1xi32> to vector<512x512xi32>
      %xor3A_987 = arith.xori %and3A_980, %xor3A_986 : vector<512x512xi32>
      %bitcast_convert_type3A_988 = tpu.bitcast %xor3A_987 : vector<512x512xi32> -> vector<512x512xf32>
      %add3A_989 = arith.addf %add3A_961, %bitcast_convert_type3A_988 : vector<512x512xf32>
      %scan3A_990 = arith.constant 12 : i32
      %scan3A_991 = arith.addi %scan3A_657, %scan3A_990 : i32
      %add3A_992 = arith.constant 0 : i32
      %add3A_993 = arith.addi %add3A_992, %scan3A_991 : i32
      %get3A_994 = arith.index_cast %add3A_993 : i32 to index
      %get3A_995 = arith.constant 0 : index
      %get3A_996 = vector.load %arg27[%get3A_994, %get3A_995] : memref<128x512xf32, #tpu.memory_space<vmem>>, vector<1x512xf32>
      %add3A_997 = arith.constant 0 : i32
      %add3A_998 = arith.addi %add3A_997, %scan3A_991 : i32
      %get3A_999 = arith.index_cast %add3A_998 : i32 to index
      %get3A_1000 = arith.constant 0 : index
      %get3A_1001 = vector.load %arg26[%get3A_999, %get3A_1000] : memref<128x512xf32, #tpu.memory_space<vmem>>, vector<1x512xf32>
      %concatenate3A_1002 = tpu.concatenate %get3A_996, %broadcast_in_dim3A_365 in 0 : vector<1x512xf32>, vector<1x512xf32> -> vector<2x512xf32>
      %concatenate3A_1003 = tpu.concatenate %broadcast_in_dim3A_365, %get3A_1001 in 0 : vector<1x512xf32>, vector<1x512xf32> -> vector<2x512xf32>
      %dot_general3A_1004 = arith.constant dense<0.000000e+00> : vector<512x512xf32>
      %dot_general3A_1005 = tpu.matmul %concatenate3A_1002, %concatenate3A_1003, %dot_general3A_1004 {dimension_numbers = #tpu.dot_dimension_numbers<[0], [0], [1], [1], [0, 1, 1, 1], [], []>, transpose_lhs_hint = false} : vector<2x512xf32>, vector<2x512xf32>, vector<512x512xf32> -> vector<512x512xf32>
      %bitcast_convert_type3A_1006 = tpu.bitcast %dot_general3A_1005 : vector<512x512xf32> -> vector<512x512xi32>
      %and3A_1007 = vector.broadcast %scan3A_389 : i32 to vector<512x512xi32>
      %and3A_1008 = arith.andi %bitcast_convert_type3A_1006, %and3A_1007 : vector<512x512xi32>
      %add3A_1009 = arith.constant 0 : i32
      %add3A_1010 = arith.addi %add3A_1009, %scan3A_991 : i32
      %get3A_1011 = arith.index_cast %add3A_1010 : i32 to index
      %get3A_1012 = arith.constant 0 : index
      %get3A_1013 = vector.load %arg19[%get3A_1011, %get3A_1012] : memref<128x1xi32, #tpu.memory_space<vmem>>, vector<1x1xi32>
      %xor3A_1014 = vector.broadcast %get3A_1013 : vector<1x1xi32> to vector<512x512xi32>
      %xor3A_1015 = arith.xori %and3A_1008, %xor3A_1014 : vector<512x512xi32>
      %bitcast_convert_type3A_1016 = tpu.bitcast %xor3A_1015 : vector<512x512xi32> -> vector<512x512xf32>
      %add3A_1017 = arith.addf %add3A_989, %bitcast_convert_type3A_1016 : vector<512x512xf32>
      %scan3A_1018 = arith.constant 13 : i32
      %scan3A_1019 = arith.addi %scan3A_657, %scan3A_1018 : i32
      %add3A_1020 = arith.constant 0 : i32
      %add3A_1021 = arith.addi %add3A_1020, %scan3A_1019 : i32
      %get3A_1022 = arith.index_cast %add3A_1021 : i32 to index
      %get3A_1023 = arith.constant 0 : index
      %get3A_1024 = vector.load %arg27[%get3A_1022, %get3A_1023] : memref<128x512xf32, #tpu.memory_space<vmem>>, vector<1x512xf32>
      %add3A_1025 = arith.constant 0 : i32
      %add3A_1026 = arith.addi %add3A_1025, %scan3A_1019 : i32
      %get3A_1027 = arith.index_cast %add3A_1026 : i32 to index
      %get3A_1028 = arith.constant 0 : index
      %get3A_1029 = vector.load %arg26[%get3A_1027, %get3A_1028] : memref<128x512xf32, #tpu.memory_space<vmem>>, vector<1x512xf32>
      %concatenate3A_1030 = tpu.concatenate %get3A_1024, %broadcast_in_dim3A_365 in 0 : vector<1x512xf32>, vector<1x512xf32> -> vector<2x512xf32>
      %concatenate3A_1031 = tpu.concatenate %broadcast_in_dim3A_365, %get3A_1029 in 0 : vector<1x512xf32>, vector<1x512xf32> -> vector<2x512xf32>
      %dot_general3A_1032 = arith.constant dense<0.000000e+00> : vector<512x512xf32>
      %dot_general3A_1033 = tpu.matmul %concatenate3A_1030, %concatenate3A_1031, %dot_general3A_1032 {dimension_numbers = #tpu.dot_dimension_numbers<[0], [0], [1], [1], [0, 1, 1, 1], [], []>, transpose_lhs_hint = false} : vector<2x512xf32>, vector<2x512xf32>, vector<512x512xf32> -> vector<512x512xf32>
      %bitcast_convert_type3A_1034 = tpu.bitcast %dot_general3A_1033 : vector<512x512xf32> -> vector<512x512xi32>
      %and3A_1035 = vector.broadcast %scan3A_389 : i32 to vector<512x512xi32>
      %and3A_1036 = arith.andi %bitcast_convert_type3A_1034, %and3A_1035 : vector<512x512xi32>
      %add3A_1037 = arith.constant 0 : i32
      %add3A_1038 = arith.addi %add3A_1037, %scan3A_1019 : i32
      %get3A_1039 = arith.index_cast %add3A_1038 : i32 to index
      %get3A_1040 = arith.constant 0 : index
      %get3A_1041 = vector.load %arg19[%get3A_1039, %get3A_1040] : memref<128x1xi32, #tpu.memory_space<vmem>>, vector<1x1xi32>
      %xor3A_1042 = vector.broadcast %get3A_1041 : vector<1x1xi32> to vector<512x512xi32>
      %xor3A_1043 = arith.xori %and3A_1036, %xor3A_1042 : vector<512x512xi32>
      %bitcast_convert_type3A_1044 = tpu.bitcast %xor3A_1043 : vector<512x512xi32> -> vector<512x512xf32>
      %add3A_1045 = arith.addf %add3A_1017, %bitcast_convert_type3A_1044 : vector<512x512xf32>
      %scan3A_1046 = arith.constant 14 : i32
      %scan3A_1047 = arith.addi %scan3A_657, %scan3A_1046 : i32
      %add3A_1048 = arith.constant 0 : i32
      %add3A_1049 = arith.addi %add3A_1048, %scan3A_1047 : i32
      %get3A_1050 = arith.index_cast %add3A_1049 : i32 to index
      %get3A_1051 = arith.constant 0 : index
      %get3A_1052 = vector.load %arg27[%get3A_1050, %get3A_1051] : memref<128x512xf32, #tpu.memory_space<vmem>>, vector<1x512xf32>
      %add3A_1053 = arith.constant 0 : i32
      %add3A_1054 = arith.addi %add3A_1053, %scan3A_1047 : i32
      %get3A_1055 = arith.index_cast %add3A_1054 : i32 to index
      %get3A_1056 = arith.constant 0 : index
      %get3A_1057 = vector.load %arg26[%get3A_1055, %get3A_1056] : memref<128x512xf32, #tpu.memory_space<vmem>>, vector<1x512xf32>
      %concatenate3A_1058 = tpu.concatenate %get3A_1052, %broadcast_in_dim3A_365 in 0 : vector<1x512xf32>, vector<1x512xf32> -> vector<2x512xf32>
      %concatenate3A_1059 = tpu.concatenate %broadcast_in_dim3A_365, %get3A_1057 in 0 : vector<1x512xf32>, vector<1x512xf32> -> vector<2x512xf32>
      %dot_general3A_1060 = arith.constant dense<0.000000e+00> : vector<512x512xf32>
      %dot_general3A_1061 = tpu.matmul %concatenate3A_1058, %concatenate3A_1059, %dot_general3A_1060 {dimension_numbers = #tpu.dot_dimension_numbers<[0], [0], [1], [1], [0, 1, 1, 1], [], []>, transpose_lhs_hint = false} : vector<2x512xf32>, vector<2x512xf32>, vector<512x512xf32> -> vector<512x512xf32>
      %bitcast_convert_type3A_1062 = tpu.bitcast %dot_general3A_1061 : vector<512x512xf32> -> vector<512x512xi32>
      %and3A_1063 = vector.broadcast %scan3A_389 : i32 to vector<512x512xi32>
      %and3A_1064 = arith.andi %bitcast_convert_type3A_1062, %and3A_1063 : vector<512x512xi32>
      %add3A_1065 = arith.constant 0 : i32
      %add3A_1066 = arith.addi %add3A_1065, %scan3A_1047 : i32
      %get3A_1067 = arith.index_cast %add3A_1066 : i32 to index
      %get3A_1068 = arith.constant 0 : index
      %get3A_1069 = vector.load %arg19[%get3A_1067, %get3A_1068] : memref<128x1xi32, #tpu.memory_space<vmem>>, vector<1x1xi32>
      %xor3A_1070 = vector.broadcast %get3A_1069 : vector<1x1xi32> to vector<512x512xi32>
      %xor3A_1071 = arith.xori %and3A_1064, %xor3A_1070 : vector<512x512xi32>
      %bitcast_convert_type3A_1072 = tpu.bitcast %xor3A_1071 : vector<512x512xi32> -> vector<512x512xf32>
      %add3A_1073 = arith.addf %add3A_1045, %bitcast_convert_type3A_1072 : vector<512x512xf32>
      %scan3A_1074 = arith.constant 15 : i32
      %scan3A_1075 = arith.addi %scan3A_657, %scan3A_1074 : i32
      %add3A_1076 = arith.constant 0 : i32
      %add3A_1077 = arith.addi %add3A_1076, %scan3A_1075 : i32
      %get3A_1078 = arith.index_cast %add3A_1077 : i32 to index
      %get3A_1079 = arith.constant 0 : index
      %get3A_1080 = vector.load %arg27[%get3A_1078, %get3A_1079] : memref<128x512xf32, #tpu.memory_space<vmem>>, vector<1x512xf32>
      %add3A_1081 = arith.constant 0 : i32
      %add3A_1082 = arith.addi %add3A_1081, %scan3A_1075 : i32
      %get3A_1083 = arith.index_cast %add3A_1082 : i32 to index
      %get3A_1084 = arith.constant 0 : index
      %get3A_1085 = vector.load %arg26[%get3A_1083, %get3A_1084] : memref<128x512xf32, #tpu.memory_space<vmem>>, vector<1x512xf32>
      %concatenate3A_1086 = tpu.concatenate %get3A_1080, %broadcast_in_dim3A_365 in 0 : vector<1x512xf32>, vector<1x512xf32> -> vector<2x512xf32>
      %concatenate3A_1087 = tpu.concatenate %broadcast_in_dim3A_365, %get3A_1085 in 0 : vector<1x512xf32>, vector<1x512xf32> -> vector<2x512xf32>
      %dot_general3A_1088 = arith.constant dense<0.000000e+00> : vector<512x512xf32>
      %dot_general3A_1089 = tpu.matmul %concatenate3A_1086, %concatenate3A_1087, %dot_general3A_1088 {dimension_numbers = #tpu.dot_dimension_numbers<[0], [0], [1], [1], [0, 1, 1, 1], [], []>, transpose_lhs_hint = false} : vector<2x512xf32>, vector<2x512xf32>, vector<512x512xf32> -> vector<512x512xf32>
      %bitcast_convert_type3A_1090 = tpu.bitcast %dot_general3A_1089 : vector<512x512xf32> -> vector<512x512xi32>
      %and3A_1091 = vector.broadcast %scan3A_389 : i32 to vector<512x512xi32>
      %and3A_1092 = arith.andi %bitcast_convert_type3A_1090, %and3A_1091 : vector<512x512xi32>
      %add3A_1093 = arith.constant 0 : i32
      %add3A_1094 = arith.addi %add3A_1093, %scan3A_1075 : i32
      %get3A_1095 = arith.index_cast %add3A_1094 : i32 to index
      %get3A_1096 = arith.constant 0 : index
      %get3A_1097 = vector.load %arg19[%get3A_1095, %get3A_1096] : memref<128x1xi32, #tpu.memory_space<vmem>>, vector<1x1xi32>
      %xor3A_1098 = vector.broadcast %get3A_1097 : vector<1x1xi32> to vector<512x512xi32>
      %xor3A_1099 = arith.xori %and3A_1092, %xor3A_1098 : vector<512x512xi32>
      %bitcast_convert_type3A_1100 = tpu.bitcast %xor3A_1099 : vector<512x512xi32> -> vector<512x512xf32>
      %add3A_1101 = arith.addf %add3A_1073, %bitcast_convert_type3A_1100 : vector<512x512xf32>
      scf.yield %add3A_1101 : vector<512x512xf32>
    }
    %scan3A_395 = arith.constant 32 : i32
    %mul3A_396 = arith.constant 4.000000e-01 : f32
    %mul3A_397 = vector.broadcast %mul3A_396 : f32 to vector<512x512xf32>
    %mul3A_398 = arith.mulf %mul3A_397, %scan3A_394 : vector<512x512xf32>
    %add3A_399 = arith.addf %mul3A_398, %select_n3A : vector<512x512xf32>
    %reduce_max3A_400 = arith.constant dense<0xFF800000> : vector<512xf32>
    %reduce_max3A_401 = vector.multi_reduction <maximumf>, %add3A_399, %reduce_max3A_400 [1] : vector<512x512xf32> to vector<512xf32>
    %broadcast_in_dim3A_402 = vector.shape_cast %reduce_max3A_401 : vector<512xf32> to vector<512x1xf32>
    %is_finite3A_403 = tpu.weird %broadcast_in_dim3A_402 : vector<512x1xf32> -> vector<512x1xi1>
    %is_finite3A_404 = arith.constant dense<true> : vector<512x1xi1>
    %is_finite3A_405 = arith.xori %is_finite3A_403, %is_finite3A_404 : vector<512x1xi1>
    %jit3A_406 = arith.constant 0.000000e+00 : f32
    %broadcast_in_dim3A_407 = vector.broadcast %jit3A_406 : f32 to vector<512x1xf32>
    %select_n3A_408 = arith.select %is_finite3A_405, %broadcast_in_dim3A_402, %broadcast_in_dim3A_407 : vector<512x1xi1>, vector<512x1xf32>
    %sub3A_409 = vector.broadcast %select_n3A_408 : vector<512x1xf32> to vector<512x512xf32>
    %sub3A_410 = arith.subf %add3A_399, %sub3A_409 : vector<512x512xf32>
    %exp3A_411 = math.exp %sub3A_410 : vector<512x512xf32>
    %mul3A_412 = arith.mulf %add3A, %exp3A_411 : vector<512x512xf32>
    %reduce_sum3A_413 = arith.constant dense<0.000000e+00> : vector<512xf32>
    %reduce_sum3A_414 = vector.multi_reduction <add>, %mul3A_412, %reduce_sum3A_413 [1] : vector<512x512xf32> to vector<512xf32>
    %broadcast_in_dim3A_415 = vector.shape_cast %reduce_sum3A_414 : vector<512xf32> to vector<512x1xf32>
    %add3A_416 = arith.constant 1.000000e-16 : f32
    %add3A_417 = vector.broadcast %add3A_416 : f32 to vector<512x1xf32>
    %add3A_418 = arith.addf %broadcast_in_dim3A_415, %add3A_417 : vector<512x1xf32>
    %div3A_419 = arith.constant 1.000000e+00 : f32
    %div3A_420 = vector.broadcast %div3A_419 : f32 to vector<512x1xf32>
    %div3A_421 = arith.divf %div3A_420, %add3A_418 : vector<512x1xf32>
    %mul3A_422 = vector.broadcast %div3A_421 : vector<512x1xf32> to vector<512x512xf32>
    %mul3A_423 = arith.mulf %mul3A_412, %mul3A_422 : vector<512x512xf32>
    %dot_general3A_424 = arith.constant dense<0.000000e+00> : vector<512x32xf32>
    %dot_general3A_425 = tpu.matmul %mul3A_423, %slice3A_368, %dot_general3A_424 {dimension_numbers = #tpu.dot_dimension_numbers<[1], [0], [0], [1], [0, 0, 1, 1], [], []>, transpose_lhs_hint = false} : vector<512x512xf32>, vector<512x32xf32>, vector<512x32xf32> -> vector<512x32xf32>
    %slice3A_426 = vector.extract_strided_slice %add3A_347 {offsets = [0, 32], sizes = [512, 32], strides = [1, 1]} : vector<512x128xf32> to vector<512x32xf32>
    %get3A_427 = arith.constant 32 : index
    %get3A_428 = arith.constant 0 : index
    %get3A_429 = vector.load %arg26[%get3A_427, %get3A_428] : memref<128x512xf32, #tpu.memory_space<vmem>>, vector<32x512xf32>
    %dot_general3A_430 = arith.constant dense<0.000000e+00> : vector<1x512xf32>
    %dot_general3A_431 = tpu.matmul %broadcast_in_dim3A_367, %get3A_429, %dot_general3A_430 {dimension_numbers = #tpu.dot_dimension_numbers<[1], [0], [0], [1], [0, 0, 1, 1], [], []>, transpose_lhs_hint = false} : vector<1x32xf32>, vector<32x512xf32>, vector<1x512xf32> -> vector<1x512xf32>
    %get3A_432 = arith.constant 32 : index
    %get3A_433 = arith.constant 0 : index
    %get3A_434 = vector.load %arg27[%get3A_432, %get3A_433] : memref<128x512xf32, #tpu.memory_space<vmem>>, vector<32x512xf32>
    %dot_general3A_435 = arith.constant dense<0.000000e+00> : vector<1x512xf32>
    %dot_general3A_436 = tpu.matmul %broadcast_in_dim3A_367, %get3A_434, %dot_general3A_435 {dimension_numbers = #tpu.dot_dimension_numbers<[1], [0], [0], [1], [0, 0, 1, 1], [], []>, transpose_lhs_hint = false} : vector<1x32xf32>, vector<32x512xf32>, vector<1x512xf32> -> vector<1x512xf32>
    %mul3A_437 = arith.constant 1.500000e+00 : f32
    %mul3A_438 = vector.broadcast %mul3A_437 : f32 to vector<1x512xf32>
    %mul3A_439 = arith.mulf %mul3A_438, %dot_general3A_436 : vector<1x512xf32>
    %concatenate3A_440 = tpu.concatenate %mul3A_439, %broadcast_in_dim3A_365 in 0 : vector<1x512xf32>, vector<1x512xf32> -> vector<2x512xf32>
    %mul3A_441 = arith.constant 1.500000e+00 : f32
    %mul3A_442 = vector.broadcast %mul3A_441 : f32 to vector<1x512xf32>
    %mul3A_443 = arith.mulf %mul3A_442, %dot_general3A_431 : vector<1x512xf32>
    %concatenate3A_444 = tpu.concatenate %broadcast_in_dim3A_365, %mul3A_443 in 0 : vector<1x512xf32>, vector<1x512xf32> -> vector<2x512xf32>
    %dot_general3A_445 = arith.constant dense<0.000000e+00> : vector<512x512xf32>
    %dot_general3A_446 = tpu.matmul %concatenate3A_440, %concatenate3A_444, %dot_general3A_445 {dimension_numbers = #tpu.dot_dimension_numbers<[0], [0], [1], [1], [0, 1, 1, 1], [], []>, transpose_lhs_hint = false} : vector<2x512xf32>, vector<2x512xf32>, vector<512x512xf32> -> vector<512x512xf32>
    %scan3A_447 = arith.constant 2147483647 : i32
    %scan3A_448 = arith.constant 0 : i32
    %scan3A_449 = arith.constant 32 : i32
    %scan3A_450 = arith.addi %scan3A_448, %scan3A_449 : i32
    %scan3A_451 = arith.constant 16 : i32
    %scan3A_452 = scf.for %scan3A_657 = %scan3A_448 to %scan3A_450 step %scan3A_451 iter_args(%scan3A_658 = %dot_general3A_446) -> (vector<512x512xf32>)  : i32 {
      %add3A_659 = arith.constant 32 : i32
      %add3A_660 = arith.addi %add3A_659, %scan3A_657 : i32
      %get3A_661 = arith.index_cast %add3A_660 : i32 to index
      %get3A_662 = arith.constant 0 : index
      %get3A_663 = vector.load %arg27[%get3A_661, %get3A_662] : memref<128x512xf32, #tpu.memory_space<vmem>>, vector<1x512xf32>
      %add3A_664 = arith.constant 32 : i32
      %add3A_665 = arith.addi %add3A_664, %scan3A_657 : i32
      %get3A_666 = arith.index_cast %add3A_665 : i32 to index
      %get3A_667 = arith.constant 0 : index
      %get3A_668 = vector.load %arg26[%get3A_666, %get3A_667] : memref<128x512xf32, #tpu.memory_space<vmem>>, vector<1x512xf32>
      %concatenate3A_669 = tpu.concatenate %get3A_663, %broadcast_in_dim3A_365 in 0 : vector<1x512xf32>, vector<1x512xf32> -> vector<2x512xf32>
      %concatenate3A_670 = tpu.concatenate %broadcast_in_dim3A_365, %get3A_668 in 0 : vector<1x512xf32>, vector<1x512xf32> -> vector<2x512xf32>
      %dot_general3A_671 = arith.constant dense<0.000000e+00> : vector<512x512xf32>
      %dot_general3A_672 = tpu.matmul %concatenate3A_669, %concatenate3A_670, %dot_general3A_671 {dimension_numbers = #tpu.dot_dimension_numbers<[0], [0], [1], [1], [0, 1, 1, 1], [], []>, transpose_lhs_hint = false} : vector<2x512xf32>, vector<2x512xf32>, vector<512x512xf32> -> vector<512x512xf32>
      %bitcast_convert_type3A = tpu.bitcast %dot_general3A_672 : vector<512x512xf32> -> vector<512x512xi32>
      %and3A = vector.broadcast %scan3A_447 : i32 to vector<512x512xi32>
      %and3A_673 = arith.andi %bitcast_convert_type3A, %and3A : vector<512x512xi32>
      %add3A_674 = arith.constant 32 : i32
      %add3A_675 = arith.addi %add3A_674, %scan3A_657 : i32
      %get3A_676 = arith.index_cast %add3A_675 : i32 to index
      %get3A_677 = arith.constant 0 : index
      %get3A_678 = vector.load %arg19[%get3A_676, %get3A_677] : memref<128x1xi32, #tpu.memory_space<vmem>>, vector<1x1xi32>
      %xor3A = vector.broadcast %get3A_678 : vector<1x1xi32> to vector<512x512xi32>
      %xor3A_679 = arith.xori %and3A_673, %xor3A : vector<512x512xi32>
      %bitcast_convert_type3A_680 = tpu.bitcast %xor3A_679 : vector<512x512xi32> -> vector<512x512xf32>
      %add3A_681 = arith.addf %scan3A_658, %bitcast_convert_type3A_680 : vector<512x512xf32>
      %scan3A_682 = arith.constant 1 : i32
      %scan3A_683 = arith.addi %scan3A_657, %scan3A_682 : i32
      %add3A_684 = arith.constant 32 : i32
      %add3A_685 = arith.addi %add3A_684, %scan3A_683 : i32
      %get3A_686 = arith.index_cast %add3A_685 : i32 to index
      %get3A_687 = arith.constant 0 : index
      %get3A_688 = vector.load %arg27[%get3A_686, %get3A_687] : memref<128x512xf32, #tpu.memory_space<vmem>>, vector<1x512xf32>
      %add3A_689 = arith.constant 32 : i32
      %add3A_690 = arith.addi %add3A_689, %scan3A_683 : i32
      %get3A_691 = arith.index_cast %add3A_690 : i32 to index
      %get3A_692 = arith.constant 0 : index
      %get3A_693 = vector.load %arg26[%get3A_691, %get3A_692] : memref<128x512xf32, #tpu.memory_space<vmem>>, vector<1x512xf32>
      %concatenate3A_694 = tpu.concatenate %get3A_688, %broadcast_in_dim3A_365 in 0 : vector<1x512xf32>, vector<1x512xf32> -> vector<2x512xf32>
      %concatenate3A_695 = tpu.concatenate %broadcast_in_dim3A_365, %get3A_693 in 0 : vector<1x512xf32>, vector<1x512xf32> -> vector<2x512xf32>
      %dot_general3A_696 = arith.constant dense<0.000000e+00> : vector<512x512xf32>
      %dot_general3A_697 = tpu.matmul %concatenate3A_694, %concatenate3A_695, %dot_general3A_696 {dimension_numbers = #tpu.dot_dimension_numbers<[0], [0], [1], [1], [0, 1, 1, 1], [], []>, transpose_lhs_hint = false} : vector<2x512xf32>, vector<2x512xf32>, vector<512x512xf32> -> vector<512x512xf32>
      %bitcast_convert_type3A_698 = tpu.bitcast %dot_general3A_697 : vector<512x512xf32> -> vector<512x512xi32>
      %and3A_699 = vector.broadcast %scan3A_447 : i32 to vector<512x512xi32>
      %and3A_700 = arith.andi %bitcast_convert_type3A_698, %and3A_699 : vector<512x512xi32>
      %add3A_701 = arith.constant 32 : i32
      %add3A_702 = arith.addi %add3A_701, %scan3A_683 : i32
      %get3A_703 = arith.index_cast %add3A_702 : i32 to index
      %get3A_704 = arith.constant 0 : index
      %get3A_705 = vector.load %arg19[%get3A_703, %get3A_704] : memref<128x1xi32, #tpu.memory_space<vmem>>, vector<1x1xi32>
      %xor3A_706 = vector.broadcast %get3A_705 : vector<1x1xi32> to vector<512x512xi32>
      %xor3A_707 = arith.xori %and3A_700, %xor3A_706 : vector<512x512xi32>
      %bitcast_convert_type3A_708 = tpu.bitcast %xor3A_707 : vector<512x512xi32> -> vector<512x512xf32>
      %add3A_709 = arith.addf %add3A_681, %bitcast_convert_type3A_708 : vector<512x512xf32>
      %scan3A_710 = arith.constant 2 : i32
      %scan3A_711 = arith.addi %scan3A_657, %scan3A_710 : i32
      %add3A_712 = arith.constant 32 : i32
      %add3A_713 = arith.addi %add3A_712, %scan3A_711 : i32
      %get3A_714 = arith.index_cast %add3A_713 : i32 to index
      %get3A_715 = arith.constant 0 : index
      %get3A_716 = vector.load %arg27[%get3A_714, %get3A_715] : memref<128x512xf32, #tpu.memory_space<vmem>>, vector<1x512xf32>
      %add3A_717 = arith.constant 32 : i32
      %add3A_718 = arith.addi %add3A_717, %scan3A_711 : i32
      %get3A_719 = arith.index_cast %add3A_718 : i32 to index
      %get3A_720 = arith.constant 0 : index
      %get3A_721 = vector.load %arg26[%get3A_719, %get3A_720] : memref<128x512xf32, #tpu.memory_space<vmem>>, vector<1x512xf32>
      %concatenate3A_722 = tpu.concatenate %get3A_716, %broadcast_in_dim3A_365 in 0 : vector<1x512xf32>, vector<1x512xf32> -> vector<2x512xf32>
      %concatenate3A_723 = tpu.concatenate %broadcast_in_dim3A_365, %get3A_721 in 0 : vector<1x512xf32>, vector<1x512xf32> -> vector<2x512xf32>
      %dot_general3A_724 = arith.constant dense<0.000000e+00> : vector<512x512xf32>
      %dot_general3A_725 = tpu.matmul %concatenate3A_722, %concatenate3A_723, %dot_general3A_724 {dimension_numbers = #tpu.dot_dimension_numbers<[0], [0], [1], [1], [0, 1, 1, 1], [], []>, transpose_lhs_hint = false} : vector<2x512xf32>, vector<2x512xf32>, vector<512x512xf32> -> vector<512x512xf32>
      %bitcast_convert_type3A_726 = tpu.bitcast %dot_general3A_725 : vector<512x512xf32> -> vector<512x512xi32>
      %and3A_727 = vector.broadcast %scan3A_447 : i32 to vector<512x512xi32>
      %and3A_728 = arith.andi %bitcast_convert_type3A_726, %and3A_727 : vector<512x512xi32>
      %add3A_729 = arith.constant 32 : i32
      %add3A_730 = arith.addi %add3A_729, %scan3A_711 : i32
      %get3A_731 = arith.index_cast %add3A_730 : i32 to index
      %get3A_732 = arith.constant 0 : index
      %get3A_733 = vector.load %arg19[%get3A_731, %get3A_732] : memref<128x1xi32, #tpu.memory_space<vmem>>, vector<1x1xi32>
      %xor3A_734 = vector.broadcast %get3A_733 : vector<1x1xi32> to vector<512x512xi32>
      %xor3A_735 = arith.xori %and3A_728, %xor3A_734 : vector<512x512xi32>
      %bitcast_convert_type3A_736 = tpu.bitcast %xor3A_735 : vector<512x512xi32> -> vector<512x512xf32>
      %add3A_737 = arith.addf %add3A_709, %bitcast_convert_type3A_736 : vector<512x512xf32>
      %scan3A_738 = arith.constant 3 : i32
      %scan3A_739 = arith.addi %scan3A_657, %scan3A_738 : i32
      %add3A_740 = arith.constant 32 : i32
      %add3A_741 = arith.addi %add3A_740, %scan3A_739 : i32
      %get3A_742 = arith.index_cast %add3A_741 : i32 to index
      %get3A_743 = arith.constant 0 : index
      %get3A_744 = vector.load %arg27[%get3A_742, %get3A_743] : memref<128x512xf32, #tpu.memory_space<vmem>>, vector<1x512xf32>
      %add3A_745 = arith.constant 32 : i32
      %add3A_746 = arith.addi %add3A_745, %scan3A_739 : i32
      %get3A_747 = arith.index_cast %add3A_746 : i32 to index
      %get3A_748 = arith.constant 0 : index
      %get3A_749 = vector.load %arg26[%get3A_747, %get3A_748] : memref<128x512xf32, #tpu.memory_space<vmem>>, vector<1x512xf32>
      %concatenate3A_750 = tpu.concatenate %get3A_744, %broadcast_in_dim3A_365 in 0 : vector<1x512xf32>, vector<1x512xf32> -> vector<2x512xf32>
      %concatenate3A_751 = tpu.concatenate %broadcast_in_dim3A_365, %get3A_749 in 0 : vector<1x512xf32>, vector<1x512xf32> -> vector<2x512xf32>
      %dot_general3A_752 = arith.constant dense<0.000000e+00> : vector<512x512xf32>
      %dot_general3A_753 = tpu.matmul %concatenate3A_750, %concatenate3A_751, %dot_general3A_752 {dimension_numbers = #tpu.dot_dimension_numbers<[0], [0], [1], [1], [0, 1, 1, 1], [], []>, transpose_lhs_hint = false} : vector<2x512xf32>, vector<2x512xf32>, vector<512x512xf32> -> vector<512x512xf32>
      %bitcast_convert_type3A_754 = tpu.bitcast %dot_general3A_753 : vector<512x512xf32> -> vector<512x512xi32>
      %and3A_755 = vector.broadcast %scan3A_447 : i32 to vector<512x512xi32>
      %and3A_756 = arith.andi %bitcast_convert_type3A_754, %and3A_755 : vector<512x512xi32>
      %add3A_757 = arith.constant 32 : i32
      %add3A_758 = arith.addi %add3A_757, %scan3A_739 : i32
      %get3A_759 = arith.index_cast %add3A_758 : i32 to index
      %get3A_760 = arith.constant 0 : index
      %get3A_761 = vector.load %arg19[%get3A_759, %get3A_760] : memref<128x1xi32, #tpu.memory_space<vmem>>, vector<1x1xi32>
      %xor3A_762 = vector.broadcast %get3A_761 : vector<1x1xi32> to vector<512x512xi32>
      %xor3A_763 = arith.xori %and3A_756, %xor3A_762 : vector<512x512xi32>
      %bitcast_convert_type3A_764 = tpu.bitcast %xor3A_763 : vector<512x512xi32> -> vector<512x512xf32>
      %add3A_765 = arith.addf %add3A_737, %bitcast_convert_type3A_764 : vector<512x512xf32>
      %scan3A_766 = arith.constant 4 : i32
      %scan3A_767 = arith.addi %scan3A_657, %scan3A_766 : i32
      %add3A_768 = arith.constant 32 : i32
      %add3A_769 = arith.addi %add3A_768, %scan3A_767 : i32
      %get3A_770 = arith.index_cast %add3A_769 : i32 to index
      %get3A_771 = arith.constant 0 : index
      %get3A_772 = vector.load %arg27[%get3A_770, %get3A_771] : memref<128x512xf32, #tpu.memory_space<vmem>>, vector<1x512xf32>
      %add3A_773 = arith.constant 32 : i32
      %add3A_774 = arith.addi %add3A_773, %scan3A_767 : i32
      %get3A_775 = arith.index_cast %add3A_774 : i32 to index
      %get3A_776 = arith.constant 0 : index
      %get3A_777 = vector.load %arg26[%get3A_775, %get3A_776] : memref<128x512xf32, #tpu.memory_space<vmem>>, vector<1x512xf32>
      %concatenate3A_778 = tpu.concatenate %get3A_772, %broadcast_in_dim3A_365 in 0 : vector<1x512xf32>, vector<1x512xf32> -> vector<2x512xf32>
      %concatenate3A_779 = tpu.concatenate %broadcast_in_dim3A_365, %get3A_777 in 0 : vector<1x512xf32>, vector<1x512xf32> -> vector<2x512xf32>
      %dot_general3A_780 = arith.constant dense<0.000000e+00> : vector<512x512xf32>
      %dot_general3A_781 = tpu.matmul %concatenate3A_778, %concatenate3A_779, %dot_general3A_780 {dimension_numbers = #tpu.dot_dimension_numbers<[0], [0], [1], [1], [0, 1, 1, 1], [], []>, transpose_lhs_hint = false} : vector<2x512xf32>, vector<2x512xf32>, vector<512x512xf32> -> vector<512x512xf32>
      %bitcast_convert_type3A_782 = tpu.bitcast %dot_general3A_781 : vector<512x512xf32> -> vector<512x512xi32>
      %and3A_783 = vector.broadcast %scan3A_447 : i32 to vector<512x512xi32>
      %and3A_784 = arith.andi %bitcast_convert_type3A_782, %and3A_783 : vector<512x512xi32>
      %add3A_785 = arith.constant 32 : i32
      %add3A_786 = arith.addi %add3A_785, %scan3A_767 : i32
      %get3A_787 = arith.index_cast %add3A_786 : i32 to index
      %get3A_788 = arith.constant 0 : index
      %get3A_789 = vector.load %arg19[%get3A_787, %get3A_788] : memref<128x1xi32, #tpu.memory_space<vmem>>, vector<1x1xi32>
      %xor3A_790 = vector.broadcast %get3A_789 : vector<1x1xi32> to vector<512x512xi32>
      %xor3A_791 = arith.xori %and3A_784, %xor3A_790 : vector<512x512xi32>
      %bitcast_convert_type3A_792 = tpu.bitcast %xor3A_791 : vector<512x512xi32> -> vector<512x512xf32>
      %add3A_793 = arith.addf %add3A_765, %bitcast_convert_type3A_792 : vector<512x512xf32>
      %scan3A_794 = arith.constant 5 : i32
      %scan3A_795 = arith.addi %scan3A_657, %scan3A_794 : i32
      %add3A_796 = arith.constant 32 : i32
      %add3A_797 = arith.addi %add3A_796, %scan3A_795 : i32
      %get3A_798 = arith.index_cast %add3A_797 : i32 to index
      %get3A_799 = arith.constant 0 : index
      %get3A_800 = vector.load %arg27[%get3A_798, %get3A_799] : memref<128x512xf32, #tpu.memory_space<vmem>>, vector<1x512xf32>
      %add3A_801 = arith.constant 32 : i32
      %add3A_802 = arith.addi %add3A_801, %scan3A_795 : i32
      %get3A_803 = arith.index_cast %add3A_802 : i32 to index
      %get3A_804 = arith.constant 0 : index
      %get3A_805 = vector.load %arg26[%get3A_803, %get3A_804] : memref<128x512xf32, #tpu.memory_space<vmem>>, vector<1x512xf32>
      %concatenate3A_806 = tpu.concatenate %get3A_800, %broadcast_in_dim3A_365 in 0 : vector<1x512xf32>, vector<1x512xf32> -> vector<2x512xf32>
      %concatenate3A_807 = tpu.concatenate %broadcast_in_dim3A_365, %get3A_805 in 0 : vector<1x512xf32>, vector<1x512xf32> -> vector<2x512xf32>
      %dot_general3A_808 = arith.constant dense<0.000000e+00> : vector<512x512xf32>
      %dot_general3A_809 = tpu.matmul %concatenate3A_806, %concatenate3A_807, %dot_general3A_808 {dimension_numbers = #tpu.dot_dimension_numbers<[0], [0], [1], [1], [0, 1, 1, 1], [], []>, transpose_lhs_hint = false} : vector<2x512xf32>, vector<2x512xf32>, vector<512x512xf32> -> vector<512x512xf32>
      %bitcast_convert_type3A_810 = tpu.bitcast %dot_general3A_809 : vector<512x512xf32> -> vector<512x512xi32>
      %and3A_811 = vector.broadcast %scan3A_447 : i32 to vector<512x512xi32>
      %and3A_812 = arith.andi %bitcast_convert_type3A_810, %and3A_811 : vector<512x512xi32>
      %add3A_813 = arith.constant 32 : i32
      %add3A_814 = arith.addi %add3A_813, %scan3A_795 : i32
      %get3A_815 = arith.index_cast %add3A_814 : i32 to index
      %get3A_816 = arith.constant 0 : index
      %get3A_817 = vector.load %arg19[%get3A_815, %get3A_816] : memref<128x1xi32, #tpu.memory_space<vmem>>, vector<1x1xi32>
      %xor3A_818 = vector.broadcast %get3A_817 : vector<1x1xi32> to vector<512x512xi32>
      %xor3A_819 = arith.xori %and3A_812, %xor3A_818 : vector<512x512xi32>
      %bitcast_convert_type3A_820 = tpu.bitcast %xor3A_819 : vector<512x512xi32> -> vector<512x512xf32>
      %add3A_821 = arith.addf %add3A_793, %bitcast_convert_type3A_820 : vector<512x512xf32>
      %scan3A_822 = arith.constant 6 : i32
      %scan3A_823 = arith.addi %scan3A_657, %scan3A_822 : i32
      %add3A_824 = arith.constant 32 : i32
      %add3A_825 = arith.addi %add3A_824, %scan3A_823 : i32
      %get3A_826 = arith.index_cast %add3A_825 : i32 to index
      %get3A_827 = arith.constant 0 : index
      %get3A_828 = vector.load %arg27[%get3A_826, %get3A_827] : memref<128x512xf32, #tpu.memory_space<vmem>>, vector<1x512xf32>
      %add3A_829 = arith.constant 32 : i32
      %add3A_830 = arith.addi %add3A_829, %scan3A_823 : i32
      %get3A_831 = arith.index_cast %add3A_830 : i32 to index
      %get3A_832 = arith.constant 0 : index
      %get3A_833 = vector.load %arg26[%get3A_831, %get3A_832] : memref<128x512xf32, #tpu.memory_space<vmem>>, vector<1x512xf32>
      %concatenate3A_834 = tpu.concatenate %get3A_828, %broadcast_in_dim3A_365 in 0 : vector<1x512xf32>, vector<1x512xf32> -> vector<2x512xf32>
      %concatenate3A_835 = tpu.concatenate %broadcast_in_dim3A_365, %get3A_833 in 0 : vector<1x512xf32>, vector<1x512xf32> -> vector<2x512xf32>
      %dot_general3A_836 = arith.constant dense<0.000000e+00> : vector<512x512xf32>
      %dot_general3A_837 = tpu.matmul %concatenate3A_834, %concatenate3A_835, %dot_general3A_836 {dimension_numbers = #tpu.dot_dimension_numbers<[0], [0], [1], [1], [0, 1, 1, 1], [], []>, transpose_lhs_hint = false} : vector<2x512xf32>, vector<2x512xf32>, vector<512x512xf32> -> vector<512x512xf32>
      %bitcast_convert_type3A_838 = tpu.bitcast %dot_general3A_837 : vector<512x512xf32> -> vector<512x512xi32>
      %and3A_839 = vector.broadcast %scan3A_447 : i32 to vector<512x512xi32>
      %and3A_840 = arith.andi %bitcast_convert_type3A_838, %and3A_839 : vector<512x512xi32>
      %add3A_841 = arith.constant 32 : i32
      %add3A_842 = arith.addi %add3A_841, %scan3A_823 : i32
      %get3A_843 = arith.index_cast %add3A_842 : i32 to index
      %get3A_844 = arith.constant 0 : index
      %get3A_845 = vector.load %arg19[%get3A_843, %get3A_844] : memref<128x1xi32, #tpu.memory_space<vmem>>, vector<1x1xi32>
      %xor3A_846 = vector.broadcast %get3A_845 : vector<1x1xi32> to vector<512x512xi32>
      %xor3A_847 = arith.xori %and3A_840, %xor3A_846 : vector<512x512xi32>
      %bitcast_convert_type3A_848 = tpu.bitcast %xor3A_847 : vector<512x512xi32> -> vector<512x512xf32>
      %add3A_849 = arith.addf %add3A_821, %bitcast_convert_type3A_848 : vector<512x512xf32>
      %scan3A_850 = arith.constant 7 : i32
      %scan3A_851 = arith.addi %scan3A_657, %scan3A_850 : i32
      %add3A_852 = arith.constant 32 : i32
      %add3A_853 = arith.addi %add3A_852, %scan3A_851 : i32
      %get3A_854 = arith.index_cast %add3A_853 : i32 to index
      %get3A_855 = arith.constant 0 : index
      %get3A_856 = vector.load %arg27[%get3A_854, %get3A_855] : memref<128x512xf32, #tpu.memory_space<vmem>>, vector<1x512xf32>
      %add3A_857 = arith.constant 32 : i32
      %add3A_858 = arith.addi %add3A_857, %scan3A_851 : i32
      %get3A_859 = arith.index_cast %add3A_858 : i32 to index
      %get3A_860 = arith.constant 0 : index
      %get3A_861 = vector.load %arg26[%get3A_859, %get3A_860] : memref<128x512xf32, #tpu.memory_space<vmem>>, vector<1x512xf32>
      %concatenate3A_862 = tpu.concatenate %get3A_856, %broadcast_in_dim3A_365 in 0 : vector<1x512xf32>, vector<1x512xf32> -> vector<2x512xf32>
      %concatenate3A_863 = tpu.concatenate %broadcast_in_dim3A_365, %get3A_861 in 0 : vector<1x512xf32>, vector<1x512xf32> -> vector<2x512xf32>
      %dot_general3A_864 = arith.constant dense<0.000000e+00> : vector<512x512xf32>
      %dot_general3A_865 = tpu.matmul %concatenate3A_862, %concatenate3A_863, %dot_general3A_864 {dimension_numbers = #tpu.dot_dimension_numbers<[0], [0], [1], [1], [0, 1, 1, 1], [], []>, transpose_lhs_hint = false} : vector<2x512xf32>, vector<2x512xf32>, vector<512x512xf32> -> vector<512x512xf32>
      %bitcast_convert_type3A_866 = tpu.bitcast %dot_general3A_865 : vector<512x512xf32> -> vector<512x512xi32>
      %and3A_867 = vector.broadcast %scan3A_447 : i32 to vector<512x512xi32>
      %and3A_868 = arith.andi %bitcast_convert_type3A_866, %and3A_867 : vector<512x512xi32>
      %add3A_869 = arith.constant 32 : i32
      %add3A_870 = arith.addi %add3A_869, %scan3A_851 : i32
      %get3A_871 = arith.index_cast %add3A_870 : i32 to index
      %get3A_872 = arith.constant 0 : index
      %get3A_873 = vector.load %arg19[%get3A_871, %get3A_872] : memref<128x1xi32, #tpu.memory_space<vmem>>, vector<1x1xi32>
      %xor3A_874 = vector.broadcast %get3A_873 : vector<1x1xi32> to vector<512x512xi32>
      %xor3A_875 = arith.xori %and3A_868, %xor3A_874 : vector<512x512xi32>
      %bitcast_convert_type3A_876 = tpu.bitcast %xor3A_875 : vector<512x512xi32> -> vector<512x512xf32>
      %add3A_877 = arith.addf %add3A_849, %bitcast_convert_type3A_876 : vector<512x512xf32>
      %scan3A_878 = arith.constant 8 : i32
      %scan3A_879 = arith.addi %scan3A_657, %scan3A_878 : i32
      %add3A_880 = arith.constant 32 : i32
      %add3A_881 = arith.addi %add3A_880, %scan3A_879 : i32
      %get3A_882 = arith.index_cast %add3A_881 : i32 to index
      %get3A_883 = arith.constant 0 : index
      %get3A_884 = vector.load %arg27[%get3A_882, %get3A_883] : memref<128x512xf32, #tpu.memory_space<vmem>>, vector<1x512xf32>
      %add3A_885 = arith.constant 32 : i32
      %add3A_886 = arith.addi %add3A_885, %scan3A_879 : i32
      %get3A_887 = arith.index_cast %add3A_886 : i32 to index
      %get3A_888 = arith.constant 0 : index
      %get3A_889 = vector.load %arg26[%get3A_887, %get3A_888] : memref<128x512xf32, #tpu.memory_space<vmem>>, vector<1x512xf32>
      %concatenate3A_890 = tpu.concatenate %get3A_884, %broadcast_in_dim3A_365 in 0 : vector<1x512xf32>, vector<1x512xf32> -> vector<2x512xf32>
      %concatenate3A_891 = tpu.concatenate %broadcast_in_dim3A_365, %get3A_889 in 0 : vector<1x512xf32>, vector<1x512xf32> -> vector<2x512xf32>
      %dot_general3A_892 = arith.constant dense<0.000000e+00> : vector<512x512xf32>
      %dot_general3A_893 = tpu.matmul %concatenate3A_890, %concatenate3A_891, %dot_general3A_892 {dimension_numbers = #tpu.dot_dimension_numbers<[0], [0], [1], [1], [0, 1, 1, 1], [], []>, transpose_lhs_hint = false} : vector<2x512xf32>, vector<2x512xf32>, vector<512x512xf32> -> vector<512x512xf32>
      %bitcast_convert_type3A_894 = tpu.bitcast %dot_general3A_893 : vector<512x512xf32> -> vector<512x512xi32>
      %and3A_895 = vector.broadcast %scan3A_447 : i32 to vector<512x512xi32>
      %and3A_896 = arith.andi %bitcast_convert_type3A_894, %and3A_895 : vector<512x512xi32>
      %add3A_897 = arith.constant 32 : i32
      %add3A_898 = arith.addi %add3A_897, %scan3A_879 : i32
      %get3A_899 = arith.index_cast %add3A_898 : i32 to index
      %get3A_900 = arith.constant 0 : index
      %get3A_901 = vector.load %arg19[%get3A_899, %get3A_900] : memref<128x1xi32, #tpu.memory_space<vmem>>, vector<1x1xi32>
      %xor3A_902 = vector.broadcast %get3A_901 : vector<1x1xi32> to vector<512x512xi32>
      %xor3A_903 = arith.xori %and3A_896, %xor3A_902 : vector<512x512xi32>
      %bitcast_convert_type3A_904 = tpu.bitcast %xor3A_903 : vector<512x512xi32> -> vector<512x512xf32>
      %add3A_905 = arith.addf %add3A_877, %bitcast_convert_type3A_904 : vector<512x512xf32>
      %scan3A_906 = arith.constant 9 : i32
      %scan3A_907 = arith.addi %scan3A_657, %scan3A_906 : i32
      %add3A_908 = arith.constant 32 : i32
      %add3A_909 = arith.addi %add3A_908, %scan3A_907 : i32
      %get3A_910 = arith.index_cast %add3A_909 : i32 to index
      %get3A_911 = arith.constant 0 : index
      %get3A_912 = vector.load %arg27[%get3A_910, %get3A_911] : memref<128x512xf32, #tpu.memory_space<vmem>>, vector<1x512xf32>
      %add3A_913 = arith.constant 32 : i32
      %add3A_914 = arith.addi %add3A_913, %scan3A_907 : i32
      %get3A_915 = arith.index_cast %add3A_914 : i32 to index
      %get3A_916 = arith.constant 0 : index
      %get3A_917 = vector.load %arg26[%get3A_915, %get3A_916] : memref<128x512xf32, #tpu.memory_space<vmem>>, vector<1x512xf32>
      %concatenate3A_918 = tpu.concatenate %get3A_912, %broadcast_in_dim3A_365 in 0 : vector<1x512xf32>, vector<1x512xf32> -> vector<2x512xf32>
      %concatenate3A_919 = tpu.concatenate %broadcast_in_dim3A_365, %get3A_917 in 0 : vector<1x512xf32>, vector<1x512xf32> -> vector<2x512xf32>
      %dot_general3A_920 = arith.constant dense<0.000000e+00> : vector<512x512xf32>
      %dot_general3A_921 = tpu.matmul %concatenate3A_918, %concatenate3A_919, %dot_general3A_920 {dimension_numbers = #tpu.dot_dimension_numbers<[0], [0], [1], [1], [0, 1, 1, 1], [], []>, transpose_lhs_hint = false} : vector<2x512xf32>, vector<2x512xf32>, vector<512x512xf32> -> vector<512x512xf32>
      %bitcast_convert_type3A_922 = tpu.bitcast %dot_general3A_921 : vector<512x512xf32> -> vector<512x512xi32>
      %and3A_923 = vector.broadcast %scan3A_447 : i32 to vector<512x512xi32>
      %and3A_924 = arith.andi %bitcast_convert_type3A_922, %and3A_923 : vector<512x512xi32>
      %add3A_925 = arith.constant 32 : i32
      %add3A_926 = arith.addi %add3A_925, %scan3A_907 : i32
      %get3A_927 = arith.index_cast %add3A_926 : i32 to index
      %get3A_928 = arith.constant 0 : index
      %get3A_929 = vector.load %arg19[%get3A_927, %get3A_928] : memref<128x1xi32, #tpu.memory_space<vmem>>, vector<1x1xi32>
      %xor3A_930 = vector.broadcast %get3A_929 : vector<1x1xi32> to vector<512x512xi32>
      %xor3A_931 = arith.xori %and3A_924, %xor3A_930 : vector<512x512xi32>
      %bitcast_convert_type3A_932 = tpu.bitcast %xor3A_931 : vector<512x512xi32> -> vector<512x512xf32>
      %add3A_933 = arith.addf %add3A_905, %bitcast_convert_type3A_932 : vector<512x512xf32>
      %scan3A_934 = arith.constant 10 : i32
      %scan3A_935 = arith.addi %scan3A_657, %scan3A_934 : i32
      %add3A_936 = arith.constant 32 : i32
      %add3A_937 = arith.addi %add3A_936, %scan3A_935 : i32
      %get3A_938 = arith.index_cast %add3A_937 : i32 to index
      %get3A_939 = arith.constant 0 : index
      %get3A_940 = vector.load %arg27[%get3A_938, %get3A_939] : memref<128x512xf32, #tpu.memory_space<vmem>>, vector<1x512xf32>
      %add3A_941 = arith.constant 32 : i32
      %add3A_942 = arith.addi %add3A_941, %scan3A_935 : i32
      %get3A_943 = arith.index_cast %add3A_942 : i32 to index
      %get3A_944 = arith.constant 0 : index
      %get3A_945 = vector.load %arg26[%get3A_943, %get3A_944] : memref<128x512xf32, #tpu.memory_space<vmem>>, vector<1x512xf32>
      %concatenate3A_946 = tpu.concatenate %get3A_940, %broadcast_in_dim3A_365 in 0 : vector<1x512xf32>, vector<1x512xf32> -> vector<2x512xf32>
      %concatenate3A_947 = tpu.concatenate %broadcast_in_dim3A_365, %get3A_945 in 0 : vector<1x512xf32>, vector<1x512xf32> -> vector<2x512xf32>
      %dot_general3A_948 = arith.constant dense<0.000000e+00> : vector<512x512xf32>
      %dot_general3A_949 = tpu.matmul %concatenate3A_946, %concatenate3A_947, %dot_general3A_948 {dimension_numbers = #tpu.dot_dimension_numbers<[0], [0], [1], [1], [0, 1, 1, 1], [], []>, transpose_lhs_hint = false} : vector<2x512xf32>, vector<2x512xf32>, vector<512x512xf32> -> vector<512x512xf32>
      %bitcast_convert_type3A_950 = tpu.bitcast %dot_general3A_949 : vector<512x512xf32> -> vector<512x512xi32>
      %and3A_951 = vector.broadcast %scan3A_447 : i32 to vector<512x512xi32>
      %and3A_952 = arith.andi %bitcast_convert_type3A_950, %and3A_951 : vector<512x512xi32>
      %add3A_953 = arith.constant 32 : i32
      %add3A_954 = arith.addi %add3A_953, %scan3A_935 : i32
      %get3A_955 = arith.index_cast %add3A_954 : i32 to index
      %get3A_956 = arith.constant 0 : index
      %get3A_957 = vector.load %arg19[%get3A_955, %get3A_956] : memref<128x1xi32, #tpu.memory_space<vmem>>, vector<1x1xi32>
      %xor3A_958 = vector.broadcast %get3A_957 : vector<1x1xi32> to vector<512x512xi32>
      %xor3A_959 = arith.xori %and3A_952, %xor3A_958 : vector<512x512xi32>
      %bitcast_convert_type3A_960 = tpu.bitcast %xor3A_959 : vector<512x512xi32> -> vector<512x512xf32>
      %add3A_961 = arith.addf %add3A_933, %bitcast_convert_type3A_960 : vector<512x512xf32>
      %scan3A_962 = arith.constant 11 : i32
      %scan3A_963 = arith.addi %scan3A_657, %scan3A_962 : i32
      %add3A_964 = arith.constant 32 : i32
      %add3A_965 = arith.addi %add3A_964, %scan3A_963 : i32
      %get3A_966 = arith.index_cast %add3A_965 : i32 to index
      %get3A_967 = arith.constant 0 : index
      %get3A_968 = vector.load %arg27[%get3A_966, %get3A_967] : memref<128x512xf32, #tpu.memory_space<vmem>>, vector<1x512xf32>
      %add3A_969 = arith.constant 32 : i32
      %add3A_970 = arith.addi %add3A_969, %scan3A_963 : i32
      %get3A_971 = arith.index_cast %add3A_970 : i32 to index
      %get3A_972 = arith.constant 0 : index
      %get3A_973 = vector.load %arg26[%get3A_971, %get3A_972] : memref<128x512xf32, #tpu.memory_space<vmem>>, vector<1x512xf32>
      %concatenate3A_974 = tpu.concatenate %get3A_968, %broadcast_in_dim3A_365 in 0 : vector<1x512xf32>, vector<1x512xf32> -> vector<2x512xf32>
      %concatenate3A_975 = tpu.concatenate %broadcast_in_dim3A_365, %get3A_973 in 0 : vector<1x512xf32>, vector<1x512xf32> -> vector<2x512xf32>
      %dot_general3A_976 = arith.constant dense<0.000000e+00> : vector<512x512xf32>
      %dot_general3A_977 = tpu.matmul %concatenate3A_974, %concatenate3A_975, %dot_general3A_976 {dimension_numbers = #tpu.dot_dimension_numbers<[0], [0], [1], [1], [0, 1, 1, 1], [], []>, transpose_lhs_hint = false} : vector<2x512xf32>, vector<2x512xf32>, vector<512x512xf32> -> vector<512x512xf32>
      %bitcast_convert_type3A_978 = tpu.bitcast %dot_general3A_977 : vector<512x512xf32> -> vector<512x512xi32>
      %and3A_979 = vector.broadcast %scan3A_447 : i32 to vector<512x512xi32>
      %and3A_980 = arith.andi %bitcast_convert_type3A_978, %and3A_979 : vector<512x512xi32>
      %add3A_981 = arith.constant 32 : i32
      %add3A_982 = arith.addi %add3A_981, %scan3A_963 : i32
      %get3A_983 = arith.index_cast %add3A_982 : i32 to index
      %get3A_984 = arith.constant 0 : index
      %get3A_985 = vector.load %arg19[%get3A_983, %get3A_984] : memref<128x1xi32, #tpu.memory_space<vmem>>, vector<1x1xi32>
      %xor3A_986 = vector.broadcast %get3A_985 : vector<1x1xi32> to vector<512x512xi32>
      %xor3A_987 = arith.xori %and3A_980, %xor3A_986 : vector<512x512xi32>
      %bitcast_convert_type3A_988 = tpu.bitcast %xor3A_987 : vector<512x512xi32> -> vector<512x512xf32>
      %add3A_989 = arith.addf %add3A_961, %bitcast_convert_type3A_988 : vector<512x512xf32>
      %scan3A_990 = arith.constant 12 : i32
      %scan3A_991 = arith.addi %scan3A_657, %scan3A_990 : i32
      %add3A_992 = arith.constant 32 : i32
      %add3A_993 = arith.addi %add3A_992, %scan3A_991 : i32
      %get3A_994 = arith.index_cast %add3A_993 : i32 to index
      %get3A_995 = arith.constant 0 : index
      %get3A_996 = vector.load %arg27[%get3A_994, %get3A_995] : memref<128x512xf32, #tpu.memory_space<vmem>>, vector<1x512xf32>
      %add3A_997 = arith.constant 32 : i32
      %add3A_998 = arith.addi %add3A_997, %scan3A_991 : i32
      %get3A_999 = arith.index_cast %add3A_998 : i32 to index
      %get3A_1000 = arith.constant 0 : index
      %get3A_1001 = vector.load %arg26[%get3A_999, %get3A_1000] : memref<128x512xf32, #tpu.memory_space<vmem>>, vector<1x512xf32>
      %concatenate3A_1002 = tpu.concatenate %get3A_996, %broadcast_in_dim3A_365 in 0 : vector<1x512xf32>, vector<1x512xf32> -> vector<2x512xf32>
      %concatenate3A_1003 = tpu.concatenate %broadcast_in_dim3A_365, %get3A_1001 in 0 : vector<1x512xf32>, vector<1x512xf32> -> vector<2x512xf32>
      %dot_general3A_1004 = arith.constant dense<0.000000e+00> : vector<512x512xf32>
      %dot_general3A_1005 = tpu.matmul %concatenate3A_1002, %concatenate3A_1003, %dot_general3A_1004 {dimension_numbers = #tpu.dot_dimension_numbers<[0], [0], [1], [1], [0, 1, 1, 1], [], []>, transpose_lhs_hint = false} : vector<2x512xf32>, vector<2x512xf32>, vector<512x512xf32> -> vector<512x512xf32>
      %bitcast_convert_type3A_1006 = tpu.bitcast %dot_general3A_1005 : vector<512x512xf32> -> vector<512x512xi32>
      %and3A_1007 = vector.broadcast %scan3A_447 : i32 to vector<512x512xi32>
      %and3A_1008 = arith.andi %bitcast_convert_type3A_1006, %and3A_1007 : vector<512x512xi32>
      %add3A_1009 = arith.constant 32 : i32
      %add3A_1010 = arith.addi %add3A_1009, %scan3A_991 : i32
      %get3A_1011 = arith.index_cast %add3A_1010 : i32 to index
      %get3A_1012 = arith.constant 0 : index
      %get3A_1013 = vector.load %arg19[%get3A_1011, %get3A_1012] : memref<128x1xi32, #tpu.memory_space<vmem>>, vector<1x1xi32>
      %xor3A_1014 = vector.broadcast %get3A_1013 : vector<1x1xi32> to vector<512x512xi32>
      %xor3A_1015 = arith.xori %and3A_1008, %xor3A_1014 : vector<512x512xi32>
      %bitcast_convert_type3A_1016 = tpu.bitcast %xor3A_1015 : vector<512x512xi32> -> vector<512x512xf32>
      %add3A_1017 = arith.addf %add3A_989, %bitcast_convert_type3A_1016 : vector<512x512xf32>
      %scan3A_1018 = arith.constant 13 : i32
      %scan3A_1019 = arith.addi %scan3A_657, %scan3A_1018 : i32
      %add3A_1020 = arith.constant 32 : i32
      %add3A_1021 = arith.addi %add3A_1020, %scan3A_1019 : i32
      %get3A_1022 = arith.index_cast %add3A_1021 : i32 to index
      %get3A_1023 = arith.constant 0 : index
      %get3A_1024 = vector.load %arg27[%get3A_1022, %get3A_1023] : memref<128x512xf32, #tpu.memory_space<vmem>>, vector<1x512xf32>
      %add3A_1025 = arith.constant 32 : i32
      %add3A_1026 = arith.addi %add3A_1025, %scan3A_1019 : i32
      %get3A_1027 = arith.index_cast %add3A_1026 : i32 to index
      %get3A_1028 = arith.constant 0 : index
      %get3A_1029 = vector.load %arg26[%get3A_1027, %get3A_1028] : memref<128x512xf32, #tpu.memory_space<vmem>>, vector<1x512xf32>
      %concatenate3A_1030 = tpu.concatenate %get3A_1024, %broadcast_in_dim3A_365 in 0 : vector<1x512xf32>, vector<1x512xf32> -> vector<2x512xf32>
      %concatenate3A_1031 = tpu.concatenate %broadcast_in_dim3A_365, %get3A_1029 in 0 : vector<1x512xf32>, vector<1x512xf32> -> vector<2x512xf32>
      %dot_general3A_1032 = arith.constant dense<0.000000e+00> : vector<512x512xf32>
      %dot_general3A_1033 = tpu.matmul %concatenate3A_1030, %concatenate3A_1031, %dot_general3A_1032 {dimension_numbers = #tpu.dot_dimension_numbers<[0], [0], [1], [1], [0, 1, 1, 1], [], []>, transpose_lhs_hint = false} : vector<2x512xf32>, vector<2x512xf32>, vector<512x512xf32> -> vector<512x512xf32>
      %bitcast_convert_type3A_1034 = tpu.bitcast %dot_general3A_1033 : vector<512x512xf32> -> vector<512x512xi32>
      %and3A_1035 = vector.broadcast %scan3A_447 : i32 to vector<512x512xi32>
      %and3A_1036 = arith.andi %bitcast_convert_type3A_1034, %and3A_1035 : vector<512x512xi32>
      %add3A_1037 = arith.constant 32 : i32
      %add3A_1038 = arith.addi %add3A_1037, %scan3A_1019 : i32
      %get3A_1039 = arith.index_cast %add3A_1038 : i32 to index
      %get3A_1040 = arith.constant 0 : index
      %get3A_1041 = vector.load %arg19[%get3A_1039, %get3A_1040] : memref<128x1xi32, #tpu.memory_space<vmem>>, vector<1x1xi32>
      %xor3A_1042 = vector.broadcast %get3A_1041 : vector<1x1xi32> to vector<512x512xi32>
      %xor3A_1043 = arith.xori %and3A_1036, %xor3A_1042 : vector<512x512xi32>
      %bitcast_convert_type3A_1044 = tpu.bitcast %xor3A_1043 : vector<512x512xi32> -> vector<512x512xf32>
      %add3A_1045 = arith.addf %add3A_1017, %bitcast_convert_type3A_1044 : vector<512x512xf32>
      %scan3A_1046 = arith.constant 14 : i32
      %scan3A_1047 = arith.addi %scan3A_657, %scan3A_1046 : i32
      %add3A_1048 = arith.constant 32 : i32
      %add3A_1049 = arith.addi %add3A_1048, %scan3A_1047 : i32
      %get3A_1050 = arith.index_cast %add3A_1049 : i32 to index
      %get3A_1051 = arith.constant 0 : index
      %get3A_1052 = vector.load %arg27[%get3A_1050, %get3A_1051] : memref<128x512xf32, #tpu.memory_space<vmem>>, vector<1x512xf32>
      %add3A_1053 = arith.constant 32 : i32
      %add3A_1054 = arith.addi %add3A_1053, %scan3A_1047 : i32
      %get3A_1055 = arith.index_cast %add3A_1054 : i32 to index
      %get3A_1056 = arith.constant 0 : index
      %get3A_1057 = vector.load %arg26[%get3A_1055, %get3A_1056] : memref<128x512xf32, #tpu.memory_space<vmem>>, vector<1x512xf32>
      %concatenate3A_1058 = tpu.concatenate %get3A_1052, %broadcast_in_dim3A_365 in 0 : vector<1x512xf32>, vector<1x512xf32> -> vector<2x512xf32>
      %concatenate3A_1059 = tpu.concatenate %broadcast_in_dim3A_365, %get3A_1057 in 0 : vector<1x512xf32>, vector<1x512xf32> -> vector<2x512xf32>
      %dot_general3A_1060 = arith.constant dense<0.000000e+00> : vector<512x512xf32>
      %dot_general3A_1061 = tpu.matmul %concatenate3A_1058, %concatenate3A_1059, %dot_general3A_1060 {dimension_numbers = #tpu.dot_dimension_numbers<[0], [0], [1], [1], [0, 1, 1, 1], [], []>, transpose_lhs_hint = false} : vector<2x512xf32>, vector<2x512xf32>, vector<512x512xf32> -> vector<512x512xf32>
      %bitcast_convert_type3A_1062 = tpu.bitcast %dot_general3A_1061 : vector<512x512xf32> -> vector<512x512xi32>
      %and3A_1063 = vector.broadcast %scan3A_447 : i32 to vector<512x512xi32>
      %and3A_1064 = arith.andi %bitcast_convert_type3A_1062, %and3A_1063 : vector<512x512xi32>
      %add3A_1065 = arith.constant 32 : i32
      %add3A_1066 = arith.addi %add3A_1065, %scan3A_1047 : i32
      %get3A_1067 = arith.index_cast %add3A_1066 : i32 to index
      %get3A_1068 = arith.constant 0 : index
      %get3A_1069 = vector.load %arg19[%get3A_1067, %get3A_1068] : memref<128x1xi32, #tpu.memory_space<vmem>>, vector<1x1xi32>
      %xor3A_1070 = vector.broadcast %get3A_1069 : vector<1x1xi32> to vector<512x512xi32>
      %xor3A_1071 = arith.xori %and3A_1064, %xor3A_1070 : vector<512x512xi32>
      %bitcast_convert_type3A_1072 = tpu.bitcast %xor3A_1071 : vector<512x512xi32> -> vector<512x512xf32>
      %add3A_1073 = arith.addf %add3A_1045, %bitcast_convert_type3A_1072 : vector<512x512xf32>
      %scan3A_1074 = arith.constant 15 : i32
      %scan3A_1075 = arith.addi %scan3A_657, %scan3A_1074 : i32
      %add3A_1076 = arith.constant 32 : i32
      %add3A_1077 = arith.addi %add3A_1076, %scan3A_1075 : i32
      %get3A_1078 = arith.index_cast %add3A_1077 : i32 to index
      %get3A_1079 = arith.constant 0 : index
      %get3A_1080 = vector.load %arg27[%get3A_1078, %get3A_1079] : memref<128x512xf32, #tpu.memory_space<vmem>>, vector<1x512xf32>
      %add3A_1081 = arith.constant 32 : i32
      %add3A_1082 = arith.addi %add3A_1081, %scan3A_1075 : i32
      %get3A_1083 = arith.index_cast %add3A_1082 : i32 to index
      %get3A_1084 = arith.constant 0 : index
      %get3A_1085 = vector.load %arg26[%get3A_1083, %get3A_1084] : memref<128x512xf32, #tpu.memory_space<vmem>>, vector<1x512xf32>
      %concatenate3A_1086 = tpu.concatenate %get3A_1080, %broadcast_in_dim3A_365 in 0 : vector<1x512xf32>, vector<1x512xf32> -> vector<2x512xf32>
      %concatenate3A_1087 = tpu.concatenate %broadcast_in_dim3A_365, %get3A_1085 in 0 : vector<1x512xf32>, vector<1x512xf32> -> vector<2x512xf32>
      %dot_general3A_1088 = arith.constant dense<0.000000e+00> : vector<512x512xf32>
      %dot_general3A_1089 = tpu.matmul %concatenate3A_1086, %concatenate3A_1087, %dot_general3A_1088 {dimension_numbers = #tpu.dot_dimension_numbers<[0], [0], [1], [1], [0, 1, 1, 1], [], []>, transpose_lhs_hint = false} : vector<2x512xf32>, vector<2x512xf32>, vector<512x512xf32> -> vector<512x512xf32>
      %bitcast_convert_type3A_1090 = tpu.bitcast %dot_general3A_1089 : vector<512x512xf32> -> vector<512x512xi32>
      %and3A_1091 = vector.broadcast %scan3A_447 : i32 to vector<512x512xi32>
      %and3A_1092 = arith.andi %bitcast_convert_type3A_1090, %and3A_1091 : vector<512x512xi32>
      %add3A_1093 = arith.constant 32 : i32
      %add3A_1094 = arith.addi %add3A_1093, %scan3A_1075 : i32
      %get3A_1095 = arith.index_cast %add3A_1094 : i32 to index
      %get3A_1096 = arith.constant 0 : index
      %get3A_1097 = vector.load %arg19[%get3A_1095, %get3A_1096] : memref<128x1xi32, #tpu.memory_space<vmem>>, vector<1x1xi32>
      %xor3A_1098 = vector.broadcast %get3A_1097 : vector<1x1xi32> to vector<512x512xi32>
      %xor3A_1099 = arith.xori %and3A_1092, %xor3A_1098 : vector<512x512xi32>
      %bitcast_convert_type3A_1100 = tpu.bitcast %xor3A_1099 : vector<512x512xi32> -> vector<512x512xf32>
      %add3A_1101 = arith.addf %add3A_1073, %bitcast_convert_type3A_1100 : vector<512x512xf32>
      scf.yield %add3A_1101 : vector<512x512xf32>
    }
    %scan3A_453 = arith.constant 32 : i32
    %mul3A_454 = arith.constant 4.000000e-01 : f32
    %mul3A_455 = vector.broadcast %mul3A_454 : f32 to vector<512x512xf32>
    %mul3A_456 = arith.mulf %mul3A_455, %scan3A_452 : vector<512x512xf32>
    %add3A_457 = arith.addf %mul3A_456, %select_n3A : vector<512x512xf32>
    %reduce_max3A_458 = arith.constant dense<0xFF800000> : vector<512xf32>
    %reduce_max3A_459 = vector.multi_reduction <maximumf>, %add3A_457, %reduce_max3A_458 [1] : vector<512x512xf32> to vector<512xf32>
    %broadcast_in_dim3A_460 = vector.shape_cast %reduce_max3A_459 : vector<512xf32> to vector<512x1xf32>
    %is_finite3A_461 = tpu.weird %broadcast_in_dim3A_460 : vector<512x1xf32> -> vector<512x1xi1>
    %is_finite3A_462 = arith.constant dense<true> : vector<512x1xi1>
    %is_finite3A_463 = arith.xori %is_finite3A_461, %is_finite3A_462 : vector<512x1xi1>
    %jit3A_464 = arith.constant 0.000000e+00 : f32
    %broadcast_in_dim3A_465 = vector.broadcast %jit3A_464 : f32 to vector<512x1xf32>
    %select_n3A_466 = arith.select %is_finite3A_463, %broadcast_in_dim3A_460, %broadcast_in_dim3A_465 : vector<512x1xi1>, vector<512x1xf32>
    %sub3A_467 = vector.broadcast %select_n3A_466 : vector<512x1xf32> to vector<512x512xf32>
    %sub3A_468 = arith.subf %add3A_457, %sub3A_467 : vector<512x512xf32>
    %exp3A_469 = math.exp %sub3A_468 : vector<512x512xf32>
    %mul3A_470 = arith.mulf %add3A, %exp3A_469 : vector<512x512xf32>
    %reduce_sum3A_471 = arith.constant dense<0.000000e+00> : vector<512xf32>
    %reduce_sum3A_472 = vector.multi_reduction <add>, %mul3A_470, %reduce_sum3A_471 [1] : vector<512x512xf32> to vector<512xf32>
    %broadcast_in_dim3A_473 = vector.shape_cast %reduce_sum3A_472 : vector<512xf32> to vector<512x1xf32>
    %add3A_474 = arith.constant 1.000000e-16 : f32
    %add3A_475 = vector.broadcast %add3A_474 : f32 to vector<512x1xf32>
    %add3A_476 = arith.addf %broadcast_in_dim3A_473, %add3A_475 : vector<512x1xf32>
    %div3A_477 = arith.constant 1.000000e+00 : f32
    %div3A_478 = vector.broadcast %div3A_477 : f32 to vector<512x1xf32>
    %div3A_479 = arith.divf %div3A_478, %add3A_476 : vector<512x1xf32>
    %mul3A_480 = vector.broadcast %div3A_479 : vector<512x1xf32> to vector<512x512xf32>
    %mul3A_481 = arith.mulf %mul3A_470, %mul3A_480 : vector<512x512xf32>
    %dot_general3A_482 = arith.constant dense<0.000000e+00> : vector<512x32xf32>
    %dot_general3A_483 = tpu.matmul %mul3A_481, %slice3A_426, %dot_general3A_482 {dimension_numbers = #tpu.dot_dimension_numbers<[1], [0], [0], [1], [0, 0, 1, 1], [], []>, transpose_lhs_hint = false} : vector<512x512xf32>, vector<512x32xf32>, vector<512x32xf32> -> vector<512x32xf32>
    %slice3A_484 = vector.extract_strided_slice %add3A_347 {offsets = [0, 64], sizes = [512, 32], strides = [1, 1]} : vector<512x128xf32> to vector<512x32xf32>
    %get3A_485 = arith.constant 64 : index
    %get3A_486 = arith.constant 0 : index
    %get3A_487 = vector.load %arg26[%get3A_485, %get3A_486] : memref<128x512xf32, #tpu.memory_space<vmem>>, vector<32x512xf32>
    %dot_general3A_488 = arith.constant dense<0.000000e+00> : vector<1x512xf32>
    %dot_general3A_489 = tpu.matmul %broadcast_in_dim3A_367, %get3A_487, %dot_general3A_488 {dimension_numbers = #tpu.dot_dimension_numbers<[1], [0], [0], [1], [0, 0, 1, 1], [], []>, transpose_lhs_hint = false} : vector<1x32xf32>, vector<32x512xf32>, vector<1x512xf32> -> vector<1x512xf32>
    %get3A_490 = arith.constant 64 : index
    %get3A_491 = arith.constant 0 : index
    %get3A_492 = vector.load %arg27[%get3A_490, %get3A_491] : memref<128x512xf32, #tpu.memory_space<vmem>>, vector<32x512xf32>
    %dot_general3A_493 = arith.constant dense<0.000000e+00> : vector<1x512xf32>
    %dot_general3A_494 = tpu.matmul %broadcast_in_dim3A_367, %get3A_492, %dot_general3A_493 {dimension_numbers = #tpu.dot_dimension_numbers<[1], [0], [0], [1], [0, 0, 1, 1], [], []>, transpose_lhs_hint = false} : vector<1x32xf32>, vector<32x512xf32>, vector<1x512xf32> -> vector<1x512xf32>
    %mul3A_495 = arith.constant 1.500000e+00 : f32
    %mul3A_496 = vector.broadcast %mul3A_495 : f32 to vector<1x512xf32>
    %mul3A_497 = arith.mulf %mul3A_496, %dot_general3A_494 : vector<1x512xf32>
    %concatenate3A_498 = tpu.concatenate %mul3A_497, %broadcast_in_dim3A_365 in 0 : vector<1x512xf32>, vector<1x512xf32> -> vector<2x512xf32>
    %mul3A_499 = arith.constant 1.500000e+00 : f32
    %mul3A_500 = vector.broadcast %mul3A_499 : f32 to vector<1x512xf32>
    %mul3A_501 = arith.mulf %mul3A_500, %dot_general3A_489 : vector<1x512xf32>
    %concatenate3A_502 = tpu.concatenate %broadcast_in_dim3A_365, %mul3A_501 in 0 : vector<1x512xf32>, vector<1x512xf32> -> vector<2x512xf32>
    %dot_general3A_503 = arith.constant dense<0.000000e+00> : vector<512x512xf32>
    %dot_general3A_504 = tpu.matmul %concatenate3A_498, %concatenate3A_502, %dot_general3A_503 {dimension_numbers = #tpu.dot_dimension_numbers<[0], [0], [1], [1], [0, 1, 1, 1], [], []>, transpose_lhs_hint = false} : vector<2x512xf32>, vector<2x512xf32>, vector<512x512xf32> -> vector<512x512xf32>
    %scan3A_505 = arith.constant 2147483647 : i32
    %scan3A_506 = arith.constant 0 : i32
    %scan3A_507 = arith.constant 32 : i32
    %scan3A_508 = arith.addi %scan3A_506, %scan3A_507 : i32
    %scan3A_509 = arith.constant 16 : i32
    %scan3A_510 = scf.for %scan3A_657 = %scan3A_506 to %scan3A_508 step %scan3A_509 iter_args(%scan3A_658 = %dot_general3A_504) -> (vector<512x512xf32>)  : i32 {
      %add3A_659 = arith.constant 64 : i32
      %add3A_660 = arith.addi %add3A_659, %scan3A_657 : i32
      %get3A_661 = arith.index_cast %add3A_660 : i32 to index
      %get3A_662 = arith.constant 0 : index
      %get3A_663 = vector.load %arg27[%get3A_661, %get3A_662] : memref<128x512xf32, #tpu.memory_space<vmem>>, vector<1x512xf32>
      %add3A_664 = arith.constant 64 : i32
      %add3A_665 = arith.addi %add3A_664, %scan3A_657 : i32
      %get3A_666 = arith.index_cast %add3A_665 : i32 to index
      %get3A_667 = arith.constant 0 : index
      %get3A_668 = vector.load %arg26[%get3A_666, %get3A_667] : memref<128x512xf32, #tpu.memory_space<vmem>>, vector<1x512xf32>
      %concatenate3A_669 = tpu.concatenate %get3A_663, %broadcast_in_dim3A_365 in 0 : vector<1x512xf32>, vector<1x512xf32> -> vector<2x512xf32>
      %concatenate3A_670 = tpu.concatenate %broadcast_in_dim3A_365, %get3A_668 in 0 : vector<1x512xf32>, vector<1x512xf32> -> vector<2x512xf32>
      %dot_general3A_671 = arith.constant dense<0.000000e+00> : vector<512x512xf32>
      %dot_general3A_672 = tpu.matmul %concatenate3A_669, %concatenate3A_670, %dot_general3A_671 {dimension_numbers = #tpu.dot_dimension_numbers<[0], [0], [1], [1], [0, 1, 1, 1], [], []>, transpose_lhs_hint = false} : vector<2x512xf32>, vector<2x512xf32>, vector<512x512xf32> -> vector<512x512xf32>
      %bitcast_convert_type3A = tpu.bitcast %dot_general3A_672 : vector<512x512xf32> -> vector<512x512xi32>
      %and3A = vector.broadcast %scan3A_505 : i32 to vector<512x512xi32>
      %and3A_673 = arith.andi %bitcast_convert_type3A, %and3A : vector<512x512xi32>
      %add3A_674 = arith.constant 64 : i32
      %add3A_675 = arith.addi %add3A_674, %scan3A_657 : i32
      %get3A_676 = arith.index_cast %add3A_675 : i32 to index
      %get3A_677 = arith.constant 0 : index
      %get3A_678 = vector.load %arg19[%get3A_676, %get3A_677] : memref<128x1xi32, #tpu.memory_space<vmem>>, vector<1x1xi32>
      %xor3A = vector.broadcast %get3A_678 : vector<1x1xi32> to vector<512x512xi32>
      %xor3A_679 = arith.xori %and3A_673, %xor3A : vector<512x512xi32>
      %bitcast_convert_type3A_680 = tpu.bitcast %xor3A_679 : vector<512x512xi32> -> vector<512x512xf32>
      %add3A_681 = arith.addf %scan3A_658, %bitcast_convert_type3A_680 : vector<512x512xf32>
      %scan3A_682 = arith.constant 1 : i32
      %scan3A_683 = arith.addi %scan3A_657, %scan3A_682 : i32
      %add3A_684 = arith.constant 64 : i32
      %add3A_685 = arith.addi %add3A_684, %scan3A_683 : i32
      %get3A_686 = arith.index_cast %add3A_685 : i32 to index
      %get3A_687 = arith.constant 0 : index
      %get3A_688 = vector.load %arg27[%get3A_686, %get3A_687] : memref<128x512xf32, #tpu.memory_space<vmem>>, vector<1x512xf32>
      %add3A_689 = arith.constant 64 : i32
      %add3A_690 = arith.addi %add3A_689, %scan3A_683 : i32
      %get3A_691 = arith.index_cast %add3A_690 : i32 to index
      %get3A_692 = arith.constant 0 : index
      %get3A_693 = vector.load %arg26[%get3A_691, %get3A_692] : memref<128x512xf32, #tpu.memory_space<vmem>>, vector<1x512xf32>
      %concatenate3A_694 = tpu.concatenate %get3A_688, %broadcast_in_dim3A_365 in 0 : vector<1x512xf32>, vector<1x512xf32> -> vector<2x512xf32>
      %concatenate3A_695 = tpu.concatenate %broadcast_in_dim3A_365, %get3A_693 in 0 : vector<1x512xf32>, vector<1x512xf32> -> vector<2x512xf32>
      %dot_general3A_696 = arith.constant dense<0.000000e+00> : vector<512x512xf32>
      %dot_general3A_697 = tpu.matmul %concatenate3A_694, %concatenate3A_695, %dot_general3A_696 {dimension_numbers = #tpu.dot_dimension_numbers<[0], [0], [1], [1], [0, 1, 1, 1], [], []>, transpose_lhs_hint = false} : vector<2x512xf32>, vector<2x512xf32>, vector<512x512xf32> -> vector<512x512xf32>
      %bitcast_convert_type3A_698 = tpu.bitcast %dot_general3A_697 : vector<512x512xf32> -> vector<512x512xi32>
      %and3A_699 = vector.broadcast %scan3A_505 : i32 to vector<512x512xi32>
      %and3A_700 = arith.andi %bitcast_convert_type3A_698, %and3A_699 : vector<512x512xi32>
      %add3A_701 = arith.constant 64 : i32
      %add3A_702 = arith.addi %add3A_701, %scan3A_683 : i32
      %get3A_703 = arith.index_cast %add3A_702 : i32 to index
      %get3A_704 = arith.constant 0 : index
      %get3A_705 = vector.load %arg19[%get3A_703, %get3A_704] : memref<128x1xi32, #tpu.memory_space<vmem>>, vector<1x1xi32>
      %xor3A_706 = vector.broadcast %get3A_705 : vector<1x1xi32> to vector<512x512xi32>
      %xor3A_707 = arith.xori %and3A_700, %xor3A_706 : vector<512x512xi32>
      %bitcast_convert_type3A_708 = tpu.bitcast %xor3A_707 : vector<512x512xi32> -> vector<512x512xf32>
      %add3A_709 = arith.addf %add3A_681, %bitcast_convert_type3A_708 : vector<512x512xf32>
      %scan3A_710 = arith.constant 2 : i32
      %scan3A_711 = arith.addi %scan3A_657, %scan3A_710 : i32
      %add3A_712 = arith.constant 64 : i32
      %add3A_713 = arith.addi %add3A_712, %scan3A_711 : i32
      %get3A_714 = arith.index_cast %add3A_713 : i32 to index
      %get3A_715 = arith.constant 0 : index
      %get3A_716 = vector.load %arg27[%get3A_714, %get3A_715] : memref<128x512xf32, #tpu.memory_space<vmem>>, vector<1x512xf32>
      %add3A_717 = arith.constant 64 : i32
      %add3A_718 = arith.addi %add3A_717, %scan3A_711 : i32
      %get3A_719 = arith.index_cast %add3A_718 : i32 to index
      %get3A_720 = arith.constant 0 : index
      %get3A_721 = vector.load %arg26[%get3A_719, %get3A_720] : memref<128x512xf32, #tpu.memory_space<vmem>>, vector<1x512xf32>
      %concatenate3A_722 = tpu.concatenate %get3A_716, %broadcast_in_dim3A_365 in 0 : vector<1x512xf32>, vector<1x512xf32> -> vector<2x512xf32>
      %concatenate3A_723 = tpu.concatenate %broadcast_in_dim3A_365, %get3A_721 in 0 : vector<1x512xf32>, vector<1x512xf32> -> vector<2x512xf32>
      %dot_general3A_724 = arith.constant dense<0.000000e+00> : vector<512x512xf32>
      %dot_general3A_725 = tpu.matmul %concatenate3A_722, %concatenate3A_723, %dot_general3A_724 {dimension_numbers = #tpu.dot_dimension_numbers<[0], [0], [1], [1], [0, 1, 1, 1], [], []>, transpose_lhs_hint = false} : vector<2x512xf32>, vector<2x512xf32>, vector<512x512xf32> -> vector<512x512xf32>
      %bitcast_convert_type3A_726 = tpu.bitcast %dot_general3A_725 : vector<512x512xf32> -> vector<512x512xi32>
      %and3A_727 = vector.broadcast %scan3A_505 : i32 to vector<512x512xi32>
      %and3A_728 = arith.andi %bitcast_convert_type3A_726, %and3A_727 : vector<512x512xi32>
      %add3A_729 = arith.constant 64 : i32
      %add3A_730 = arith.addi %add3A_729, %scan3A_711 : i32
      %get3A_731 = arith.index_cast %add3A_730 : i32 to index
      %get3A_732 = arith.constant 0 : index
      %get3A_733 = vector.load %arg19[%get3A_731, %get3A_732] : memref<128x1xi32, #tpu.memory_space<vmem>>, vector<1x1xi32>
      %xor3A_734 = vector.broadcast %get3A_733 : vector<1x1xi32> to vector<512x512xi32>
      %xor3A_735 = arith.xori %and3A_728, %xor3A_734 : vector<512x512xi32>
      %bitcast_convert_type3A_736 = tpu.bitcast %xor3A_735 : vector<512x512xi32> -> vector<512x512xf32>
      %add3A_737 = arith.addf %add3A_709, %bitcast_convert_type3A_736 : vector<512x512xf32>
      %scan3A_738 = arith.constant 3 : i32
      %scan3A_739 = arith.addi %scan3A_657, %scan3A_738 : i32
      %add3A_740 = arith.constant 64 : i32
      %add3A_741 = arith.addi %add3A_740, %scan3A_739 : i32
      %get3A_742 = arith.index_cast %add3A_741 : i32 to index
      %get3A_743 = arith.constant 0 : index
      %get3A_744 = vector.load %arg27[%get3A_742, %get3A_743] : memref<128x512xf32, #tpu.memory_space<vmem>>, vector<1x512xf32>
      %add3A_745 = arith.constant 64 : i32
      %add3A_746 = arith.addi %add3A_745, %scan3A_739 : i32
      %get3A_747 = arith.index_cast %add3A_746 : i32 to index
      %get3A_748 = arith.constant 0 : index
      %get3A_749 = vector.load %arg26[%get3A_747, %get3A_748] : memref<128x512xf32, #tpu.memory_space<vmem>>, vector<1x512xf32>
      %concatenate3A_750 = tpu.concatenate %get3A_744, %broadcast_in_dim3A_365 in 0 : vector<1x512xf32>, vector<1x512xf32> -> vector<2x512xf32>
      %concatenate3A_751 = tpu.concatenate %broadcast_in_dim3A_365, %get3A_749 in 0 : vector<1x512xf32>, vector<1x512xf32> -> vector<2x512xf32>
      %dot_general3A_752 = arith.constant dense<0.000000e+00> : vector<512x512xf32>
      %dot_general3A_753 = tpu.matmul %concatenate3A_750, %concatenate3A_751, %dot_general3A_752 {dimension_numbers = #tpu.dot_dimension_numbers<[0], [0], [1], [1], [0, 1, 1, 1], [], []>, transpose_lhs_hint = false} : vector<2x512xf32>, vector<2x512xf32>, vector<512x512xf32> -> vector<512x512xf32>
      %bitcast_convert_type3A_754 = tpu.bitcast %dot_general3A_753 : vector<512x512xf32> -> vector<512x512xi32>
      %and3A_755 = vector.broadcast %scan3A_505 : i32 to vector<512x512xi32>
      %and3A_756 = arith.andi %bitcast_convert_type3A_754, %and3A_755 : vector<512x512xi32>
      %add3A_757 = arith.constant 64 : i32
      %add3A_758 = arith.addi %add3A_757, %scan3A_739 : i32
      %get3A_759 = arith.index_cast %add3A_758 : i32 to index
      %get3A_760 = arith.constant 0 : index
      %get3A_761 = vector.load %arg19[%get3A_759, %get3A_760] : memref<128x1xi32, #tpu.memory_space<vmem>>, vector<1x1xi32>
      %xor3A_762 = vector.broadcast %get3A_761 : vector<1x1xi32> to vector<512x512xi32>
      %xor3A_763 = arith.xori %and3A_756, %xor3A_762 : vector<512x512xi32>
      %bitcast_convert_type3A_764 = tpu.bitcast %xor3A_763 : vector<512x512xi32> -> vector<512x512xf32>
      %add3A_765 = arith.addf %add3A_737, %bitcast_convert_type3A_764 : vector<512x512xf32>
      %scan3A_766 = arith.constant 4 : i32
      %scan3A_767 = arith.addi %scan3A_657, %scan3A_766 : i32
      %add3A_768 = arith.constant 64 : i32
      %add3A_769 = arith.addi %add3A_768, %scan3A_767 : i32
      %get3A_770 = arith.index_cast %add3A_769 : i32 to index
      %get3A_771 = arith.constant 0 : index
      %get3A_772 = vector.load %arg27[%get3A_770, %get3A_771] : memref<128x512xf32, #tpu.memory_space<vmem>>, vector<1x512xf32>
      %add3A_773 = arith.constant 64 : i32
      %add3A_774 = arith.addi %add3A_773, %scan3A_767 : i32
      %get3A_775 = arith.index_cast %add3A_774 : i32 to index
      %get3A_776 = arith.constant 0 : index
      %get3A_777 = vector.load %arg26[%get3A_775, %get3A_776] : memref<128x512xf32, #tpu.memory_space<vmem>>, vector<1x512xf32>
      %concatenate3A_778 = tpu.concatenate %get3A_772, %broadcast_in_dim3A_365 in 0 : vector<1x512xf32>, vector<1x512xf32> -> vector<2x512xf32>
      %concatenate3A_779 = tpu.concatenate %broadcast_in_dim3A_365, %get3A_777 in 0 : vector<1x512xf32>, vector<1x512xf32> -> vector<2x512xf32>
      %dot_general3A_780 = arith.constant dense<0.000000e+00> : vector<512x512xf32>
      %dot_general3A_781 = tpu.matmul %concatenate3A_778, %concatenate3A_779, %dot_general3A_780 {dimension_numbers = #tpu.dot_dimension_numbers<[0], [0], [1], [1], [0, 1, 1, 1], [], []>, transpose_lhs_hint = false} : vector<2x512xf32>, vector<2x512xf32>, vector<512x512xf32> -> vector<512x512xf32>
      %bitcast_convert_type3A_782 = tpu.bitcast %dot_general3A_781 : vector<512x512xf32> -> vector<512x512xi32>
      %and3A_783 = vector.broadcast %scan3A_505 : i32 to vector<512x512xi32>
      %and3A_784 = arith.andi %bitcast_convert_type3A_782, %and3A_783 : vector<512x512xi32>
      %add3A_785 = arith.constant 64 : i32
      %add3A_786 = arith.addi %add3A_785, %scan3A_767 : i32
      %get3A_787 = arith.index_cast %add3A_786 : i32 to index
      %get3A_788 = arith.constant 0 : index
      %get3A_789 = vector.load %arg19[%get3A_787, %get3A_788] : memref<128x1xi32, #tpu.memory_space<vmem>>, vector<1x1xi32>
      %xor3A_790 = vector.broadcast %get3A_789 : vector<1x1xi32> to vector<512x512xi32>
      %xor3A_791 = arith.xori %and3A_784, %xor3A_790 : vector<512x512xi32>
      %bitcast_convert_type3A_792 = tpu.bitcast %xor3A_791 : vector<512x512xi32> -> vector<512x512xf32>
      %add3A_793 = arith.addf %add3A_765, %bitcast_convert_type3A_792 : vector<512x512xf32>
      %scan3A_794 = arith.constant 5 : i32
      %scan3A_795 = arith.addi %scan3A_657, %scan3A_794 : i32
      %add3A_796 = arith.constant 64 : i32
      %add3A_797 = arith.addi %add3A_796, %scan3A_795 : i32
      %get3A_798 = arith.index_cast %add3A_797 : i32 to index
      %get3A_799 = arith.constant 0 : index
      %get3A_800 = vector.load %arg27[%get3A_798, %get3A_799] : memref<128x512xf32, #tpu.memory_space<vmem>>, vector<1x512xf32>
      %add3A_801 = arith.constant 64 : i32
      %add3A_802 = arith.addi %add3A_801, %scan3A_795 : i32
      %get3A_803 = arith.index_cast %add3A_802 : i32 to index
      %get3A_804 = arith.constant 0 : index
      %get3A_805 = vector.load %arg26[%get3A_803, %get3A_804] : memref<128x512xf32, #tpu.memory_space<vmem>>, vector<1x512xf32>
      %concatenate3A_806 = tpu.concatenate %get3A_800, %broadcast_in_dim3A_365 in 0 : vector<1x512xf32>, vector<1x512xf32> -> vector<2x512xf32>
      %concatenate3A_807 = tpu.concatenate %broadcast_in_dim3A_365, %get3A_805 in 0 : vector<1x512xf32>, vector<1x512xf32> -> vector<2x512xf32>
      %dot_general3A_808 = arith.constant dense<0.000000e+00> : vector<512x512xf32>
      %dot_general3A_809 = tpu.matmul %concatenate3A_806, %concatenate3A_807, %dot_general3A_808 {dimension_numbers = #tpu.dot_dimension_numbers<[0], [0], [1], [1], [0, 1, 1, 1], [], []>, transpose_lhs_hint = false} : vector<2x512xf32>, vector<2x512xf32>, vector<512x512xf32> -> vector<512x512xf32>
      %bitcast_convert_type3A_810 = tpu.bitcast %dot_general3A_809 : vector<512x512xf32> -> vector<512x512xi32>
      %and3A_811 = vector.broadcast %scan3A_505 : i32 to vector<512x512xi32>
      %and3A_812 = arith.andi %bitcast_convert_type3A_810, %and3A_811 : vector<512x512xi32>
      %add3A_813 = arith.constant 64 : i32
      %add3A_814 = arith.addi %add3A_813, %scan3A_795 : i32
      %get3A_815 = arith.index_cast %add3A_814 : i32 to index
      %get3A_816 = arith.constant 0 : index
      %get3A_817 = vector.load %arg19[%get3A_815, %get3A_816] : memref<128x1xi32, #tpu.memory_space<vmem>>, vector<1x1xi32>
      %xor3A_818 = vector.broadcast %get3A_817 : vector<1x1xi32> to vector<512x512xi32>
      %xor3A_819 = arith.xori %and3A_812, %xor3A_818 : vector<512x512xi32>
      %bitcast_convert_type3A_820 = tpu.bitcast %xor3A_819 : vector<512x512xi32> -> vector<512x512xf32>
      %add3A_821 = arith.addf %add3A_793, %bitcast_convert_type3A_820 : vector<512x512xf32>
      %scan3A_822 = arith.constant 6 : i32
      %scan3A_823 = arith.addi %scan3A_657, %scan3A_822 : i32
      %add3A_824 = arith.constant 64 : i32
      %add3A_825 = arith.addi %add3A_824, %scan3A_823 : i32
      %get3A_826 = arith.index_cast %add3A_825 : i32 to index
      %get3A_827 = arith.constant 0 : index
      %get3A_828 = vector.load %arg27[%get3A_826, %get3A_827] : memref<128x512xf32, #tpu.memory_space<vmem>>, vector<1x512xf32>
      %add3A_829 = arith.constant 64 : i32
      %add3A_830 = arith.addi %add3A_829, %scan3A_823 : i32
      %get3A_831 = arith.index_cast %add3A_830 : i32 to index
      %get3A_832 = arith.constant 0 : index
      %get3A_833 = vector.load %arg26[%get3A_831, %get3A_832] : memref<128x512xf32, #tpu.memory_space<vmem>>, vector<1x512xf32>
      %concatenate3A_834 = tpu.concatenate %get3A_828, %broadcast_in_dim3A_365 in 0 : vector<1x512xf32>, vector<1x512xf32> -> vector<2x512xf32>
      %concatenate3A_835 = tpu.concatenate %broadcast_in_dim3A_365, %get3A_833 in 0 : vector<1x512xf32>, vector<1x512xf32> -> vector<2x512xf32>
      %dot_general3A_836 = arith.constant dense<0.000000e+00> : vector<512x512xf32>
      %dot_general3A_837 = tpu.matmul %concatenate3A_834, %concatenate3A_835, %dot_general3A_836 {dimension_numbers = #tpu.dot_dimension_numbers<[0], [0], [1], [1], [0, 1, 1, 1], [], []>, transpose_lhs_hint = false} : vector<2x512xf32>, vector<2x512xf32>, vector<512x512xf32> -> vector<512x512xf32>
      %bitcast_convert_type3A_838 = tpu.bitcast %dot_general3A_837 : vector<512x512xf32> -> vector<512x512xi32>
      %and3A_839 = vector.broadcast %scan3A_505 : i32 to vector<512x512xi32>
      %and3A_840 = arith.andi %bitcast_convert_type3A_838, %and3A_839 : vector<512x512xi32>
      %add3A_841 = arith.constant 64 : i32
      %add3A_842 = arith.addi %add3A_841, %scan3A_823 : i32
      %get3A_843 = arith.index_cast %add3A_842 : i32 to index
      %get3A_844 = arith.constant 0 : index
      %get3A_845 = vector.load %arg19[%get3A_843, %get3A_844] : memref<128x1xi32, #tpu.memory_space<vmem>>, vector<1x1xi32>
      %xor3A_846 = vector.broadcast %get3A_845 : vector<1x1xi32> to vector<512x512xi32>
      %xor3A_847 = arith.xori %and3A_840, %xor3A_846 : vector<512x512xi32>
      %bitcast_convert_type3A_848 = tpu.bitcast %xor3A_847 : vector<512x512xi32> -> vector<512x512xf32>
      %add3A_849 = arith.addf %add3A_821, %bitcast_convert_type3A_848 : vector<512x512xf32>
      %scan3A_850 = arith.constant 7 : i32
      %scan3A_851 = arith.addi %scan3A_657, %scan3A_850 : i32
      %add3A_852 = arith.constant 64 : i32
      %add3A_853 = arith.addi %add3A_852, %scan3A_851 : i32
      %get3A_854 = arith.index_cast %add3A_853 : i32 to index
      %get3A_855 = arith.constant 0 : index
      %get3A_856 = vector.load %arg27[%get3A_854, %get3A_855] : memref<128x512xf32, #tpu.memory_space<vmem>>, vector<1x512xf32>
      %add3A_857 = arith.constant 64 : i32
      %add3A_858 = arith.addi %add3A_857, %scan3A_851 : i32
      %get3A_859 = arith.index_cast %add3A_858 : i32 to index
      %get3A_860 = arith.constant 0 : index
      %get3A_861 = vector.load %arg26[%get3A_859, %get3A_860] : memref<128x512xf32, #tpu.memory_space<vmem>>, vector<1x512xf32>
      %concatenate3A_862 = tpu.concatenate %get3A_856, %broadcast_in_dim3A_365 in 0 : vector<1x512xf32>, vector<1x512xf32> -> vector<2x512xf32>
      %concatenate3A_863 = tpu.concatenate %broadcast_in_dim3A_365, %get3A_861 in 0 : vector<1x512xf32>, vector<1x512xf32> -> vector<2x512xf32>
      %dot_general3A_864 = arith.constant dense<0.000000e+00> : vector<512x512xf32>
      %dot_general3A_865 = tpu.matmul %concatenate3A_862, %concatenate3A_863, %dot_general3A_864 {dimension_numbers = #tpu.dot_dimension_numbers<[0], [0], [1], [1], [0, 1, 1, 1], [], []>, transpose_lhs_hint = false} : vector<2x512xf32>, vector<2x512xf32>, vector<512x512xf32> -> vector<512x512xf32>
      %bitcast_convert_type3A_866 = tpu.bitcast %dot_general3A_865 : vector<512x512xf32> -> vector<512x512xi32>
      %and3A_867 = vector.broadcast %scan3A_505 : i32 to vector<512x512xi32>
      %and3A_868 = arith.andi %bitcast_convert_type3A_866, %and3A_867 : vector<512x512xi32>
      %add3A_869 = arith.constant 64 : i32
      %add3A_870 = arith.addi %add3A_869, %scan3A_851 : i32
      %get3A_871 = arith.index_cast %add3A_870 : i32 to index
      %get3A_872 = arith.constant 0 : index
      %get3A_873 = vector.load %arg19[%get3A_871, %get3A_872] : memref<128x1xi32, #tpu.memory_space<vmem>>, vector<1x1xi32>
      %xor3A_874 = vector.broadcast %get3A_873 : vector<1x1xi32> to vector<512x512xi32>
      %xor3A_875 = arith.xori %and3A_868, %xor3A_874 : vector<512x512xi32>
      %bitcast_convert_type3A_876 = tpu.bitcast %xor3A_875 : vector<512x512xi32> -> vector<512x512xf32>
      %add3A_877 = arith.addf %add3A_849, %bitcast_convert_type3A_876 : vector<512x512xf32>
      %scan3A_878 = arith.constant 8 : i32
      %scan3A_879 = arith.addi %scan3A_657, %scan3A_878 : i32
      %add3A_880 = arith.constant 64 : i32
      %add3A_881 = arith.addi %add3A_880, %scan3A_879 : i32
      %get3A_882 = arith.index_cast %add3A_881 : i32 to index
      %get3A_883 = arith.constant 0 : index
      %get3A_884 = vector.load %arg27[%get3A_882, %get3A_883] : memref<128x512xf32, #tpu.memory_space<vmem>>, vector<1x512xf32>
      %add3A_885 = arith.constant 64 : i32
      %add3A_886 = arith.addi %add3A_885, %scan3A_879 : i32
      %get3A_887 = arith.index_cast %add3A_886 : i32 to index
      %get3A_888 = arith.constant 0 : index
      %get3A_889 = vector.load %arg26[%get3A_887, %get3A_888] : memref<128x512xf32, #tpu.memory_space<vmem>>, vector<1x512xf32>
      %concatenate3A_890 = tpu.concatenate %get3A_884, %broadcast_in_dim3A_365 in 0 : vector<1x512xf32>, vector<1x512xf32> -> vector<2x512xf32>
      %concatenate3A_891 = tpu.concatenate %broadcast_in_dim3A_365, %get3A_889 in 0 : vector<1x512xf32>, vector<1x512xf32> -> vector<2x512xf32>
      %dot_general3A_892 = arith.constant dense<0.000000e+00> : vector<512x512xf32>
      %dot_general3A_893 = tpu.matmul %concatenate3A_890, %concatenate3A_891, %dot_general3A_892 {dimension_numbers = #tpu.dot_dimension_numbers<[0], [0], [1], [1], [0, 1, 1, 1], [], []>, transpose_lhs_hint = false} : vector<2x512xf32>, vector<2x512xf32>, vector<512x512xf32> -> vector<512x512xf32>
      %bitcast_convert_type3A_894 = tpu.bitcast %dot_general3A_893 : vector<512x512xf32> -> vector<512x512xi32>
      %and3A_895 = vector.broadcast %scan3A_505 : i32 to vector<512x512xi32>
      %and3A_896 = arith.andi %bitcast_convert_type3A_894, %and3A_895 : vector<512x512xi32>
      %add3A_897 = arith.constant 64 : i32
      %add3A_898 = arith.addi %add3A_897, %scan3A_879 : i32
      %get3A_899 = arith.index_cast %add3A_898 : i32 to index
      %get3A_900 = arith.constant 0 : index
      %get3A_901 = vector.load %arg19[%get3A_899, %get3A_900] : memref<128x1xi32, #tpu.memory_space<vmem>>, vector<1x1xi32>
      %xor3A_902 = vector.broadcast %get3A_901 : vector<1x1xi32> to vector<512x512xi32>
      %xor3A_903 = arith.xori %and3A_896, %xor3A_902 : vector<512x512xi32>
      %bitcast_convert_type3A_904 = tpu.bitcast %xor3A_903 : vector<512x512xi32> -> vector<512x512xf32>
      %add3A_905 = arith.addf %add3A_877, %bitcast_convert_type3A_904 : vector<512x512xf32>
      %scan3A_906 = arith.constant 9 : i32
      %scan3A_907 = arith.addi %scan3A_657, %scan3A_906 : i32
      %add3A_908 = arith.constant 64 : i32
      %add3A_909 = arith.addi %add3A_908, %scan3A_907 : i32
      %get3A_910 = arith.index_cast %add3A_909 : i32 to index
      %get3A_911 = arith.constant 0 : index
      %get3A_912 = vector.load %arg27[%get3A_910, %get3A_911] : memref<128x512xf32, #tpu.memory_space<vmem>>, vector<1x512xf32>
      %add3A_913 = arith.constant 64 : i32
      %add3A_914 = arith.addi %add3A_913, %scan3A_907 : i32
      %get3A_915 = arith.index_cast %add3A_914 : i32 to index
      %get3A_916 = arith.constant 0 : index
      %get3A_917 = vector.load %arg26[%get3A_915, %get3A_916] : memref<128x512xf32, #tpu.memory_space<vmem>>, vector<1x512xf32>
      %concatenate3A_918 = tpu.concatenate %get3A_912, %broadcast_in_dim3A_365 in 0 : vector<1x512xf32>, vector<1x512xf32> -> vector<2x512xf32>
      %concatenate3A_919 = tpu.concatenate %broadcast_in_dim3A_365, %get3A_917 in 0 : vector<1x512xf32>, vector<1x512xf32> -> vector<2x512xf32>
      %dot_general3A_920 = arith.constant dense<0.000000e+00> : vector<512x512xf32>
      %dot_general3A_921 = tpu.matmul %concatenate3A_918, %concatenate3A_919, %dot_general3A_920 {dimension_numbers = #tpu.dot_dimension_numbers<[0], [0], [1], [1], [0, 1, 1, 1], [], []>, transpose_lhs_hint = false} : vector<2x512xf32>, vector<2x512xf32>, vector<512x512xf32> -> vector<512x512xf32>
      %bitcast_convert_type3A_922 = tpu.bitcast %dot_general3A_921 : vector<512x512xf32> -> vector<512x512xi32>
      %and3A_923 = vector.broadcast %scan3A_505 : i32 to vector<512x512xi32>
      %and3A_924 = arith.andi %bitcast_convert_type3A_922, %and3A_923 : vector<512x512xi32>
      %add3A_925 = arith.constant 64 : i32
      %add3A_926 = arith.addi %add3A_925, %scan3A_907 : i32
      %get3A_927 = arith.index_cast %add3A_926 : i32 to index
      %get3A_928 = arith.constant 0 : index
      %get3A_929 = vector.load %arg19[%get3A_927, %get3A_928] : memref<128x1xi32, #tpu.memory_space<vmem>>, vector<1x1xi32>
      %xor3A_930 = vector.broadcast %get3A_929 : vector<1x1xi32> to vector<512x512xi32>
      %xor3A_931 = arith.xori %and3A_924, %xor3A_930 : vector<512x512xi32>
      %bitcast_convert_type3A_932 = tpu.bitcast %xor3A_931 : vector<512x512xi32> -> vector<512x512xf32>
      %add3A_933 = arith.addf %add3A_905, %bitcast_convert_type3A_932 : vector<512x512xf32>
      %scan3A_934 = arith.constant 10 : i32
      %scan3A_935 = arith.addi %scan3A_657, %scan3A_934 : i32
      %add3A_936 = arith.constant 64 : i32
      %add3A_937 = arith.addi %add3A_936, %scan3A_935 : i32
      %get3A_938 = arith.index_cast %add3A_937 : i32 to index
      %get3A_939 = arith.constant 0 : index
      %get3A_940 = vector.load %arg27[%get3A_938, %get3A_939] : memref<128x512xf32, #tpu.memory_space<vmem>>, vector<1x512xf32>
      %add3A_941 = arith.constant 64 : i32
      %add3A_942 = arith.addi %add3A_941, %scan3A_935 : i32
      %get3A_943 = arith.index_cast %add3A_942 : i32 to index
      %get3A_944 = arith.constant 0 : index
      %get3A_945 = vector.load %arg26[%get3A_943, %get3A_944] : memref<128x512xf32, #tpu.memory_space<vmem>>, vector<1x512xf32>
      %concatenate3A_946 = tpu.concatenate %get3A_940, %broadcast_in_dim3A_365 in 0 : vector<1x512xf32>, vector<1x512xf32> -> vector<2x512xf32>
      %concatenate3A_947 = tpu.concatenate %broadcast_in_dim3A_365, %get3A_945 in 0 : vector<1x512xf32>, vector<1x512xf32> -> vector<2x512xf32>
      %dot_general3A_948 = arith.constant dense<0.000000e+00> : vector<512x512xf32>
      %dot_general3A_949 = tpu.matmul %concatenate3A_946, %concatenate3A_947, %dot_general3A_948 {dimension_numbers = #tpu.dot_dimension_numbers<[0], [0], [1], [1], [0, 1, 1, 1], [], []>, transpose_lhs_hint = false} : vector<2x512xf32>, vector<2x512xf32>, vector<512x512xf32> -> vector<512x512xf32>
      %bitcast_convert_type3A_950 = tpu.bitcast %dot_general3A_949 : vector<512x512xf32> -> vector<512x512xi32>
      %and3A_951 = vector.broadcast %scan3A_505 : i32 to vector<512x512xi32>
      %and3A_952 = arith.andi %bitcast_convert_type3A_950, %and3A_951 : vector<512x512xi32>
      %add3A_953 = arith.constant 64 : i32
      %add3A_954 = arith.addi %add3A_953, %scan3A_935 : i32
      %get3A_955 = arith.index_cast %add3A_954 : i32 to index
      %get3A_956 = arith.constant 0 : index
      %get3A_957 = vector.load %arg19[%get3A_955, %get3A_956] : memref<128x1xi32, #tpu.memory_space<vmem>>, vector<1x1xi32>
      %xor3A_958 = vector.broadcast %get3A_957 : vector<1x1xi32> to vector<512x512xi32>
      %xor3A_959 = arith.xori %and3A_952, %xor3A_958 : vector<512x512xi32>
      %bitcast_convert_type3A_960 = tpu.bitcast %xor3A_959 : vector<512x512xi32> -> vector<512x512xf32>
      %add3A_961 = arith.addf %add3A_933, %bitcast_convert_type3A_960 : vector<512x512xf32>
      %scan3A_962 = arith.constant 11 : i32
      %scan3A_963 = arith.addi %scan3A_657, %scan3A_962 : i32
      %add3A_964 = arith.constant 64 : i32
      %add3A_965 = arith.addi %add3A_964, %scan3A_963 : i32
      %get3A_966 = arith.index_cast %add3A_965 : i32 to index
      %get3A_967 = arith.constant 0 : index
      %get3A_968 = vector.load %arg27[%get3A_966, %get3A_967] : memref<128x512xf32, #tpu.memory_space<vmem>>, vector<1x512xf32>
      %add3A_969 = arith.constant 64 : i32
      %add3A_970 = arith.addi %add3A_969, %scan3A_963 : i32
      %get3A_971 = arith.index_cast %add3A_970 : i32 to index
      %get3A_972 = arith.constant 0 : index
      %get3A_973 = vector.load %arg26[%get3A_971, %get3A_972] : memref<128x512xf32, #tpu.memory_space<vmem>>, vector<1x512xf32>
      %concatenate3A_974 = tpu.concatenate %get3A_968, %broadcast_in_dim3A_365 in 0 : vector<1x512xf32>, vector<1x512xf32> -> vector<2x512xf32>
      %concatenate3A_975 = tpu.concatenate %broadcast_in_dim3A_365, %get3A_973 in 0 : vector<1x512xf32>, vector<1x512xf32> -> vector<2x512xf32>
      %dot_general3A_976 = arith.constant dense<0.000000e+00> : vector<512x512xf32>
      %dot_general3A_977 = tpu.matmul %concatenate3A_974, %concatenate3A_975, %dot_general3A_976 {dimension_numbers = #tpu.dot_dimension_numbers<[0], [0], [1], [1], [0, 1, 1, 1], [], []>, transpose_lhs_hint = false} : vector<2x512xf32>, vector<2x512xf32>, vector<512x512xf32> -> vector<512x512xf32>
      %bitcast_convert_type3A_978 = tpu.bitcast %dot_general3A_977 : vector<512x512xf32> -> vector<512x512xi32>
      %and3A_979 = vector.broadcast %scan3A_505 : i32 to vector<512x512xi32>
      %and3A_980 = arith.andi %bitcast_convert_type3A_978, %and3A_979 : vector<512x512xi32>
      %add3A_981 = arith.constant 64 : i32
      %add3A_982 = arith.addi %add3A_981, %scan3A_963 : i32
      %get3A_983 = arith.index_cast %add3A_982 : i32 to index
      %get3A_984 = arith.constant 0 : index
      %get3A_985 = vector.load %arg19[%get3A_983, %get3A_984] : memref<128x1xi32, #tpu.memory_space<vmem>>, vector<1x1xi32>
      %xor3A_986 = vector.broadcast %get3A_985 : vector<1x1xi32> to vector<512x512xi32>
      %xor3A_987 = arith.xori %and3A_980, %xor3A_986 : vector<512x512xi32>
      %bitcast_convert_type3A_988 = tpu.bitcast %xor3A_987 : vector<512x512xi32> -> vector<512x512xf32>
      %add3A_989 = arith.addf %add3A_961, %bitcast_convert_type3A_988 : vector<512x512xf32>
      %scan3A_990 = arith.constant 12 : i32
      %scan3A_991 = arith.addi %scan3A_657, %scan3A_990 : i32
      %add3A_992 = arith.constant 64 : i32
      %add3A_993 = arith.addi %add3A_992, %scan3A_991 : i32
      %get3A_994 = arith.index_cast %add3A_993 : i32 to index
      %get3A_995 = arith.constant 0 : index
      %get3A_996 = vector.load %arg27[%get3A_994, %get3A_995] : memref<128x512xf32, #tpu.memory_space<vmem>>, vector<1x512xf32>
      %add3A_997 = arith.constant 64 : i32
      %add3A_998 = arith.addi %add3A_997, %scan3A_991 : i32
      %get3A_999 = arith.index_cast %add3A_998 : i32 to index
      %get3A_1000 = arith.constant 0 : index
      %get3A_1001 = vector.load %arg26[%get3A_999, %get3A_1000] : memref<128x512xf32, #tpu.memory_space<vmem>>, vector<1x512xf32>
      %concatenate3A_1002 = tpu.concatenate %get3A_996, %broadcast_in_dim3A_365 in 0 : vector<1x512xf32>, vector<1x512xf32> -> vector<2x512xf32>
      %concatenate3A_1003 = tpu.concatenate %broadcast_in_dim3A_365, %get3A_1001 in 0 : vector<1x512xf32>, vector<1x512xf32> -> vector<2x512xf32>
      %dot_general3A_1004 = arith.constant dense<0.000000e+00> : vector<512x512xf32>
      %dot_general3A_1005 = tpu.matmul %concatenate3A_1002, %concatenate3A_1003, %dot_general3A_1004 {dimension_numbers = #tpu.dot_dimension_numbers<[0], [0], [1], [1], [0, 1, 1, 1], [], []>, transpose_lhs_hint = false} : vector<2x512xf32>, vector<2x512xf32>, vector<512x512xf32> -> vector<512x512xf32>
      %bitcast_convert_type3A_1006 = tpu.bitcast %dot_general3A_1005 : vector<512x512xf32> -> vector<512x512xi32>
      %and3A_1007 = vector.broadcast %scan3A_505 : i32 to vector<512x512xi32>
      %and3A_1008 = arith.andi %bitcast_convert_type3A_1006, %and3A_1007 : vector<512x512xi32>
      %add3A_1009 = arith.constant 64 : i32
      %add3A_1010 = arith.addi %add3A_1009, %scan3A_991 : i32
      %get3A_1011 = arith.index_cast %add3A_1010 : i32 to index
      %get3A_1012 = arith.constant 0 : index
      %get3A_1013 = vector.load %arg19[%get3A_1011, %get3A_1012] : memref<128x1xi32, #tpu.memory_space<vmem>>, vector<1x1xi32>
      %xor3A_1014 = vector.broadcast %get3A_1013 : vector<1x1xi32> to vector<512x512xi32>
      %xor3A_1015 = arith.xori %and3A_1008, %xor3A_1014 : vector<512x512xi32>
      %bitcast_convert_type3A_1016 = tpu.bitcast %xor3A_1015 : vector<512x512xi32> -> vector<512x512xf32>
      %add3A_1017 = arith.addf %add3A_989, %bitcast_convert_type3A_1016 : vector<512x512xf32>
      %scan3A_1018 = arith.constant 13 : i32
      %scan3A_1019 = arith.addi %scan3A_657, %scan3A_1018 : i32
      %add3A_1020 = arith.constant 64 : i32
      %add3A_1021 = arith.addi %add3A_1020, %scan3A_1019 : i32
      %get3A_1022 = arith.index_cast %add3A_1021 : i32 to index
      %get3A_1023 = arith.constant 0 : index
      %get3A_1024 = vector.load %arg27[%get3A_1022, %get3A_1023] : memref<128x512xf32, #tpu.memory_space<vmem>>, vector<1x512xf32>
      %add3A_1025 = arith.constant 64 : i32
      %add3A_1026 = arith.addi %add3A_1025, %scan3A_1019 : i32
      %get3A_1027 = arith.index_cast %add3A_1026 : i32 to index
      %get3A_1028 = arith.constant 0 : index
      %get3A_1029 = vector.load %arg26[%get3A_1027, %get3A_1028] : memref<128x512xf32, #tpu.memory_space<vmem>>, vector<1x512xf32>
      %concatenate3A_1030 = tpu.concatenate %get3A_1024, %broadcast_in_dim3A_365 in 0 : vector<1x512xf32>, vector<1x512xf32> -> vector<2x512xf32>
      %concatenate3A_1031 = tpu.concatenate %broadcast_in_dim3A_365, %get3A_1029 in 0 : vector<1x512xf32>, vector<1x512xf32> -> vector<2x512xf32>
      %dot_general3A_1032 = arith.constant dense<0.000000e+00> : vector<512x512xf32>
      %dot_general3A_1033 = tpu.matmul %concatenate3A_1030, %concatenate3A_1031, %dot_general3A_1032 {dimension_numbers = #tpu.dot_dimension_numbers<[0], [0], [1], [1], [0, 1, 1, 1], [], []>, transpose_lhs_hint = false} : vector<2x512xf32>, vector<2x512xf32>, vector<512x512xf32> -> vector<512x512xf32>
      %bitcast_convert_type3A_1034 = tpu.bitcast %dot_general3A_1033 : vector<512x512xf32> -> vector<512x512xi32>
      %and3A_1035 = vector.broadcast %scan3A_505 : i32 to vector<512x512xi32>
      %and3A_1036 = arith.andi %bitcast_convert_type3A_1034, %and3A_1035 : vector<512x512xi32>
      %add3A_1037 = arith.constant 64 : i32
      %add3A_1038 = arith.addi %add3A_1037, %scan3A_1019 : i32
      %get3A_1039 = arith.index_cast %add3A_1038 : i32 to index
      %get3A_1040 = arith.constant 0 : index
      %get3A_1041 = vector.load %arg19[%get3A_1039, %get3A_1040] : memref<128x1xi32, #tpu.memory_space<vmem>>, vector<1x1xi32>
      %xor3A_1042 = vector.broadcast %get3A_1041 : vector<1x1xi32> to vector<512x512xi32>
      %xor3A_1043 = arith.xori %and3A_1036, %xor3A_1042 : vector<512x512xi32>
      %bitcast_convert_type3A_1044 = tpu.bitcast %xor3A_1043 : vector<512x512xi32> -> vector<512x512xf32>
      %add3A_1045 = arith.addf %add3A_1017, %bitcast_convert_type3A_1044 : vector<512x512xf32>
      %scan3A_1046 = arith.constant 14 : i32
      %scan3A_1047 = arith.addi %scan3A_657, %scan3A_1046 : i32
      %add3A_1048 = arith.constant 64 : i32
      %add3A_1049 = arith.addi %add3A_1048, %scan3A_1047 : i32
      %get3A_1050 = arith.index_cast %add3A_1049 : i32 to index
      %get3A_1051 = arith.constant 0 : index
      %get3A_1052 = vector.load %arg27[%get3A_1050, %get3A_1051] : memref<128x512xf32, #tpu.memory_space<vmem>>, vector<1x512xf32>
      %add3A_1053 = arith.constant 64 : i32
      %add3A_1054 = arith.addi %add3A_1053, %scan3A_1047 : i32
      %get3A_1055 = arith.index_cast %add3A_1054 : i32 to index
      %get3A_1056 = arith.constant 0 : index
      %get3A_1057 = vector.load %arg26[%get3A_1055, %get3A_1056] : memref<128x512xf32, #tpu.memory_space<vmem>>, vector<1x512xf32>
      %concatenate3A_1058 = tpu.concatenate %get3A_1052, %broadcast_in_dim3A_365 in 0 : vector<1x512xf32>, vector<1x512xf32> -> vector<2x512xf32>
      %concatenate3A_1059 = tpu.concatenate %broadcast_in_dim3A_365, %get3A_1057 in 0 : vector<1x512xf32>, vector<1x512xf32> -> vector<2x512xf32>
      %dot_general3A_1060 = arith.constant dense<0.000000e+00> : vector<512x512xf32>
      %dot_general3A_1061 = tpu.matmul %concatenate3A_1058, %concatenate3A_1059, %dot_general3A_1060 {dimension_numbers = #tpu.dot_dimension_numbers<[0], [0], [1], [1], [0, 1, 1, 1], [], []>, transpose_lhs_hint = false} : vector<2x512xf32>, vector<2x512xf32>, vector<512x512xf32> -> vector<512x512xf32>
      %bitcast_convert_type3A_1062 = tpu.bitcast %dot_general3A_1061 : vector<512x512xf32> -> vector<512x512xi32>
      %and3A_1063 = vector.broadcast %scan3A_505 : i32 to vector<512x512xi32>
      %and3A_1064 = arith.andi %bitcast_convert_type3A_1062, %and3A_1063 : vector<512x512xi32>
      %add3A_1065 = arith.constant 64 : i32
      %add3A_1066 = arith.addi %add3A_1065, %scan3A_1047 : i32
      %get3A_1067 = arith.index_cast %add3A_1066 : i32 to index
      %get3A_1068 = arith.constant 0 : index
      %get3A_1069 = vector.load %arg19[%get3A_1067, %get3A_1068] : memref<128x1xi32, #tpu.memory_space<vmem>>, vector<1x1xi32>
      %xor3A_1070 = vector.broadcast %get3A_1069 : vector<1x1xi32> to vector<512x512xi32>
      %xor3A_1071 = arith.xori %and3A_1064, %xor3A_1070 : vector<512x512xi32>
      %bitcast_convert_type3A_1072 = tpu.bitcast %xor3A_1071 : vector<512x512xi32> -> vector<512x512xf32>
      %add3A_1073 = arith.addf %add3A_1045, %bitcast_convert_type3A_1072 : vector<512x512xf32>
      %scan3A_1074 = arith.constant 15 : i32
      %scan3A_1075 = arith.addi %scan3A_657, %scan3A_1074 : i32
      %add3A_1076 = arith.constant 64 : i32
      %add3A_1077 = arith.addi %add3A_1076, %scan3A_1075 : i32
      %get3A_1078 = arith.index_cast %add3A_1077 : i32 to index
      %get3A_1079 = arith.constant 0 : index
      %get3A_1080 = vector.load %arg27[%get3A_1078, %get3A_1079] : memref<128x512xf32, #tpu.memory_space<vmem>>, vector<1x512xf32>
      %add3A_1081 = arith.constant 64 : i32
      %add3A_1082 = arith.addi %add3A_1081, %scan3A_1075 : i32
      %get3A_1083 = arith.index_cast %add3A_1082 : i32 to index
      %get3A_1084 = arith.constant 0 : index
      %get3A_1085 = vector.load %arg26[%get3A_1083, %get3A_1084] : memref<128x512xf32, #tpu.memory_space<vmem>>, vector<1x512xf32>
      %concatenate3A_1086 = tpu.concatenate %get3A_1080, %broadcast_in_dim3A_365 in 0 : vector<1x512xf32>, vector<1x512xf32> -> vector<2x512xf32>
      %concatenate3A_1087 = tpu.concatenate %broadcast_in_dim3A_365, %get3A_1085 in 0 : vector<1x512xf32>, vector<1x512xf32> -> vector<2x512xf32>
      %dot_general3A_1088 = arith.constant dense<0.000000e+00> : vector<512x512xf32>
      %dot_general3A_1089 = tpu.matmul %concatenate3A_1086, %concatenate3A_1087, %dot_general3A_1088 {dimension_numbers = #tpu.dot_dimension_numbers<[0], [0], [1], [1], [0, 1, 1, 1], [], []>, transpose_lhs_hint = false} : vector<2x512xf32>, vector<2x512xf32>, vector<512x512xf32> -> vector<512x512xf32>
      %bitcast_convert_type3A_1090 = tpu.bitcast %dot_general3A_1089 : vector<512x512xf32> -> vector<512x512xi32>
      %and3A_1091 = vector.broadcast %scan3A_505 : i32 to vector<512x512xi32>
      %and3A_1092 = arith.andi %bitcast_convert_type3A_1090, %and3A_1091 : vector<512x512xi32>
      %add3A_1093 = arith.constant 64 : i32
      %add3A_1094 = arith.addi %add3A_1093, %scan3A_1075 : i32
      %get3A_1095 = arith.index_cast %add3A_1094 : i32 to index
      %get3A_1096 = arith.constant 0 : index
      %get3A_1097 = vector.load %arg19[%get3A_1095, %get3A_1096] : memref<128x1xi32, #tpu.memory_space<vmem>>, vector<1x1xi32>
      %xor3A_1098 = vector.broadcast %get3A_1097 : vector<1x1xi32> to vector<512x512xi32>
      %xor3A_1099 = arith.xori %and3A_1092, %xor3A_1098 : vector<512x512xi32>
      %bitcast_convert_type3A_1100 = tpu.bitcast %xor3A_1099 : vector<512x512xi32> -> vector<512x512xf32>
      %add3A_1101 = arith.addf %add3A_1073, %bitcast_convert_type3A_1100 : vector<512x512xf32>
      scf.yield %add3A_1101 : vector<512x512xf32>
    }
    %scan3A_511 = arith.constant 32 : i32
    %mul3A_512 = arith.constant 4.000000e-01 : f32
    %mul3A_513 = vector.broadcast %mul3A_512 : f32 to vector<512x512xf32>
    %mul3A_514 = arith.mulf %mul3A_513, %scan3A_510 : vector<512x512xf32>
    %add3A_515 = arith.addf %mul3A_514, %select_n3A : vector<512x512xf32>
    %reduce_max3A_516 = arith.constant dense<0xFF800000> : vector<512xf32>
    %reduce_max3A_517 = vector.multi_reduction <maximumf>, %add3A_515, %reduce_max3A_516 [1] : vector<512x512xf32> to vector<512xf32>
    %broadcast_in_dim3A_518 = vector.shape_cast %reduce_max3A_517 : vector<512xf32> to vector<512x1xf32>
    %is_finite3A_519 = tpu.weird %broadcast_in_dim3A_518 : vector<512x1xf32> -> vector<512x1xi1>
    %is_finite3A_520 = arith.constant dense<true> : vector<512x1xi1>
    %is_finite3A_521 = arith.xori %is_finite3A_519, %is_finite3A_520 : vector<512x1xi1>
    %jit3A_522 = arith.constant 0.000000e+00 : f32
    %broadcast_in_dim3A_523 = vector.broadcast %jit3A_522 : f32 to vector<512x1xf32>
    %select_n3A_524 = arith.select %is_finite3A_521, %broadcast_in_dim3A_518, %broadcast_in_dim3A_523 : vector<512x1xi1>, vector<512x1xf32>
    %sub3A_525 = vector.broadcast %select_n3A_524 : vector<512x1xf32> to vector<512x512xf32>
    %sub3A_526 = arith.subf %add3A_515, %sub3A_525 : vector<512x512xf32>
    %exp3A_527 = math.exp %sub3A_526 : vector<512x512xf32>
    %mul3A_528 = arith.mulf %add3A, %exp3A_527 : vector<512x512xf32>
    %reduce_sum3A_529 = arith.constant dense<0.000000e+00> : vector<512xf32>
    %reduce_sum3A_530 = vector.multi_reduction <add>, %mul3A_528, %reduce_sum3A_529 [1] : vector<512x512xf32> to vector<512xf32>
    %broadcast_in_dim3A_531 = vector.shape_cast %reduce_sum3A_530 : vector<512xf32> to vector<512x1xf32>
    %add3A_532 = arith.constant 1.000000e-16 : f32
    %add3A_533 = vector.broadcast %add3A_532 : f32 to vector<512x1xf32>
    %add3A_534 = arith.addf %broadcast_in_dim3A_531, %add3A_533 : vector<512x1xf32>
    %div3A_535 = arith.constant 1.000000e+00 : f32
    %div3A_536 = vector.broadcast %div3A_535 : f32 to vector<512x1xf32>
    %div3A_537 = arith.divf %div3A_536, %add3A_534 : vector<512x1xf32>
    %mul3A_538 = vector.broadcast %div3A_537 : vector<512x1xf32> to vector<512x512xf32>
    %mul3A_539 = arith.mulf %mul3A_528, %mul3A_538 : vector<512x512xf32>
    %dot_general3A_540 = arith.constant dense<0.000000e+00> : vector<512x32xf32>
    %dot_general3A_541 = tpu.matmul %mul3A_539, %slice3A_484, %dot_general3A_540 {dimension_numbers = #tpu.dot_dimension_numbers<[1], [0], [0], [1], [0, 0, 1, 1], [], []>, transpose_lhs_hint = false} : vector<512x512xf32>, vector<512x32xf32>, vector<512x32xf32> -> vector<512x32xf32>
    %slice3A_542 = vector.extract_strided_slice %add3A_347 {offsets = [0, 96], sizes = [512, 32], strides = [1, 1]} : vector<512x128xf32> to vector<512x32xf32>
    %get3A_543 = arith.constant 96 : index
    %get3A_544 = arith.constant 0 : index
    %get3A_545 = vector.load %arg26[%get3A_543, %get3A_544] : memref<128x512xf32, #tpu.memory_space<vmem>>, vector<32x512xf32>
    %dot_general3A_546 = arith.constant dense<0.000000e+00> : vector<1x512xf32>
    %dot_general3A_547 = tpu.matmul %broadcast_in_dim3A_367, %get3A_545, %dot_general3A_546 {dimension_numbers = #tpu.dot_dimension_numbers<[1], [0], [0], [1], [0, 0, 1, 1], [], []>, transpose_lhs_hint = false} : vector<1x32xf32>, vector<32x512xf32>, vector<1x512xf32> -> vector<1x512xf32>
    %get3A_548 = arith.constant 96 : index
    %get3A_549 = arith.constant 0 : index
    %get3A_550 = vector.load %arg27[%get3A_548, %get3A_549] : memref<128x512xf32, #tpu.memory_space<vmem>>, vector<32x512xf32>
    %dot_general3A_551 = arith.constant dense<0.000000e+00> : vector<1x512xf32>
    %dot_general3A_552 = tpu.matmul %broadcast_in_dim3A_367, %get3A_550, %dot_general3A_551 {dimension_numbers = #tpu.dot_dimension_numbers<[1], [0], [0], [1], [0, 0, 1, 1], [], []>, transpose_lhs_hint = false} : vector<1x32xf32>, vector<32x512xf32>, vector<1x512xf32> -> vector<1x512xf32>
    %mul3A_553 = arith.constant 1.500000e+00 : f32
    %mul3A_554 = vector.broadcast %mul3A_553 : f32 to vector<1x512xf32>
    %mul3A_555 = arith.mulf %mul3A_554, %dot_general3A_552 : vector<1x512xf32>
    %concatenate3A_556 = tpu.concatenate %mul3A_555, %broadcast_in_dim3A_365 in 0 : vector<1x512xf32>, vector<1x512xf32> -> vector<2x512xf32>
    %mul3A_557 = arith.constant 1.500000e+00 : f32
    %mul3A_558 = vector.broadcast %mul3A_557 : f32 to vector<1x512xf32>
    %mul3A_559 = arith.mulf %mul3A_558, %dot_general3A_547 : vector<1x512xf32>
    %concatenate3A_560 = tpu.concatenate %broadcast_in_dim3A_365, %mul3A_559 in 0 : vector<1x512xf32>, vector<1x512xf32> -> vector<2x512xf32>
    %dot_general3A_561 = arith.constant dense<0.000000e+00> : vector<512x512xf32>
    %dot_general3A_562 = tpu.matmul %concatenate3A_556, %concatenate3A_560, %dot_general3A_561 {dimension_numbers = #tpu.dot_dimension_numbers<[0], [0], [1], [1], [0, 1, 1, 1], [], []>, transpose_lhs_hint = false} : vector<2x512xf32>, vector<2x512xf32>, vector<512x512xf32> -> vector<512x512xf32>
    %scan3A_563 = arith.constant 2147483647 : i32
    %scan3A_564 = arith.constant 0 : i32
    %scan3A_565 = arith.constant 32 : i32
    %scan3A_566 = arith.addi %scan3A_564, %scan3A_565 : i32
    %scan3A_567 = arith.constant 16 : i32
    %scan3A_568 = scf.for %scan3A_657 = %scan3A_564 to %scan3A_566 step %scan3A_567 iter_args(%scan3A_658 = %dot_general3A_562) -> (vector<512x512xf32>)  : i32 {
      %add3A_659 = arith.constant 96 : i32
      %add3A_660 = arith.addi %add3A_659, %scan3A_657 : i32
      %get3A_661 = arith.index_cast %add3A_660 : i32 to index
      %get3A_662 = arith.constant 0 : index
      %get3A_663 = vector.load %arg27[%get3A_661, %get3A_662] : memref<128x512xf32, #tpu.memory_space<vmem>>, vector<1x512xf32>
      %add3A_664 = arith.constant 96 : i32
      %add3A_665 = arith.addi %add3A_664, %scan3A_657 : i32
      %get3A_666 = arith.index_cast %add3A_665 : i32 to index
      %get3A_667 = arith.constant 0 : index
      %get3A_668 = vector.load %arg26[%get3A_666, %get3A_667] : memref<128x512xf32, #tpu.memory_space<vmem>>, vector<1x512xf32>
      %concatenate3A_669 = tpu.concatenate %get3A_663, %broadcast_in_dim3A_365 in 0 : vector<1x512xf32>, vector<1x512xf32> -> vector<2x512xf32>
      %concatenate3A_670 = tpu.concatenate %broadcast_in_dim3A_365, %get3A_668 in 0 : vector<1x512xf32>, vector<1x512xf32> -> vector<2x512xf32>
      %dot_general3A_671 = arith.constant dense<0.000000e+00> : vector<512x512xf32>
      %dot_general3A_672 = tpu.matmul %concatenate3A_669, %concatenate3A_670, %dot_general3A_671 {dimension_numbers = #tpu.dot_dimension_numbers<[0], [0], [1], [1], [0, 1, 1, 1], [], []>, transpose_lhs_hint = false} : vector<2x512xf32>, vector<2x512xf32>, vector<512x512xf32> -> vector<512x512xf32>
      %bitcast_convert_type3A = tpu.bitcast %dot_general3A_672 : vector<512x512xf32> -> vector<512x512xi32>
      %and3A = vector.broadcast %scan3A_563 : i32 to vector<512x512xi32>
      %and3A_673 = arith.andi %bitcast_convert_type3A, %and3A : vector<512x512xi32>
      %add3A_674 = arith.constant 96 : i32
      %add3A_675 = arith.addi %add3A_674, %scan3A_657 : i32
      %get3A_676 = arith.index_cast %add3A_675 : i32 to index
      %get3A_677 = arith.constant 0 : index
      %get3A_678 = vector.load %arg19[%get3A_676, %get3A_677] : memref<128x1xi32, #tpu.memory_space<vmem>>, vector<1x1xi32>
      %xor3A = vector.broadcast %get3A_678 : vector<1x1xi32> to vector<512x512xi32>
      %xor3A_679 = arith.xori %and3A_673, %xor3A : vector<512x512xi32>
      %bitcast_convert_type3A_680 = tpu.bitcast %xor3A_679 : vector<512x512xi32> -> vector<512x512xf32>
      %add3A_681 = arith.addf %scan3A_658, %bitcast_convert_type3A_680 : vector<512x512xf32>
      %scan3A_682 = arith.constant 1 : i32
      %scan3A_683 = arith.addi %scan3A_657, %scan3A_682 : i32
      %add3A_684 = arith.constant 96 : i32
      %add3A_685 = arith.addi %add3A_684, %scan3A_683 : i32
      %get3A_686 = arith.index_cast %add3A_685 : i32 to index
      %get3A_687 = arith.constant 0 : index
      %get3A_688 = vector.load %arg27[%get3A_686, %get3A_687] : memref<128x512xf32, #tpu.memory_space<vmem>>, vector<1x512xf32>
      %add3A_689 = arith.constant 96 : i32
      %add3A_690 = arith.addi %add3A_689, %scan3A_683 : i32
      %get3A_691 = arith.index_cast %add3A_690 : i32 to index
      %get3A_692 = arith.constant 0 : index
      %get3A_693 = vector.load %arg26[%get3A_691, %get3A_692] : memref<128x512xf32, #tpu.memory_space<vmem>>, vector<1x512xf32>
      %concatenate3A_694 = tpu.concatenate %get3A_688, %broadcast_in_dim3A_365 in 0 : vector<1x512xf32>, vector<1x512xf32> -> vector<2x512xf32>
      %concatenate3A_695 = tpu.concatenate %broadcast_in_dim3A_365, %get3A_693 in 0 : vector<1x512xf32>, vector<1x512xf32> -> vector<2x512xf32>
      %dot_general3A_696 = arith.constant dense<0.000000e+00> : vector<512x512xf32>
      %dot_general3A_697 = tpu.matmul %concatenate3A_694, %concatenate3A_695, %dot_general3A_696 {dimension_numbers = #tpu.dot_dimension_numbers<[0], [0], [1], [1], [0, 1, 1, 1], [], []>, transpose_lhs_hint = false} : vector<2x512xf32>, vector<2x512xf32>, vector<512x512xf32> -> vector<512x512xf32>
      %bitcast_convert_type3A_698 = tpu.bitcast %dot_general3A_697 : vector<512x512xf32> -> vector<512x512xi32>
      %and3A_699 = vector.broadcast %scan3A_563 : i32 to vector<512x512xi32>
      %and3A_700 = arith.andi %bitcast_convert_type3A_698, %and3A_699 : vector<512x512xi32>
      %add3A_701 = arith.constant 96 : i32
      %add3A_702 = arith.addi %add3A_701, %scan3A_683 : i32
      %get3A_703 = arith.index_cast %add3A_702 : i32 to index
      %get3A_704 = arith.constant 0 : index
      %get3A_705 = vector.load %arg19[%get3A_703, %get3A_704] : memref<128x1xi32, #tpu.memory_space<vmem>>, vector<1x1xi32>
      %xor3A_706 = vector.broadcast %get3A_705 : vector<1x1xi32> to vector<512x512xi32>
      %xor3A_707 = arith.xori %and3A_700, %xor3A_706 : vector<512x512xi32>
      %bitcast_convert_type3A_708 = tpu.bitcast %xor3A_707 : vector<512x512xi32> -> vector<512x512xf32>
      %add3A_709 = arith.addf %add3A_681, %bitcast_convert_type3A_708 : vector<512x512xf32>
      %scan3A_710 = arith.constant 2 : i32
      %scan3A_711 = arith.addi %scan3A_657, %scan3A_710 : i32
      %add3A_712 = arith.constant 96 : i32
      %add3A_713 = arith.addi %add3A_712, %scan3A_711 : i32
      %get3A_714 = arith.index_cast %add3A_713 : i32 to index
      %get3A_715 = arith.constant 0 : index
      %get3A_716 = vector.load %arg27[%get3A_714, %get3A_715] : memref<128x512xf32, #tpu.memory_space<vmem>>, vector<1x512xf32>
      %add3A_717 = arith.constant 96 : i32
      %add3A_718 = arith.addi %add3A_717, %scan3A_711 : i32
      %get3A_719 = arith.index_cast %add3A_718 : i32 to index
      %get3A_720 = arith.constant 0 : index
      %get3A_721 = vector.load %arg26[%get3A_719, %get3A_720] : memref<128x512xf32, #tpu.memory_space<vmem>>, vector<1x512xf32>
      %concatenate3A_722 = tpu.concatenate %get3A_716, %broadcast_in_dim3A_365 in 0 : vector<1x512xf32>, vector<1x512xf32> -> vector<2x512xf32>
      %concatenate3A_723 = tpu.concatenate %broadcast_in_dim3A_365, %get3A_721 in 0 : vector<1x512xf32>, vector<1x512xf32> -> vector<2x512xf32>
      %dot_general3A_724 = arith.constant dense<0.000000e+00> : vector<512x512xf32>
      %dot_general3A_725 = tpu.matmul %concatenate3A_722, %concatenate3A_723, %dot_general3A_724 {dimension_numbers = #tpu.dot_dimension_numbers<[0], [0], [1], [1], [0, 1, 1, 1], [], []>, transpose_lhs_hint = false} : vector<2x512xf32>, vector<2x512xf32>, vector<512x512xf32> -> vector<512x512xf32>
      %bitcast_convert_type3A_726 = tpu.bitcast %dot_general3A_725 : vector<512x512xf32> -> vector<512x512xi32>
      %and3A_727 = vector.broadcast %scan3A_563 : i32 to vector<512x512xi32>
      %and3A_728 = arith.andi %bitcast_convert_type3A_726, %and3A_727 : vector<512x512xi32>
      %add3A_729 = arith.constant 96 : i32
      %add3A_730 = arith.addi %add3A_729, %scan3A_711 : i32
      %get3A_731 = arith.index_cast %add3A_730 : i32 to index
      %get3A_732 = arith.constant 0 : index
      %get3A_733 = vector.load %arg19[%get3A_731, %get3A_732] : memref<128x1xi32, #tpu.memory_space<vmem>>, vector<1x1xi32>
      %xor3A_734 = vector.broadcast %get3A_733 : vector<1x1xi32> to vector<512x512xi32>
      %xor3A_735 = arith.xori %and3A_728, %xor3A_734 : vector<512x512xi32>
      %bitcast_convert_type3A_736 = tpu.bitcast %xor3A_735 : vector<512x512xi32> -> vector<512x512xf32>
      %add3A_737 = arith.addf %add3A_709, %bitcast_convert_type3A_736 : vector<512x512xf32>
      %scan3A_738 = arith.constant 3 : i32
      %scan3A_739 = arith.addi %scan3A_657, %scan3A_738 : i32
      %add3A_740 = arith.constant 96 : i32
      %add3A_741 = arith.addi %add3A_740, %scan3A_739 : i32
      %get3A_742 = arith.index_cast %add3A_741 : i32 to index
      %get3A_743 = arith.constant 0 : index
      %get3A_744 = vector.load %arg27[%get3A_742, %get3A_743] : memref<128x512xf32, #tpu.memory_space<vmem>>, vector<1x512xf32>
      %add3A_745 = arith.constant 96 : i32
      %add3A_746 = arith.addi %add3A_745, %scan3A_739 : i32
      %get3A_747 = arith.index_cast %add3A_746 : i32 to index
      %get3A_748 = arith.constant 0 : index
      %get3A_749 = vector.load %arg26[%get3A_747, %get3A_748] : memref<128x512xf32, #tpu.memory_space<vmem>>, vector<1x512xf32>
      %concatenate3A_750 = tpu.concatenate %get3A_744, %broadcast_in_dim3A_365 in 0 : vector<1x512xf32>, vector<1x512xf32> -> vector<2x512xf32>
      %concatenate3A_751 = tpu.concatenate %broadcast_in_dim3A_365, %get3A_749 in 0 : vector<1x512xf32>, vector<1x512xf32> -> vector<2x512xf32>
      %dot_general3A_752 = arith.constant dense<0.000000e+00> : vector<512x512xf32>
      %dot_general3A_753 = tpu.matmul %concatenate3A_750, %concatenate3A_751, %dot_general3A_752 {dimension_numbers = #tpu.dot_dimension_numbers<[0], [0], [1], [1], [0, 1, 1, 1], [], []>, transpose_lhs_hint = false} : vector<2x512xf32>, vector<2x512xf32>, vector<512x512xf32> -> vector<512x512xf32>
      %bitcast_convert_type3A_754 = tpu.bitcast %dot_general3A_753 : vector<512x512xf32> -> vector<512x512xi32>
      %and3A_755 = vector.broadcast %scan3A_563 : i32 to vector<512x512xi32>
      %and3A_756 = arith.andi %bitcast_convert_type3A_754, %and3A_755 : vector<512x512xi32>
      %add3A_757 = arith.constant 96 : i32
      %add3A_758 = arith.addi %add3A_757, %scan3A_739 : i32
      %get3A_759 = arith.index_cast %add3A_758 : i32 to index
      %get3A_760 = arith.constant 0 : index
      %get3A_761 = vector.load %arg19[%get3A_759, %get3A_760] : memref<128x1xi32, #tpu.memory_space<vmem>>, vector<1x1xi32>
      %xor3A_762 = vector.broadcast %get3A_761 : vector<1x1xi32> to vector<512x512xi32>
      %xor3A_763 = arith.xori %and3A_756, %xor3A_762 : vector<512x512xi32>
      %bitcast_convert_type3A_764 = tpu.bitcast %xor3A_763 : vector<512x512xi32> -> vector<512x512xf32>
      %add3A_765 = arith.addf %add3A_737, %bitcast_convert_type3A_764 : vector<512x512xf32>
      %scan3A_766 = arith.constant 4 : i32
      %scan3A_767 = arith.addi %scan3A_657, %scan3A_766 : i32
      %add3A_768 = arith.constant 96 : i32
      %add3A_769 = arith.addi %add3A_768, %scan3A_767 : i32
      %get3A_770 = arith.index_cast %add3A_769 : i32 to index
      %get3A_771 = arith.constant 0 : index
      %get3A_772 = vector.load %arg27[%get3A_770, %get3A_771] : memref<128x512xf32, #tpu.memory_space<vmem>>, vector<1x512xf32>
      %add3A_773 = arith.constant 96 : i32
      %add3A_774 = arith.addi %add3A_773, %scan3A_767 : i32
      %get3A_775 = arith.index_cast %add3A_774 : i32 to index
      %get3A_776 = arith.constant 0 : index
      %get3A_777 = vector.load %arg26[%get3A_775, %get3A_776] : memref<128x512xf32, #tpu.memory_space<vmem>>, vector<1x512xf32>
      %concatenate3A_778 = tpu.concatenate %get3A_772, %broadcast_in_dim3A_365 in 0 : vector<1x512xf32>, vector<1x512xf32> -> vector<2x512xf32>
      %concatenate3A_779 = tpu.concatenate %broadcast_in_dim3A_365, %get3A_777 in 0 : vector<1x512xf32>, vector<1x512xf32> -> vector<2x512xf32>
      %dot_general3A_780 = arith.constant dense<0.000000e+00> : vector<512x512xf32>
      %dot_general3A_781 = tpu.matmul %concatenate3A_778, %concatenate3A_779, %dot_general3A_780 {dimension_numbers = #tpu.dot_dimension_numbers<[0], [0], [1], [1], [0, 1, 1, 1], [], []>, transpose_lhs_hint = false} : vector<2x512xf32>, vector<2x512xf32>, vector<512x512xf32> -> vector<512x512xf32>
      %bitcast_convert_type3A_782 = tpu.bitcast %dot_general3A_781 : vector<512x512xf32> -> vector<512x512xi32>
      %and3A_783 = vector.broadcast %scan3A_563 : i32 to vector<512x512xi32>
      %and3A_784 = arith.andi %bitcast_convert_type3A_782, %and3A_783 : vector<512x512xi32>
      %add3A_785 = arith.constant 96 : i32
      %add3A_786 = arith.addi %add3A_785, %scan3A_767 : i32
      %get3A_787 = arith.index_cast %add3A_786 : i32 to index
      %get3A_788 = arith.constant 0 : index
      %get3A_789 = vector.load %arg19[%get3A_787, %get3A_788] : memref<128x1xi32, #tpu.memory_space<vmem>>, vector<1x1xi32>
      %xor3A_790 = vector.broadcast %get3A_789 : vector<1x1xi32> to vector<512x512xi32>
      %xor3A_791 = arith.xori %and3A_784, %xor3A_790 : vector<512x512xi32>
      %bitcast_convert_type3A_792 = tpu.bitcast %xor3A_791 : vector<512x512xi32> -> vector<512x512xf32>
      %add3A_793 = arith.addf %add3A_765, %bitcast_convert_type3A_792 : vector<512x512xf32>
      %scan3A_794 = arith.constant 5 : i32
      %scan3A_795 = arith.addi %scan3A_657, %scan3A_794 : i32
      %add3A_796 = arith.constant 96 : i32
      %add3A_797 = arith.addi %add3A_796, %scan3A_795 : i32
      %get3A_798 = arith.index_cast %add3A_797 : i32 to index
      %get3A_799 = arith.constant 0 : index
      %get3A_800 = vector.load %arg27[%get3A_798, %get3A_799] : memref<128x512xf32, #tpu.memory_space<vmem>>, vector<1x512xf32>
      %add3A_801 = arith.constant 96 : i32
      %add3A_802 = arith.addi %add3A_801, %scan3A_795 : i32
      %get3A_803 = arith.index_cast %add3A_802 : i32 to index
      %get3A_804 = arith.constant 0 : index
      %get3A_805 = vector.load %arg26[%get3A_803, %get3A_804] : memref<128x512xf32, #tpu.memory_space<vmem>>, vector<1x512xf32>
      %concatenate3A_806 = tpu.concatenate %get3A_800, %broadcast_in_dim3A_365 in 0 : vector<1x512xf32>, vector<1x512xf32> -> vector<2x512xf32>
      %concatenate3A_807 = tpu.concatenate %broadcast_in_dim3A_365, %get3A_805 in 0 : vector<1x512xf32>, vector<1x512xf32> -> vector<2x512xf32>
      %dot_general3A_808 = arith.constant dense<0.000000e+00> : vector<512x512xf32>
      %dot_general3A_809 = tpu.matmul %concatenate3A_806, %concatenate3A_807, %dot_general3A_808 {dimension_numbers = #tpu.dot_dimension_numbers<[0], [0], [1], [1], [0, 1, 1, 1], [], []>, transpose_lhs_hint = false} : vector<2x512xf32>, vector<2x512xf32>, vector<512x512xf32> -> vector<512x512xf32>
      %bitcast_convert_type3A_810 = tpu.bitcast %dot_general3A_809 : vector<512x512xf32> -> vector<512x512xi32>
      %and3A_811 = vector.broadcast %scan3A_563 : i32 to vector<512x512xi32>
      %and3A_812 = arith.andi %bitcast_convert_type3A_810, %and3A_811 : vector<512x512xi32>
      %add3A_813 = arith.constant 96 : i32
      %add3A_814 = arith.addi %add3A_813, %scan3A_795 : i32
      %get3A_815 = arith.index_cast %add3A_814 : i32 to index
      %get3A_816 = arith.constant 0 : index
      %get3A_817 = vector.load %arg19[%get3A_815, %get3A_816] : memref<128x1xi32, #tpu.memory_space<vmem>>, vector<1x1xi32>
      %xor3A_818 = vector.broadcast %get3A_817 : vector<1x1xi32> to vector<512x512xi32>
      %xor3A_819 = arith.xori %and3A_812, %xor3A_818 : vector<512x512xi32>
      %bitcast_convert_type3A_820 = tpu.bitcast %xor3A_819 : vector<512x512xi32> -> vector<512x512xf32>
      %add3A_821 = arith.addf %add3A_793, %bitcast_convert_type3A_820 : vector<512x512xf32>
      %scan3A_822 = arith.constant 6 : i32
      %scan3A_823 = arith.addi %scan3A_657, %scan3A_822 : i32
      %add3A_824 = arith.constant 96 : i32
      %add3A_825 = arith.addi %add3A_824, %scan3A_823 : i32
      %get3A_826 = arith.index_cast %add3A_825 : i32 to index
      %get3A_827 = arith.constant 0 : index
      %get3A_828 = vector.load %arg27[%get3A_826, %get3A_827] : memref<128x512xf32, #tpu.memory_space<vmem>>, vector<1x512xf32>
      %add3A_829 = arith.constant 96 : i32
      %add3A_830 = arith.addi %add3A_829, %scan3A_823 : i32
      %get3A_831 = arith.index_cast %add3A_830 : i32 to index
      %get3A_832 = arith.constant 0 : index
      %get3A_833 = vector.load %arg26[%get3A_831, %get3A_832] : memref<128x512xf32, #tpu.memory_space<vmem>>, vector<1x512xf32>
      %concatenate3A_834 = tpu.concatenate %get3A_828, %broadcast_in_dim3A_365 in 0 : vector<1x512xf32>, vector<1x512xf32> -> vector<2x512xf32>
      %concatenate3A_835 = tpu.concatenate %broadcast_in_dim3A_365, %get3A_833 in 0 : vector<1x512xf32>, vector<1x512xf32> -> vector<2x512xf32>
      %dot_general3A_836 = arith.constant dense<0.000000e+00> : vector<512x512xf32>
      %dot_general3A_837 = tpu.matmul %concatenate3A_834, %concatenate3A_835, %dot_general3A_836 {dimension_numbers = #tpu.dot_dimension_numbers<[0], [0], [1], [1], [0, 1, 1, 1], [], []>, transpose_lhs_hint = false} : vector<2x512xf32>, vector<2x512xf32>, vector<512x512xf32> -> vector<512x512xf32>
      %bitcast_convert_type3A_838 = tpu.bitcast %dot_general3A_837 : vector<512x512xf32> -> vector<512x512xi32>
      %and3A_839 = vector.broadcast %scan3A_563 : i32 to vector<512x512xi32>
      %and3A_840 = arith.andi %bitcast_convert_type3A_838, %and3A_839 : vector<512x512xi32>
      %add3A_841 = arith.constant 96 : i32
      %add3A_842 = arith.addi %add3A_841, %scan3A_823 : i32
      %get3A_843 = arith.index_cast %add3A_842 : i32 to index
      %get3A_844 = arith.constant 0 : index
      %get3A_845 = vector.load %arg19[%get3A_843, %get3A_844] : memref<128x1xi32, #tpu.memory_space<vmem>>, vector<1x1xi32>
      %xor3A_846 = vector.broadcast %get3A_845 : vector<1x1xi32> to vector<512x512xi32>
      %xor3A_847 = arith.xori %and3A_840, %xor3A_846 : vector<512x512xi32>
      %bitcast_convert_type3A_848 = tpu.bitcast %xor3A_847 : vector<512x512xi32> -> vector<512x512xf32>
      %add3A_849 = arith.addf %add3A_821, %bitcast_convert_type3A_848 : vector<512x512xf32>
      %scan3A_850 = arith.constant 7 : i32
      %scan3A_851 = arith.addi %scan3A_657, %scan3A_850 : i32
      %add3A_852 = arith.constant 96 : i32
      %add3A_853 = arith.addi %add3A_852, %scan3A_851 : i32
      %get3A_854 = arith.index_cast %add3A_853 : i32 to index
      %get3A_855 = arith.constant 0 : index
      %get3A_856 = vector.load %arg27[%get3A_854, %get3A_855] : memref<128x512xf32, #tpu.memory_space<vmem>>, vector<1x512xf32>
      %add3A_857 = arith.constant 96 : i32
      %add3A_858 = arith.addi %add3A_857, %scan3A_851 : i32
      %get3A_859 = arith.index_cast %add3A_858 : i32 to index
      %get3A_860 = arith.constant 0 : index
      %get3A_861 = vector.load %arg26[%get3A_859, %get3A_860] : memref<128x512xf32, #tpu.memory_space<vmem>>, vector<1x512xf32>
      %concatenate3A_862 = tpu.concatenate %get3A_856, %broadcast_in_dim3A_365 in 0 : vector<1x512xf32>, vector<1x512xf32> -> vector<2x512xf32>
      %concatenate3A_863 = tpu.concatenate %broadcast_in_dim3A_365, %get3A_861 in 0 : vector<1x512xf32>, vector<1x512xf32> -> vector<2x512xf32>
      %dot_general3A_864 = arith.constant dense<0.000000e+00> : vector<512x512xf32>
      %dot_general3A_865 = tpu.matmul %concatenate3A_862, %concatenate3A_863, %dot_general3A_864 {dimension_numbers = #tpu.dot_dimension_numbers<[0], [0], [1], [1], [0, 1, 1, 1], [], []>, transpose_lhs_hint = false} : vector<2x512xf32>, vector<2x512xf32>, vector<512x512xf32> -> vector<512x512xf32>
      %bitcast_convert_type3A_866 = tpu.bitcast %dot_general3A_865 : vector<512x512xf32> -> vector<512x512xi32>
      %and3A_867 = vector.broadcast %scan3A_563 : i32 to vector<512x512xi32>
      %and3A_868 = arith.andi %bitcast_convert_type3A_866, %and3A_867 : vector<512x512xi32>
      %add3A_869 = arith.constant 96 : i32
      %add3A_870 = arith.addi %add3A_869, %scan3A_851 : i32
      %get3A_871 = arith.index_cast %add3A_870 : i32 to index
      %get3A_872 = arith.constant 0 : index
      %get3A_873 = vector.load %arg19[%get3A_871, %get3A_872] : memref<128x1xi32, #tpu.memory_space<vmem>>, vector<1x1xi32>
      %xor3A_874 = vector.broadcast %get3A_873 : vector<1x1xi32> to vector<512x512xi32>
      %xor3A_875 = arith.xori %and3A_868, %xor3A_874 : vector<512x512xi32>
      %bitcast_convert_type3A_876 = tpu.bitcast %xor3A_875 : vector<512x512xi32> -> vector<512x512xf32>
      %add3A_877 = arith.addf %add3A_849, %bitcast_convert_type3A_876 : vector<512x512xf32>
      %scan3A_878 = arith.constant 8 : i32
      %scan3A_879 = arith.addi %scan3A_657, %scan3A_878 : i32
      %add3A_880 = arith.constant 96 : i32
      %add3A_881 = arith.addi %add3A_880, %scan3A_879 : i32
      %get3A_882 = arith.index_cast %add3A_881 : i32 to index
      %get3A_883 = arith.constant 0 : index
      %get3A_884 = vector.load %arg27[%get3A_882, %get3A_883] : memref<128x512xf32, #tpu.memory_space<vmem>>, vector<1x512xf32>
      %add3A_885 = arith.constant 96 : i32
      %add3A_886 = arith.addi %add3A_885, %scan3A_879 : i32
      %get3A_887 = arith.index_cast %add3A_886 : i32 to index
      %get3A_888 = arith.constant 0 : index
      %get3A_889 = vector.load %arg26[%get3A_887, %get3A_888] : memref<128x512xf32, #tpu.memory_space<vmem>>, vector<1x512xf32>
      %concatenate3A_890 = tpu.concatenate %get3A_884, %broadcast_in_dim3A_365 in 0 : vector<1x512xf32>, vector<1x512xf32> -> vector<2x512xf32>
      %concatenate3A_891 = tpu.concatenate %broadcast_in_dim3A_365, %get3A_889 in 0 : vector<1x512xf32>, vector<1x512xf32> -> vector<2x512xf32>
      %dot_general3A_892 = arith.constant dense<0.000000e+00> : vector<512x512xf32>
      %dot_general3A_893 = tpu.matmul %concatenate3A_890, %concatenate3A_891, %dot_general3A_892 {dimension_numbers = #tpu.dot_dimension_numbers<[0], [0], [1], [1], [0, 1, 1, 1], [], []>, transpose_lhs_hint = false} : vector<2x512xf32>, vector<2x512xf32>, vector<512x512xf32> -> vector<512x512xf32>
      %bitcast_convert_type3A_894 = tpu.bitcast %dot_general3A_893 : vector<512x512xf32> -> vector<512x512xi32>
      %and3A_895 = vector.broadcast %scan3A_563 : i32 to vector<512x512xi32>
      %and3A_896 = arith.andi %bitcast_convert_type3A_894, %and3A_895 : vector<512x512xi32>
      %add3A_897 = arith.constant 96 : i32
      %add3A_898 = arith.addi %add3A_897, %scan3A_879 : i32
      %get3A_899 = arith.index_cast %add3A_898 : i32 to index
      %get3A_900 = arith.constant 0 : index
      %get3A_901 = vector.load %arg19[%get3A_899, %get3A_900] : memref<128x1xi32, #tpu.memory_space<vmem>>, vector<1x1xi32>
      %xor3A_902 = vector.broadcast %get3A_901 : vector<1x1xi32> to vector<512x512xi32>
      %xor3A_903 = arith.xori %and3A_896, %xor3A_902 : vector<512x512xi32>
      %bitcast_convert_type3A_904 = tpu.bitcast %xor3A_903 : vector<512x512xi32> -> vector<512x512xf32>
      %add3A_905 = arith.addf %add3A_877, %bitcast_convert_type3A_904 : vector<512x512xf32>
      %scan3A_906 = arith.constant 9 : i32
      %scan3A_907 = arith.addi %scan3A_657, %scan3A_906 : i32
      %add3A_908 = arith.constant 96 : i32
      %add3A_909 = arith.addi %add3A_908, %scan3A_907 : i32
      %get3A_910 = arith.index_cast %add3A_909 : i32 to index
      %get3A_911 = arith.constant 0 : index
      %get3A_912 = vector.load %arg27[%get3A_910, %get3A_911] : memref<128x512xf32, #tpu.memory_space<vmem>>, vector<1x512xf32>
      %add3A_913 = arith.constant 96 : i32
      %add3A_914 = arith.addi %add3A_913, %scan3A_907 : i32
      %get3A_915 = arith.index_cast %add3A_914 : i32 to index
      %get3A_916 = arith.constant 0 : index
      %get3A_917 = vector.load %arg26[%get3A_915, %get3A_916] : memref<128x512xf32, #tpu.memory_space<vmem>>, vector<1x512xf32>
      %concatenate3A_918 = tpu.concatenate %get3A_912, %broadcast_in_dim3A_365 in 0 : vector<1x512xf32>, vector<1x512xf32> -> vector<2x512xf32>
      %concatenate3A_919 = tpu.concatenate %broadcast_in_dim3A_365, %get3A_917 in 0 : vector<1x512xf32>, vector<1x512xf32> -> vector<2x512xf32>
      %dot_general3A_920 = arith.constant dense<0.000000e+00> : vector<512x512xf32>
      %dot_general3A_921 = tpu.matmul %concatenate3A_918, %concatenate3A_919, %dot_general3A_920 {dimension_numbers = #tpu.dot_dimension_numbers<[0], [0], [1], [1], [0, 1, 1, 1], [], []>, transpose_lhs_hint = false} : vector<2x512xf32>, vector<2x512xf32>, vector<512x512xf32> -> vector<512x512xf32>
      %bitcast_convert_type3A_922 = tpu.bitcast %dot_general3A_921 : vector<512x512xf32> -> vector<512x512xi32>
      %and3A_923 = vector.broadcast %scan3A_563 : i32 to vector<512x512xi32>
      %and3A_924 = arith.andi %bitcast_convert_type3A_922, %and3A_923 : vector<512x512xi32>
      %add3A_925 = arith.constant 96 : i32
      %add3A_926 = arith.addi %add3A_925, %scan3A_907 : i32
      %get3A_927 = arith.index_cast %add3A_926 : i32 to index
      %get3A_928 = arith.constant 0 : index
      %get3A_929 = vector.load %arg19[%get3A_927, %get3A_928] : memref<128x1xi32, #tpu.memory_space<vmem>>, vector<1x1xi32>
      %xor3A_930 = vector.broadcast %get3A_929 : vector<1x1xi32> to vector<512x512xi32>
      %xor3A_931 = arith.xori %and3A_924, %xor3A_930 : vector<512x512xi32>
      %bitcast_convert_type3A_932 = tpu.bitcast %xor3A_931 : vector<512x512xi32> -> vector<512x512xf32>
      %add3A_933 = arith.addf %add3A_905, %bitcast_convert_type3A_932 : vector<512x512xf32>
      %scan3A_934 = arith.constant 10 : i32
      %scan3A_935 = arith.addi %scan3A_657, %scan3A_934 : i32
      %add3A_936 = arith.constant 96 : i32
      %add3A_937 = arith.addi %add3A_936, %scan3A_935 : i32
      %get3A_938 = arith.index_cast %add3A_937 : i32 to index
      %get3A_939 = arith.constant 0 : index
      %get3A_940 = vector.load %arg27[%get3A_938, %get3A_939] : memref<128x512xf32, #tpu.memory_space<vmem>>, vector<1x512xf32>
      %add3A_941 = arith.constant 96 : i32
      %add3A_942 = arith.addi %add3A_941, %scan3A_935 : i32
      %get3A_943 = arith.index_cast %add3A_942 : i32 to index
      %get3A_944 = arith.constant 0 : index
      %get3A_945 = vector.load %arg26[%get3A_943, %get3A_944] : memref<128x512xf32, #tpu.memory_space<vmem>>, vector<1x512xf32>
      %concatenate3A_946 = tpu.concatenate %get3A_940, %broadcast_in_dim3A_365 in 0 : vector<1x512xf32>, vector<1x512xf32> -> vector<2x512xf32>
      %concatenate3A_947 = tpu.concatenate %broadcast_in_dim3A_365, %get3A_945 in 0 : vector<1x512xf32>, vector<1x512xf32> -> vector<2x512xf32>
      %dot_general3A_948 = arith.constant dense<0.000000e+00> : vector<512x512xf32>
      %dot_general3A_949 = tpu.matmul %concatenate3A_946, %concatenate3A_947, %dot_general3A_948 {dimension_numbers = #tpu.dot_dimension_numbers<[0], [0], [1], [1], [0, 1, 1, 1], [], []>, transpose_lhs_hint = false} : vector<2x512xf32>, vector<2x512xf32>, vector<512x512xf32> -> vector<512x512xf32>
      %bitcast_convert_type3A_950 = tpu.bitcast %dot_general3A_949 : vector<512x512xf32> -> vector<512x512xi32>
      %and3A_951 = vector.broadcast %scan3A_563 : i32 to vector<512x512xi32>
      %and3A_952 = arith.andi %bitcast_convert_type3A_950, %and3A_951 : vector<512x512xi32>
      %add3A_953 = arith.constant 96 : i32
      %add3A_954 = arith.addi %add3A_953, %scan3A_935 : i32
      %get3A_955 = arith.index_cast %add3A_954 : i32 to index
      %get3A_956 = arith.constant 0 : index
      %get3A_957 = vector.load %arg19[%get3A_955, %get3A_956] : memref<128x1xi32, #tpu.memory_space<vmem>>, vector<1x1xi32>
      %xor3A_958 = vector.broadcast %get3A_957 : vector<1x1xi32> to vector<512x512xi32>
      %xor3A_959 = arith.xori %and3A_952, %xor3A_958 : vector<512x512xi32>
      %bitcast_convert_type3A_960 = tpu.bitcast %xor3A_959 : vector<512x512xi32> -> vector<512x512xf32>
      %add3A_961 = arith.addf %add3A_933, %bitcast_convert_type3A_960 : vector<512x512xf32>
      %scan3A_962 = arith.constant 11 : i32
      %scan3A_963 = arith.addi %scan3A_657, %scan3A_962 : i32
      %add3A_964 = arith.constant 96 : i32
      %add3A_965 = arith.addi %add3A_964, %scan3A_963 : i32
      %get3A_966 = arith.index_cast %add3A_965 : i32 to index
      %get3A_967 = arith.constant 0 : index
      %get3A_968 = vector.load %arg27[%get3A_966, %get3A_967] : memref<128x512xf32, #tpu.memory_space<vmem>>, vector<1x512xf32>
      %add3A_969 = arith.constant 96 : i32
      %add3A_970 = arith.addi %add3A_969, %scan3A_963 : i32
      %get3A_971 = arith.index_cast %add3A_970 : i32 to index
      %get3A_972 = arith.constant 0 : index
      %get3A_973 = vector.load %arg26[%get3A_971, %get3A_972] : memref<128x512xf32, #tpu.memory_space<vmem>>, vector<1x512xf32>
      %concatenate3A_974 = tpu.concatenate %get3A_968, %broadcast_in_dim3A_365 in 0 : vector<1x512xf32>, vector<1x512xf32> -> vector<2x512xf32>
      %concatenate3A_975 = tpu.concatenate %broadcast_in_dim3A_365, %get3A_973 in 0 : vector<1x512xf32>, vector<1x512xf32> -> vector<2x512xf32>
      %dot_general3A_976 = arith.constant dense<0.000000e+00> : vector<512x512xf32>
      %dot_general3A_977 = tpu.matmul %concatenate3A_974, %concatenate3A_975, %dot_general3A_976 {dimension_numbers = #tpu.dot_dimension_numbers<[0], [0], [1], [1], [0, 1, 1, 1], [], []>, transpose_lhs_hint = false} : vector<2x512xf32>, vector<2x512xf32>, vector<512x512xf32> -> vector<512x512xf32>
      %bitcast_convert_type3A_978 = tpu.bitcast %dot_general3A_977 : vector<512x512xf32> -> vector<512x512xi32>
      %and3A_979 = vector.broadcast %scan3A_563 : i32 to vector<512x512xi32>
      %and3A_980 = arith.andi %bitcast_convert_type3A_978, %and3A_979 : vector<512x512xi32>
      %add3A_981 = arith.constant 96 : i32
      %add3A_982 = arith.addi %add3A_981, %scan3A_963 : i32
      %get3A_983 = arith.index_cast %add3A_982 : i32 to index
      %get3A_984 = arith.constant 0 : index
      %get3A_985 = vector.load %arg19[%get3A_983, %get3A_984] : memref<128x1xi32, #tpu.memory_space<vmem>>, vector<1x1xi32>
      %xor3A_986 = vector.broadcast %get3A_985 : vector<1x1xi32> to vector<512x512xi32>
      %xor3A_987 = arith.xori %and3A_980, %xor3A_986 : vector<512x512xi32>
      %bitcast_convert_type3A_988 = tpu.bitcast %xor3A_987 : vector<512x512xi32> -> vector<512x512xf32>
      %add3A_989 = arith.addf %add3A_961, %bitcast_convert_type3A_988 : vector<512x512xf32>
      %scan3A_990 = arith.constant 12 : i32
      %scan3A_991 = arith.addi %scan3A_657, %scan3A_990 : i32
      %add3A_992 = arith.constant 96 : i32
      %add3A_993 = arith.addi %add3A_992, %scan3A_991 : i32
      %get3A_994 = arith.index_cast %add3A_993 : i32 to index
      %get3A_995 = arith.constant 0 : index
      %get3A_996 = vector.load %arg27[%get3A_994, %get3A_995] : memref<128x512xf32, #tpu.memory_space<vmem>>, vector<1x512xf32>
      %add3A_997 = arith.constant 96 : i32
      %add3A_998 = arith.addi %add3A_997, %scan3A_991 : i32
      %get3A_999 = arith.index_cast %add3A_998 : i32 to index
      %get3A_1000 = arith.constant 0 : index
      %get3A_1001 = vector.load %arg26[%get3A_999, %get3A_1000] : memref<128x512xf32, #tpu.memory_space<vmem>>, vector<1x512xf32>
      %concatenate3A_1002 = tpu.concatenate %get3A_996, %broadcast_in_dim3A_365 in 0 : vector<1x512xf32>, vector<1x512xf32> -> vector<2x512xf32>
      %concatenate3A_1003 = tpu.concatenate %broadcast_in_dim3A_365, %get3A_1001 in 0 : vector<1x512xf32>, vector<1x512xf32> -> vector<2x512xf32>
      %dot_general3A_1004 = arith.constant dense<0.000000e+00> : vector<512x512xf32>
      %dot_general3A_1005 = tpu.matmul %concatenate3A_1002, %concatenate3A_1003, %dot_general3A_1004 {dimension_numbers = #tpu.dot_dimension_numbers<[0], [0], [1], [1], [0, 1, 1, 1], [], []>, transpose_lhs_hint = false} : vector<2x512xf32>, vector<2x512xf32>, vector<512x512xf32> -> vector<512x512xf32>
      %bitcast_convert_type3A_1006 = tpu.bitcast %dot_general3A_1005 : vector<512x512xf32> -> vector<512x512xi32>
      %and3A_1007 = vector.broadcast %scan3A_563 : i32 to vector<512x512xi32>
      %and3A_1008 = arith.andi %bitcast_convert_type3A_1006, %and3A_1007 : vector<512x512xi32>
      %add3A_1009 = arith.constant 96 : i32
      %add3A_1010 = arith.addi %add3A_1009, %scan3A_991 : i32
      %get3A_1011 = arith.index_cast %add3A_1010 : i32 to index
      %get3A_1012 = arith.constant 0 : index
      %get3A_1013 = vector.load %arg19[%get3A_1011, %get3A_1012] : memref<128x1xi32, #tpu.memory_space<vmem>>, vector<1x1xi32>
      %xor3A_1014 = vector.broadcast %get3A_1013 : vector<1x1xi32> to vector<512x512xi32>
      %xor3A_1015 = arith.xori %and3A_1008, %xor3A_1014 : vector<512x512xi32>
      %bitcast_convert_type3A_1016 = tpu.bitcast %xor3A_1015 : vector<512x512xi32> -> vector<512x512xf32>
      %add3A_1017 = arith.addf %add3A_989, %bitcast_convert_type3A_1016 : vector<512x512xf32>
      %scan3A_1018 = arith.constant 13 : i32
      %scan3A_1019 = arith.addi %scan3A_657, %scan3A_1018 : i32
      %add3A_1020 = arith.constant 96 : i32
      %add3A_1021 = arith.addi %add3A_1020, %scan3A_1019 : i32
      %get3A_1022 = arith.index_cast %add3A_1021 : i32 to index
      %get3A_1023 = arith.constant 0 : index
      %get3A_1024 = vector.load %arg27[%get3A_1022, %get3A_1023] : memref<128x512xf32, #tpu.memory_space<vmem>>, vector<1x512xf32>
      %add3A_1025 = arith.constant 96 : i32
      %add3A_1026 = arith.addi %add3A_1025, %scan3A_1019 : i32
      %get3A_1027 = arith.index_cast %add3A_1026 : i32 to index
      %get3A_1028 = arith.constant 0 : index
      %get3A_1029 = vector.load %arg26[%get3A_1027, %get3A_1028] : memref<128x512xf32, #tpu.memory_space<vmem>>, vector<1x512xf32>
      %concatenate3A_1030 = tpu.concatenate %get3A_1024, %broadcast_in_dim3A_365 in 0 : vector<1x512xf32>, vector<1x512xf32> -> vector<2x512xf32>
      %concatenate3A_1031 = tpu.concatenate %broadcast_in_dim3A_365, %get3A_1029 in 0 : vector<1x512xf32>, vector<1x512xf32> -> vector<2x512xf32>
      %dot_general3A_1032 = arith.constant dense<0.000000e+00> : vector<512x512xf32>
      %dot_general3A_1033 = tpu.matmul %concatenate3A_1030, %concatenate3A_1031, %dot_general3A_1032 {dimension_numbers = #tpu.dot_dimension_numbers<[0], [0], [1], [1], [0, 1, 1, 1], [], []>, transpose_lhs_hint = false} : vector<2x512xf32>, vector<2x512xf32>, vector<512x512xf32> -> vector<512x512xf32>
      %bitcast_convert_type3A_1034 = tpu.bitcast %dot_general3A_1033 : vector<512x512xf32> -> vector<512x512xi32>
      %and3A_1035 = vector.broadcast %scan3A_563 : i32 to vector<512x512xi32>
      %and3A_1036 = arith.andi %bitcast_convert_type3A_1034, %and3A_1035 : vector<512x512xi32>
      %add3A_1037 = arith.constant 96 : i32
      %add3A_1038 = arith.addi %add3A_1037, %scan3A_1019 : i32
      %get3A_1039 = arith.index_cast %add3A_1038 : i32 to index
      %get3A_1040 = arith.constant 0 : index
      %get3A_1041 = vector.load %arg19[%get3A_1039, %get3A_1040] : memref<128x1xi32, #tpu.memory_space<vmem>>, vector<1x1xi32>
      %xor3A_1042 = vector.broadcast %get3A_1041 : vector<1x1xi32> to vector<512x512xi32>
      %xor3A_1043 = arith.xori %and3A_1036, %xor3A_1042 : vector<512x512xi32>
      %bitcast_convert_type3A_1044 = tpu.bitcast %xor3A_1043 : vector<512x512xi32> -> vector<512x512xf32>
      %add3A_1045 = arith.addf %add3A_1017, %bitcast_convert_type3A_1044 : vector<512x512xf32>
      %scan3A_1046 = arith.constant 14 : i32
      %scan3A_1047 = arith.addi %scan3A_657, %scan3A_1046 : i32
      %add3A_1048 = arith.constant 96 : i32
      %add3A_1049 = arith.addi %add3A_1048, %scan3A_1047 : i32
      %get3A_1050 = arith.index_cast %add3A_1049 : i32 to index
      %get3A_1051 = arith.constant 0 : index
      %get3A_1052 = vector.load %arg27[%get3A_1050, %get3A_1051] : memref<128x512xf32, #tpu.memory_space<vmem>>, vector<1x512xf32>
      %add3A_1053 = arith.constant 96 : i32
      %add3A_1054 = arith.addi %add3A_1053, %scan3A_1047 : i32
      %get3A_1055 = arith.index_cast %add3A_1054 : i32 to index
      %get3A_1056 = arith.constant 0 : index
      %get3A_1057 = vector.load %arg26[%get3A_1055, %get3A_1056] : memref<128x512xf32, #tpu.memory_space<vmem>>, vector<1x512xf32>
      %concatenate3A_1058 = tpu.concatenate %get3A_1052, %broadcast_in_dim3A_365 in 0 : vector<1x512xf32>, vector<1x512xf32> -> vector<2x512xf32>
      %concatenate3A_1059 = tpu.concatenate %broadcast_in_dim3A_365, %get3A_1057 in 0 : vector<1x512xf32>, vector<1x512xf32> -> vector<2x512xf32>
      %dot_general3A_1060 = arith.constant dense<0.000000e+00> : vector<512x512xf32>
      %dot_general3A_1061 = tpu.matmul %concatenate3A_1058, %concatenate3A_1059, %dot_general3A_1060 {dimension_numbers = #tpu.dot_dimension_numbers<[0], [0], [1], [1], [0, 1, 1, 1], [], []>, transpose_lhs_hint = false} : vector<2x512xf32>, vector<2x512xf32>, vector<512x512xf32> -> vector<512x512xf32>
      %bitcast_convert_type3A_1062 = tpu.bitcast %dot_general3A_1061 : vector<512x512xf32> -> vector<512x512xi32>
      %and3A_1063 = vector.broadcast %scan3A_563 : i32 to vector<512x512xi32>
      %and3A_1064 = arith.andi %bitcast_convert_type3A_1062, %and3A_1063 : vector<512x512xi32>
      %add3A_1065 = arith.constant 96 : i32
      %add3A_1066 = arith.addi %add3A_1065, %scan3A_1047 : i32
      %get3A_1067 = arith.index_cast %add3A_1066 : i32 to index
      %get3A_1068 = arith.constant 0 : index
      %get3A_1069 = vector.load %arg19[%get3A_1067, %get3A_1068] : memref<128x1xi32, #tpu.memory_space<vmem>>, vector<1x1xi32>
      %xor3A_1070 = vector.broadcast %get3A_1069 : vector<1x1xi32> to vector<512x512xi32>
      %xor3A_1071 = arith.xori %and3A_1064, %xor3A_1070 : vector<512x512xi32>
      %bitcast_convert_type3A_1072 = tpu.bitcast %xor3A_1071 : vector<512x512xi32> -> vector<512x512xf32>
      %add3A_1073 = arith.addf %add3A_1045, %bitcast_convert_type3A_1072 : vector<512x512xf32>
      %scan3A_1074 = arith.constant 15 : i32
      %scan3A_1075 = arith.addi %scan3A_657, %scan3A_1074 : i32
      %add3A_1076 = arith.constant 96 : i32
      %add3A_1077 = arith.addi %add3A_1076, %scan3A_1075 : i32
      %get3A_1078 = arith.index_cast %add3A_1077 : i32 to index
      %get3A_1079 = arith.constant 0 : index
      %get3A_1080 = vector.load %arg27[%get3A_1078, %get3A_1079] : memref<128x512xf32, #tpu.memory_space<vmem>>, vector<1x512xf32>
      %add3A_1081 = arith.constant 96 : i32
      %add3A_1082 = arith.addi %add3A_1081, %scan3A_1075 : i32
      %get3A_1083 = arith.index_cast %add3A_1082 : i32 to index
      %get3A_1084 = arith.constant 0 : index
      %get3A_1085 = vector.load %arg26[%get3A_1083, %get3A_1084] : memref<128x512xf32, #tpu.memory_space<vmem>>, vector<1x512xf32>
      %concatenate3A_1086 = tpu.concatenate %get3A_1080, %broadcast_in_dim3A_365 in 0 : vector<1x512xf32>, vector<1x512xf32> -> vector<2x512xf32>
      %concatenate3A_1087 = tpu.concatenate %broadcast_in_dim3A_365, %get3A_1085 in 0 : vector<1x512xf32>, vector<1x512xf32> -> vector<2x512xf32>
      %dot_general3A_1088 = arith.constant dense<0.000000e+00> : vector<512x512xf32>
      %dot_general3A_1089 = tpu.matmul %concatenate3A_1086, %concatenate3A_1087, %dot_general3A_1088 {dimension_numbers = #tpu.dot_dimension_numbers<[0], [0], [1], [1], [0, 1, 1, 1], [], []>, transpose_lhs_hint = false} : vector<2x512xf32>, vector<2x512xf32>, vector<512x512xf32> -> vector<512x512xf32>
      %bitcast_convert_type3A_1090 = tpu.bitcast %dot_general3A_1089 : vector<512x512xf32> -> vector<512x512xi32>
      %and3A_1091 = vector.broadcast %scan3A_563 : i32 to vector<512x512xi32>
      %and3A_1092 = arith.andi %bitcast_convert_type3A_1090, %and3A_1091 : vector<512x512xi32>
      %add3A_1093 = arith.constant 96 : i32
      %add3A_1094 = arith.addi %add3A_1093, %scan3A_1075 : i32
      %get3A_1095 = arith.index_cast %add3A_1094 : i32 to index
      %get3A_1096 = arith.constant 0 : index
      %get3A_1097 = vector.load %arg19[%get3A_1095, %get3A_1096] : memref<128x1xi32, #tpu.memory_space<vmem>>, vector<1x1xi32>
      %xor3A_1098 = vector.broadcast %get3A_1097 : vector<1x1xi32> to vector<512x512xi32>
      %xor3A_1099 = arith.xori %and3A_1092, %xor3A_1098 : vector<512x512xi32>
      %bitcast_convert_type3A_1100 = tpu.bitcast %xor3A_1099 : vector<512x512xi32> -> vector<512x512xf32>
      %add3A_1101 = arith.addf %add3A_1073, %bitcast_convert_type3A_1100 : vector<512x512xf32>
      scf.yield %add3A_1101 : vector<512x512xf32>
    }
    %scan3A_569 = arith.constant 32 : i32
    %mul3A_570 = arith.constant 4.000000e-01 : f32
    %mul3A_571 = vector.broadcast %mul3A_570 : f32 to vector<512x512xf32>
    %mul3A_572 = arith.mulf %mul3A_571, %scan3A_568 : vector<512x512xf32>
    %add3A_573 = arith.addf %mul3A_572, %select_n3A : vector<512x512xf32>
    %reduce_max3A_574 = arith.constant dense<0xFF800000> : vector<512xf32>
    %reduce_max3A_575 = vector.multi_reduction <maximumf>, %add3A_573, %reduce_max3A_574 [1] : vector<512x512xf32> to vector<512xf32>
    %broadcast_in_dim3A_576 = vector.shape_cast %reduce_max3A_575 : vector<512xf32> to vector<512x1xf32>
    %is_finite3A_577 = tpu.weird %broadcast_in_dim3A_576 : vector<512x1xf32> -> vector<512x1xi1>
    %is_finite3A_578 = arith.constant dense<true> : vector<512x1xi1>
    %is_finite3A_579 = arith.xori %is_finite3A_577, %is_finite3A_578 : vector<512x1xi1>
    %jit3A_580 = arith.constant 0.000000e+00 : f32
    %broadcast_in_dim3A_581 = vector.broadcast %jit3A_580 : f32 to vector<512x1xf32>
    %select_n3A_582 = arith.select %is_finite3A_579, %broadcast_in_dim3A_576, %broadcast_in_dim3A_581 : vector<512x1xi1>, vector<512x1xf32>
    %sub3A_583 = vector.broadcast %select_n3A_582 : vector<512x1xf32> to vector<512x512xf32>
    %sub3A_584 = arith.subf %add3A_573, %sub3A_583 : vector<512x512xf32>
    %exp3A_585 = math.exp %sub3A_584 : vector<512x512xf32>
    %mul3A_586 = arith.mulf %add3A, %exp3A_585 : vector<512x512xf32>
    %reduce_sum3A_587 = arith.constant dense<0.000000e+00> : vector<512xf32>
    %reduce_sum3A_588 = vector.multi_reduction <add>, %mul3A_586, %reduce_sum3A_587 [1] : vector<512x512xf32> to vector<512xf32>
    %broadcast_in_dim3A_589 = vector.shape_cast %reduce_sum3A_588 : vector<512xf32> to vector<512x1xf32>
    %add3A_590 = arith.constant 1.000000e-16 : f32
    %add3A_591 = vector.broadcast %add3A_590 : f32 to vector<512x1xf32>
    %add3A_592 = arith.addf %broadcast_in_dim3A_589, %add3A_591 : vector<512x1xf32>
    %div3A_593 = arith.constant 1.000000e+00 : f32
    %div3A_594 = vector.broadcast %div3A_593 : f32 to vector<512x1xf32>
    %div3A_595 = arith.divf %div3A_594, %add3A_592 : vector<512x1xf32>
    %mul3A_596 = vector.broadcast %div3A_595 : vector<512x1xf32> to vector<512x512xf32>
    %mul3A_597 = arith.mulf %mul3A_586, %mul3A_596 : vector<512x512xf32>
    %dot_general3A_598 = arith.constant dense<0.000000e+00> : vector<512x32xf32>
    %dot_general3A_599 = tpu.matmul %mul3A_597, %slice3A_542, %dot_general3A_598 {dimension_numbers = #tpu.dot_dimension_numbers<[1], [0], [0], [1], [0, 0, 1, 1], [], []>, transpose_lhs_hint = false} : vector<512x512xf32>, vector<512x32xf32>, vector<512x32xf32> -> vector<512x32xf32>
    %concatenate3A_600 = tpu.concatenate %dot_general3A_425, %dot_general3A_483, %dot_general3A_541, %dot_general3A_599 in 1 : vector<512x32xf32>, vector<512x32xf32>, vector<512x32xf32>, vector<512x32xf32> -> vector<512x128xf32>
    %add3A_601 = vector.broadcast %get3A_340 : vector<1x128xf32> to vector<512x128xf32>
    %add3A_602 = arith.addf %concatenate3A_600, %add3A_601 : vector<512x128xf32>
    %mul3A_603 = arith.constant 5.000000e-01 : f32
    %mul3A_604 = vector.broadcast %mul3A_603 : f32 to vector<512x128xf32>
    %mul3A_605 = arith.mulf %mul3A_604, %add3A_602 : vector<512x128xf32>
    %mul3A_606 = arith.constant 0.707106769 : f32
    %mul3A_607 = vector.broadcast %mul3A_606 : f32 to vector<512x128xf32>
    %mul3A_608 = arith.mulf %add3A_602, %mul3A_607 : vector<512x128xf32>
    %erf3A_609 = math.erf %mul3A_608 : vector<512x128xf32>
    %add3A_610 = arith.constant 1.000000e+00 : f32
    %add3A_611 = vector.broadcast %add3A_610 : f32 to vector<512x128xf32>
    %add3A_612 = arith.addf %add3A_611, %erf3A_609 : vector<512x128xf32>
    %mul3A_613 = arith.mulf %mul3A_605, %add3A_612 : vector<512x128xf32>
    %reduce_sum3A_614 = arith.constant dense<0.000000e+00> : vector<128xf32>
    %reduce_sum3A_615 = vector.multi_reduction <add>, %mul3A_613, %reduce_sum3A_614 [0] : vector<512x128xf32> to vector<128xf32>
    %broadcast_in_dim3A_616 = vector.shape_cast %reduce_sum3A_615 : vector<128xf32> to vector<1x128xf32>
    %div3A_617 = arith.constant 5.120000e+02 : f32
    %div3A_618 = vector.broadcast %div3A_617 : f32 to vector<1x128xf32>
    %div3A_619 = arith.divf %broadcast_in_dim3A_616, %div3A_618 : vector<1x128xf32>
    %get3A_620 = arith.constant 0 : index
    %get3A_621 = arith.constant 0 : index
    %get3A_622 = vector.load %arg21[%get3A_620, %get3A_621] : memref<128x128xf32, #tpu.memory_space<vmem>>, vector<128x128xf32>
    %dot_general3A_623 = arith.constant dense<0.000000e+00> : vector<1x128xf32>
    %dot_general3A_624 = tpu.matmul %div3A_619, %get3A_622, %dot_general3A_623 {dimension_numbers = #tpu.dot_dimension_numbers<[1], [0], [0], [1], [0, 0, 1, 1], [], []>, transpose_lhs_hint = false} : vector<1x128xf32>, vector<128x128xf32>, vector<1x128xf32> -> vector<1x128xf32>
    %get3A_625 = arith.constant 0 : index
    %get3A_626 = arith.constant 0 : index
    %get3A_627 = vector.load %arg22[%get3A_625, %get3A_626] : memref<1x128xf32, #tpu.memory_space<vmem>>, vector<1x128xf32>
    %add3A_628 = arith.addf %dot_general3A_624, %get3A_627 : vector<1x128xf32>
    %get3A_629 = arith.constant 0 : index
    %get3A_630 = arith.constant 0 : index
    %get3A_631 = vector.load %arg23[%get3A_629, %get3A_630] : memref<1x128xf32, #tpu.memory_space<vmem>>, vector<1x128xf32>
    %mul3A_632 = arith.constant 0.999994993 : f32
    %mul3A_633 = vector.broadcast %mul3A_632 : f32 to vector<1x128xf32>
    %mul3A_634 = arith.mulf %add3A_628, %mul3A_633 : vector<1x128xf32>
    %mul3A_635 = arith.mulf %get3A_631, %mul3A_634 : vector<1x128xf32>
    %get3A_636 = arith.constant 0 : index
    %get3A_637 = arith.constant 0 : index
    %get3A_638 = vector.load %arg24[%get3A_636, %get3A_637] : memref<1x128xf32, #tpu.memory_space<vmem>>, vector<1x128xf32>
    %add3A_639 = arith.addf %mul3A_635, %get3A_638 : vector<1x128xf32>
    %mul3A_640 = arith.constant 5.000000e-01 : f32
    %mul3A_641 = vector.broadcast %mul3A_640 : f32 to vector<1x128xf32>
    %mul3A_642 = arith.mulf %mul3A_641, %add3A_639 : vector<1x128xf32>
    %mul3A_643 = arith.constant 0.707106769 : f32
    %mul3A_644 = vector.broadcast %mul3A_643 : f32 to vector<1x128xf32>
    %mul3A_645 = arith.mulf %add3A_639, %mul3A_644 : vector<1x128xf32>
    %erf3A_646 = math.erf %mul3A_645 : vector<1x128xf32>
    %add3A_647 = arith.constant 1.000000e+00 : f32
    %add3A_648 = vector.broadcast %add3A_647 : f32 to vector<1x128xf32>
    %add3A_649 = arith.addf %add3A_648, %erf3A_646 : vector<1x128xf32>
    %mul3A_650 = arith.mulf %mul3A_642, %add3A_649 : vector<1x128xf32>
    %swap3A_651 = arith.constant 0 : index
    %swap3A_652 = arith.constant 0 : index
    %swap3A_653 = arith.constant 0 : index
    %swap3A_654 = vector.load %arg25[%swap3A_651, %swap3A_652, %swap3A_653] : memref<1x1x128xf32, #tpu.memory_space<vmem>>, vector<1x1x128xf32>
    %swap3A_655 = vector.shape_cast %swap3A_654 : vector<1x1x128xf32> to vector<1x128xf32>
    %swap3A_656 = vector.shape_cast %mul3A_650 : vector<1x128xf32> to vector<1x1x128xf32>
    tpu.vector_store %arg25[%swap3A_651, %swap3A_652, %swap3A_653], %swap3A_656 {strides = array<i32>} : memref<1x1x128xf32, #tpu.memory_space<vmem>>, vector<1x1x128xf32>,
    return
  }
  func.func @transform_0(%arg0: i32) -> (i32, i32, i32) {
    %c0_i32 = arith.constant 0 : i32
    %c0_i32_0 = arith.constant 0 : i32
    %c0_i32_1 = arith.constant 0 : i32
    return %arg0, %c0_i32, %c0_i32_0 : i32, i32, i32
  }
  func.func @transform_1(%arg0: i32) -> (i32, i32, i32) {
    %c0_i32 = arith.constant 0 : i32
    %c0_i32_0 = arith.constant 0 : i32
    %c0_i32_1 = arith.constant 0 : i32
    %c0_i32_2 = arith.constant 0 : i32
    return %c0_i32, %c0_i32_0, %c0_i32_1 : i32, i32, i32
  }
  func.func @transform_2(%arg0: i32) -> (i32, i32) {
    %c0_i32 = arith.constant 0 : i32
    %c0_i32_0 = arith.constant 0 : i32
    %c0_i32_1 = arith.constant 0 : i32
    return %c0_i32, %c0_i32_0 : i32, i32
  }
  func.func @transform_3(%arg0: i32) -> (i32, i32) {
    %c0_i32 = arith.constant 0 : i32
    %c0_i32_0 = arith.constant 0 : i32
    %c0_i32_1 = arith.constant 0 : i32
    return %c0_i32, %c0_i32_0 : i32, i32
  }
  func.func @transform_4(%arg0: i32) -> (i32, i32) {
    %c0_i32 = arith.constant 0 : i32
    %c0_i32_0 = arith.constant 0 : i32
    %c0_i32_1 = arith.constant 0 : i32
    return %c0_i32, %c0_i32_0 : i32, i32
  }
  func.func @transform_5(%arg0: i32) -> (i32, i32) {
    %c0_i32 = arith.constant 0 : i32
    %c0_i32_0 = arith.constant 0 : i32
    %c0_i32_1 = arith.constant 0 : i32
    return %c0_i32, %c0_i32_0 : i32, i32
  }
  func.func @transform_6(%arg0: i32) -> (i32, i32) {
    %c0_i32 = arith.constant 0 : i32
    %c0_i32_0 = arith.constant 0 : i32
    %c0_i32_1 = arith.constant 0 : i32
    return %c0_i32, %c0_i32_0 : i32, i32
  }
  func.func @transform_7(%arg0: i32) -> (i32, i32) {
    %c0_i32 = arith.constant 0 : i32
    %c0_i32_0 = arith.constant 0 : i32
    %c0_i32_1 = arith.constant 0 : i32
    return %c0_i32, %c0_i32_0 : i32, i32
  }
  func.func @transform_8(%arg0: i32) -> (i32, i32) {
    %c0_i32 = arith.constant 0 : i32
    %c0_i32_0 = arith.constant 0 : i32
    %c0_i32_1 = arith.constant 0 : i32
    return %c0_i32, %c0_i32_0 : i32, i32
  }
  func.func @transform_9(%arg0: i32) -> (i32, i32) {
    %c0_i32 = arith.constant 0 : i32
    %c0_i32_0 = arith.constant 0 : i32
    %c0_i32_1 = arith.constant 0 : i32
    return %c0_i32, %c0_i32_0 : i32, i32
  }
  func.func @transform_10(%arg0: i32) -> (i32, i32) {
    %c0_i32 = arith.constant 0 : i32
    %c0_i32_0 = arith.constant 0 : i32
    %c0_i32_1 = arith.constant 0 : i32
    return %c0_i32, %c0_i32_0 : i32, i32
  }
  func.func @transform_11(%arg0: i32) -> (i32, i32) {
    %c0_i32 = arith.constant 0 : i32
    %c0_i32_0 = arith.constant 0 : i32
    %c0_i32_1 = arith.constant 0 : i32
    return %c0_i32, %c0_i32_0 : i32, i32
  }
  func.func @transform_12(%arg0: i32) -> (i32, i32) {
    %c0_i32 = arith.constant 0 : i32
    %c0_i32_0 = arith.constant 0 : i32
    %c0_i32_1 = arith.constant 0 : i32
    return %c0_i32, %c0_i32_0 : i32, i32
  }
  func.func @transform_13(%arg0: i32) -> (i32, i32) {
    %c0_i32 = arith.constant 0 : i32
    %c0_i32_0 = arith.constant 0 : i32
    %c0_i32_1 = arith.constant 0 : i32
    return %c0_i32, %c0_i32_0 : i32, i32
  }
  func.func @transform_14(%arg0: i32) -> (i32, i32) {
    %c0_i32 = arith.constant 0 : i32
    %c0_i32_0 = arith.constant 0 : i32
    %c0_i32_1 = arith.constant 0 : i32
    return %c0_i32, %c0_i32_0 : i32, i32
  }
  func.func @transform_15(%arg0: i32) -> (i32, i32) {
    %c0_i32 = arith.constant 0 : i32
    %c0_i32_0 = arith.constant 0 : i32
    %c0_i32_1 = arith.constant 0 : i32
    return %c0_i32, %c0_i32_0 : i32, i32
  }
  func.func @transform_16(%arg0: i32) -> (i32, i32) {
    %c0_i32 = arith.constant 0 : i32
    %c0_i32_0 = arith.constant 0 : i32
    %c0_i32_1 = arith.constant 0 : i32
    return %c0_i32, %c0_i32_0 : i32, i32
  }
  func.func @transform_17(%arg0: i32) -> (i32, i32) {
    %c0_i32 = arith.constant 0 : i32
    %c0_i32_0 = arith.constant 0 : i32
    %c0_i32_1 = arith.constant 0 : i32
    return %c0_i32, %c0_i32_0 : i32, i32
  }
  func.func @transform_18(%arg0: i32) -> (i32, i32) {
    %c0_i32 = arith.constant 0 : i32
    %c0_i32_0 = arith.constant 0 : i32
    %c0_i32_1 = arith.constant 0 : i32
    return %c0_i32, %c0_i32_0 : i32, i32
  }
  func.func @transform_19(%arg0: i32) -> (i32, i32) {
    %c0_i32 = arith.constant 0 : i32
    %c0_i32_0 = arith.constant 0 : i32
    %c0_i32_1 = arith.constant 0 : i32
    return %c0_i32, %c0_i32_0 : i32, i32
  }
  func.func @transform_20(%arg0: i32) -> (i32, i32) {
    %c0_i32 = arith.constant 0 : i32
    %c0_i32_0 = arith.constant 0 : i32
    %c0_i32_1 = arith.constant 0 : i32
    return %c0_i32, %c0_i32_0 : i32, i32
  }
  func.func @transform_21(%arg0: i32) -> (i32, i32) {
    %c0_i32 = arith.constant 0 : i32
    %c0_i32_0 = arith.constant 0 : i32
    %c0_i32_1 = arith.constant 0 : i32
    return %c0_i32, %c0_i32_0 : i32, i32
  }
  func.func @transform_22(%arg0: i32) -> (i32, i32) {
    %c0_i32 = arith.constant 0 : i32
    %c0_i32_0 = arith.constant 0 : i32
    %c0_i32_1 = arith.constant 0 : i32
    return %c0_i32, %c0_i32_0 : i32, i32
  }
  func.func @transform_23(%arg0: i32) -> (i32, i32) {
    %c0_i32 = arith.constant 0 : i32
    %c0_i32_0 = arith.constant 0 : i32
    %c0_i32_1 = arith.constant 0 : i32
    return %c0_i32, %c0_i32_0 : i32, i32
  }
  func.func @transform_24(%arg0: i32) -> (i32, i32, i32) {
    %c0_i32 = arith.constant 0 : i32
    %c0_i32_0 = arith.constant 0 : i32
    %c0_i32_1 = arith.constant 0 : i32
    return %arg0, %c0_i32, %c0_i32_0 : i32, i32, i32
  }
}

</mosaic_0001>

<sc_bundles>
// kernel: kernel.4.cloned.1.call-start
scs
__scs_entry_jumppad:
0x0: {  	(pc) =	sbr.rel $0x88, $3  }
0x1: {  	(tag) =	ssettag $0x0;
	lr =	simm.s32 $0x1  }
0x2: {  	[smem:$0x3F8B] =	sst lr;
	_ =	strace $0xD0000000  }
0x3: {  	_ = 	snop  }
0x4: {  	_ = 	snop  }
0x5: {  	_ = 	snop  }
0x6: {  	_ = 	snop  }
0x7: {  	_ = 	snop  }
__scs_overlays_trampoline_lowered:
0x8: {  	[smem:$0x3F9A] =	sst s0  }
0x9: {  	[smem:$0x3F9B] =	sst s1  }
0xa: {  	[smem:$0x3F9C] =	sst s2  }
0xb: {  	[smem:$0x3F9D] =	sst s3  }
0xc: {  	[smem:$0x3F9E] =	sst s4  }
0xd: {  	[smem:$0x3F9F] =	sst s5  }
0xe: {  	[smem:$0x3FA0] =	sst s6  }
0xf: {  	[smem:$0x3FA1] =	sst s7  }
0x10: {  	[smem:$0x3FA2] =	sst s8  }
0x11: {  	[smem:$0x3FA3] =	sst s9;
	s0 =	simm.s32 @!p0 $0x0  }
0x12: {  	s1 =	sld [smem:$0x3F89];
	s0 =	simm.s32 @p0 $0x1  }
0x13: {  	[smem:$0x3FA4] =	sst s0;
	s0 =	simm.s32 @!p1 $0x0  }
0x14: {  	s2 =	sld [smem:$0x3F88];
	s0 =	simm.s32 @p1 $0x1  }
0x15: {  	[smem:$0x3FA5] =	sst s0;
	s0 =	simm.s32 @!p2 $0x0  }
0x16: {  	s3 =	sld [smem:$0x3FDB];
	s0 =	simm.s32 @p2 $0x1  }
0x17: {  	s4 =	simm.s32 $0x1BF5;
	[smem:$0x3FA7] =	sst s0  }
0x18: {  	s0 =	sld [smem:$0x3F8A];
	_ =	swait.ge [sflag:s4], $0x0  }
0x19: {  	s7 =	sld [smem:$0x3F8B]  }
0x1a: {  	s8 =	sadd.s32 $0xFFFFE003, lr  }
0x1b: {  	s9 =	sadd.s32 $0xFFFFFEF7, lr;
	s5 =	simm.s32 $0xFFFFFFFF;
	p2 =	slt.u32 s8, $0xFFFFF086  }
0x1c: {  	p1 =	slt.u32 s9, $0xF7A;
	s5 =	simm.s32 @!p2 $0x0  }
0x1d: {  	s5 =	simm.s32 @p1 $0x1;
	p0 =	seq.s32 s7, s2  }
0x1e: {  	s7 =	smul.u32 @!p0 $0xF7A, s2;
	p2 =	seq.s32 @!p0 s5, $0x0  }
0x1f: {  	s9 =	smul.u32 $0xF7A, s1;
	s8 =	simm.s32 @!p0 $0x1BF5;
	p2 =	por !p2, p0  }
0x20: {  	[sflag:s8] =	ssyncset.s32 @!p0 $0xFFFFF086;
	s6 =	sadd.s32 @!p0 s3, s7;
	s7 =	simm.s32 @!p0 $0x108  }
0x21: {  	s3 =	sadd.s32 s3, s9;
	s6 =	sadd.s32 @!p0 $0x88, s6;
	s7 =	simm.s32 @p2 $0x1082  }
0x22: {  	[simem:s7], [sflag:s8] =	dma.local @!p0 [hbm:s6], $0xF7A  }
0x23: {  	s9 =	sor.u32 $0xD0000000, s2;
	s6 =	simm.s32 $0x108;
	_ =	swait.ge @!p0 [sflag:s8], $0x0  }
0x24: {  	s3 =	sadd.s32 $0x88, s3;
	s6 =	simm.s32 @!p1 $0x1082;
	[sflag:s4] =	ssyncset.s32 $0xFFFFF086  }
0x25: {  	[simem:s6], [sflag:s4] =	dma.local [hbm:s3], $0xF7A  }
0x26: {  	[smem:$0x3F8B] =	sst s1;
	(tag) =	ssettag s2;
	_ =	strace s9  }
0x27: {  	s1 =	sld [smem:$0x3F9B]  }
0x28: {  	s2 =	sld [smem:$0x3F9C]  }
0x29: {  	s4 =	sld [smem:$0x3F9E]  }
0x2a: {  	p0 =	seq.s32 s5, $0x0;
	s5 =	sld [smem:$0x3F9F]  }
0x2b: {  	s6 =	sld [smem:$0x3FA0]  }
0x2c: {  	s7 =	sld [smem:$0x3FA1]  }
0x2d: {  	s3 =	simm.s32 $0x108;
	s8 =	sld [smem:$0x3FA2]  }
0x2e: {  	s3 =	simm.s32 @!p0 $0x1082;
	s9 =	sld [smem:$0x3FA3]  }
0x2f: {  	lr =	sadd.s32 s0, s3;
	s0 =	sld [smem:$0x3F9A]  }
0x30: {  	s3 =	sld [smem:$0x3F9D]  }
0x31: {  	[smem:$0x3FA6] =	sst s10  }
0x32: {  	s10 =	sld [smem:$0x3FA4];
	_ =	sdelay $0x3  }
0x33: {  	p0 =	seq.s32 s10, $0x1;
	s10 =	sld [smem:$0x3FA6];
	_ =	sdelay $0x3  }
0x34: {  	[smem:$0x3FA6] =	sst s10  }
0x35: {  	s10 =	sld [smem:$0x3FA5];
	_ =	sdelay $0x3  }
0x36: {  	p1 =	seq.s32 s10, $0x1;
	s10 =	sld [smem:$0x3FA6];
	_ =	sdelay $0x3  }
0x37: {  	[smem:$0x3FA6] =	sst s10  }
0x38: {  	s10 =	sld [smem:$0x3FA7]  }
0x39: {  	_ = 	snop;
	(pc) =	sbr.ind lr, $3  }
0x3a: {  	_ = 	snop  }
0x3b: {  	_ = 	snop  }
0x3c: {  	p2 =	seq.s32 s10, $0x1;
	s10 =	sld [smem:$0x3FA6]  }
0x3d: {  	_ =	shalt  }
0x3e: {  	_ =	shalt  }
0x3f: {  	_ =	shalt  }
0x40: {  	_ =	shalt  }
0x41: {  	_ =	shalt  }
0x42: {  	_ =	shalt  }
0x43: {  	_ =	shalt  }
0x44: {  	_ =	shalt  }
0x45: {  	_ =	shalt  }
0x46: {  	_ =	shalt  }
0x47: {  	_ =	shalt  }
0x48: {  	_ =	shalt  }
0x49: {  	_ =	shalt  }
0x4a: {  	_ =	shalt  }
0x4b: {  	_ =	shalt  }
0x4c: {  	_ =	shalt  }
0x4d: {  	_ =	shalt  }
0x4e: {  	_ =	shalt  }
0x4f: {  	_ =	shalt  }
0x50: {  	_ =	shalt  }
0x51: {  	_ =	shalt  }
0x52: {  	_ =	shalt  }
0x53: {  	_ =	shalt  }
0x54: {  	_ =	shalt  }
0x55: {  	_ =	shalt  }
0x56: {  	_ =	shalt  }
0x57: {  	_ =	shalt  }
0x58: {  	_ =	shalt  }
0x59: {  	_ =	shalt  }
0x5a: {  	_ =	shalt  }
0x5b: {  	_ =	shalt  }
0x5c: {  	_ =	shalt  }
0x5d: {  	_ =	shalt  }
0x5e: {  	_ =	shalt  }
0x5f: {  	_ =	shalt  }
0x60: {  	_ =	shalt  }
0x61: {  	_ =	shalt  }
0x62: {  	_ =	shalt  }
0x63: {  	_ =	shalt  }
0x64: {  	_ =	shalt  }
0x65: {  	_ =	shalt  }
0x66: {  	_ =	shalt  }
0x67: {  	_ =	shalt  }
0x68: {  	_ =	shalt  }
0x69: {  	_ =	shalt  }
0x6a: {  	_ =	shalt  }
0x6b: {  	_ =	shalt  }
0x6c: {  	_ =	shalt  }
0x6d: {  	_ =	shalt  }
0x6e: {  	_ =	shalt  }
0x6f: {  	_ =	shalt  }
0x70: {  	_ =	shalt  }
0x71: {  	_ =	shalt  }
0x72: {  	_ =	shalt  }
0x73: {  	_ =	shalt  }
0x74: {  	_ =	shalt  }
0x75: {  	_ =	shalt  }
0x76: {  	_ =	shalt  }
0x77: {  	_ =	shalt  }
0x78: {  	_ =	shalt  }
0x79: {  	_ =	shalt  }
0x7a: {  	_ =	shalt  }
0x7b: {  	_ =	shalt  }
0x7c: {  	_ =	shalt  }
0x7d: {  	_ =	shalt  }
0x7e: {  	_ =	shalt  }
0x7f: {  	_ =	shalt  }
0x80: {  	_ =	shalt  }
0x81: {  	_ =	shalt  }
0x82: {  	_ =	shalt  }
0x83: {  	_ =	shalt  }
0x84: {  	_ =	shalt  }
0x85: {  	_ =	shalt  }
0x86: {  	_ =	shalt  }
0x87: {  	_ =	shalt  }
.Lfunc_end0:
.L_simem_size_0:
called_computation_lowered:
.L_overlay_start_0:
0x88: {  	s2 =	sld [smem:$0x3FD9]  }
0x89: {  	s3 =	sld [smem:$0x3FFE];
	_ =	sdelay $0x1  }
0x8a: {  	s1 =	srdreg.scid  }
0x8b: {  	s0 =	sand.u32 $0x1, s1  }
0x8c: {  	s17 =	sshll.u32 s0, $0xA;
	s2 =	sadd.s32 s3, s2  }
0x8d: {  	s2 =	sadd.s32 s2, s17  }
0x8e: {  	[smem:$0x3FB2] =	sst s2  }
0x8f: {  	_ = 	snop  }
0x90: {  	s2 =	sld [smem:$0x3FD0];
	(tm) =	ssettm $0x1  }
0x91: {  	s18 =	sld [smem:$0x3FFB];
	_ =	sdelay $0x3  }
0x92: {  	_ =	strace s18  }
0x93: {  	s3 =	sld [smem:$0x3FFC];
	_ =	sdelay $0x3  }
0x94: {  	_ =	strace s3  }
0x95: {  	s3 =	sld [smem:$0x3FFD];
	_ =	sdelay $0x3  }
0x96: {  	_ =	strace s3  }
0x97: {  	_ =	strace $0x8FFFFFFF  }
0x98: {  	s19 =	sld [smem:$0x3FDB];
	_ =	sdelay $0x1  }
0x99: {  	s4 =	simm.s32 $_scs_section_size  }
0x9a: {  	s5 =	simm.s32 $_size__tile_overlayer_lowered;
	s6 =	simm.s32 $_tile_overlayer_lowered  }
0x9b: {  	s22 =	simm.s32 $0x1BFF;
	s21 =	sshll.u32 s6, $0x1;
	s3 =	sadd.s32 s4, s19  }
0x9c: {  	s7 =	simm.s32 $0x0;
	s20 =	sshll.u32 s5, $0x1;
	s5 =	sadd.s32 s21, s3  }
0x9d: {  	[timem:s7], [sflag:s22] =	dma.local [hbm:s5], s20  }
0x9e: {  	_ =	swait.ge [sflag:s22], s20  }
0x9f: {  	s4 =	ssub.s32 $0x0, s20;
	[sflag:s22] =	ssyncset.done $0x0  }
0xa0: {  	[sflag:s22] =	ssyncadd.s32 s4;
	_ =	sdelay $0x1  }
0xa1: {  	s23 =	simm.s32 $0x1B8B  }
0xa2: {  	_ =	swait.ge [sflag:s23], $0x1  }
0xa3: {  	[sflag:s23] =	ssyncset.done $0x0  }
0xa4: {  	s25 =	simm.s32 $0x1B8E;
	s24 =	sld [smem:$0x3FFE];
	[sflag:s23] =	ssyncadd.s32 $0xFFFFFFFF  }
0xa5: {  	s26 =	simm.s32 $execute0_lowered;
	[smem:$0x3FD2] =	sst s25  }
0xa6: {  	s5 =	sshll.u32 s26, $0x1;
	_ =	strace $0x80000046;
	[dreg:$0x1] =	wrdreg $0xFFFFFFFF  }
0xa7: {  	s28 =	simm.s32 $_size_execute0_lowered;
	s3 =	sadd.s32 s3, s5;
	[dreg:$0x0] =	wrdreg $0x0  }
0xa8: {  	s5 =	sshll.u32 s28, $0x1;
	[dreg:$0x2] =	wrdreg s3  }
0xa9: {  	[dreg:$0x3] =	wrdreg s5  }
0xaa: {  	[dreg:$0x4] =	wrdreg $0xC0  }
0xab: {  	_ =	task [dreg:s7], $0x5FFFF  }
0xac: {  	[dreg:$0x1] =	wrdreg $0xFFFFFFFF  }
0xad: {  	[dreg:$0x0] =	wrdreg $0x60  }
0xae: {  	[dreg:$0x2] =	wrdreg s24  }
0xaf: {  	[dreg:$0x3] =	wrdreg s2  }
0xb0: {  	[dreg:$0x4] =	wrdreg $0x0  }
0xb1: {  	[dreg:$0x5] =	wrdreg $0x9  }
0xb2: {  	_ =	task.clear_ibuf [dreg:s7], $0x6FFFF;
	_ =	strace $0x90000046  }
0xb3: {  	s29 =	simm.s32 $0x9;
	_ =	strace $0x80000048  }
0xb4: {  	_ =	swait.ge [sflag:s29], $0x1  }
0xb5: {  	[sflag:s29] =	ssyncadd.s32 $0xFFFFFFFF  }
0xb6: {  	_ =	strace $0x90000048  }
0xb7: {  	_ =	sfence  }
0xb8: {  	s30 =	sld [smem:$0x0];
	_ =	sdelay $0x2  }
0xb9: {  	s31 =	sshll.u32 s1, $0xD;
	s1 =	sshrl.u32 s1, $0x2  }
0xba: {  	s3 =	sand.u32 $0x4000, s31;
	s1 =	sadd.s32 s1, s30  }
0xbb: {  	s0 =	sor.u32 s3, s0;
	s1 =	sshll.u32 s1, $0x11  }
0xbc: {  	s0 =	sor.u32 s1, s0  }
0xbd: {  	s0 =	sadd.s32 $0x8F2B, s0  }
0xbe: {  	[sflag:s0] =	ssyncadd.remote.s32 $0x1  }
0xbf: {  	_ =	sfence.sel $0xFFFF  }
0xc0: {  	[dreg:$0x0] =	wrdreg $0xFFFFFFFF;
	(pc) =	sbr.abs _section_cstart, $3  }
0xc1: {  	[dreg:$0x1] =	wrdreg $0xFFFFFFFF  }
0xc2: {  	_ =	task.clear_ibuf [dreg:s7], $0x2FFFF;
	_ =	strace $0x9FFFFFFF  }
0xc3: {  	(tm) =	ssettm $0x7FFFFFFF  }
tec
execute0_lowered:
.L_overlay_start_1:
0x0: {  	(tag) =	ssettag $0x1  }
0x1: {  	s5 =	rddreg [dreg:$0x0]  }
0x2: {  	s2 =	rddreg [dreg:$0x1]  }
0x3: {  	s3 =	rddreg [dreg:$0x2];
	s4 =	srdreg.scid  }
0x4: {  	s0 =	rddreg [dreg:$0x3];
	s1 =	stileid.u32  }
0x5: {  	s13 =	simm.s32 $0x4000;
	s14 =	simm.s32 $0x4800;
	s15 =	simm.s32 $0x800  }
0x6: {  	s16 =	simm.s32 $0x20;
	s17 =	simm.s32 $0x10;
	s6 =	sand.u32 $0x1, s4  }
0x7: {  	s4 =	simm.s32 $0x0;
	s7 =	sshll.u32 s1, $0xB;
	s29 =	sshll.u32 s1, $0xC  }
0x8: {  	s30 =	sshll.u32 s1, $0xE;
	s31 =	sshll.u32 s1, $0x6;
	s8 =	sshll.u32 s6, $0xF  }
0x9: {  	[smem:$0x7FF] =	sst s4;
	s9 =	ssub.s32 $0x2, s6;
	s6 =	sshll.u32 s6, $0x4  }
0xa: {  	s12 =	sadd.s32 s30, s3;
	s8 =	sor.u32 s7, s8;
	_ =	strace $0x80000047  }
0xb: {  	s10 =	sshrl.u32 s9, $0x1;
	s7 =	sadd.s32 s7, s5;
	s11 =	sadd.s32 s6, s5  }
0xc: {  	s6 =	sor.u32 $0x1C01, s31;
	s8 =	sshrl.u32 s8, $0x3;
	s10 =	ssub.s32 s9, s10  }
0xd: {  	s9 =	sadd.s32 s29, s11;
	s11 =	sshrl.u32 s12, $0x3;
	s12 =	simm.s32 $0x1  }
0xe: {  	s8 =	sadd.s32 s8, s5;
	s5 =	sadd.s32 $0x6E00, s7;
	s9 =	sadd.s32 $0xEE00, s9  }
0xf: {  	s10 =	smax.u32 s10, $0x1;
	s7 =	sadd.s32 $0x4E00, s8;
	s8 =	sadd.s32 $0x2E00, s8  }
.LBB2_1:
0x10: {  	[spmem:s11], [sflag:s6] =	dma.local [hbm:s5], $0x800  }
0x11: {  	_ =	swait.ge [sflag:s12], $0x800  }
0x12: {  	[sflag:s12] =	ssyncset.done $0x0  }
0x13: {  	[sflag:s12] =	ssyncadd.s32 $0xFFFFF800  }
0x14: {  	[tilespmem:s13], [sflag:$0x1] =	stream.linear.gather [hbm4b:s7+s4], $0x800, $0x38;
	[tilespmem:$0x5000] =	vst v63  }
0x15: {  	_ =	swait.ge [sflag:s12], $0x800  }
0x16: {  	[sflag:s12] =	ssyncset.done $0x0  }
0x17: {  	[sflag:s12] =	ssyncadd.s32 $0xFFFFF800  }
0x18: {  	[tilespmem:s14], [sflag:$0x1] =	stream.linear.gather [hbm4b:s2+s4], $0x800, $0x38;
	[tilespmem:$0x5000] =	vst v63  }
0x19: {  	_ =	swait.ge [sflag:s12], $0x800  }
0x1a: {  	[sflag:s12] =	ssyncset.done $0x0  }
0x1b: {  	[sflag:s12] =	ssyncadd.s32 $0xFFFFF800  }
0x1c: {  	v0 =	vld [tilespmem:$0x47F0]  }
0x1d: {  	v57 =	vld [tilespmem:$0x47E0]  }
0x1e: {  	v58 =	vld [tilespmem:$0x47D0]  }
0x1f: {  	v59 =	vld [tilespmem:$0x47C0]  }
0x20: {  	v60 =	vld [tilespmem:$0x47B0]  }
0x21: {  	v61 =	vld [tilespmem:$0x47A0];
	[tilespmem:$0x1FFF0] =	vst v0  }
0x22: {  	v62 =	vld [tilespmem:$0x4790];
	[tilespmem:$0x1FFE0] =	vst v57  }
0x23: {  	v63 =	vld [tilespmem:$0x4780];
	[tilespmem:$0x1FFD0] =	vst v58  }
0x24: {  	v4 =	vld [tilespmem:$0x4770];
	[tilespmem:$0x1FFC0] =	vst v59  }
0x25: {  	v5 =	vld [tilespmem:$0x4760];
	[tilespmem:$0x1FFB0] =	vst v60  }
0x26: {  	v6 =	vld [tilespmem:$0x4750];
	[tilespmem:$0x1FFA0] =	vst v61  }
0x27: {  	v7 =	vld [tilespmem:$0x4740];
	[tilespmem:$0x1FF90] =	vst v62  }
0x28: {  	v8 =	vld [tilespmem:$0x4730];
	[tilespmem:$0x1FF80] =	vst v63  }
0x29: {  	v9 =	vld [tilespmem:$0x4720];
	[tilespmem:$0x1FF70] =	vst v4  }
0x2a: {  	v10 =	vld [tilespmem:$0x4710];
	[tilespmem:$0x1FF60] =	vst v5  }
0x2b: {  	v11 =	vld [tilespmem:$0x4700];
	[tilespmem:$0x1FF50] =	vst v6  }
0x2c: {  	[tilespmem:$0x1FF40] =	vst v7  }
0x2d: {  	[tilespmem:$0x1FF30] =	vst v8  }
0x2e: {  	[tilespmem:$0x1FF20] =	vst v9  }
0x2f: {  	[tilespmem:$0x1FF10] =	vst v10  }
0x30: {  	[tilespmem:$0x1FF00] =	vst v11  }
0x31: {  	v0 =	vld [tilespmem:$0x46F0]  }
0x32: {  	v12 =	vld [tilespmem:$0x46E0]  }
0x33: {  	v13 =	vld [tilespmem:$0x46D0]  }
0x34: {  	v14 =	vld [tilespmem:$0x46C0]  }
0x35: {  	v15 =	vld [tilespmem:$0x46B0]  }
0x36: {  	v16 =	vld [tilespmem:$0x46A0]  }
0x37: {  	v17 =	vld [tilespmem:$0x4690]  }
0x38: {  	v18 =	vld [tilespmem:$0x4680]  }
0x39: {  	v19 =	vld [tilespmem:$0x4670]  }
0x3a: {  	v20 =	vld [tilespmem:$0x4660]  }
0x3b: {  	v21 =	vld [tilespmem:$0x4650]  }
0x3c: {  	v22 =	vld [tilespmem:$0x4640]  }
0x3d: {  	v23 =	vld [tilespmem:$0x4630]  }
0x3e: {  	v24 =	vld [tilespmem:$0x4620]  }
0x3f: {  	v25 =	vld [tilespmem:$0x4610]  }
0x40: {  	v26 =	vld [tilespmem:$0x4600]  }
0x41: {  	v27 =	vld [tilespmem:$0x45F0]  }
0x42: {  	v28 =	vld [tilespmem:$0x45E0]  }
0x43: {  	v29 =	vld [tilespmem:$0x45D0]  }
0x44: {  	v30 =	vld [tilespmem:$0x45C0]  }
0x45: {  	v31 =	vld [tilespmem:$0x45B0]  }
0x46: {  	v32 =	vld [tilespmem:$0x45A0]  }
0x47: {  	v33 =	vld [tilespmem:$0x4590]  }
0x48: {  	v34 =	vld [tilespmem:$0x4580]  }
0x49: {  	v35 =	vld [tilespmem:$0x4570]  }
0x4a: {  	v36 =	vld [tilespmem:$0x4560]  }
0x4b: {  	v37 =	vld [tilespmem:$0x4550]  }
0x4c: {  	v38 =	vld [tilespmem:$0x4540]  }
0x4d: {  	v39 =	vld [tilespmem:$0x4530]  }
0x4e: {  	v40 =	vld [tilespmem:$0x4520]  }
0x4f: {  	v41 =	vld [tilespmem:$0x4510]  }
0x50: {  	v42 =	vld [tilespmem:$0x4500]  }
0x51: {  	v43 =	vld [tilespmem:$0x44F0]  }
0x52: {  	v44 =	vld [tilespmem:$0x44E0]  }
0x53: {  	v45 =	vld [tilespmem:$0x44D0]  }
0x54: {  	v46 =	vld [tilespmem:$0x44C0]  }
0x55: {  	v47 =	vld [tilespmem:$0x44B0]  }
0x56: {  	v48 =	vld [tilespmem:$0x44A0]  }
0x57: {  	v49 =	vld [tilespmem:$0x4490]  }
0x58: {  	v50 =	vld [tilespmem:$0x4480]  }
0x59: {  	v51 =	vld [tilespmem:$0x4470]  }
0x5a: {  	v52 =	vld [tilespmem:$0x4460]  }
0x5b: {  	v53 =	vld [tilespmem:$0x4450]  }
0x5c: {  	v54 =	vld [tilespmem:$0x4440]  }
0x5d: {  	v55 =	vld [tilespmem:$0x4430]  }
0x5e: {  	v56 =	vld [tilespmem:$0x4420]  }
0x5f: {  	v57 =	vld [tilespmem:$0x4410]  }
0x60: {  	v58 =	vld [tilespmem:$0x4400]  }
0x61: {  	v59 =	vld [tilespmem:$0x43F0]  }
0x62: {  	v60 =	vld [tilespmem:$0x43E0]  }
0x63: {  	v61 =	vld [tilespmem:$0x43D0]  }
0x64: {  	v62 =	vld [tilespmem:$0x43C0]  }
0x65: {  	v63 =	vld [tilespmem:$0x43B0]  }
0x66: {  	v4 =	vld [tilespmem:$0x43A0]  }
0x67: {  	v11 =	vld [tilespmem:$0x4050]  }
0x68: {  	v10 =	vld [tilespmem:$0x4040]  }
0x69: {  	v9 =	vld [tilespmem:$0x4030]  }
0x6a: {  	v8 =	vld [tilespmem:$0x4020]  }
0x6b: {  	v5 =	vld [tilespmem:$0x4010];
	[tilespmem:$0x1FEF0] =	vst v0  }
0x6c: {  	v3 =	vld [tilespmem:$0x4000];
	[tilespmem:$0x1FEE0] =	vst v12  }
0x6d: {  	[tilespmem:$0x1FBB0] =	vst v63;
	v63 =	vld [tilespmem:$0x4390]  }
0x6e: {  	[tilespmem:$0x1FBC0] =	vst v62;
	v62 =	vld [tilespmem:$0x4380]  }
0x6f: {  	[tilespmem:$0x1FBD0] =	vst v61;
	v61 =	vld [tilespmem:$0x4370]  }
0x70: {  	[tilespmem:$0x1FBE0] =	vst v60;
	v60 =	vld [tilespmem:$0x4360]  }
0x71: {  	[tilespmem:$0x1FBF0] =	vst v59;
	v59 =	vld [tilespmem:$0x4350]  }
0x72: {  	[tilespmem:$0x1FC00] =	vst v58;
	v58 =	vld [tilespmem:$0x4340]  }
0x73: {  	[tilespmem:$0x1FC10] =	vst v57;
	v57 =	vld [tilespmem:$0x4330]  }
0x74: {  	[tilespmem:$0x1FC20] =	vst v56;
	v56 =	vld [tilespmem:$0x4320]  }
0x75: {  	[tilespmem:$0x1FC30] =	vst v55;
	v55 =	vld [tilespmem:$0x4310]  }
0x76: {  	[tilespmem:$0x1FC40] =	vst v54;
	v54 =	vld [tilespmem:$0x4300]  }
0x77: {  	[tilespmem:$0x1FC50] =	vst v53;
	v53 =	vld [tilespmem:$0x42F0]  }
0x78: {  	[tilespmem:$0x1FC60] =	vst v52;
	v52 =	vld [tilespmem:$0x42E0]  }
0x79: {  	[tilespmem:$0x1FC70] =	vst v51;
	v51 =	vld [tilespmem:$0x42D0]  }
0x7a: {  	[tilespmem:$0x1FC80] =	vst v50;
	v50 =	vld [tilespmem:$0x42C0]  }
0x7b: {  	[tilespmem:$0x1FC90] =	vst v49;
	v49 =	vld [tilespmem:$0x42B0]  }
0x7c: {  	[tilespmem:$0x1FCA0] =	vst v48;
	v48 =	vld [tilespmem:$0x42A0]  }
0x7d: {  	[tilespmem:$0x1FCB0] =	vst v47;
	v47 =	vld [tilespmem:$0x4290]  }
0x7e: {  	[tilespmem:$0x1FCC0] =	vst v46;
	v46 =	vld [tilespmem:$0x4280]  }
0x7f: {  	[tilespmem:$0x1FCD0] =	vst v45;
	v45 =	vld [tilespmem:$0x4270]  }
0x80: {  	[tilespmem:$0x1FCE0] =	vst v44;
	v44 =	vld [tilespmem:$0x4260]  }
0x81: {  	[tilespmem:$0x1FCF0] =	vst v43;
	v43 =	vld [tilespmem:$0x4250]  }
0x82: {  	[tilespmem:$0x1FD00] =	vst v42;
	v42 =	vld [tilespmem:$0x4240]  }
0x83: {  	[tilespmem:$0x1FD10] =	vst v41;
	v41 =	vld [tilespmem:$0x4230]  }
0x84: {  	[tilespmem:$0x1FD20] =	vst v40;
	v40 =	vld [tilespmem:$0x4220]  }
0x85: {  	[tilespmem:$0x1FD30] =	vst v39;
	v39 =	vld [tilespmem:$0x4210]  }
0x86: {  	[tilespmem:$0x1FD40] =	vst v38;
	v38 =	vld [tilespmem:$0x4200]  }
0x87: {  	[tilespmem:$0x1FD50] =	vst v37;
	v37 =	vld [tilespmem:$0x41F0]  }
0x88: {  	[tilespmem:$0x1FD60] =	vst v36;
	v36 =	vld [tilespmem:$0x41E0]  }
0x89: {  	[tilespmem:$0x1FD70] =	vst v35;
	v35 =	vld [tilespmem:$0x41D0]  }
0x8a: {  	[tilespmem:$0x1FD80] =	vst v34;
	v34 =	vld [tilespmem:$0x41C0]  }
0x8b: {  	[tilespmem:$0x1FD90] =	vst v33;
	v33 =	vld [tilespmem:$0x41B0]  }
0x8c: {  	[tilespmem:$0x1FDA0] =	vst v32;
	v32 =	vld [tilespmem:$0x41A0]  }
0x8d: {  	[tilespmem:$0x1FDB0] =	vst v31;
	v31 =	vld [tilespmem:$0x4190]  }
0x8e: {  	[tilespmem:$0x1FDC0] =	vst v30;
	v30 =	vld [tilespmem:$0x4180]  }
0x8f: {  	[tilespmem:$0x1FDD0] =	vst v29;
	v29 =	vld [tilespmem:$0x4170]  }
0x90: {  	[tilespmem:$0x1FDE0] =	vst v28;
	v28 =	vld [tilespmem:$0x4160]  }
0x91: {  	[tilespmem:$0x1FDF0] =	vst v27;
	v27 =	vld [tilespmem:$0x4150]  }
0x92: {  	[tilespmem:$0x1FE00] =	vst v26;
	v26 =	vld [tilespmem:$0x4140]  }
0x93: {  	[tilespmem:$0x1FE10] =	vst v25;
	v25 =	vld [tilespmem:$0x4130]  }
0x94: {  	[tilespmem:$0x1FE20] =	vst v24;
	v24 =	vld [tilespmem:$0x4120]  }
0x95: {  	[tilespmem:$0x1FE30] =	vst v23;
	v23 =	vld [tilespmem:$0x4110]  }
0x96: {  	[tilespmem:$0x1FE40] =	vst v22;
	v22 =	vld [tilespmem:$0x4100]  }
0x97: {  	[tilespmem:$0x1FE50] =	vst v21;
	v21 =	vld [tilespmem:$0x40F0]  }
0x98: {  	[tilespmem:$0x1FE60] =	vst v20;
	v20 =	vld [tilespmem:$0x40E0]  }
0x99: {  	[tilespmem:$0x1FE70] =	vst v19;
	v19 =	vld [tilespmem:$0x40D0]  }
0x9a: {  	[tilespmem:$0x1FE80] =	vst v18;
	v18 =	vld [tilespmem:$0x40C0]  }
0x9b: {  	[tilespmem:$0x1FE90] =	vst v17;
	v17 =	vld [tilespmem:$0x40B0]  }
0x9c: {  	[tilespmem:$0x1FEA0] =	vst v16;
	v16 =	vld [tilespmem:$0x40A0]  }
0x9d: {  	[tilespmem:$0x1FEB0] =	vst v15;
	v15 =	vld [tilespmem:$0x4090]  }
0x9e: {  	[tilespmem:$0x1FEC0] =	vst v14;
	v14 =	vld [tilespmem:$0x4080]  }
0x9f: {  	[tilespmem:$0x1FED0] =	vst v13;
	v13 =	vld [tilespmem:$0x4070]  }
0xa0: {  	[tilespmem:$0x1FBA0] =	vst v4;
	v12 =	vld [tilespmem:$0x4060];
	[tilespmem:s13], [sflag:$0x1] =	stream.linear.gather [hbm4b:s8+s4], $0x800, $0x38  }
0xa1: {  	_ =	swait.ge [sflag:s12], $0x800  }
0xa2: {  	[sflag:s12] =	ssyncset.done $0x0  }
0xa3: {  	[sflag:s12] =	ssyncadd.s32 $0xFFFFF800  }
0xa4: {  	v0 =	vld [tilespmem:$0x4000]  }
0xa5: {  	v1 =	vld [tilespmem:$0x4010]  }
0xa6: {  	v2 =	vld [tilespmem:$0x4020]  }
0xa7: {  	v4 =	vld [tilespmem:$0x4030]  }
0xa8: {  	v6 =	vld [tilespmem:$0x4040]  }
0xa9: {  	v7 =	vld [tilespmem:$0x4050];
	v0 =	vshll.u32 v0, $0x9  }
0xaa: {  	v1 =	vshll.u32 v1, $0x9;
	v0 =	vadd.s32 v3, v0;
	v3 =	vld [tilespmem:$0x4060]  }
0xab: {  	v1 =	vadd.s32 v5, v1;
	v5 =	vshll.u32 v2, $0x9;
	v2 =	vld [tilespmem:$0x4070]  }
0xac: {  	[tilespmem:$0x4000] =	vst v0;
	v0 =	vadd.s32 v8, v5;
	v8 =	vshll.u32 v4, $0x9;
	v4 =	vld [tilespmem:$0x4080]  }
0xad: {  	[tilespmem:$0x4010] =	vst v1;
	v5 =	vld [tilespmem:$0x4090];
	v1 =	vadd.s32 v9, v8;
	v8 =	vshll.u32 v6, $0x9  }
0xae: {  	[tilespmem:$0x4020] =	vst v0;
	v9 =	vshll.u32 v7, $0x9;
	v0 =	vadd.s32 v10, v8;
	v10 =	vld [tilespmem:$0x40A0]  }
0xaf: {  	[tilespmem:$0x4030] =	vst v1;
	v1 =	vadd.s32 v11, v9;
	v9 =	vld [tilespmem:$0x40E0]  }
0xb0: {  	v11 =	vshll.u32 v3, $0x9;
	v3 =	vld [tilespmem:$0x40B0]  }
0xb1: {  	[tilespmem:$0x4040] =	vst v0;
	v0 =	vadd.s32 v12, v11;
	v12 =	vshll.u32 v2, $0x9;
	v2 =	vld [tilespmem:$0x40C0]  }
0xb2: {  	[tilespmem:$0x4050] =	vst v1;
	v1 =	vadd.s32 v13, v12;
	v13 =	vshll.u32 v4, $0x9;
	v4 =	vld [tilespmem:$0x40D0]  }
0xb3: {  	v11 =	vld [tilespmem:$0x40F0];
	[tilespmem:$0x4060] =	vst v0  }
0xb4: {  	v8 =	vshll.u32 v5, $0x9;
	v0 =	vadd.s32 v14, v13;
	[tilespmem:$0x4070] =	vst v1;
	v13 =	vld [tilespmem:$0x4100]  }
0xb5: {  	v1 =	vadd.s32 v15, v8;
	v10 =	vshll.u32 v10, $0x9;
	v15 =	vld [tilespmem:$0x4110];
	[tilespmem:$0x4080] =	vst v0;
	v12 =	vshll.u32 v3, $0x9  }
0xb6: {  	v0 =	vadd.s32 v16, v10;
	[tilespmem:$0x4090] =	vst v1;
	v1 =	vadd.s32 v17, v12;
	v14 =	vshll.u32 v2, $0x9;
	v17 =	vld [tilespmem:$0x4120]  }
0xb7: {  	[tilespmem:$0x40A0] =	vst v0;
	v0 =	vadd.s32 v18, v14;
	v16 =	vshll.u32 v4, $0x9;
	v18 =	vshll.u32 v9, $0x9;
	v9 =	vld [tilespmem:$0x4140]  }
0xb8: {  	[tilespmem:$0x40B0] =	vst v1;
	v1 =	vadd.s32 v19, v16;
	v19 =	vld [tilespmem:$0x4130]  }
0xb9: {  	[tilespmem:$0x40C0] =	vst v0;
	v0 =	vadd.s32 v20, v18;
	v20 =	vshll.u32 v11, $0x9;
	v11 =	vld [tilespmem:$0x4150]  }
0xba: {  	v10 =	vshll.u32 v13, $0x9;
	v13 =	vld [tilespmem:$0x4160]  }
0xbb: {  	v12 =	vshll.u32 v15, $0x9;
	v15 =	vld [tilespmem:$0x4170]  }
0xbc: {  	[tilespmem:$0x40D0] =	vst v1;
	v1 =	vadd.s32 v21, v20;
	v21 =	vld [tilespmem:$0x41A0]  }
0xbd: {  	[tilespmem:$0x40F0] =	vst v1;
	v1 =	vadd.s32 v23, v12;
	v23 =	vld [tilespmem:$0x41B0]  }
0xbe: {  	v14 =	vshll.u32 v17, $0x9;
	v17 =	vld [tilespmem:$0x4180]  }
0xbf: {  	v18 =	vshll.u32 v9, $0x9;
	v9 =	vld [tilespmem:$0x4200]  }
0xc0: {  	v16 =	vshll.u32 v19, $0x9;
	v19 =	vld [tilespmem:$0x4190]  }
0xc1: {  	v20 =	vshll.u32 v11, $0x9;
	v11 =	vld [tilespmem:$0x4210]  }
0xc2: {  	[tilespmem:$0x40E0] =	vst v0;
	v0 =	vadd.s32 v22, v10;
	v22 =	vshll.u32 v13, $0x9;
	v13 =	vld [tilespmem:$0x4220]  }
0xc3: {  	[tilespmem:$0x4100] =	vst v0;
	v0 =	vadd.s32 v24, v14;
	v24 =	vshll.u32 v15, $0x9;
	v15 =	vld [tilespmem:$0x4230]  }
0xc4: {  	[tilespmem:$0x4110] =	vst v1;
	v1 =	vadd.s32 v25, v16;
	v25 =	vld [tilespmem:$0x41C0]  }
0xc5: {  	[tilespmem:$0x4130] =	vst v1;
	v1 =	vadd.s32 v27, v20;
	v27 =	vld [tilespmem:$0x41D0]  }
0xc6: {  	[tilespmem:$0x4120] =	vst v0;
	v8 =	vshll.u32 v23, $0x9;
	v23 =	vld [tilespmem:$0x4270]  }
0xc7: {  	v0 =	vadd.s32 v26, v18;
	[tilespmem:$0x4150] =	vst v1;
	v1 =	vadd.s32 v29, v24;
	v29 =	vld [tilespmem:$0x41E0]  }
0xc8: {  	[tilespmem:$0x4140] =	vst v0;
	v0 =	vadd.s32 v28, v22;
	v26 =	vshll.u32 v17, $0x9;
	v17 =	vld [tilespmem:$0x4240]  }
0xc9: {  	[tilespmem:$0x4160] =	vst v0;
	v0 =	vadd.s32 v30, v26;
	v30 =	vshll.u32 v21, $0x9;
	v21 =	vld [tilespmem:$0x4260]  }
0xca: {  	v28 =	vshll.u32 v19, $0x9;
	v19 =	vld [tilespmem:$0x4250]  }
0xcb: {  	[tilespmem:$0x4170] =	vst v1;
	v1 =	vadd.s32 v31, v28;
	v31 =	vld [tilespmem:$0x41F0]  }
0xcc: {  	v10 =	vshll.u32 v25, $0x9;
	v25 =	vld [tilespmem:$0x4280]  }
0xcd: {  	[tilespmem:$0x4180] =	vst v0;
	v12 =	vshll.u32 v27, $0x9;
	v27 =	vld [tilespmem:$0x4290]  }
0xce: {  	v0 =	vadd.s32 v32, v30;
	[tilespmem:$0x4190] =	vst v1;
	v1 =	vadd.s32 v33, v8;
	v33 =	vld [tilespmem:$0x42C0]  }
0xcf: {  	[tilespmem:$0x41A0] =	vst v0;
	v0 =	vadd.s32 v34, v10;
	v10 =	vld [tilespmem:$0x4380]  }
0xd0: {  	v14 =	vshll.u32 v29, $0x9;
	v29 =	vld [tilespmem:$0x42A0]  }
0xd1: {  	[tilespmem:$0x41B0] =	vst v1;
	v1 =	vadd.s32 v35, v12;
	v35 =	vld [tilespmem:$0x42D0]  }
0xd2: {  	v12 =	vld [tilespmem:$0x4390]  }
0xd3: {  	v18 =	vshll.u32 v9, $0x9;
	[tilespmem:$0x41C0] =	vst v0;
	v0 =	vadd.s32 v36, v14;
	v14 =	vld [tilespmem:$0x43A0]  }
0xd4: {  	[tilespmem:$0x41E0] =	vst v0;
	v0 =	vadd.s32 v38, v18;
	v18 =	vld [tilespmem:$0x43C0]  }
0xd5: {  	v22 =	vshll.u32 v13, $0x9;
	v16 =	vshll.u32 v31, $0x9;
	v31 =	vld [tilespmem:$0x42B0]  }
0xd6: {  	[tilespmem:$0x4200] =	vst v0;
	v0 =	vadd.s32 v40, v22;
	v22 =	vld [tilespmem:$0x43E0]  }
0xd7: {  	v34 =	vshll.u32 v25, $0x9;
	v25 =	vld [tilespmem:$0x1FBA0]  }
0xd8: {  	[tilespmem:$0x41D0] =	vst v1;
	v1 =	vadd.s32 v37, v16;
	v37 =	vld [tilespmem:$0x42E0]  }
0xd9: {  	v16 =	vld [tilespmem:$0x43B0]  }
0xda: {  	v26 =	vshll.u32 v17, $0x9;
	v36 =	vshll.u32 v27, $0x9;
	v27 =	vld [tilespmem:$0x4400]  }
0xdb: {  	[tilespmem:$0x4220] =	vst v0;
	v0 =	vadd.s32 v42, v26;
	v42 =	vshll.u32 v33, $0x9;
	v33 =	vld [tilespmem:$0x4420]  }
0xdc: {  	v20 =	vshll.u32 v11, $0x9;
	v28 =	vshll.u32 v19, $0x9;
	v19 =	vshll.u32 v10, $0x9;
	v10 =	vld [tilespmem:$0x1FC80]  }
0xdd: {  	[tilespmem:$0x41F0] =	vst v1;
	v1 =	vadd.s32 v39, v20;
	v39 =	vld [tilespmem:$0x42F0]  }
0xde: {  	v30 =	vshll.u32 v21, $0x9;
	v20 =	vld [tilespmem:$0x43D0]  }
0xdf: {  	[tilespmem:$0x4240] =	vst v0;
	v0 =	vadd.s32 v44, v30;
	v30 =	vld [tilespmem:$0x4410]  }
0xe0: {  	v24 =	vshll.u32 v15, $0x9;
	v21 =	vshll.u32 v12, $0x9;
	v12 =	vld [tilespmem:$0x1FC90]  }
0xe1: {  	[tilespmem:$0x4210] =	vst v1;
	v1 =	vadd.s32 v41, v24;
	v41 =	vld [tilespmem:$0x4300]  }
0xe2: {  	v24 =	vld [tilespmem:$0x43F0]  }
0xe3: {  	[tilespmem:$0x4260] =	vst v0;
	v0 =	vadd.s32 v46, v34;
	v34 =	vld [tilespmem:$0x1FBD0]  }
0xe4: {  	v32 =	vshll.u32 v23, $0x9;
	v23 =	vshll.u32 v14, $0x9;
	v14 =	vld [tilespmem:$0x1FCA0]  }
0xe5: {  	[tilespmem:$0x4230] =	vst v1;
	v1 =	vadd.s32 v43, v28;
	v43 =	vld [tilespmem:$0x4310]  }
0xe6: {  	v28 =	vld [tilespmem:$0x1FBB0]  }
0xe7: {  	v38 =	vshll.u32 v29, $0x9;
	v29 =	vshll.u32 v18, $0x9;
	v18 =	vld [tilespmem:$0x1FCC0]  }
0xe8: {  	[tilespmem:$0x4250] =	vst v1;
	v1 =	vadd.s32 v45, v32;
	v45 =	vld [tilespmem:$0x4320]  }
0xe9: {  	[tilespmem:$0x4280] =	vst v0;
	v0 =	vadd.s32 v48, v38;
	v40 =	vshll.u32 v31, $0x9;
	v31 =	vld [tilespmem:$0x1FBC0]  }
0xea: {  	[tilespmem:$0x42A0] =	vst v0;
	v0 =	vadd.s32 v50, v42;
	v42 =	vld [tilespmem:$0x4450]  }
0xeb: {  	v44 =	vshll.u32 v35, $0x9;
	v35 =	vshll.u32 v22, $0x9;
	v22 =	vld [tilespmem:$0x1FCE0]  }
0xec: {  	[tilespmem:$0x4270] =	vst v1;
	v1 =	vadd.s32 v47, v36;
	v47 =	vld [tilespmem:$0x4330]  }
0xed: {  	v36 =	vld [tilespmem:$0x4430]  }
0xee: {  	v46 =	vshll.u32 v37, $0x9;
	v37 =	vld [tilespmem:$0x1FBE0]  }
0xef: {  	v26 =	vshll.u32 v16, $0x9;
	v16 =	vld [tilespmem:$0x1FCB0]  }
0xf0: {  	[tilespmem:$0x4290] =	vst v1;
	v1 =	vadd.s32 v49, v40;
	v49 =	vld [tilespmem:$0x4340]  }
0xf1: {  	v48 =	vshll.u32 v39, $0x9;
	v39 =	vld [tilespmem:$0x4440]  }
0xf2: {  	v40 =	vld [tilespmem:$0x1FBF0]  }
0xf3: {  	[tilespmem:$0x42C0] =	vst v0;
	v0 =	vadd.s32 v52, v46;
	v46 =	vld [tilespmem:$0x1FC10]  }
0xf4: {  	v32 =	vshll.u32 v20, $0x9;
	v20 =	vld [tilespmem:$0x1FCD0]  }
0xf5: {  	[tilespmem:$0x42B0] =	vst v1;
	v1 =	vadd.s32 v51, v44;
	v51 =	vld [tilespmem:$0x4350]  }
0xf6: {  	v38 =	vshll.u32 v24, $0x9;
	v24 =	vld [tilespmem:$0x1FCF0]  }
0xf7: {  	v50 =	vshll.u32 v41, $0x9;
	v41 =	vshll.u32 v27, $0x9;
	v27 =	vld [tilespmem:$0x4560]  }
0xf8: {  	v44 =	vshll.u32 v30, $0x9;
	v30 =	vld [tilespmem:$0x1FD20]  }
0xf9: {  	[tilespmem:$0x42D0] =	vst v1;
	v1 =	vadd.s32 v53, v48;
	v53 =	vld [tilespmem:$0x4360]  }
0xfa: {  	v52 =	vshll.u32 v43, $0x9;
	v43 =	vld [tilespmem:$0x1FC00]  }
0xfb: {  	v48 =	vld [tilespmem:$0x4470]  }
0xfc: {  	[tilespmem:$0x42F0] =	vst v1;
	v1 =	vadd.s32 v55, v52;
	v55 =	vld [tilespmem:$0x4370]  }
0xfd: {  	[tilespmem:$0x42E0] =	vst v0;
	v0 =	vadd.s32 v54, v50;
	v54 =	vshll.u32 v45, $0x9;
	v45 =	vld [tilespmem:$0x4460]  }
0xfe: {  	v52 =	vld [tilespmem:$0x1FC30]  }
0xff: {  	[tilespmem:$0x4300] =	vst v0;
	v0 =	vadd.s32 v56, v54;
	v54 =	vld [tilespmem:$0x4490]  }
0x100: {  	v9 =	vshll.u32 v47, $0x9;
	v47 =	vshll.u32 v33, $0x9;
	v33 =	vld [tilespmem:$0x4590]  }
0x101: {  	v50 =	vshll.u32 v36, $0x9;
	v36 =	vld [tilespmem:$0x1FD50]  }
0x102: {  	v56 =	vshll.u32 v42, $0x9;
	v42 =	vld [tilespmem:$0x1FD80]  }
0x103: {  	v11 =	vshll.u32 v49, $0x9;
	v49 =	vld [tilespmem:$0x1FC20]  }
0x104: {  	[tilespmem:$0x4310] =	vst v1;
	v1 =	vadd.s32 v57, v9;
	v57 =	vld [tilespmem:$0x44A0]  }
0x105: {  	v9 =	vld [tilespmem:$0x44D0]  }
0x106: {  	v13 =	vshll.u32 v51, $0x9;
	v51 =	vld [tilespmem:$0x4480]  }
0x107: {  	[tilespmem:$0x4320] =	vst v0;
	v0 =	vadd.s32 v58, v11;
	v58 =	vld [tilespmem:$0x1FC50]  }
0x108: {  	v11 =	vld [tilespmem:$0x44E0]  }
0x109: {  	[tilespmem:$0x4330] =	vst v1;
	v1 =	vadd.s32 v59, v13;
	v13 =	vld [tilespmem:$0x44F0]  }
0x10a: {  	v15 =	vshll.u32 v53, $0x9;
	v53 =	vshll.u32 v39, $0x9;
	v39 =	vld [tilespmem:$0x45C0]  }
0x10b: {  	v3 =	vshll.u32 v48, $0x9;
	v48 =	vld [tilespmem:$0x1FDB0]  }
0x10c: {  	v17 =	vshll.u32 v55, $0x9;
	v55 =	vld [tilespmem:$0x1FC40]  }
0x10d: {  	[tilespmem:$0x4340] =	vst v0;
	v0 =	vadd.s32 v60, v15;
	v60 =	vld [tilespmem:$0x44B0]  }
0x10e: {  	v15 =	vld [tilespmem:$0x4500]  }
0x10f: {  	v59 =	vshll.u32 v45, $0x9;
	v45 =	vld [tilespmem:$0x45F0]  }
0x110: {  	[tilespmem:$0x4350] =	vst v1;
	v1 =	vadd.s32 v61, v17;
	v61 =	vld [tilespmem:$0x1FC60]  }
0x111: {  	[tilespmem:$0x4360] =	vst v0;
	v0 =	vadd.s32 v62, v19;
	v62 =	vld [tilespmem:$0x44C0]  }
0x112: {  	v17 =	vld [tilespmem:$0x4510]  }
0x113: {  	v19 =	vld [tilespmem:$0x4520]  }
0x114: {  	v4 =	vshll.u32 v54, $0x9;
	v54 =	vld [tilespmem:$0x1FDE0]  }
0x115: {  	[tilespmem:$0x4370] =	vst v1;
	v1 =	vadd.s32 v63, v21;
	v63 =	vld [tilespmem:$0x1FC70]  }
0x116: {  	v21 =	vld [tilespmem:$0x4530]  }
0x117: {  	[tilespmem:$0x4380] =	vst v0;
	v0 =	vadd.s32 v25, v23;
	v23 =	vld [tilespmem:$0x4540]  }
0x118: {  	v25 =	vld [tilespmem:$0x4550]  }
0x119: {  	v5 =	vshll.u32 v57, $0x9;
	v57 =	vld [tilespmem:$0x4650]  }
0x11a: {  	v4 =	vadd.s32 v12, v4;
	v12 =	vld [tilespmem:$0x46A0]  }
0x11b: {  	[tilespmem:$0x4390] =	vst v1;
	v1 =	vadd.s32 v28, v26;
	v26 =	vld [tilespmem:$0x1FD00]  }
0x11c: {  	v28 =	vld [tilespmem:$0x1FD10]  }
0x11d: {  	[tilespmem:$0x43A0] =	vst v0;
	v0 =	vadd.s32 v31, v29;
	v29 =	vld [tilespmem:$0x4570]  }
0x11e: {  	v31 =	vld [tilespmem:$0x4580]  }
0x11f: {  	v2 =	vshll.u32 v51, $0x9;
	v51 =	vld [tilespmem:$0x4620]  }
0x120: {  	v5 =	vadd.s32 v14, v5;
	v14 =	vld [tilespmem:$0x46B0]  }
0x121: {  	[tilespmem:$0x43B0] =	vst v1;
	v1 =	vadd.s32 v34, v32;
	v32 =	vld [tilespmem:$0x1FD30]  }
0x122: {  	v34 =	vld [tilespmem:$0x1FD40]  }
0x123: {  	[tilespmem:$0x43C0] =	vst v0;
	v0 =	vadd.s32 v37, v35;
	v35 =	vld [tilespmem:$0x45A0]  }
0x124: {  	v37 =	vld [tilespmem:$0x45B0]  }
0x125: {  	v2 =	vadd.s32 v10, v2;
	v10 =	vld [tilespmem:$0x4690]  }
0x126: {  	[tilespmem:$0x43D0] =	vst v1;
	v1 =	vadd.s32 v40, v38;
	v38 =	vld [tilespmem:$0x1FD60]  }
0x127: {  	v40 =	vld [tilespmem:$0x1FD70]  }
0x128: {  	[tilespmem:$0x43E0] =	vst v0;
	v0 =	vadd.s32 v43, v41;
	v41 =	vld [tilespmem:$0x45D0]  }
0x129: {  	v43 =	vld [tilespmem:$0x45E0]  }
0x12a: {  	v6 =	vshll.u32 v60, $0x9;
	v60 =	vld [tilespmem:$0x1FE10]  }
0x12b: {  	[tilespmem:$0x4480] =	vst v2;
	v2 =	vshll.u32 v13, $0x9;
	v13 =	vld [tilespmem:$0x1FE50]  }
0x12c: {  	[tilespmem:$0x4490] =	vst v4;
	v4 =	vshll.u32 v15, $0x9;
	v15 =	vld [tilespmem:$0x1FE60]  }
0x12d: {  	[tilespmem:$0x43F0] =	vst v1;
	v1 =	vadd.s32 v46, v44;
	v44 =	vld [tilespmem:$0x1FD90]  }
0x12e: {  	v46 =	vld [tilespmem:$0x1FDA0]  }
0x12f: {  	[tilespmem:$0x4400] =	vst v0;
	v0 =	vadd.s32 v49, v47;
	v47 =	vld [tilespmem:$0x4600]  }
0x130: {  	v49 =	vld [tilespmem:$0x4610]  }
0x131: {  	v6 =	vadd.s32 v16, v6;
	v16 =	vld [tilespmem:$0x46C0]  }
0x132: {  	[tilespmem:$0x44A0] =	vst v5;
	v5 =	vshll.u32 v17, $0x9;
	v17 =	vld [tilespmem:$0x1FE70]  }
0x133: {  	v2 =	vadd.s32 v24, v2;
	v24 =	vld [tilespmem:$0x4700]  }
0x134: {  	[tilespmem:$0x4410] =	vst v1;
	v1 =	vadd.s32 v52, v50;
	v50 =	vld [tilespmem:$0x1FDC0]  }
0x135: {  	[tilespmem:$0x4420] =	vst v0;
	v52 =	vld [tilespmem:$0x1FDD0]  }
0x136: {  	v0 =	vadd.s32 v55, v53;
	[tilespmem:$0x44B0] =	vst v6;
	v53 =	vld [tilespmem:$0x4630]  }
0x137: {  	[tilespmem:$0x44F0] =	vst v2;
	v55 =	vld [tilespmem:$0x4640]  }
0x138: {  	v3 =	vadd.s32 v63, v3;
	v63 =	vld [tilespmem:$0x4680];
	[tilespmem:$0x4430] =	vst v1  }
0x139: {  	v6 =	vshll.u32 v19, $0x9;
	v19 =	vld [tilespmem:$0x1FE80];
	[tilespmem:$0x4440] =	vst v0  }
0x13a: {  	v2 =	vshll.u32 v27, $0x9;
	v27 =	vld [tilespmem:$0x1FEC0];
	v1 =	vadd.s32 v58, v56;
	[tilespmem:$0x4470] =	vst v3  }
0x13b: {  	v0 =	vadd.s32 v61, v59;
	v56 =	vld [tilespmem:$0x1FDF0];
	[tilespmem:$0x4450] =	vst v1  }
0x13c: {  	v4 =	vadd.s32 v26, v4;
	v58 =	vld [tilespmem:$0x1FE00];
	[tilespmem:$0x4460] =	vst v0  }
0x13d: {  	v5 =	vadd.s32 v28, v5;
	v59 =	vld [tilespmem:$0x4660];
	[tilespmem:$0x4500] =	vst v4  }
0x13e: {  	v3 =	vshll.u32 v11, $0x9;
	v6 =	vadd.s32 v30, v6;
	v61 =	vld [tilespmem:$0x4670];
	[tilespmem:$0x4510] =	vst v5  }
0x13f: {  	v11 =	vld [tilespmem:$0x1FE40];
	v1 =	vshll.u32 v62, $0x9;
	v3 =	vadd.s32 v22, v3;
	[tilespmem:$0x4520] =	vst v6  }
0x140: {  	v26 =	vld [tilespmem:$0x4710];
	v0 =	vshll.u32 v9, $0x9;
	v1 =	vadd.s32 v18, v1;
	[tilespmem:$0x44E0] =	vst v3  }
0x141: {  	v28 =	vld [tilespmem:$0x4720];
	v0 =	vadd.s32 v20, v0;
	[tilespmem:$0x44C0] =	vst v1  }
0x142: {  	v30 =	vld [tilespmem:$0x4730];
	v4 =	vshll.u32 v29, $0x9;
	v2 =	vadd.s32 v38, v2;
	[tilespmem:$0x44D0] =	vst v0  }
0x143: {  	v5 =	vshll.u32 v31, $0x9;
	v62 =	vld [tilespmem:$0x1FE20];
	v4 =	vadd.s32 v40, v4;
	[tilespmem:$0x4560] =	vst v2  }
0x144: {  	v9 =	vld [tilespmem:$0x1FE30];
	v3 =	vshll.u32 v25, $0x9;
	v5 =	vadd.s32 v42, v5;
	[tilespmem:$0x4570] =	vst v4  }
0x145: {  	v6 =	vshll.u32 v33, $0x9;
	v22 =	vld [tilespmem:$0x46F0];
	v3 =	vadd.s32 v36, v3;
	[tilespmem:$0x4580] =	vst v5  }
0x146: {  	v29 =	vld [tilespmem:$0x1FED0];
	v1 =	vshll.u32 v21, $0x9;
	v6 =	vadd.s32 v44, v6;
	[tilespmem:$0x4550] =	vst v3  }
0x147: {  	v31 =	vld [tilespmem:$0x1FEE0];
	v0 =	vshll.u32 v23, $0x9;
	v1 =	vadd.s32 v32, v1;
	[tilespmem:$0x4590] =	vst v6  }
0x148: {  	v33 =	vld [tilespmem:$0x1FEF0];
	v2 =	vshll.u32 v41, $0x9;
	v0 =	vadd.s32 v34, v0;
	[tilespmem:$0x4530] =	vst v1  }
0x149: {  	v18 =	vld [tilespmem:$0x46D0];
	v4 =	vshll.u32 v43, $0x9;
	v2 =	vadd.s32 v52, v2;
	[tilespmem:$0x4540] =	vst v0  }
0x14a: {  	v20 =	vld [tilespmem:$0x46E0];
	v3 =	vshll.u32 v39, $0x9;
	v4 =	vadd.s32 v54, v4;
	[tilespmem:$0x45D0] =	vst v2  }
0x14b: {  	v25 =	vld [tilespmem:$0x1FEB0];
	v5 =	vshll.u32 v45, $0x9;
	v3 =	vadd.s32 v50, v3;
	[tilespmem:$0x45E0] =	vst v4  }
0x14c: {  	v38 =	vld [tilespmem:$0x4770];
	v6 =	vshll.u32 v47, $0x9;
	v5 =	vadd.s32 v56, v5;
	[tilespmem:$0x45C0] =	vst v3  }
0x14d: {  	v40 =	vld [tilespmem:$0x4780];
	v1 =	vshll.u32 v35, $0x9;
	v6 =	vadd.s32 v58, v6;
	[tilespmem:$0x45F0] =	vst v5  }
0x14e: {  	v42 =	vld [tilespmem:$0x4790];
	v0 =	vshll.u32 v37, $0x9;
	v1 =	vadd.s32 v46, v1;
	[tilespmem:$0x4600] =	vst v6  }
0x14f: {  	v21 =	vld [tilespmem:$0x1FE90];
	v2 =	vshll.u32 v55, $0x9;
	v0 =	vadd.s32 v48, v0;
	[tilespmem:$0x45A0] =	vst v1  }
0x150: {  	v23 =	vld [tilespmem:$0x1FEA0];
	v4 =	vshll.u32 v57, $0x9;
	v2 =	vadd.s32 v11, v2;
	[tilespmem:$0x45B0] =	vst v0  }
0x151: {  	v36 =	vld [tilespmem:$0x4760];
	v3 =	vshll.u32 v53, $0x9;
	v4 =	vadd.s32 v13, v4;
	[tilespmem:$0x4640] =	vst v2  }
0x152: {  	v41 =	vld [tilespmem:$0x1FF30];
	v5 =	vshll.u32 v59, $0x9;
	v3 =	vadd.s32 v9, v3;
	[tilespmem:$0x4650] =	vst v4  }
0x153: {  	v43 =	vld [tilespmem:$0x1FF40];
	v6 =	vshll.u32 v61, $0x9;
	v5 =	vadd.s32 v15, v5;
	[tilespmem:$0x4630] =	vst v3  }
0x154: {  	v44 =	vld [tilespmem:$0x47A0];
	v1 =	vshll.u32 v49, $0x9;
	v6 =	vadd.s32 v17, v6;
	[tilespmem:$0x4660] =	vst v5  }
0x155: {  	v45 =	vld [tilespmem:$0x1FF50];
	v0 =	vshll.u32 v51, $0x9;
	v1 =	vadd.s32 v60, v1;
	[tilespmem:$0x4670] =	vst v6  }
0x156: {  	v32 =	vld [tilespmem:$0x4740];
	v2 =	vshll.u32 v14, $0x9;
	v0 =	vadd.s32 v62, v0;
	[tilespmem:$0x4610] =	vst v1  }
0x157: {  	v34 =	vld [tilespmem:$0x4750];
	v4 =	vshll.u32 v16, $0x9;
	v2 =	vadd.s32 v25, v2;
	[tilespmem:$0x4620] =	vst v0  }
0x158: {  	v39 =	vld [tilespmem:$0x1FF20];
	v3 =	vshll.u32 v12, $0x9;
	v4 =	vadd.s32 v27, v4;
	[tilespmem:$0x46B0] =	vst v2  }
0x159: {  	v47 =	vld [tilespmem:$0x1FF60];
	v5 =	vshll.u32 v18, $0x9;
	v3 =	vadd.s32 v23, v3;
	[tilespmem:$0x46C0] =	vst v4  }
0x15a: {  	v52 =	vld [tilespmem:$0x47E0];
	v6 =	vshll.u32 v20, $0x9;
	v5 =	vadd.s32 v29, v5;
	[tilespmem:$0x46A0] =	vst v3  }
0x15b: {  	v37 =	vld [tilespmem:$0x1FF10];
	v1 =	vshll.u32 v63, $0x9;
	v6 =	vadd.s32 v31, v6;
	[tilespmem:$0x46D0] =	vst v5  }
0x15c: {  	v54 =	vld [tilespmem:$0x47F0];
	v0 =	vshll.u32 v10, $0x9;
	v1 =	vadd.s32 v19, v1;
	[tilespmem:$0x46E0] =	vst v6  }
0x15d: {  	v35 =	vld [tilespmem:$0x1FF00];
	v2 =	vshll.u32 v28, $0x9;
	v0 =	vadd.s32 v21, v0;
	[tilespmem:$0x4680] =	vst v1  }
0x15e: {  	v55 =	vld [tilespmem:$0x1FFA0];
	v4 =	vshll.u32 v30, $0x9;
	v2 =	vadd.s32 v39, v2;
	[tilespmem:$0x4690] =	vst v0  }
0x15f: {  	v57 =	vld [tilespmem:$0x1FFB0];
	v3 =	vshll.u32 v26, $0x9;
	v4 =	vadd.s32 v41, v4;
	[tilespmem:$0x4720] =	vst v2  }
0x160: {  	v53 =	vld [tilespmem:$0x1FF90];
	v5 =	vshll.u32 v32, $0x9;
	v3 =	vadd.s32 v37, v3;
	[tilespmem:$0x4730] =	vst v4  }
0x161: {  	v46 =	vld [tilespmem:$0x47B0];
	v6 =	vshll.u32 v34, $0x9;
	v5 =	vadd.s32 v43, v5;
	[tilespmem:$0x4710] =	vst v3  }
0x162: {  	v51 =	vld [tilespmem:$0x1FF80];
	v1 =	vshll.u32 v22, $0x9;
	v6 =	vadd.s32 v45, v6;
	[tilespmem:$0x4740] =	vst v5  }
0x163: {  	v48 =	vld [tilespmem:$0x47C0];
	v0 =	vshll.u32 v24, $0x9;
	v1 =	vadd.s32 v33, v1;
	[tilespmem:$0x4750] =	vst v6  }
0x164: {  	v59 =	vld [tilespmem:$0x1FFC0];
	v2 =	vshll.u32 v42, $0x9;
	v0 =	vadd.s32 v35, v0;
	[tilespmem:$0x46F0] =	vst v1  }
0x165: {  	v50 =	vld [tilespmem:$0x47D0];
	v4 =	vshll.u32 v44, $0x9;
	v2 =	vadd.s32 v53, v2;
	[tilespmem:$0x4700] =	vst v0  }
0x166: {  	v49 =	vld [tilespmem:$0x1FF70];
	v3 =	vshll.u32 v40, $0x9;
	v4 =	vadd.s32 v55, v4;
	[tilespmem:$0x4790] =	vst v2  }
0x167: {  	v60 =	vld [tilespmem:$0x1FFD0];
	v56 =	vshll.u32 v46, $0x9;
	v3 =	vadd.s32 v51, v3;
	[tilespmem:$0x47A0] =	vst v4  }
0x168: {  	v61 =	vld [tilespmem:$0x1FFE0];
	v58 =	vshll.u32 v48, $0x9;
	v2 =	vadd.s32 v57, v56;
	[tilespmem:$0x4780] =	vst v3  }
0x169: {  	v63 =	vld [tilespmem:$0x1FFF0];
	v1 =	vshll.u32 v36, $0x9;
	v4 =	vadd.s32 v59, v58;
	[tilespmem:$0x47B0] =	vst v2  }
0x16a: {  	v0 =	vshll.u32 v38, $0x9;
	v1 =	vadd.s32 v47, v1;
	[tilespmem:$0x47C0] =	vst v4  }
0x16b: {  	v0 =	vadd.s32 v49, v0;
	[tilespmem:$0x4760] =	vst v1;
	v1 =	vshll.u32 v50, $0x9  }
0x16c: {  	[tilespmem:$0x4770] =	vst v0;
	v0 =	vshll.u32 v52, $0x9;
	v1 =	vadd.s32 v60, v1  }
0x16d: {  	v62 =	vshll.u32 v54, $0x9;
	v0 =	vadd.s32 v61, v0;
	[tilespmem:$0x47D0] =	vst v1  }
0x16e: {  	v1 =	vadd.s32 v63, v62;
	[tilespmem:$0x47E0] =	vst v0  }
0x16f: {  	[tilespmem:$0x47F0] =	vst v1  }
0x170: {  	[bflag:$0x0] =	sbarrier.arrive $0xFFFF  }
0x171: {  	[spmem:s3] =	stream.indirect.scatter.add.f32 [tilespmem:s14], [sflag:$0x1], $0x1, s13, s15, $0xb8;
	[tilespmem:$0x5000] =	vst v63  }
0x172: {  	_ =	swait.ge [sflag:s12], $0x800  }
0x173: {  	[sflag:s12] =	ssyncset.done $0x0  }
0x174: {  	p0 =	sne.s32 s10, $0x1;
	[sflag:s12] =	ssyncadd.s32 $0xFFFFF800  }
.Ltmp0:
0x175: {  	[bflag:$0x0] =	sbarrier.arrive $0xFFFF;
	(pc) =	sbr.rel @p0 .LBB2_1-.Ltmp0, $4  }
0x176: {  	[hbm:s9@s16], [sflag:s6] =	dma.strided [spmem:s11@s17], $0x800, s12, $0x10   }
0x177: {  	_ =	swait.ge [sflag:s12], $0x800  }
0x178: {  	[sflag:s12] =	ssyncset.done $0x0  }
0x179: {  	s10 =	sadd.s32 $0xFFFFFFFF, s10;
	[sflag:s12] =	ssyncadd.s32 $0xFFFFF800  }
0x17a: {  	_ =	sfence.sel $0x180000  }
0x17b: {  	[bflag:$0x0] =	sbarrier.arrive $0xFFFF  }
0x17c: {  	p0 =	sne.s32 s1, $0x0;
	_ =	strace $0x90000047  }
0x17d: {  	s0 =	sadd.s32 @!p0 $0x100000, s0;
	[bflag:$0x2] =	sbarrier.arrive $0xFFFF  }
0x17e: {  	[sflag:s0] =	ssyncadd.tile.s32 @!p0 $0x1;
	_ =	shalt  }
.Lfunc_end2:
_tile_overlayer_lowered:
.L_overlay_start_2:
0x17f: {  	(tag) =	ssettag $0x2  }
0x180: {  	s0 =	rddreg [dreg:$0x0];
	s2 =	stileid.u32  }
0x181: {  	s1 =	rddreg [dreg:$0x1];
	p0 =	sne.s32 s2, $0x0  }
0x182: {  	s3 =	rddreg [dreg:$0x2];
	[bflag:$0x3] =	sbarrier.arrive $0xFFFF;
	s2 =	simm.s32 @!p0 $0x1C01  }
0x183: {  	[timem:s3], [sflag:s2] =	dma.local @!p0 [hbm:s0], s1  }
0x184: {  	s0 =	simm.s32 @!p0 $0x1  }
0x185: {  	_ =	swait.ge @!p0 [sflag:s0], s1  }
0x186: {  	s1 =	ssub.s32 @!p0 $0x0, s1;
	[sflag:s0] =	ssyncset.done @!p0 $0x0  }
0x187: {  	[sflag:s0] =	ssyncadd.s32 @!p0 s1  }
0x188: {  	[bflag:$0x3] =	sbarrier.arrive $0xFFFF  }
0x189: {  	_ =	shalt  }

</sc_bundles>
